<compile_context>
chip_gen: v7x
topology: tpu7x:2x2x1
jax: 0.10.2.dev20260603
libtpu: 0.0.44.dev20260713+nightly
codegen_flags: <defaults>
</compile_context>

<pallas_src>
import jax
import jax.numpy as jnp
from jax import lax
from jax.experimental import pallas as pl
from jax.experimental.pallas import tpu as pltpu
from jax.experimental.pallas import tpu_sc as plsc

N_NODES = 100000
N_EDGES = 6400000
LANES = 16
NC = 2
NS = 16
NW = NC * NS
ROW_W = 128
CHUNK_ROWS = 24
CHUNK = CHUNK_ROWS * ROW_W
PER_W = 66
N_CHUNKS_PAD = NW * PER_W
E_PAD = N_CHUNKS_PAD * CHUNK
GROUPS = CHUNK // LANES
ACC_TILE_ROWS = 6256
ACC_LAST_ROWS = N_NODES - 15 * ACC_TILE_ROWS

_MAGIC = 0x5F3759DF

_DNUMS = lax.GatherDimensionNumbers(
    offset_dims=(), collapsed_slice_dims=(0,), start_index_map=(0,))


def _vgather(table_vec, idx):
  return lax.gather(table_vec, idx[:, None], _DNUMS, (1,),
                    mode=lax.GatherScatterMode.PROMISE_IN_BOUNDS)


def _force_kernel(xs_h, ys_h, zct_h, praw, zrows, dst_f, src_f,
                  out,
                  di1a, si1a, di1b, si1b,
                  gxia, gyia, gzia, gxja, gyja, gzja,
                  gxib, gyib, gzib, gxjb, gyjb, gzjb,
                  di2a, di2b,
                  stxa, stya, stza, stxb, styb, stzb,
                  praw_v, xs, ys, zct, accx, accy, accz,
                  semi_a, semi_b, semg_a, semg_b, sems_a, sems_b):
  cid_c = lax.axis_index("c")
  sid = lax.axis_index("s")
  wid = sid * NC + cid_c

  r0_off = sid * ACC_TILE_ROWS

  def _stage(total):
    done = 0
    while done < total:
      n = min(2048, total - done)
      sl = pl.ds(r0_off + done, n)
      zsl = pl.ds(0, n)
      pltpu.sync_copy(xs_h.at[sl], xs.at[sl])
      pltpu.sync_copy(ys_h.at[sl], ys.at[sl])
      pltpu.sync_copy(zct_h.at[sl], zct.at[sl])
      pltpu.sync_copy(zrows.at[zsl], accx.at[sl])
      pltpu.sync_copy(zrows.at[zsl], accy.at[sl])
      pltpu.sync_copy(zrows.at[zsl], accz.at[sl])
      done += n

  @pl.when(sid < 15)
  def _():
    _stage(ACC_TILE_ROWS)

  @pl.when(sid == 15)
  def _():
    _stage(ACC_LAST_ROWS)

  pltpu.sync_copy(praw, praw_v)
  k_rep = praw_v[0]
  r0_t = praw_v[1]
  kadh = praw_v[2]
  r_on = praw_v[3]
  delta = praw_v[4]
  mu_f = praw_v[5]
  A_v = mu_f * k_rep
  B_v = mu_f * kadh
  invd_v = 1.0 / jnp.maximum(delta, 1e-8)

  plsc.subcore_barrier()

  def fire_front(g, di1, si1, semi):
    ebase = (wid + NW * g) * CHUNK
    pltpu.async_copy(dst_f.at[pl.ds(ebase, CHUNK)], di1, semi)
    pltpu.async_copy(src_f.at[pl.ds(ebase, CHUNK)], si1, semi)

  def wait_front(di1, si1, semi):
    pltpu.make_async_copy(dst_f.at[pl.ds(0, CHUNK)], di1, semi).wait()
    pltpu.make_async_copy(src_f.at[pl.ds(0, CHUNK)], si1, semi).wait()

  def fire_gathers(di1, si1, bufs, semg):
    gxi, gyi, gzi, gxj, gyj, gzj = bufs
    pltpu.async_copy(xs.at[di1], gxi, semg)
    pltpu.async_copy(ys.at[di1], gyi, semg)
    pltpu.async_copy(zct.at[di1], gzi, semg)
    pltpu.async_copy(xs.at[si1], gxj, semg)
    pltpu.async_copy(ys.at[si1], gyj, semg)
    pltpu.async_copy(zct.at[si1], gzj, semg)

  def wait_gathers(di1, si1, bufs, semg):
    gxi, gyi, gzi, gxj, gyj, gzj = bufs
    pltpu.make_async_copy(xs.at[di1], gxi, semg).wait()
    pltpu.make_async_copy(ys.at[di1], gyi, semg).wait()
    pltpu.make_async_copy(zct.at[di1], gzi, semg).wait()
    pltpu.make_async_copy(xs.at[si1], gxj, semg).wait()
    pltpu.make_async_copy(ys.at[si1], gyj, semg).wait()
    pltpu.make_async_copy(zct.at[si1], gzj, semg).wait()

  def compute(di1, si1, di2, bufs, stx, sty, stz):
    gxi, gyi, gzi, gxj, gyj, gzj = bufs

    def _group(j, _):
      l = j * LANES
      sl = pl.ds(l, LANES)
      m = j // (ROW_W // LANES)
      lofs = (j % (ROW_W // LANES)) * LANES
      xi = gxi[sl]
      yi = gyi[sl]
      zib = plsc.bitcast(gzi[sl], jnp.int32)
      ct = zib & 7
      zi = plsc.bitcast(zib & -8, jnp.float32)
      xj = gxj[sl]
      yj = gyj[sl]
      zj = plsc.bitcast(plsc.bitcast(gzj[sl], jnp.int32) & -8, jnp.float32)
      dv = di1[sl]
      sv = si1[sl]
      di2[m, pl.ds(lofs, LANES)] = dv

      dx = xj - xi
      dy = yj - yi
      dz = zj - zi
      r2 = dx * dx + dy * dy + dz * dz
      r2s = jnp.maximum(r2, 1e-30)
      yv = plsc.bitcast(_MAGIC - (plsc.bitcast(r2s, jnp.int32) >> 1),
                        jnp.float32)
      h = 0.5 * r2s
      yv = yv * (1.5 - h * yv * yv)
      yv = yv * (1.5 - h * yv * yv)
      yv = yv * (1.5 - h * yv * yv)
      r = r2s * yv
      inv_rs = jnp.minimum(yv, 1e8)

      A = _vgather(A_v, ct)
      B = _vgather(B_v, ct)
      r0v = _vgather(r0_t, ct)
      ronv = _vgather(r_on, ct)
      invd = _vgather(invd_v, ct)

      rel = r - r0v
      frep = A * jnp.maximum(-rel, 0.0)
      e1 = jnp.exp(-(rel * invd))
      e2 = jnp.exp((r - ronv) * invd)
      den = (1.0 + e1) * (1.0 + e2)
      coef = (B * rel / den - frep) * inv_rs
      coef = jnp.where(sv == dv, 0.0, coef)

      stx[sl] = coef * dx
      sty[sl] = coef * dy
      stz[sl] = coef * dz
      return 0

    lax.fori_loop(0, GROUPS, _group, 0)

  def fire_scat(di2, stx, sty, stz, sems):
    def _scat(m, _):
      idx = di2.at[m]
      rsl = pl.ds(m * ROW_W, ROW_W)
      pltpu.async_copy(stx.at[rsl], accx.at[idx], sems, add=True)
      pltpu.async_copy(sty.at[rsl], accy.at[idx], sems, add=True)
      pltpu.async_copy(stz.at[rsl], accz.at[idx], sems, add=True)
      return 0
    lax.fori_loop(0, CHUNK_ROWS, _scat, 0)

  def drain_scat(di2, stx, sty, stz, sems):
    def _sdrain(m, _):
      idx = di2.at[m]
      rsl = pl.ds(m * ROW_W, ROW_W)
      pltpu.make_async_copy(stx.at[rsl], accx.at[idx], sems).wait()
      pltpu.make_async_copy(sty.at[rsl], accy.at[idx], sems).wait()
      pltpu.make_async_copy(stz.at[rsl], accz.at[idx], sems).wait()
      return 0
    lax.fori_loop(0, CHUNK_ROWS, _sdrain, 0)

  bufs_a = (gxia, gyia, gzia, gxja, gyja, gzja)
  bufs_b = (gxib, gyib, gzib, gxjb, gyjb, gzjb)
  A_set = (di1a, si1a, bufs_a, di2a, stxa, stya, stza, semi_a, semg_a, sems_a)
  B_set = (di1b, si1b, bufs_b, di2b, stxb, styb, stzb, semi_b, semg_b, sems_b)

  def phase(g_next, cur, nxt, fire_next):
    (di1, si1, bufs, di2, stx, sty, stz, semi, semg, sems) = cur
    (ndi1, nsi1, nbufs, _, _, _, _, nsemi, nsemg, _) = nxt
    if fire_next:
      fire_front(g_next, ndi1, nsi1, nsemi)
    wait_gathers(di1, si1, bufs, semg)
    if fire_next:
      wait_front(ndi1, nsi1, nsemi)
      fire_gathers(ndi1, nsi1, nbufs, nsemg)
    compute(di1, si1, di2, bufs, stx, sty, stz)
    fire_scat(di2, stx, sty, stz, sems)
    drain_scat(di2, stx, sty, stz, sems)

  fire_front(0, di1a, si1a, semi_a)
  wait_front(di1a, si1a, semi_a)
  fire_gathers(di1a, si1a, bufs_a, semg_a)

  def _pair(h, _):
    g = 2 * h
    phase(g + 1, A_set, B_set, True)
    phase(g + 2, B_set, A_set, True)
    return 0
  lax.fori_loop(0, PER_W // 2 - 1, _pair, 0)

  phase(PER_W - 1, A_set, B_set, True)
  phase(0, B_set, A_set, False)

  plsc.subcore_barrier()

  def _dump(total):
    done = 0
    while done < total:
      n = min(2048, total - done)
      sl = pl.ds(r0_off + done, n)
      pltpu.sync_copy(accx.at[sl], out.at[pl.ds(cid_c * 3 * N_NODES + r0_off + done, n)])
      pltpu.sync_copy(accy.at[sl], out.at[pl.ds((cid_c * 3 + 1) * N_NODES + r0_off + done, n)])
      pltpu.sync_copy(accz.at[sl], out.at[pl.ds((cid_c * 3 + 2) * N_NODES + r0_off + done, n)])
      done += n

  @pl.when(sid < 15)
  def _():
    _dump(ACC_TILE_ROWS)

  @pl.when(sid == 15)
  def _():
    _dump(ACC_LAST_ROWS)


@jax.jit
def _run(xs, ys, zct, praw, zrows, dst_f, src_f):
  mesh = plsc.VectorSubcoreMesh(core_axis_name="c", subcore_axis_name="s",
                                num_cores=NC, num_subcores=NS)
  vi = lambda: pltpu.VMEM((CHUNK,), jnp.int32)
  vf = lambda: pltpu.VMEM((CHUNK,), jnp.float32)
  f = pl.kernel(
      _force_kernel,
      out_type=jax.ShapeDtypeStruct((2 * 3 * N_NODES,), jnp.float32),
      mesh=mesh,
      compiler_params=pltpu.CompilerParams(needs_layout_passes=False,
                                           use_tc_tiling_on_sc=False),
      scratch_types=[
          vi(), vi(), vi(), vi(),
          vf(), vf(), vf(), vf(), vf(), vf(),
          vf(), vf(), vf(), vf(), vf(), vf(),
          pltpu.VMEM((CHUNK_ROWS, ROW_W), jnp.int32),
          pltpu.VMEM((CHUNK_ROWS, ROW_W), jnp.int32),
          vf(), vf(), vf(), vf(), vf(), vf(),
          pltpu.VMEM((8, LANES), jnp.float32),
          pltpu.VMEM_SHARED((N_NODES,), jnp.float32),
          pltpu.VMEM_SHARED((N_NODES,), jnp.float32),
          pltpu.VMEM_SHARED((N_NODES,), jnp.float32),
          pltpu.VMEM_SHARED((N_NODES,), jnp.float32),
          pltpu.VMEM_SHARED((N_NODES,), jnp.float32),
          pltpu.VMEM_SHARED((N_NODES,), jnp.float32),
          pltpu.SemaphoreType.DMA,
          pltpu.SemaphoreType.DMA,
          pltpu.SemaphoreType.DMA,
          pltpu.SemaphoreType.DMA,
          pltpu.SemaphoreType.DMA,
          pltpu.SemaphoreType.DMA,
      ],
  )
  return f(xs, ys, zct, praw, zrows, dst_f, src_f)


def kernel(pos, p, cell_type, edge_index):
  xs = pos[:, 0]
  ys = pos[:, 1]
  zbits = lax.bitcast_convert_type(pos[:, 2], jnp.int32)
  zct = lax.bitcast_convert_type((zbits & -8) | cell_type.astype(jnp.int32),
                                 jnp.float32)
  praw = jnp.zeros((8, LANES), jnp.float32).at[:6, :5].set(p.T)
  zrows = jnp.zeros((2048,), jnp.float32)
  pad = jnp.zeros((E_PAD - N_EDGES,), edge_index.dtype)
  dst_f = jnp.concatenate([edge_index[0], pad])
  src_f = jnp.concatenate([edge_index[1], pad])
  out = _run(xs, ys, zct, praw, zrows, dst_f, src_f)
  o = out.reshape(2, 3, N_NODES)
  return (o[0] + o[1]).T

# --- scband reference (transcript-rebuilt; emitter-appended) ---
"""Pipeline reference for scband-dicty-spring-force-ode-23905787969596 (READ-ONLY COPY).

The authoritative reference and input builder live on the scoring server;
editing this copy changes nothing except your own understanding.
"""

import jax, jax.numpy as jnp
import numpy as np

N = 100000
E = 6400000
NTYPES = 5

def setup_inputs(seed: int = 0) -> dict:
    key = jax.random.key(seed)
    k1, k2, k3 = jax.random.split(key, 3)
    pos = jax.random.normal(k1, (N, 3), dtype=jnp.float32) * 5.0
    cell_type = jax.random.randint(k2, (N,), 0, NTYPES)
    edge_index = jax.random.randint(k3, (2, E), 0, N)
    base = jnp.array([30.0, 1.0, 2.0, 2.0, 0.1, 1.0], dtype=jnp.float32)
    scale = 1.0 + 0.1 * jnp.arange(NTYPES, dtype=jnp.float32)[:, None]
    p = base[None, :] * scale
    return {"pos": pos, "p": p, "cell_type": cell_type, "edge_index": edge_index}

def reference(pos, p, cell_type, edge_index):
    # remove_self_loops: mask out edges where src == dst (equivalent to removal
    # under additive aggregation)
    dst = edge_index[0]
    src = edge_index[1]
    mask = (src != dst).astype(pos.dtype)
    # per-node parameters gathered by cell type
    parameters = p[cell_type]            # [N, 6]
    pos_i = pos[dst]                      # [E, 3]
    pos_j = pos[src]                      # [E, 3]
    parameters_i = parameters[dst]        # [E, 6]
    # field defaults to ones (has_field=False), so field_j == 1
    # message computation (bc_dpos = identity)
    delta_pos = pos_j - pos_i
    r = jnp.sqrt(jnp.sum(delta_pos ** 2, axis=1))
    r_safe = jnp.clip(r, 1e-8, None)
    rhat = delta_pos / r_safe[:, None]
    k_rep = parameters_i[:, 0]
    r0 = parameters_i[:, 1]
    kadh = parameters_i[:, 2]
    r_on = parameters_i[:, 3]
    delta = parameters_i[:, 4]
    mu_f = parameters_i[:, 5]
    delta_safe = jnp.clip(delta, 1e-8, None)
    F_rep = k_rep * jax.nn.relu(r0 - r)
    g_on = jax.nn.sigmoid((r - r0) / delta_safe)
    g_off = jax.nn.sigmoid(-(r - r_on) / delta_safe)
    F_adh = -kadh * g_on * g_off * (r - r0)
    F_total = -mu_f[:, None] * (F_rep + F_adh)[:, None] * rhat
    F_total = F_total * mask[:, None]
    # scatter_aggregate with aggr_type='add'
    d_pos = jax.ops.segment_sum(F_total, dst, num_segments=N)
    return d_pos

if __name__ == "__main__":
    import jax
    _d = setup_inputs()
    print(jax.jit(kernel)(*tuple(_d.values())))

</pallas_src>

<mosaic_0001>
#map = affine_map<(d0, d1) -> (0)>
#map1 = affine_map<(d0, d1) -> (0, 0)>
module attributes {stable_mosaic.version = 14 : i64} {
  func.func @_force_kernel(%arg0: i32, %arg1: i32, %arg2: memref<100000xf32, #tpu.memory_space<hbm>>, %arg3: memref<100000xf32, #tpu.memory_space<hbm>>, %arg4: memref<100000xf32, #tpu.memory_space<hbm>>, %arg5: memref<8x16xf32, #tpu.memory_space<hbm>>, %arg6: memref<2048xf32, #tpu.memory_space<hbm>>, %arg7: memref<6488064xi32, #tpu.memory_space<hbm>>, %arg8: memref<6488064xi32, #tpu.memory_space<hbm>>, %arg9: memref<600000xf32, #tpu.memory_space<hbm>>, %arg10: memref<3072xi32, #tpu.memory_space<vmem>>, %arg11: memref<3072xi32, #tpu.memory_space<vmem>>, %arg12: memref<3072xi32, #tpu.memory_space<vmem>>, %arg13: memref<3072xi32, #tpu.memory_space<vmem>>, %arg14: memref<3072xf32, #tpu.memory_space<vmem>>, %arg15: memref<3072xf32, #tpu.memory_space<vmem>>, %arg16: memref<3072xf32, #tpu.memory_space<vmem>>, %arg17: memref<3072xf32, #tpu.memory_space<vmem>>, %arg18: memref<3072xf32, #tpu.memory_space<vmem>>, %arg19: memref<3072xf32, #tpu.memory_space<vmem>>, %arg20: memref<3072xf32, #tpu.memory_space<vmem>>, %arg21: memref<3072xf32, #tpu.memory_space<vmem>>, %arg22: memref<3072xf32, #tpu.memory_space<vmem>>, %arg23: memref<3072xf32, #tpu.memory_space<vmem>>, %arg24: memref<3072xf32, #tpu.memory_space<vmem>>, %arg25: memref<3072xf32, #tpu.memory_space<vmem>>, %arg26: memref<24x128xi32, #tpu.memory_space<vmem>>, %arg27: memref<24x128xi32, #tpu.memory_space<vmem>>, %arg28: memref<3072xf32, #tpu.memory_space<vmem>>, %arg29: memref<3072xf32, #tpu.memory_space<vmem>>, %arg30: memref<3072xf32, #tpu.memory_space<vmem>>, %arg31: memref<3072xf32, #tpu.memory_space<vmem>>, %arg32: memref<3072xf32, #tpu.memory_space<vmem>>, %arg33: memref<3072xf32, #tpu.memory_space<vmem>>, %arg34: memref<8x16xf32, #tpu.memory_space<vmem>>, %arg35: memref<100000xf32, #tpu.memory_space<vmem_shared>>, %arg36: memref<100000xf32, #tpu.memory_space<vmem_shared>>, %arg37: memref<100000xf32, #tpu.memory_space<vmem_shared>>, %arg38: memref<100000xf32, #tpu.memory_space<vmem_shared>>, %arg39: memref<100000xf32, #tpu.memory_space<vmem_shared>>, %arg40: memref<100000xf32, #tpu.memory_space<vmem_shared>>, %arg41: memref<!tpu.dma_semaphore, #tpu.memory_space<semaphore_mem>>, %arg42: memref<!tpu.dma_semaphore, #tpu.memory_space<semaphore_mem>>, %arg43: memref<!tpu.dma_semaphore, #tpu.memory_space<semaphore_mem>>, %arg44: memref<!tpu.dma_semaphore, #tpu.memory_space<semaphore_mem>>, %arg45: memref<!tpu.dma_semaphore, #tpu.memory_space<semaphore_mem>>, %arg46: memref<!tpu.dma_semaphore, #tpu.memory_space<semaphore_mem>>) attributes {dimension_semantics = [#tpu.dimension_semantics<core_parallel>, #tpu.dimension_semantics<subcore_parallel>], iteration_bounds = array<i64: 2, 16>, scalar_prefetch = 0 : i64, scratch_operands = 37 : i64, tpu.core_type = #tpu.core_type<sc_vector_subcore>, window_params = [{transform_indices = #map}, {transform_indices = #map}, {transform_indices = #map}, {transform_indices = #map1}, {transform_indices = #map}, {transform_indices = #map}, {transform_indices = #map}, {transform_indices = #map}]} {
    %mul3A = arith.constant 2 : i32
    %mul3A_0 = arith.muli %arg1, %mul3A : i32
    %add3A = arith.addi %mul3A_0, %arg0 : i32
    %mul3A_1 = arith.constant 6256 : i32
    %mul3A_2 = arith.muli %arg1, %mul3A_1 : i32
    %lt3A = arith.constant 15 : i32
    %lt3A_3 = arith.cmpi slt, %arg1, %lt3A : i32
    %convert_element_type3A = arith.extui %lt3A_3 : i1 to i32
    %cond3A = arith.constant 0 : i32
    %cond3A_4 = arith.cmpi ne, %convert_element_type3A, %cond3A : i32
    scf.if %cond3A_4 {
      %add3A_175 = arith.constant 0 : i32
      %add3A_176 = arith.addi %mul3A_2, %add3A_175 : i32
      "tpu.region"() ({
        %run_scoped3A = tpu.sem_alloc : memref<!tpu.dma_semaphore, #tpu.memory_space<semaphore_mem>>
        %dma_start3A_183 = tpu.memref_slice %arg35[%add3A_176] : memref<100000xf32, #tpu.memory_space<vmem_shared>> -> memref<2048xf32, #tpu.memory_space<vmem_shared>>
        %dma_start3A_184 = tpu.memref_slice %arg2[%add3A_176] : memref<100000xf32, #tpu.memory_space<hbm>> -> memref<2048xf32, #tpu.memory_space<hbm>>
        tpu.enqueue_dma source(%dma_start3A_184 : memref<2048xf32, #tpu.memory_space<hbm>>) target(%dma_start3A_183 : memref<2048xf32, #tpu.memory_space<vmem_shared>>) target_semaphore(%run_scoped3A : memref<!tpu.dma_semaphore, #tpu.memory_space<semaphore_mem>>)
        %dma_wait3A_185 = tpu.memref_slice %arg35[%add3A_176] : memref<100000xf32, #tpu.memory_space<vmem_shared>> -> memref<2048xf32, #tpu.memory_space<vmem_shared>>
        %dma_wait3A_186 = tpu.memref_slice %arg2[%add3A_176] : memref<100000xf32, #tpu.memory_space<hbm>> -> memref<2048xf32, #tpu.memory_space<hbm>>
        tpu.wait_dma2 semaphore(%run_scoped3A : memref<!tpu.dma_semaphore, #tpu.memory_space<semaphore_mem>>) src(%dma_wait3A_186 : memref<2048xf32, #tpu.memory_space<hbm>>) dst(%dma_wait3A_185 : memref<2048xf32, #tpu.memory_space<vmem_shared>>)
        tpu.yield
      }) : () -> ()
      "tpu.region"() ({
        %run_scoped3A = tpu.sem_alloc : memref<!tpu.dma_semaphore, #tpu.memory_space<semaphore_mem>>
        %dma_start3A_183 = tpu.memref_slice %arg36[%add3A_176] : memref<100000xf32, #tpu.memory_space<vmem_shared>> -> memref<2048xf32, #tpu.memory_space<vmem_shared>>
        %dma_start3A_184 = tpu.memref_slice %arg3[%add3A_176] : memref<100000xf32, #tpu.memory_space<hbm>> -> memref<2048xf32, #tpu.memory_space<hbm>>
        tpu.enqueue_dma source(%dma_start3A_184 : memref<2048xf32, #tpu.memory_space<hbm>>) target(%dma_start3A_183 : memref<2048xf32, #tpu.memory_space<vmem_shared>>) target_semaphore(%run_scoped3A : memref<!tpu.dma_semaphore, #tpu.memory_space<semaphore_mem>>)
        %dma_wait3A_185 = tpu.memref_slice %arg36[%add3A_176] : memref<100000xf32, #tpu.memory_space<vmem_shared>> -> memref<2048xf32, #tpu.memory_space<vmem_shared>>
        %dma_wait3A_186 = tpu.memref_slice %arg3[%add3A_176] : memref<100000xf32, #tpu.memory_space<hbm>> -> memref<2048xf32, #tpu.memory_space<hbm>>
        tpu.wait_dma2 semaphore(%run_scoped3A : memref<!tpu.dma_semaphore, #tpu.memory_space<semaphore_mem>>) src(%dma_wait3A_186 : memref<2048xf32, #tpu.memory_space<hbm>>) dst(%dma_wait3A_185 : memref<2048xf32, #tpu.memory_space<vmem_shared>>)
        tpu.yield
      }) : () -> ()
      "tpu.region"() ({
        %run_scoped3A = tpu.sem_alloc : memref<!tpu.dma_semaphore, #tpu.memory_space<semaphore_mem>>
        %dma_start3A_183 = tpu.memref_slice %arg37[%add3A_176] : memref<100000xf32, #tpu.memory_space<vmem_shared>> -> memref<2048xf32, #tpu.memory_space<vmem_shared>>
        %dma_start3A_184 = tpu.memref_slice %arg4[%add3A_176] : memref<100000xf32, #tpu.memory_space<hbm>> -> memref<2048xf32, #tpu.memory_space<hbm>>
        tpu.enqueue_dma source(%dma_start3A_184 : memref<2048xf32, #tpu.memory_space<hbm>>) target(%dma_start3A_183 : memref<2048xf32, #tpu.memory_space<vmem_shared>>) target_semaphore(%run_scoped3A : memref<!tpu.dma_semaphore, #tpu.memory_space<semaphore_mem>>)
        %dma_wait3A_185 = tpu.memref_slice %arg37[%add3A_176] : memref<100000xf32, #tpu.memory_space<vmem_shared>> -> memref<2048xf32, #tpu.memory_space<vmem_shared>>
        %dma_wait3A_186 = tpu.memref_slice %arg4[%add3A_176] : memref<100000xf32, #tpu.memory_space<hbm>> -> memref<2048xf32, #tpu.memory_space<hbm>>
        tpu.wait_dma2 semaphore(%run_scoped3A : memref<!tpu.dma_semaphore, #tpu.memory_space<semaphore_mem>>) src(%dma_wait3A_186 : memref<2048xf32, #tpu.memory_space<hbm>>) dst(%dma_wait3A_185 : memref<2048xf32, #tpu.memory_space<vmem_shared>>)
        tpu.yield
      }) : () -> ()
      "tpu.region"() ({
        %run_scoped3A = tpu.sem_alloc : memref<!tpu.dma_semaphore, #tpu.memory_space<semaphore_mem>>
        %dma_start3A_183 = tpu.memref_slice %arg38[%add3A_176] : memref<100000xf32, #tpu.memory_space<vmem_shared>> -> memref<2048xf32, #tpu.memory_space<vmem_shared>>
        %dma_start3A_184 = arith.constant 0 : i32
        %dma_start3A_185 = tpu.memref_slice %arg6[%dma_start3A_184] : memref<2048xf32, #tpu.memory_space<hbm>> -> memref<2048xf32, #tpu.memory_space<hbm>>
        tpu.enqueue_dma source(%dma_start3A_185 : memref<2048xf32, #tpu.memory_space<hbm>>) target(%dma_start3A_183 : memref<2048xf32, #tpu.memory_space<vmem_shared>>) target_semaphore(%run_scoped3A : memref<!tpu.dma_semaphore, #tpu.memory_space<semaphore_mem>>)
        %dma_wait3A_186 = tpu.memref_slice %arg38[%add3A_176] : memref<100000xf32, #tpu.memory_space<vmem_shared>> -> memref<2048xf32, #tpu.memory_space<vmem_shared>>
        %dma_wait3A_187 = arith.constant 0 : i32
        %dma_wait3A_188 = tpu.memref_slice %arg6[%dma_wait3A_187] : memref<2048xf32, #tpu.memory_space<hbm>> -> memref<2048xf32, #tpu.memory_space<hbm>>
        tpu.wait_dma2 semaphore(%run_scoped3A : memref<!tpu.dma_semaphore, #tpu.memory_space<semaphore_mem>>) src(%dma_wait3A_188 : memref<2048xf32, #tpu.memory_space<hbm>>) dst(%dma_wait3A_186 : memref<2048xf32, #tpu.memory_space<vmem_shared>>)
        tpu.yield
      }) : () -> ()
      "tpu.region"() ({
        %run_scoped3A = tpu.sem_alloc : memref<!tpu.dma_semaphore, #tpu.memory_space<semaphore_mem>>
        %dma_start3A_183 = tpu.memref_slice %arg39[%add3A_176] : memref<100000xf32, #tpu.memory_space<vmem_shared>> -> memref<2048xf32, #tpu.memory_space<vmem_shared>>
        %dma_start3A_184 = arith.constant 0 : i32
        %dma_start3A_185 = tpu.memref_slice %arg6[%dma_start3A_184] : memref<2048xf32, #tpu.memory_space<hbm>> -> memref<2048xf32, #tpu.memory_space<hbm>>
        tpu.enqueue_dma source(%dma_start3A_185 : memref<2048xf32, #tpu.memory_space<hbm>>) target(%dma_start3A_183 : memref<2048xf32, #tpu.memory_space<vmem_shared>>) target_semaphore(%run_scoped3A : memref<!tpu.dma_semaphore, #tpu.memory_space<semaphore_mem>>)
        %dma_wait3A_186 = tpu.memref_slice %arg39[%add3A_176] : memref<100000xf32, #tpu.memory_space<vmem_shared>> -> memref<2048xf32, #tpu.memory_space<vmem_shared>>
        %dma_wait3A_187 = arith.constant 0 : i32
        %dma_wait3A_188 = tpu.memref_slice %arg6[%dma_wait3A_187] : memref<2048xf32, #tpu.memory_space<hbm>> -> memref<2048xf32, #tpu.memory_space<hbm>>
        tpu.wait_dma2 semaphore(%run_scoped3A : memref<!tpu.dma_semaphore, #tpu.memory_space<semaphore_mem>>) src(%dma_wait3A_188 : memref<2048xf32, #tpu.memory_space<hbm>>) dst(%dma_wait3A_186 : memref<2048xf32, #tpu.memory_space<vmem_shared>>)
        tpu.yield
      }) : () -> ()
      "tpu.region"() ({
        %run_scoped3A = tpu.sem_alloc : memref<!tpu.dma_semaphore, #tpu.memory_space<semaphore_mem>>
        %dma_start3A_183 = tpu.memref_slice %arg40[%add3A_176] : memref<100000xf32, #tpu.memory_space<vmem_shared>> -> memref<2048xf32, #tpu.memory_space<vmem_shared>>
        %dma_start3A_184 = arith.constant 0 : i32
        %dma_start3A_185 = tpu.memref_slice %arg6[%dma_start3A_184] : memref<2048xf32, #tpu.memory_space<hbm>> -> memref<2048xf32, #tpu.memory_space<hbm>>
        tpu.enqueue_dma source(%dma_start3A_185 : memref<2048xf32, #tpu.memory_space<hbm>>) target(%dma_start3A_183 : memref<2048xf32, #tpu.memory_space<vmem_shared>>) target_semaphore(%run_scoped3A : memref<!tpu.dma_semaphore, #tpu.memory_space<semaphore_mem>>)
        %dma_wait3A_186 = tpu.memref_slice %arg40[%add3A_176] : memref<100000xf32, #tpu.memory_space<vmem_shared>> -> memref<2048xf32, #tpu.memory_space<vmem_shared>>
        %dma_wait3A_187 = arith.constant 0 : i32
        %dma_wait3A_188 = tpu.memref_slice %arg6[%dma_wait3A_187] : memref<2048xf32, #tpu.memory_space<hbm>> -> memref<2048xf32, #tpu.memory_space<hbm>>
        tpu.wait_dma2 semaphore(%run_scoped3A : memref<!tpu.dma_semaphore, #tpu.memory_space<semaphore_mem>>) src(%dma_wait3A_188 : memref<2048xf32, #tpu.memory_space<hbm>>) dst(%dma_wait3A_186 : memref<2048xf32, #tpu.memory_space<vmem_shared>>)
        tpu.yield
      }) : () -> ()
      %add3A_177 = arith.constant 2048 : i32
      %add3A_178 = arith.addi %mul3A_2, %add3A_177 : i32
      "tpu.region"() ({
        %run_scoped3A = tpu.sem_alloc : memref<!tpu.dma_semaphore, #tpu.memory_space<semaphore_mem>>
        %dma_start3A_183 = tpu.memref_slice %arg35[%add3A_178] : memref<100000xf32, #tpu.memory_space<vmem_shared>> -> memref<2048xf32, #tpu.memory_space<vmem_shared>>
        %dma_start3A_184 = tpu.memref_slice %arg2[%add3A_178] : memref<100000xf32, #tpu.memory_space<hbm>> -> memref<2048xf32, #tpu.memory_space<hbm>>
        tpu.enqueue_dma source(%dma_start3A_184 : memref<2048xf32, #tpu.memory_space<hbm>>) target(%dma_start3A_183 : memref<2048xf32, #tpu.memory_space<vmem_shared>>) target_semaphore(%run_scoped3A : memref<!tpu.dma_semaphore, #tpu.memory_space<semaphore_mem>>)
        %dma_wait3A_185 = tpu.memref_slice %arg35[%add3A_178] : memref<100000xf32, #tpu.memory_space<vmem_shared>> -> memref<2048xf32, #tpu.memory_space<vmem_shared>>
        %dma_wait3A_186 = tpu.memref_slice %arg2[%add3A_178] : memref<100000xf32, #tpu.memory_space<hbm>> -> memref<2048xf32, #tpu.memory_space<hbm>>
        tpu.wait_dma2 semaphore(%run_scoped3A : memref<!tpu.dma_semaphore, #tpu.memory_space<semaphore_mem>>) src(%dma_wait3A_186 : memref<2048xf32, #tpu.memory_space<hbm>>) dst(%dma_wait3A_185 : memref<2048xf32, #tpu.memory_space<vmem_shared>>)
        tpu.yield
      }) : () -> ()
      "tpu.region"() ({
        %run_scoped3A = tpu.sem_alloc : memref<!tpu.dma_semaphore, #tpu.memory_space<semaphore_mem>>
        %dma_start3A_183 = tpu.memref_slice %arg36[%add3A_178] : memref<100000xf32, #tpu.memory_space<vmem_shared>> -> memref<2048xf32, #tpu.memory_space<vmem_shared>>
        %dma_start3A_184 = tpu.memref_slice %arg3[%add3A_178] : memref<100000xf32, #tpu.memory_space<hbm>> -> memref<2048xf32, #tpu.memory_space<hbm>>
        tpu.enqueue_dma source(%dma_start3A_184 : memref<2048xf32, #tpu.memory_space<hbm>>) target(%dma_start3A_183 : memref<2048xf32, #tpu.memory_space<vmem_shared>>) target_semaphore(%run_scoped3A : memref<!tpu.dma_semaphore, #tpu.memory_space<semaphore_mem>>)
        %dma_wait3A_185 = tpu.memref_slice %arg36[%add3A_178] : memref<100000xf32, #tpu.memory_space<vmem_shared>> -> memref<2048xf32, #tpu.memory_space<vmem_shared>>
        %dma_wait3A_186 = tpu.memref_slice %arg3[%add3A_178] : memref<100000xf32, #tpu.memory_space<hbm>> -> memref<2048xf32, #tpu.memory_space<hbm>>
        tpu.wait_dma2 semaphore(%run_scoped3A : memref<!tpu.dma_semaphore, #tpu.memory_space<semaphore_mem>>) src(%dma_wait3A_186 : memref<2048xf32, #tpu.memory_space<hbm>>) dst(%dma_wait3A_185 : memref<2048xf32, #tpu.memory_space<vmem_shared>>)
        tpu.yield
      }) : () -> ()
      "tpu.region"() ({
        %run_scoped3A = tpu.sem_alloc : memref<!tpu.dma_semaphore, #tpu.memory_space<semaphore_mem>>
        %dma_start3A_183 = tpu.memref_slice %arg37[%add3A_178] : memref<100000xf32, #tpu.memory_space<vmem_shared>> -> memref<2048xf32, #tpu.memory_space<vmem_shared>>
        %dma_start3A_184 = tpu.memref_slice %arg4[%add3A_178] : memref<100000xf32, #tpu.memory_space<hbm>> -> memref<2048xf32, #tpu.memory_space<hbm>>
        tpu.enqueue_dma source(%dma_start3A_184 : memref<2048xf32, #tpu.memory_space<hbm>>) target(%dma_start3A_183 : memref<2048xf32, #tpu.memory_space<vmem_shared>>) target_semaphore(%run_scoped3A : memref<!tpu.dma_semaphore, #tpu.memory_space<semaphore_mem>>)
        %dma_wait3A_185 = tpu.memref_slice %arg37[%add3A_178] : memref<100000xf32, #tpu.memory_space<vmem_shared>> -> memref<2048xf32, #tpu.memory_space<vmem_shared>>
        %dma_wait3A_186 = tpu.memref_slice %arg4[%add3A_178] : memref<100000xf32, #tpu.memory_space<hbm>> -> memref<2048xf32, #tpu.memory_space<hbm>>
        tpu.wait_dma2 semaphore(%run_scoped3A : memref<!tpu.dma_semaphore, #tpu.memory_space<semaphore_mem>>) src(%dma_wait3A_186 : memref<2048xf32, #tpu.memory_space<hbm>>) dst(%dma_wait3A_185 : memref<2048xf32, #tpu.memory_space<vmem_shared>>)
        tpu.yield
      }) : () -> ()
      "tpu.region"() ({
        %run_scoped3A = tpu.sem_alloc : memref<!tpu.dma_semaphore, #tpu.memory_space<semaphore_mem>>
        %dma_start3A_183 = tpu.memref_slice %arg38[%add3A_178] : memref<100000xf32, #tpu.memory_space<vmem_shared>> -> memref<2048xf32, #tpu.memory_space<vmem_shared>>
        %dma_start3A_184 = arith.constant 0 : i32
        %dma_start3A_185 = tpu.memref_slice %arg6[%dma_start3A_184] : memref<2048xf32, #tpu.memory_space<hbm>> -> memref<2048xf32, #tpu.memory_space<hbm>>
        tpu.enqueue_dma source(%dma_start3A_185 : memref<2048xf32, #tpu.memory_space<hbm>>) target(%dma_start3A_183 : memref<2048xf32, #tpu.memory_space<vmem_shared>>) target_semaphore(%run_scoped3A : memref<!tpu.dma_semaphore, #tpu.memory_space<semaphore_mem>>)
        %dma_wait3A_186 = tpu.memref_slice %arg38[%add3A_178] : memref<100000xf32, #tpu.memory_space<vmem_shared>> -> memref<2048xf32, #tpu.memory_space<vmem_shared>>
        %dma_wait3A_187 = arith.constant 0 : i32
        %dma_wait3A_188 = tpu.memref_slice %arg6[%dma_wait3A_187] : memref<2048xf32, #tpu.memory_space<hbm>> -> memref<2048xf32, #tpu.memory_space<hbm>>
        tpu.wait_dma2 semaphore(%run_scoped3A : memref<!tpu.dma_semaphore, #tpu.memory_space<semaphore_mem>>) src(%dma_wait3A_188 : memref<2048xf32, #tpu.memory_space<hbm>>) dst(%dma_wait3A_186 : memref<2048xf32, #tpu.memory_space<vmem_shared>>)
        tpu.yield
      }) : () -> ()
      "tpu.region"() ({
        %run_scoped3A = tpu.sem_alloc : memref<!tpu.dma_semaphore, #tpu.memory_space<semaphore_mem>>
        %dma_start3A_183 = tpu.memref_slice %arg39[%add3A_178] : memref<100000xf32, #tpu.memory_space<vmem_shared>> -> memref<2048xf32, #tpu.memory_space<vmem_shared>>
        %dma_start3A_184 = arith.constant 0 : i32
        %dma_start3A_185 = tpu.memref_slice %arg6[%dma_start3A_184] : memref<2048xf32, #tpu.memory_space<hbm>> -> memref<2048xf32, #tpu.memory_space<hbm>>
        tpu.enqueue_dma source(%dma_start3A_185 : memref<2048xf32, #tpu.memory_space<hbm>>) target(%dma_start3A_183 : memref<2048xf32, #tpu.memory_space<vmem_shared>>) target_semaphore(%run_scoped3A : memref<!tpu.dma_semaphore, #tpu.memory_space<semaphore_mem>>)
        %dma_wait3A_186 = tpu.memref_slice %arg39[%add3A_178] : memref<100000xf32, #tpu.memory_space<vmem_shared>> -> memref<2048xf32, #tpu.memory_space<vmem_shared>>
        %dma_wait3A_187 = arith.constant 0 : i32
        %dma_wait3A_188 = tpu.memref_slice %arg6[%dma_wait3A_187] : memref<2048xf32, #tpu.memory_space<hbm>> -> memref<2048xf32, #tpu.memory_space<hbm>>
        tpu.wait_dma2 semaphore(%run_scoped3A : memref<!tpu.dma_semaphore, #tpu.memory_space<semaphore_mem>>) src(%dma_wait3A_188 : memref<2048xf32, #tpu.memory_space<hbm>>) dst(%dma_wait3A_186 : memref<2048xf32, #tpu.memory_space<vmem_shared>>)
        tpu.yield
      }) : () -> ()
      "tpu.region"() ({
        %run_scoped3A = tpu.sem_alloc : memref<!tpu.dma_semaphore, #tpu.memory_space<semaphore_mem>>
        %dma_start3A_183 = tpu.memref_slice %arg40[%add3A_178] : memref<100000xf32, #tpu.memory_space<vmem_shared>> -> memref<2048xf32, #tpu.memory_space<vmem_shared>>
        %dma_start3A_184 = arith.constant 0 : i32
        %dma_start3A_185 = tpu.memref_slice %arg6[%dma_start3A_184] : memref<2048xf32, #tpu.memory_space<hbm>> -> memref<2048xf32, #tpu.memory_space<hbm>>
        tpu.enqueue_dma source(%dma_start3A_185 : memref<2048xf32, #tpu.memory_space<hbm>>) target(%dma_start3A_183 : memref<2048xf32, #tpu.memory_space<vmem_shared>>) target_semaphore(%run_scoped3A : memref<!tpu.dma_semaphore, #tpu.memory_space<semaphore_mem>>)
        %dma_wait3A_186 = tpu.memref_slice %arg40[%add3A_178] : memref<100000xf32, #tpu.memory_space<vmem_shared>> -> memref<2048xf32, #tpu.memory_space<vmem_shared>>
        %dma_wait3A_187 = arith.constant 0 : i32
        %dma_wait3A_188 = tpu.memref_slice %arg6[%dma_wait3A_187] : memref<2048xf32, #tpu.memory_space<hbm>> -> memref<2048xf32, #tpu.memory_space<hbm>>
        tpu.wait_dma2 semaphore(%run_scoped3A : memref<!tpu.dma_semaphore, #tpu.memory_space<semaphore_mem>>) src(%dma_wait3A_188 : memref<2048xf32, #tpu.memory_space<hbm>>) dst(%dma_wait3A_186 : memref<2048xf32, #tpu.memory_space<vmem_shared>>)
        tpu.yield
      }) : () -> ()
      %add3A_179 = arith.constant 4096 : i32
      %add3A_180 = arith.addi %mul3A_2, %add3A_179 : i32
      "tpu.region"() ({
        %run_scoped3A = tpu.sem_alloc : memref<!tpu.dma_semaphore, #tpu.memory_space<semaphore_mem>>
        %dma_start3A_183 = tpu.memref_slice %arg35[%add3A_180] : memref<100000xf32, #tpu.memory_space<vmem_shared>> -> memref<2048xf32, #tpu.memory_space<vmem_shared>>
        %dma_start3A_184 = tpu.memref_slice %arg2[%add3A_180] : memref<100000xf32, #tpu.memory_space<hbm>> -> memref<2048xf32, #tpu.memory_space<hbm>>
        tpu.enqueue_dma source(%dma_start3A_184 : memref<2048xf32, #tpu.memory_space<hbm>>) target(%dma_start3A_183 : memref<2048xf32, #tpu.memory_space<vmem_shared>>) target_semaphore(%run_scoped3A : memref<!tpu.dma_semaphore, #tpu.memory_space<semaphore_mem>>)
        %dma_wait3A_185 = tpu.memref_slice %arg35[%add3A_180] : memref<100000xf32, #tpu.memory_space<vmem_shared>> -> memref<2048xf32, #tpu.memory_space<vmem_shared>>
        %dma_wait3A_186 = tpu.memref_slice %arg2[%add3A_180] : memref<100000xf32, #tpu.memory_space<hbm>> -> memref<2048xf32, #tpu.memory_space<hbm>>
        tpu.wait_dma2 semaphore(%run_scoped3A : memref<!tpu.dma_semaphore, #tpu.memory_space<semaphore_mem>>) src(%dma_wait3A_186 : memref<2048xf32, #tpu.memory_space<hbm>>) dst(%dma_wait3A_185 : memref<2048xf32, #tpu.memory_space<vmem_shared>>)
        tpu.yield
      }) : () -> ()
      "tpu.region"() ({
        %run_scoped3A = tpu.sem_alloc : memref<!tpu.dma_semaphore, #tpu.memory_space<semaphore_mem>>
        %dma_start3A_183 = tpu.memref_slice %arg36[%add3A_180] : memref<100000xf32, #tpu.memory_space<vmem_shared>> -> memref<2048xf32, #tpu.memory_space<vmem_shared>>
        %dma_start3A_184 = tpu.memref_slice %arg3[%add3A_180] : memref<100000xf32, #tpu.memory_space<hbm>> -> memref<2048xf32, #tpu.memory_space<hbm>>
        tpu.enqueue_dma source(%dma_start3A_184 : memref<2048xf32, #tpu.memory_space<hbm>>) target(%dma_start3A_183 : memref<2048xf32, #tpu.memory_space<vmem_shared>>) target_semaphore(%run_scoped3A : memref<!tpu.dma_semaphore, #tpu.memory_space<semaphore_mem>>)
        %dma_wait3A_185 = tpu.memref_slice %arg36[%add3A_180] : memref<100000xf32, #tpu.memory_space<vmem_shared>> -> memref<2048xf32, #tpu.memory_space<vmem_shared>>
        %dma_wait3A_186 = tpu.memref_slice %arg3[%add3A_180] : memref<100000xf32, #tpu.memory_space<hbm>> -> memref<2048xf32, #tpu.memory_space<hbm>>
        tpu.wait_dma2 semaphore(%run_scoped3A : memref<!tpu.dma_semaphore, #tpu.memory_space<semaphore_mem>>) src(%dma_wait3A_186 : memref<2048xf32, #tpu.memory_space<hbm>>) dst(%dma_wait3A_185 : memref<2048xf32, #tpu.memory_space<vmem_shared>>)
        tpu.yield
      }) : () -> ()
      "tpu.region"() ({
        %run_scoped3A = tpu.sem_alloc : memref<!tpu.dma_semaphore, #tpu.memory_space<semaphore_mem>>
        %dma_start3A_183 = tpu.memref_slice %arg37[%add3A_180] : memref<100000xf32, #tpu.memory_space<vmem_shared>> -> memref<2048xf32, #tpu.memory_space<vmem_shared>>
        %dma_start3A_184 = tpu.memref_slice %arg4[%add3A_180] : memref<100000xf32, #tpu.memory_space<hbm>> -> memref<2048xf32, #tpu.memory_space<hbm>>
        tpu.enqueue_dma source(%dma_start3A_184 : memref<2048xf32, #tpu.memory_space<hbm>>) target(%dma_start3A_183 : memref<2048xf32, #tpu.memory_space<vmem_shared>>) target_semaphore(%run_scoped3A : memref<!tpu.dma_semaphore, #tpu.memory_space<semaphore_mem>>)
        %dma_wait3A_185 = tpu.memref_slice %arg37[%add3A_180] : memref<100000xf32, #tpu.memory_space<vmem_shared>> -> memref<2048xf32, #tpu.memory_space<vmem_shared>>
        %dma_wait3A_186 = tpu.memref_slice %arg4[%add3A_180] : memref<100000xf32, #tpu.memory_space<hbm>> -> memref<2048xf32, #tpu.memory_space<hbm>>
        tpu.wait_dma2 semaphore(%run_scoped3A : memref<!tpu.dma_semaphore, #tpu.memory_space<semaphore_mem>>) src(%dma_wait3A_186 : memref<2048xf32, #tpu.memory_space<hbm>>) dst(%dma_wait3A_185 : memref<2048xf32, #tpu.memory_space<vmem_shared>>)
        tpu.yield
      }) : () -> ()
      "tpu.region"() ({
        %run_scoped3A = tpu.sem_alloc : memref<!tpu.dma_semaphore, #tpu.memory_space<semaphore_mem>>
        %dma_start3A_183 = tpu.memref_slice %arg38[%add3A_180] : memref<100000xf32, #tpu.memory_space<vmem_shared>> -> memref<2048xf32, #tpu.memory_space<vmem_shared>>
        %dma_start3A_184 = arith.constant 0 : i32
        %dma_start3A_185 = tpu.memref_slice %arg6[%dma_start3A_184] : memref<2048xf32, #tpu.memory_space<hbm>> -> memref<2048xf32, #tpu.memory_space<hbm>>
        tpu.enqueue_dma source(%dma_start3A_185 : memref<2048xf32, #tpu.memory_space<hbm>>) target(%dma_start3A_183 : memref<2048xf32, #tpu.memory_space<vmem_shared>>) target_semaphore(%run_scoped3A : memref<!tpu.dma_semaphore, #tpu.memory_space<semaphore_mem>>)
        %dma_wait3A_186 = tpu.memref_slice %arg38[%add3A_180] : memref<100000xf32, #tpu.memory_space<vmem_shared>> -> memref<2048xf32, #tpu.memory_space<vmem_shared>>
        %dma_wait3A_187 = arith.constant 0 : i32
        %dma_wait3A_188 = tpu.memref_slice %arg6[%dma_wait3A_187] : memref<2048xf32, #tpu.memory_space<hbm>> -> memref<2048xf32, #tpu.memory_space<hbm>>
        tpu.wait_dma2 semaphore(%run_scoped3A : memref<!tpu.dma_semaphore, #tpu.memory_space<semaphore_mem>>) src(%dma_wait3A_188 : memref<2048xf32, #tpu.memory_space<hbm>>) dst(%dma_wait3A_186 : memref<2048xf32, #tpu.memory_space<vmem_shared>>)
        tpu.yield
      }) : () -> ()
      "tpu.region"() ({
        %run_scoped3A = tpu.sem_alloc : memref<!tpu.dma_semaphore, #tpu.memory_space<semaphore_mem>>
        %dma_start3A_183 = tpu.memref_slice %arg39[%add3A_180] : memref<100000xf32, #tpu.memory_space<vmem_shared>> -> memref<2048xf32, #tpu.memory_space<vmem_shared>>
        %dma_start3A_184 = arith.constant 0 : i32
        %dma_start3A_185 = tpu.memref_slice %arg6[%dma_start3A_184] : memref<2048xf32, #tpu.memory_space<hbm>> -> memref<2048xf32, #tpu.memory_space<hbm>>
        tpu.enqueue_dma source(%dma_start3A_185 : memref<2048xf32, #tpu.memory_space<hbm>>) target(%dma_start3A_183 : memref<2048xf32, #tpu.memory_space<vmem_shared>>) target_semaphore(%run_scoped3A : memref<!tpu.dma_semaphore, #tpu.memory_space<semaphore_mem>>)
        %dma_wait3A_186 = tpu.memref_slice %arg39[%add3A_180] : memref<100000xf32, #tpu.memory_space<vmem_shared>> -> memref<2048xf32, #tpu.memory_space<vmem_shared>>
        %dma_wait3A_187 = arith.constant 0 : i32
        %dma_wait3A_188 = tpu.memref_slice %arg6[%dma_wait3A_187] : memref<2048xf32, #tpu.memory_space<hbm>> -> memref<2048xf32, #tpu.memory_space<hbm>>
        tpu.wait_dma2 semaphore(%run_scoped3A : memref<!tpu.dma_semaphore, #tpu.memory_space<semaphore_mem>>) src(%dma_wait3A_188 : memref<2048xf32, #tpu.memory_space<hbm>>) dst(%dma_wait3A_186 : memref<2048xf32, #tpu.memory_space<vmem_shared>>)
        tpu.yield
      }) : () -> ()
      "tpu.region"() ({
        %run_scoped3A = tpu.sem_alloc : memref<!tpu.dma_semaphore, #tpu.memory_space<semaphore_mem>>
        %dma_start3A_183 = tpu.memref_slice %arg40[%add3A_180] : memref<100000xf32, #tpu.memory_space<vmem_shared>> -> memref<2048xf32, #tpu.memory_space<vmem_shared>>
        %dma_start3A_184 = arith.constant 0 : i32
        %dma_start3A_185 = tpu.memref_slice %arg6[%dma_start3A_184] : memref<2048xf32, #tpu.memory_space<hbm>> -> memref<2048xf32, #tpu.memory_space<hbm>>
        tpu.enqueue_dma source(%dma_start3A_185 : memref<2048xf32, #tpu.memory_space<hbm>>) target(%dma_start3A_183 : memref<2048xf32, #tpu.memory_space<vmem_shared>>) target_semaphore(%run_scoped3A : memref<!tpu.dma_semaphore, #tpu.memory_space<semaphore_mem>>)
        %dma_wait3A_186 = tpu.memref_slice %arg40[%add3A_180] : memref<100000xf32, #tpu.memory_space<vmem_shared>> -> memref<2048xf32, #tpu.memory_space<vmem_shared>>
        %dma_wait3A_187 = arith.constant 0 : i32
        %dma_wait3A_188 = tpu.memref_slice %arg6[%dma_wait3A_187] : memref<2048xf32, #tpu.memory_space<hbm>> -> memref<2048xf32, #tpu.memory_space<hbm>>
        tpu.wait_dma2 semaphore(%run_scoped3A : memref<!tpu.dma_semaphore, #tpu.memory_space<semaphore_mem>>) src(%dma_wait3A_188 : memref<2048xf32, #tpu.memory_space<hbm>>) dst(%dma_wait3A_186 : memref<2048xf32, #tpu.memory_space<vmem_shared>>)
        tpu.yield
      }) : () -> ()
      %add3A_181 = arith.constant 6144 : i32
      %add3A_182 = arith.addi %mul3A_2, %add3A_181 : i32
      "tpu.region"() ({
        %run_scoped3A = tpu.sem_alloc : memref<!tpu.dma_semaphore, #tpu.memory_space<semaphore_mem>>
        %dma_start3A_183 = tpu.memref_slice %arg35[%add3A_182] : memref<100000xf32, #tpu.memory_space<vmem_shared>> -> memref<112xf32, #tpu.memory_space<vmem_shared>>
        %dma_start3A_184 = tpu.memref_slice %arg2[%add3A_182] : memref<100000xf32, #tpu.memory_space<hbm>> -> memref<112xf32, #tpu.memory_space<hbm>>
        tpu.enqueue_dma source(%dma_start3A_184 : memref<112xf32, #tpu.memory_space<hbm>>) target(%dma_start3A_183 : memref<112xf32, #tpu.memory_space<vmem_shared>>) target_semaphore(%run_scoped3A : memref<!tpu.dma_semaphore, #tpu.memory_space<semaphore_mem>>)
        %dma_wait3A_185 = tpu.memref_slice %arg35[%add3A_182] : memref<100000xf32, #tpu.memory_space<vmem_shared>> -> memref<112xf32, #tpu.memory_space<vmem_shared>>
        %dma_wait3A_186 = tpu.memref_slice %arg2[%add3A_182] : memref<100000xf32, #tpu.memory_space<hbm>> -> memref<112xf32, #tpu.memory_space<hbm>>
        tpu.wait_dma2 semaphore(%run_scoped3A : memref<!tpu.dma_semaphore, #tpu.memory_space<semaphore_mem>>) src(%dma_wait3A_186 : memref<112xf32, #tpu.memory_space<hbm>>) dst(%dma_wait3A_185 : memref<112xf32, #tpu.memory_space<vmem_shared>>)
        tpu.yield
      }) : () -> ()
      "tpu.region"() ({
        %run_scoped3A = tpu.sem_alloc : memref<!tpu.dma_semaphore, #tpu.memory_space<semaphore_mem>>
        %dma_start3A_183 = tpu.memref_slice %arg36[%add3A_182] : memref<100000xf32, #tpu.memory_space<vmem_shared>> -> memref<112xf32, #tpu.memory_space<vmem_shared>>
        %dma_start3A_184 = tpu.memref_slice %arg3[%add3A_182] : memref<100000xf32, #tpu.memory_space<hbm>> -> memref<112xf32, #tpu.memory_space<hbm>>
        tpu.enqueue_dma source(%dma_start3A_184 : memref<112xf32, #tpu.memory_space<hbm>>) target(%dma_start3A_183 : memref<112xf32, #tpu.memory_space<vmem_shared>>) target_semaphore(%run_scoped3A : memref<!tpu.dma_semaphore, #tpu.memory_space<semaphore_mem>>)
        %dma_wait3A_185 = tpu.memref_slice %arg36[%add3A_182] : memref<100000xf32, #tpu.memory_space<vmem_shared>> -> memref<112xf32, #tpu.memory_space<vmem_shared>>
        %dma_wait3A_186 = tpu.memref_slice %arg3[%add3A_182] : memref<100000xf32, #tpu.memory_space<hbm>> -> memref<112xf32, #tpu.memory_space<hbm>>
        tpu.wait_dma2 semaphore(%run_scoped3A : memref<!tpu.dma_semaphore, #tpu.memory_space<semaphore_mem>>) src(%dma_wait3A_186 : memref<112xf32, #tpu.memory_space<hbm>>) dst(%dma_wait3A_185 : memref<112xf32, #tpu.memory_space<vmem_shared>>)
        tpu.yield
      }) : () -> ()
      "tpu.region"() ({
        %run_scoped3A = tpu.sem_alloc : memref<!tpu.dma_semaphore, #tpu.memory_space<semaphore_mem>>
        %dma_start3A_183 = tpu.memref_slice %arg37[%add3A_182] : memref<100000xf32, #tpu.memory_space<vmem_shared>> -> memref<112xf32, #tpu.memory_space<vmem_shared>>
        %dma_start3A_184 = tpu.memref_slice %arg4[%add3A_182] : memref<100000xf32, #tpu.memory_space<hbm>> -> memref<112xf32, #tpu.memory_space<hbm>>
        tpu.enqueue_dma source(%dma_start3A_184 : memref<112xf32, #tpu.memory_space<hbm>>) target(%dma_start3A_183 : memref<112xf32, #tpu.memory_space<vmem_shared>>) target_semaphore(%run_scoped3A : memref<!tpu.dma_semaphore, #tpu.memory_space<semaphore_mem>>)
        %dma_wait3A_185 = tpu.memref_slice %arg37[%add3A_182] : memref<100000xf32, #tpu.memory_space<vmem_shared>> -> memref<112xf32, #tpu.memory_space<vmem_shared>>
        %dma_wait3A_186 = tpu.memref_slice %arg4[%add3A_182] : memref<100000xf32, #tpu.memory_space<hbm>> -> memref<112xf32, #tpu.memory_space<hbm>>
        tpu.wait_dma2 semaphore(%run_scoped3A : memref<!tpu.dma_semaphore, #tpu.memory_space<semaphore_mem>>) src(%dma_wait3A_186 : memref<112xf32, #tpu.memory_space<hbm>>) dst(%dma_wait3A_185 : memref<112xf32, #tpu.memory_space<vmem_shared>>)
        tpu.yield
      }) : () -> ()
      "tpu.region"() ({
        %run_scoped3A = tpu.sem_alloc : memref<!tpu.dma_semaphore, #tpu.memory_space<semaphore_mem>>
        %dma_start3A_183 = tpu.memref_slice %arg38[%add3A_182] : memref<100000xf32, #tpu.memory_space<vmem_shared>> -> memref<112xf32, #tpu.memory_space<vmem_shared>>
        %dma_start3A_184 = arith.constant 0 : i32
        %dma_start3A_185 = tpu.memref_slice %arg6[%dma_start3A_184] : memref<2048xf32, #tpu.memory_space<hbm>> -> memref<112xf32, #tpu.memory_space<hbm>>
        tpu.enqueue_dma source(%dma_start3A_185 : memref<112xf32, #tpu.memory_space<hbm>>) target(%dma_start3A_183 : memref<112xf32, #tpu.memory_space<vmem_shared>>) target_semaphore(%run_scoped3A : memref<!tpu.dma_semaphore, #tpu.memory_space<semaphore_mem>>)
        %dma_wait3A_186 = tpu.memref_slice %arg38[%add3A_182] : memref<100000xf32, #tpu.memory_space<vmem_shared>> -> memref<112xf32, #tpu.memory_space<vmem_shared>>
        %dma_wait3A_187 = arith.constant 0 : i32
        %dma_wait3A_188 = tpu.memref_slice %arg6[%dma_wait3A_187] : memref<2048xf32, #tpu.memory_space<hbm>> -> memref<112xf32, #tpu.memory_space<hbm>>
        tpu.wait_dma2 semaphore(%run_scoped3A : memref<!tpu.dma_semaphore, #tpu.memory_space<semaphore_mem>>) src(%dma_wait3A_188 : memref<112xf32, #tpu.memory_space<hbm>>) dst(%dma_wait3A_186 : memref<112xf32, #tpu.memory_space<vmem_shared>>)
        tpu.yield
      }) : () -> ()
      "tpu.region"() ({
        %run_scoped3A = tpu.sem_alloc : memref<!tpu.dma_semaphore, #tpu.memory_space<semaphore_mem>>
        %dma_start3A_183 = tpu.memref_slice %arg39[%add3A_182] : memref<100000xf32, #tpu.memory_space<vmem_shared>> -> memref<112xf32, #tpu.memory_space<vmem_shared>>
        %dma_start3A_184 = arith.constant 0 : i32
        %dma_start3A_185 = tpu.memref_slice %arg6[%dma_start3A_184] : memref<2048xf32, #tpu.memory_space<hbm>> -> memref<112xf32, #tpu.memory_space<hbm>>
        tpu.enqueue_dma source(%dma_start3A_185 : memref<112xf32, #tpu.memory_space<hbm>>) target(%dma_start3A_183 : memref<112xf32, #tpu.memory_space<vmem_shared>>) target_semaphore(%run_scoped3A : memref<!tpu.dma_semaphore, #tpu.memory_space<semaphore_mem>>)
        %dma_wait3A_186 = tpu.memref_slice %arg39[%add3A_182] : memref<100000xf32, #tpu.memory_space<vmem_shared>> -> memref<112xf32, #tpu.memory_space<vmem_shared>>
        %dma_wait3A_187 = arith.constant 0 : i32
        %dma_wait3A_188 = tpu.memref_slice %arg6[%dma_wait3A_187] : memref<2048xf32, #tpu.memory_space<hbm>> -> memref<112xf32, #tpu.memory_space<hbm>>
        tpu.wait_dma2 semaphore(%run_scoped3A : memref<!tpu.dma_semaphore, #tpu.memory_space<semaphore_mem>>) src(%dma_wait3A_188 : memref<112xf32, #tpu.memory_space<hbm>>) dst(%dma_wait3A_186 : memref<112xf32, #tpu.memory_space<vmem_shared>>)
        tpu.yield
      }) : () -> ()
      "tpu.region"() ({
        %run_scoped3A = tpu.sem_alloc : memref<!tpu.dma_semaphore, #tpu.memory_space<semaphore_mem>>
        %dma_start3A_183 = tpu.memref_slice %arg40[%add3A_182] : memref<100000xf32, #tpu.memory_space<vmem_shared>> -> memref<112xf32, #tpu.memory_space<vmem_shared>>
        %dma_start3A_184 = arith.constant 0 : i32
        %dma_start3A_185 = tpu.memref_slice %arg6[%dma_start3A_184] : memref<2048xf32, #tpu.memory_space<hbm>> -> memref<112xf32, #tpu.memory_space<hbm>>
        tpu.enqueue_dma source(%dma_start3A_185 : memref<112xf32, #tpu.memory_space<hbm>>) target(%dma_start3A_183 : memref<112xf32, #tpu.memory_space<vmem_shared>>) target_semaphore(%run_scoped3A : memref<!tpu.dma_semaphore, #tpu.memory_space<semaphore_mem>>)
        %dma_wait3A_186 = tpu.memref_slice %arg40[%add3A_182] : memref<100000xf32, #tpu.memory_space<vmem_shared>> -> memref<112xf32, #tpu.memory_space<vmem_shared>>
        %dma_wait3A_187 = arith.constant 0 : i32
        %dma_wait3A_188 = tpu.memref_slice %arg6[%dma_wait3A_187] : memref<2048xf32, #tpu.memory_space<hbm>> -> memref<112xf32, #tpu.memory_space<hbm>>
        tpu.wait_dma2 semaphore(%run_scoped3A : memref<!tpu.dma_semaphore, #tpu.memory_space<semaphore_mem>>) src(%dma_wait3A_188 : memref<112xf32, #tpu.memory_space<hbm>>) dst(%dma_wait3A_186 : memref<112xf32, #tpu.memory_space<vmem_shared>>)
        tpu.yield
      }) : () -> ()
    } else {
    }
    %eq3A = arith.constant 15 : i32
    %eq3A_5 = arith.cmpi eq, %arg1, %eq3A : i32
    %convert_element_type3A_6 = arith.extui %eq3A_5 : i1 to i32
    %cond3A_7 = arith.constant 0 : i32
    %cond3A_8 = arith.cmpi ne, %convert_element_type3A_6, %cond3A_7 : i32
    scf.if %cond3A_8 {
      %add3A_175 = arith.constant 0 : i32
      %add3A_176 = arith.addi %mul3A_2, %add3A_175 : i32
      "tpu.region"() ({
        %run_scoped3A = tpu.sem_alloc : memref<!tpu.dma_semaphore, #tpu.memory_space<semaphore_mem>>
        %dma_start3A_183 = tpu.memref_slice %arg35[%add3A_176] : memref<100000xf32, #tpu.memory_space<vmem_shared>> -> memref<2048xf32, #tpu.memory_space<vmem_shared>>
        %dma_start3A_184 = tpu.memref_slice %arg2[%add3A_176] : memref<100000xf32, #tpu.memory_space<hbm>> -> memref<2048xf32, #tpu.memory_space<hbm>>
        tpu.enqueue_dma source(%dma_start3A_184 : memref<2048xf32, #tpu.memory_space<hbm>>) target(%dma_start3A_183 : memref<2048xf32, #tpu.memory_space<vmem_shared>>) target_semaphore(%run_scoped3A : memref<!tpu.dma_semaphore, #tpu.memory_space<semaphore_mem>>)
        %dma_wait3A_185 = tpu.memref_slice %arg35[%add3A_176] : memref<100000xf32, #tpu.memory_space<vmem_shared>> -> memref<2048xf32, #tpu.memory_space<vmem_shared>>
        %dma_wait3A_186 = tpu.memref_slice %arg2[%add3A_176] : memref<100000xf32, #tpu.memory_space<hbm>> -> memref<2048xf32, #tpu.memory_space<hbm>>
        tpu.wait_dma2 semaphore(%run_scoped3A : memref<!tpu.dma_semaphore, #tpu.memory_space<semaphore_mem>>) src(%dma_wait3A_186 : memref<2048xf32, #tpu.memory_space<hbm>>) dst(%dma_wait3A_185 : memref<2048xf32, #tpu.memory_space<vmem_shared>>)
        tpu.yield
      }) : () -> ()
      "tpu.region"() ({
        %run_scoped3A = tpu.sem_alloc : memref<!tpu.dma_semaphore, #tpu.memory_space<semaphore_mem>>
        %dma_start3A_183 = tpu.memref_slice %arg36[%add3A_176] : memref<100000xf32, #tpu.memory_space<vmem_shared>> -> memref<2048xf32, #tpu.memory_space<vmem_shared>>
        %dma_start3A_184 = tpu.memref_slice %arg3[%add3A_176] : memref<100000xf32, #tpu.memory_space<hbm>> -> memref<2048xf32, #tpu.memory_space<hbm>>
        tpu.enqueue_dma source(%dma_start3A_184 : memref<2048xf32, #tpu.memory_space<hbm>>) target(%dma_start3A_183 : memref<2048xf32, #tpu.memory_space<vmem_shared>>) target_semaphore(%run_scoped3A : memref<!tpu.dma_semaphore, #tpu.memory_space<semaphore_mem>>)
        %dma_wait3A_185 = tpu.memref_slice %arg36[%add3A_176] : memref<100000xf32, #tpu.memory_space<vmem_shared>> -> memref<2048xf32, #tpu.memory_space<vmem_shared>>
        %dma_wait3A_186 = tpu.memref_slice %arg3[%add3A_176] : memref<100000xf32, #tpu.memory_space<hbm>> -> memref<2048xf32, #tpu.memory_space<hbm>>
        tpu.wait_dma2 semaphore(%run_scoped3A : memref<!tpu.dma_semaphore, #tpu.memory_space<semaphore_mem>>) src(%dma_wait3A_186 : memref<2048xf32, #tpu.memory_space<hbm>>) dst(%dma_wait3A_185 : memref<2048xf32, #tpu.memory_space<vmem_shared>>)
        tpu.yield
      }) : () -> ()
      "tpu.region"() ({
        %run_scoped3A = tpu.sem_alloc : memref<!tpu.dma_semaphore, #tpu.memory_space<semaphore_mem>>
        %dma_start3A_183 = tpu.memref_slice %arg37[%add3A_176] : memref<100000xf32, #tpu.memory_space<vmem_shared>> -> memref<2048xf32, #tpu.memory_space<vmem_shared>>
        %dma_start3A_184 = tpu.memref_slice %arg4[%add3A_176] : memref<100000xf32, #tpu.memory_space<hbm>> -> memref<2048xf32, #tpu.memory_space<hbm>>
        tpu.enqueue_dma source(%dma_start3A_184 : memref<2048xf32, #tpu.memory_space<hbm>>) target(%dma_start3A_183 : memref<2048xf32, #tpu.memory_space<vmem_shared>>) target_semaphore(%run_scoped3A : memref<!tpu.dma_semaphore, #tpu.memory_space<semaphore_mem>>)
        %dma_wait3A_185 = tpu.memref_slice %arg37[%add3A_176] : memref<100000xf32, #tpu.memory_space<vmem_shared>> -> memref<2048xf32, #tpu.memory_space<vmem_shared>>
        %dma_wait3A_186 = tpu.memref_slice %arg4[%add3A_176] : memref<100000xf32, #tpu.memory_space<hbm>> -> memref<2048xf32, #tpu.memory_space<hbm>>
        tpu.wait_dma2 semaphore(%run_scoped3A : memref<!tpu.dma_semaphore, #tpu.memory_space<semaphore_mem>>) src(%dma_wait3A_186 : memref<2048xf32, #tpu.memory_space<hbm>>) dst(%dma_wait3A_185 : memref<2048xf32, #tpu.memory_space<vmem_shared>>)
        tpu.yield
      }) : () -> ()
      "tpu.region"() ({
        %run_scoped3A = tpu.sem_alloc : memref<!tpu.dma_semaphore, #tpu.memory_space<semaphore_mem>>
        %dma_start3A_183 = tpu.memref_slice %arg38[%add3A_176] : memref<100000xf32, #tpu.memory_space<vmem_shared>> -> memref<2048xf32, #tpu.memory_space<vmem_shared>>
        %dma_start3A_184 = arith.constant 0 : i32
        %dma_start3A_185 = tpu.memref_slice %arg6[%dma_start3A_184] : memref<2048xf32, #tpu.memory_space<hbm>> -> memref<2048xf32, #tpu.memory_space<hbm>>
        tpu.enqueue_dma source(%dma_start3A_185 : memref<2048xf32, #tpu.memory_space<hbm>>) target(%dma_start3A_183 : memref<2048xf32, #tpu.memory_space<vmem_shared>>) target_semaphore(%run_scoped3A : memref<!tpu.dma_semaphore, #tpu.memory_space<semaphore_mem>>)
        %dma_wait3A_186 = tpu.memref_slice %arg38[%add3A_176] : memref<100000xf32, #tpu.memory_space<vmem_shared>> -> memref<2048xf32, #tpu.memory_space<vmem_shared>>
        %dma_wait3A_187 = arith.constant 0 : i32
        %dma_wait3A_188 = tpu.memref_slice %arg6[%dma_wait3A_187] : memref<2048xf32, #tpu.memory_space<hbm>> -> memref<2048xf32, #tpu.memory_space<hbm>>
        tpu.wait_dma2 semaphore(%run_scoped3A : memref<!tpu.dma_semaphore, #tpu.memory_space<semaphore_mem>>) src(%dma_wait3A_188 : memref<2048xf32, #tpu.memory_space<hbm>>) dst(%dma_wait3A_186 : memref<2048xf32, #tpu.memory_space<vmem_shared>>)
        tpu.yield
      }) : () -> ()
      "tpu.region"() ({
        %run_scoped3A = tpu.sem_alloc : memref<!tpu.dma_semaphore, #tpu.memory_space<semaphore_mem>>
        %dma_start3A_183 = tpu.memref_slice %arg39[%add3A_176] : memref<100000xf32, #tpu.memory_space<vmem_shared>> -> memref<2048xf32, #tpu.memory_space<vmem_shared>>
        %dma_start3A_184 = arith.constant 0 : i32
        %dma_start3A_185 = tpu.memref_slice %arg6[%dma_start3A_184] : memref<2048xf32, #tpu.memory_space<hbm>> -> memref<2048xf32, #tpu.memory_space<hbm>>
        tpu.enqueue_dma source(%dma_start3A_185 : memref<2048xf32, #tpu.memory_space<hbm>>) target(%dma_start3A_183 : memref<2048xf32, #tpu.memory_space<vmem_shared>>) target_semaphore(%run_scoped3A : memref<!tpu.dma_semaphore, #tpu.memory_space<semaphore_mem>>)
        %dma_wait3A_186 = tpu.memref_slice %arg39[%add3A_176] : memref<100000xf32, #tpu.memory_space<vmem_shared>> -> memref<2048xf32, #tpu.memory_space<vmem_shared>>
        %dma_wait3A_187 = arith.constant 0 : i32
        %dma_wait3A_188 = tpu.memref_slice %arg6[%dma_wait3A_187] : memref<2048xf32, #tpu.memory_space<hbm>> -> memref<2048xf32, #tpu.memory_space<hbm>>
        tpu.wait_dma2 semaphore(%run_scoped3A : memref<!tpu.dma_semaphore, #tpu.memory_space<semaphore_mem>>) src(%dma_wait3A_188 : memref<2048xf32, #tpu.memory_space<hbm>>) dst(%dma_wait3A_186 : memref<2048xf32, #tpu.memory_space<vmem_shared>>)
        tpu.yield
      }) : () -> ()
      "tpu.region"() ({
        %run_scoped3A = tpu.sem_alloc : memref<!tpu.dma_semaphore, #tpu.memory_space<semaphore_mem>>
        %dma_start3A_183 = tpu.memref_slice %arg40[%add3A_176] : memref<100000xf32, #tpu.memory_space<vmem_shared>> -> memref<2048xf32, #tpu.memory_space<vmem_shared>>
        %dma_start3A_184 = arith.constant 0 : i32
        %dma_start3A_185 = tpu.memref_slice %arg6[%dma_start3A_184] : memref<2048xf32, #tpu.memory_space<hbm>> -> memref<2048xf32, #tpu.memory_space<hbm>>
        tpu.enqueue_dma source(%dma_start3A_185 : memref<2048xf32, #tpu.memory_space<hbm>>) target(%dma_start3A_183 : memref<2048xf32, #tpu.memory_space<vmem_shared>>) target_semaphore(%run_scoped3A : memref<!tpu.dma_semaphore, #tpu.memory_space<semaphore_mem>>)
        %dma_wait3A_186 = tpu.memref_slice %arg40[%add3A_176] : memref<100000xf32, #tpu.memory_space<vmem_shared>> -> memref<2048xf32, #tpu.memory_space<vmem_shared>>
        %dma_wait3A_187 = arith.constant 0 : i32
        %dma_wait3A_188 = tpu.memref_slice %arg6[%dma_wait3A_187] : memref<2048xf32, #tpu.memory_space<hbm>> -> memref<2048xf32, #tpu.memory_space<hbm>>
        tpu.wait_dma2 semaphore(%run_scoped3A : memref<!tpu.dma_semaphore, #tpu.memory_space<semaphore_mem>>) src(%dma_wait3A_188 : memref<2048xf32, #tpu.memory_space<hbm>>) dst(%dma_wait3A_186 : memref<2048xf32, #tpu.memory_space<vmem_shared>>)
        tpu.yield
      }) : () -> ()
      %add3A_177 = arith.constant 2048 : i32
      %add3A_178 = arith.addi %mul3A_2, %add3A_177 : i32
      "tpu.region"() ({
        %run_scoped3A = tpu.sem_alloc : memref<!tpu.dma_semaphore, #tpu.memory_space<semaphore_mem>>
        %dma_start3A_183 = tpu.memref_slice %arg35[%add3A_178] : memref<100000xf32, #tpu.memory_space<vmem_shared>> -> memref<2048xf32, #tpu.memory_space<vmem_shared>>
        %dma_start3A_184 = tpu.memref_slice %arg2[%add3A_178] : memref<100000xf32, #tpu.memory_space<hbm>> -> memref<2048xf32, #tpu.memory_space<hbm>>
        tpu.enqueue_dma source(%dma_start3A_184 : memref<2048xf32, #tpu.memory_space<hbm>>) target(%dma_start3A_183 : memref<2048xf32, #tpu.memory_space<vmem_shared>>) target_semaphore(%run_scoped3A : memref<!tpu.dma_semaphore, #tpu.memory_space<semaphore_mem>>)
        %dma_wait3A_185 = tpu.memref_slice %arg35[%add3A_178] : memref<100000xf32, #tpu.memory_space<vmem_shared>> -> memref<2048xf32, #tpu.memory_space<vmem_shared>>
        %dma_wait3A_186 = tpu.memref_slice %arg2[%add3A_178] : memref<100000xf32, #tpu.memory_space<hbm>> -> memref<2048xf32, #tpu.memory_space<hbm>>
        tpu.wait_dma2 semaphore(%run_scoped3A : memref<!tpu.dma_semaphore, #tpu.memory_space<semaphore_mem>>) src(%dma_wait3A_186 : memref<2048xf32, #tpu.memory_space<hbm>>) dst(%dma_wait3A_185 : memref<2048xf32, #tpu.memory_space<vmem_shared>>)
        tpu.yield
      }) : () -> ()
      "tpu.region"() ({
        %run_scoped3A = tpu.sem_alloc : memref<!tpu.dma_semaphore, #tpu.memory_space<semaphore_mem>>
        %dma_start3A_183 = tpu.memref_slice %arg36[%add3A_178] : memref<100000xf32, #tpu.memory_space<vmem_shared>> -> memref<2048xf32, #tpu.memory_space<vmem_shared>>
        %dma_start3A_184 = tpu.memref_slice %arg3[%add3A_178] : memref<100000xf32, #tpu.memory_space<hbm>> -> memref<2048xf32, #tpu.memory_space<hbm>>
        tpu.enqueue_dma source(%dma_start3A_184 : memref<2048xf32, #tpu.memory_space<hbm>>) target(%dma_start3A_183 : memref<2048xf32, #tpu.memory_space<vmem_shared>>) target_semaphore(%run_scoped3A : memref<!tpu.dma_semaphore, #tpu.memory_space<semaphore_mem>>)
        %dma_wait3A_185 = tpu.memref_slice %arg36[%add3A_178] : memref<100000xf32, #tpu.memory_space<vmem_shared>> -> memref<2048xf32, #tpu.memory_space<vmem_shared>>
        %dma_wait3A_186 = tpu.memref_slice %arg3[%add3A_178] : memref<100000xf32, #tpu.memory_space<hbm>> -> memref<2048xf32, #tpu.memory_space<hbm>>
        tpu.wait_dma2 semaphore(%run_scoped3A : memref<!tpu.dma_semaphore, #tpu.memory_space<semaphore_mem>>) src(%dma_wait3A_186 : memref<2048xf32, #tpu.memory_space<hbm>>) dst(%dma_wait3A_185 : memref<2048xf32, #tpu.memory_space<vmem_shared>>)
        tpu.yield
      }) : () -> ()
      "tpu.region"() ({
        %run_scoped3A = tpu.sem_alloc : memref<!tpu.dma_semaphore, #tpu.memory_space<semaphore_mem>>
        %dma_start3A_183 = tpu.memref_slice %arg37[%add3A_178] : memref<100000xf32, #tpu.memory_space<vmem_shared>> -> memref<2048xf32, #tpu.memory_space<vmem_shared>>
        %dma_start3A_184 = tpu.memref_slice %arg4[%add3A_178] : memref<100000xf32, #tpu.memory_space<hbm>> -> memref<2048xf32, #tpu.memory_space<hbm>>
        tpu.enqueue_dma source(%dma_start3A_184 : memref<2048xf32, #tpu.memory_space<hbm>>) target(%dma_start3A_183 : memref<2048xf32, #tpu.memory_space<vmem_shared>>) target_semaphore(%run_scoped3A : memref<!tpu.dma_semaphore, #tpu.memory_space<semaphore_mem>>)
        %dma_wait3A_185 = tpu.memref_slice %arg37[%add3A_178] : memref<100000xf32, #tpu.memory_space<vmem_shared>> -> memref<2048xf32, #tpu.memory_space<vmem_shared>>
        %dma_wait3A_186 = tpu.memref_slice %arg4[%add3A_178] : memref<100000xf32, #tpu.memory_space<hbm>> -> memref<2048xf32, #tpu.memory_space<hbm>>
        tpu.wait_dma2 semaphore(%run_scoped3A : memref<!tpu.dma_semaphore, #tpu.memory_space<semaphore_mem>>) src(%dma_wait3A_186 : memref<2048xf32, #tpu.memory_space<hbm>>) dst(%dma_wait3A_185 : memref<2048xf32, #tpu.memory_space<vmem_shared>>)
        tpu.yield
      }) : () -> ()
      "tpu.region"() ({
        %run_scoped3A = tpu.sem_alloc : memref<!tpu.dma_semaphore, #tpu.memory_space<semaphore_mem>>
        %dma_start3A_183 = tpu.memref_slice %arg38[%add3A_178] : memref<100000xf32, #tpu.memory_space<vmem_shared>> -> memref<2048xf32, #tpu.memory_space<vmem_shared>>
        %dma_start3A_184 = arith.constant 0 : i32
        %dma_start3A_185 = tpu.memref_slice %arg6[%dma_start3A_184] : memref<2048xf32, #tpu.memory_space<hbm>> -> memref<2048xf32, #tpu.memory_space<hbm>>
        tpu.enqueue_dma source(%dma_start3A_185 : memref<2048xf32, #tpu.memory_space<hbm>>) target(%dma_start3A_183 : memref<2048xf32, #tpu.memory_space<vmem_shared>>) target_semaphore(%run_scoped3A : memref<!tpu.dma_semaphore, #tpu.memory_space<semaphore_mem>>)
        %dma_wait3A_186 = tpu.memref_slice %arg38[%add3A_178] : memref<100000xf32, #tpu.memory_space<vmem_shared>> -> memref<2048xf32, #tpu.memory_space<vmem_shared>>
        %dma_wait3A_187 = arith.constant 0 : i32
        %dma_wait3A_188 = tpu.memref_slice %arg6[%dma_wait3A_187] : memref<2048xf32, #tpu.memory_space<hbm>> -> memref<2048xf32, #tpu.memory_space<hbm>>
        tpu.wait_dma2 semaphore(%run_scoped3A : memref<!tpu.dma_semaphore, #tpu.memory_space<semaphore_mem>>) src(%dma_wait3A_188 : memref<2048xf32, #tpu.memory_space<hbm>>) dst(%dma_wait3A_186 : memref<2048xf32, #tpu.memory_space<vmem_shared>>)
        tpu.yield
      }) : () -> ()
      "tpu.region"() ({
        %run_scoped3A = tpu.sem_alloc : memref<!tpu.dma_semaphore, #tpu.memory_space<semaphore_mem>>
        %dma_start3A_183 = tpu.memref_slice %arg39[%add3A_178] : memref<100000xf32, #tpu.memory_space<vmem_shared>> -> memref<2048xf32, #tpu.memory_space<vmem_shared>>
        %dma_start3A_184 = arith.constant 0 : i32
        %dma_start3A_185 = tpu.memref_slice %arg6[%dma_start3A_184] : memref<2048xf32, #tpu.memory_space<hbm>> -> memref<2048xf32, #tpu.memory_space<hbm>>
        tpu.enqueue_dma source(%dma_start3A_185 : memref<2048xf32, #tpu.memory_space<hbm>>) target(%dma_start3A_183 : memref<2048xf32, #tpu.memory_space<vmem_shared>>) target_semaphore(%run_scoped3A : memref<!tpu.dma_semaphore, #tpu.memory_space<semaphore_mem>>)
        %dma_wait3A_186 = tpu.memref_slice %arg39[%add3A_178] : memref<100000xf32, #tpu.memory_space<vmem_shared>> -> memref<2048xf32, #tpu.memory_space<vmem_shared>>
        %dma_wait3A_187 = arith.constant 0 : i32
        %dma_wait3A_188 = tpu.memref_slice %arg6[%dma_wait3A_187] : memref<2048xf32, #tpu.memory_space<hbm>> -> memref<2048xf32, #tpu.memory_space<hbm>>
        tpu.wait_dma2 semaphore(%run_scoped3A : memref<!tpu.dma_semaphore, #tpu.memory_space<semaphore_mem>>) src(%dma_wait3A_188 : memref<2048xf32, #tpu.memory_space<hbm>>) dst(%dma_wait3A_186 : memref<2048xf32, #tpu.memory_space<vmem_shared>>)
        tpu.yield
      }) : () -> ()
      "tpu.region"() ({
        %run_scoped3A = tpu.sem_alloc : memref<!tpu.dma_semaphore, #tpu.memory_space<semaphore_mem>>
        %dma_start3A_183 = tpu.memref_slice %arg40[%add3A_178] : memref<100000xf32, #tpu.memory_space<vmem_shared>> -> memref<2048xf32, #tpu.memory_space<vmem_shared>>
        %dma_start3A_184 = arith.constant 0 : i32
        %dma_start3A_185 = tpu.memref_slice %arg6[%dma_start3A_184] : memref<2048xf32, #tpu.memory_space<hbm>> -> memref<2048xf32, #tpu.memory_space<hbm>>
        tpu.enqueue_dma source(%dma_start3A_185 : memref<2048xf32, #tpu.memory_space<hbm>>) target(%dma_start3A_183 : memref<2048xf32, #tpu.memory_space<vmem_shared>>) target_semaphore(%run_scoped3A : memref<!tpu.dma_semaphore, #tpu.memory_space<semaphore_mem>>)
        %dma_wait3A_186 = tpu.memref_slice %arg40[%add3A_178] : memref<100000xf32, #tpu.memory_space<vmem_shared>> -> memref<2048xf32, #tpu.memory_space<vmem_shared>>
        %dma_wait3A_187 = arith.constant 0 : i32
        %dma_wait3A_188 = tpu.memref_slice %arg6[%dma_wait3A_187] : memref<2048xf32, #tpu.memory_space<hbm>> -> memref<2048xf32, #tpu.memory_space<hbm>>
        tpu.wait_dma2 semaphore(%run_scoped3A : memref<!tpu.dma_semaphore, #tpu.memory_space<semaphore_mem>>) src(%dma_wait3A_188 : memref<2048xf32, #tpu.memory_space<hbm>>) dst(%dma_wait3A_186 : memref<2048xf32, #tpu.memory_space<vmem_shared>>)
        tpu.yield
      }) : () -> ()
      %add3A_179 = arith.constant 4096 : i32
      %add3A_180 = arith.addi %mul3A_2, %add3A_179 : i32
      "tpu.region"() ({
        %run_scoped3A = tpu.sem_alloc : memref<!tpu.dma_semaphore, #tpu.memory_space<semaphore_mem>>
        %dma_start3A_183 = tpu.memref_slice %arg35[%add3A_180] : memref<100000xf32, #tpu.memory_space<vmem_shared>> -> memref<2048xf32, #tpu.memory_space<vmem_shared>>
        %dma_start3A_184 = tpu.memref_slice %arg2[%add3A_180] : memref<100000xf32, #tpu.memory_space<hbm>> -> memref<2048xf32, #tpu.memory_space<hbm>>
        tpu.enqueue_dma source(%dma_start3A_184 : memref<2048xf32, #tpu.memory_space<hbm>>) target(%dma_start3A_183 : memref<2048xf32, #tpu.memory_space<vmem_shared>>) target_semaphore(%run_scoped3A : memref<!tpu.dma_semaphore, #tpu.memory_space<semaphore_mem>>)
        %dma_wait3A_185 = tpu.memref_slice %arg35[%add3A_180] : memref<100000xf32, #tpu.memory_space<vmem_shared>> -> memref<2048xf32, #tpu.memory_space<vmem_shared>>
        %dma_wait3A_186 = tpu.memref_slice %arg2[%add3A_180] : memref<100000xf32, #tpu.memory_space<hbm>> -> memref<2048xf32, #tpu.memory_space<hbm>>
        tpu.wait_dma2 semaphore(%run_scoped3A : memref<!tpu.dma_semaphore, #tpu.memory_space<semaphore_mem>>) src(%dma_wait3A_186 : memref<2048xf32, #tpu.memory_space<hbm>>) dst(%dma_wait3A_185 : memref<2048xf32, #tpu.memory_space<vmem_shared>>)
        tpu.yield
      }) : () -> ()
      "tpu.region"() ({
        %run_scoped3A = tpu.sem_alloc : memref<!tpu.dma_semaphore, #tpu.memory_space<semaphore_mem>>
        %dma_start3A_183 = tpu.memref_slice %arg36[%add3A_180] : memref<100000xf32, #tpu.memory_space<vmem_shared>> -> memref<2048xf32, #tpu.memory_space<vmem_shared>>
        %dma_start3A_184 = tpu.memref_slice %arg3[%add3A_180] : memref<100000xf32, #tpu.memory_space<hbm>> -> memref<2048xf32, #tpu.memory_space<hbm>>
        tpu.enqueue_dma source(%dma_start3A_184 : memref<2048xf32, #tpu.memory_space<hbm>>) target(%dma_start3A_183 : memref<2048xf32, #tpu.memory_space<vmem_shared>>) target_semaphore(%run_scoped3A : memref<!tpu.dma_semaphore, #tpu.memory_space<semaphore_mem>>)
        %dma_wait3A_185 = tpu.memref_slice %arg36[%add3A_180] : memref<100000xf32, #tpu.memory_space<vmem_shared>> -> memref<2048xf32, #tpu.memory_space<vmem_shared>>
        %dma_wait3A_186 = tpu.memref_slice %arg3[%add3A_180] : memref<100000xf32, #tpu.memory_space<hbm>> -> memref<2048xf32, #tpu.memory_space<hbm>>
        tpu.wait_dma2 semaphore(%run_scoped3A : memref<!tpu.dma_semaphore, #tpu.memory_space<semaphore_mem>>) src(%dma_wait3A_186 : memref<2048xf32, #tpu.memory_space<hbm>>) dst(%dma_wait3A_185 : memref<2048xf32, #tpu.memory_space<vmem_shared>>)
        tpu.yield
      }) : () -> ()
      "tpu.region"() ({
        %run_scoped3A = tpu.sem_alloc : memref<!tpu.dma_semaphore, #tpu.memory_space<semaphore_mem>>
        %dma_start3A_183 = tpu.memref_slice %arg37[%add3A_180] : memref<100000xf32, #tpu.memory_space<vmem_shared>> -> memref<2048xf32, #tpu.memory_space<vmem_shared>>
        %dma_start3A_184 = tpu.memref_slice %arg4[%add3A_180] : memref<100000xf32, #tpu.memory_space<hbm>> -> memref<2048xf32, #tpu.memory_space<hbm>>
        tpu.enqueue_dma source(%dma_start3A_184 : memref<2048xf32, #tpu.memory_space<hbm>>) target(%dma_start3A_183 : memref<2048xf32, #tpu.memory_space<vmem_shared>>) target_semaphore(%run_scoped3A : memref<!tpu.dma_semaphore, #tpu.memory_space<semaphore_mem>>)
        %dma_wait3A_185 = tpu.memref_slice %arg37[%add3A_180] : memref<100000xf32, #tpu.memory_space<vmem_shared>> -> memref<2048xf32, #tpu.memory_space<vmem_shared>>
        %dma_wait3A_186 = tpu.memref_slice %arg4[%add3A_180] : memref<100000xf32, #tpu.memory_space<hbm>> -> memref<2048xf32, #tpu.memory_space<hbm>>
        tpu.wait_dma2 semaphore(%run_scoped3A : memref<!tpu.dma_semaphore, #tpu.memory_space<semaphore_mem>>) src(%dma_wait3A_186 : memref<2048xf32, #tpu.memory_space<hbm>>) dst(%dma_wait3A_185 : memref<2048xf32, #tpu.memory_space<vmem_shared>>)
        tpu.yield
      }) : () -> ()
      "tpu.region"() ({
        %run_scoped3A = tpu.sem_alloc : memref<!tpu.dma_semaphore, #tpu.memory_space<semaphore_mem>>
        %dma_start3A_183 = tpu.memref_slice %arg38[%add3A_180] : memref<100000xf32, #tpu.memory_space<vmem_shared>> -> memref<2048xf32, #tpu.memory_space<vmem_shared>>
        %dma_start3A_184 = arith.constant 0 : i32
        %dma_start3A_185 = tpu.memref_slice %arg6[%dma_start3A_184] : memref<2048xf32, #tpu.memory_space<hbm>> -> memref<2048xf32, #tpu.memory_space<hbm>>
        tpu.enqueue_dma source(%dma_start3A_185 : memref<2048xf32, #tpu.memory_space<hbm>>) target(%dma_start3A_183 : memref<2048xf32, #tpu.memory_space<vmem_shared>>) target_semaphore(%run_scoped3A : memref<!tpu.dma_semaphore, #tpu.memory_space<semaphore_mem>>)
        %dma_wait3A_186 = tpu.memref_slice %arg38[%add3A_180] : memref<100000xf32, #tpu.memory_space<vmem_shared>> -> memref<2048xf32, #tpu.memory_space<vmem_shared>>
        %dma_wait3A_187 = arith.constant 0 : i32
        %dma_wait3A_188 = tpu.memref_slice %arg6[%dma_wait3A_187] : memref<2048xf32, #tpu.memory_space<hbm>> -> memref<2048xf32, #tpu.memory_space<hbm>>
        tpu.wait_dma2 semaphore(%run_scoped3A : memref<!tpu.dma_semaphore, #tpu.memory_space<semaphore_mem>>) src(%dma_wait3A_188 : memref<2048xf32, #tpu.memory_space<hbm>>) dst(%dma_wait3A_186 : memref<2048xf32, #tpu.memory_space<vmem_shared>>)
        tpu.yield
      }) : () -> ()
      "tpu.region"() ({
        %run_scoped3A = tpu.sem_alloc : memref<!tpu.dma_semaphore, #tpu.memory_space<semaphore_mem>>
        %dma_start3A_183 = tpu.memref_slice %arg39[%add3A_180] : memref<100000xf32, #tpu.memory_space<vmem_shared>> -> memref<2048xf32, #tpu.memory_space<vmem_shared>>
        %dma_start3A_184 = arith.constant 0 : i32
        %dma_start3A_185 = tpu.memref_slice %arg6[%dma_start3A_184] : memref<2048xf32, #tpu.memory_space<hbm>> -> memref<2048xf32, #tpu.memory_space<hbm>>
        tpu.enqueue_dma source(%dma_start3A_185 : memref<2048xf32, #tpu.memory_space<hbm>>) target(%dma_start3A_183 : memref<2048xf32, #tpu.memory_space<vmem_shared>>) target_semaphore(%run_scoped3A : memref<!tpu.dma_semaphore, #tpu.memory_space<semaphore_mem>>)
        %dma_wait3A_186 = tpu.memref_slice %arg39[%add3A_180] : memref<100000xf32, #tpu.memory_space<vmem_shared>> -> memref<2048xf32, #tpu.memory_space<vmem_shared>>
        %dma_wait3A_187 = arith.constant 0 : i32
        %dma_wait3A_188 = tpu.memref_slice %arg6[%dma_wait3A_187] : memref<2048xf32, #tpu.memory_space<hbm>> -> memref<2048xf32, #tpu.memory_space<hbm>>
        tpu.wait_dma2 semaphore(%run_scoped3A : memref<!tpu.dma_semaphore, #tpu.memory_space<semaphore_mem>>) src(%dma_wait3A_188 : memref<2048xf32, #tpu.memory_space<hbm>>) dst(%dma_wait3A_186 : memref<2048xf32, #tpu.memory_space<vmem_shared>>)
        tpu.yield
      }) : () -> ()
      "tpu.region"() ({
        %run_scoped3A = tpu.sem_alloc : memref<!tpu.dma_semaphore, #tpu.memory_space<semaphore_mem>>
        %dma_start3A_183 = tpu.memref_slice %arg40[%add3A_180] : memref<100000xf32, #tpu.memory_space<vmem_shared>> -> memref<2048xf32, #tpu.memory_space<vmem_shared>>
        %dma_start3A_184 = arith.constant 0 : i32
        %dma_start3A_185 = tpu.memref_slice %arg6[%dma_start3A_184] : memref<2048xf32, #tpu.memory_space<hbm>> -> memref<2048xf32, #tpu.memory_space<hbm>>
        tpu.enqueue_dma source(%dma_start3A_185 : memref<2048xf32, #tpu.memory_space<hbm>>) target(%dma_start3A_183 : memref<2048xf32, #tpu.memory_space<vmem_shared>>) target_semaphore(%run_scoped3A : memref<!tpu.dma_semaphore, #tpu.memory_space<semaphore_mem>>)
        %dma_wait3A_186 = tpu.memref_slice %arg40[%add3A_180] : memref<100000xf32, #tpu.memory_space<vmem_shared>> -> memref<2048xf32, #tpu.memory_space<vmem_shared>>
        %dma_wait3A_187 = arith.constant 0 : i32
        %dma_wait3A_188 = tpu.memref_slice %arg6[%dma_wait3A_187] : memref<2048xf32, #tpu.memory_space<hbm>> -> memref<2048xf32, #tpu.memory_space<hbm>>
        tpu.wait_dma2 semaphore(%run_scoped3A : memref<!tpu.dma_semaphore, #tpu.memory_space<semaphore_mem>>) src(%dma_wait3A_188 : memref<2048xf32, #tpu.memory_space<hbm>>) dst(%dma_wait3A_186 : memref<2048xf32, #tpu.memory_space<vmem_shared>>)
        tpu.yield
      }) : () -> ()
      %add3A_181 = arith.constant 6144 : i32
      %add3A_182 = arith.addi %mul3A_2, %add3A_181 : i32
      "tpu.region"() ({
        %run_scoped3A = tpu.sem_alloc : memref<!tpu.dma_semaphore, #tpu.memory_space<semaphore_mem>>
        %dma_start3A_183 = tpu.memref_slice %arg35[%add3A_182] : memref<100000xf32, #tpu.memory_space<vmem_shared>> -> memref<16xf32, #tpu.memory_space<vmem_shared>>
        %dma_start3A_184 = tpu.memref_slice %arg2[%add3A_182] : memref<100000xf32, #tpu.memory_space<hbm>> -> memref<16xf32, #tpu.memory_space<hbm>>
        tpu.enqueue_dma source(%dma_start3A_184 : memref<16xf32, #tpu.memory_space<hbm>>) target(%dma_start3A_183 : memref<16xf32, #tpu.memory_space<vmem_shared>>) target_semaphore(%run_scoped3A : memref<!tpu.dma_semaphore, #tpu.memory_space<semaphore_mem>>)
        %dma_wait3A_185 = tpu.memref_slice %arg35[%add3A_182] : memref<100000xf32, #tpu.memory_space<vmem_shared>> -> memref<16xf32, #tpu.memory_space<vmem_shared>>
        %dma_wait3A_186 = tpu.memref_slice %arg2[%add3A_182] : memref<100000xf32, #tpu.memory_space<hbm>> -> memref<16xf32, #tpu.memory_space<hbm>>
        tpu.wait_dma2 semaphore(%run_scoped3A : memref<!tpu.dma_semaphore, #tpu.memory_space<semaphore_mem>>) src(%dma_wait3A_186 : memref<16xf32, #tpu.memory_space<hbm>>) dst(%dma_wait3A_185 : memref<16xf32, #tpu.memory_space<vmem_shared>>)
        tpu.yield
      }) : () -> ()
      "tpu.region"() ({
        %run_scoped3A = tpu.sem_alloc : memref<!tpu.dma_semaphore, #tpu.memory_space<semaphore_mem>>
        %dma_start3A_183 = tpu.memref_slice %arg36[%add3A_182] : memref<100000xf32, #tpu.memory_space<vmem_shared>> -> memref<16xf32, #tpu.memory_space<vmem_shared>>
        %dma_start3A_184 = tpu.memref_slice %arg3[%add3A_182] : memref<100000xf32, #tpu.memory_space<hbm>> -> memref<16xf32, #tpu.memory_space<hbm>>
        tpu.enqueue_dma source(%dma_start3A_184 : memref<16xf32, #tpu.memory_space<hbm>>) target(%dma_start3A_183 : memref<16xf32, #tpu.memory_space<vmem_shared>>) target_semaphore(%run_scoped3A : memref<!tpu.dma_semaphore, #tpu.memory_space<semaphore_mem>>)
        %dma_wait3A_185 = tpu.memref_slice %arg36[%add3A_182] : memref<100000xf32, #tpu.memory_space<vmem_shared>> -> memref<16xf32, #tpu.memory_space<vmem_shared>>
        %dma_wait3A_186 = tpu.memref_slice %arg3[%add3A_182] : memref<100000xf32, #tpu.memory_space<hbm>> -> memref<16xf32, #tpu.memory_space<hbm>>
        tpu.wait_dma2 semaphore(%run_scoped3A : memref<!tpu.dma_semaphore, #tpu.memory_space<semaphore_mem>>) src(%dma_wait3A_186 : memref<16xf32, #tpu.memory_space<hbm>>) dst(%dma_wait3A_185 : memref<16xf32, #tpu.memory_space<vmem_shared>>)
        tpu.yield
      }) : () -> ()
      "tpu.region"() ({
        %run_scoped3A = tpu.sem_alloc : memref<!tpu.dma_semaphore, #tpu.memory_space<semaphore_mem>>
        %dma_start3A_183 = tpu.memref_slice %arg37[%add3A_182] : memref<100000xf32, #tpu.memory_space<vmem_shared>> -> memref<16xf32, #tpu.memory_space<vmem_shared>>
        %dma_start3A_184 = tpu.memref_slice %arg4[%add3A_182] : memref<100000xf32, #tpu.memory_space<hbm>> -> memref<16xf32, #tpu.memory_space<hbm>>
        tpu.enqueue_dma source(%dma_start3A_184 : memref<16xf32, #tpu.memory_space<hbm>>) target(%dma_start3A_183 : memref<16xf32, #tpu.memory_space<vmem_shared>>) target_semaphore(%run_scoped3A : memref<!tpu.dma_semaphore, #tpu.memory_space<semaphore_mem>>)
        %dma_wait3A_185 = tpu.memref_slice %arg37[%add3A_182] : memref<100000xf32, #tpu.memory_space<vmem_shared>> -> memref<16xf32, #tpu.memory_space<vmem_shared>>
        %dma_wait3A_186 = tpu.memref_slice %arg4[%add3A_182] : memref<100000xf32, #tpu.memory_space<hbm>> -> memref<16xf32, #tpu.memory_space<hbm>>
        tpu.wait_dma2 semaphore(%run_scoped3A : memref<!tpu.dma_semaphore, #tpu.memory_space<semaphore_mem>>) src(%dma_wait3A_186 : memref<16xf32, #tpu.memory_space<hbm>>) dst(%dma_wait3A_185 : memref<16xf32, #tpu.memory_space<vmem_shared>>)
        tpu.yield
      }) : () -> ()
      "tpu.region"() ({
        %run_scoped3A = tpu.sem_alloc : memref<!tpu.dma_semaphore, #tpu.memory_space<semaphore_mem>>
        %dma_start3A_183 = tpu.memref_slice %arg38[%add3A_182] : memref<100000xf32, #tpu.memory_space<vmem_shared>> -> memref<16xf32, #tpu.memory_space<vmem_shared>>
        %dma_start3A_184 = arith.constant 0 : i32
        %dma_start3A_185 = tpu.memref_slice %arg6[%dma_start3A_184] : memref<2048xf32, #tpu.memory_space<hbm>> -> memref<16xf32, #tpu.memory_space<hbm>>
        tpu.enqueue_dma source(%dma_start3A_185 : memref<16xf32, #tpu.memory_space<hbm>>) target(%dma_start3A_183 : memref<16xf32, #tpu.memory_space<vmem_shared>>) target_semaphore(%run_scoped3A : memref<!tpu.dma_semaphore, #tpu.memory_space<semaphore_mem>>)
        %dma_wait3A_186 = tpu.memref_slice %arg38[%add3A_182] : memref<100000xf32, #tpu.memory_space<vmem_shared>> -> memref<16xf32, #tpu.memory_space<vmem_shared>>
        %dma_wait3A_187 = arith.constant 0 : i32
        %dma_wait3A_188 = tpu.memref_slice %arg6[%dma_wait3A_187] : memref<2048xf32, #tpu.memory_space<hbm>> -> memref<16xf32, #tpu.memory_space<hbm>>
        tpu.wait_dma2 semaphore(%run_scoped3A : memref<!tpu.dma_semaphore, #tpu.memory_space<semaphore_mem>>) src(%dma_wait3A_188 : memref<16xf32, #tpu.memory_space<hbm>>) dst(%dma_wait3A_186 : memref<16xf32, #tpu.memory_space<vmem_shared>>)
        tpu.yield
      }) : () -> ()
      "tpu.region"() ({
        %run_scoped3A = tpu.sem_alloc : memref<!tpu.dma_semaphore, #tpu.memory_space<semaphore_mem>>
        %dma_start3A_183 = tpu.memref_slice %arg39[%add3A_182] : memref<100000xf32, #tpu.memory_space<vmem_shared>> -> memref<16xf32, #tpu.memory_space<vmem_shared>>
        %dma_start3A_184 = arith.constant 0 : i32
        %dma_start3A_185 = tpu.memref_slice %arg6[%dma_start3A_184] : memref<2048xf32, #tpu.memory_space<hbm>> -> memref<16xf32, #tpu.memory_space<hbm>>
        tpu.enqueue_dma source(%dma_start3A_185 : memref<16xf32, #tpu.memory_space<hbm>>) target(%dma_start3A_183 : memref<16xf32, #tpu.memory_space<vmem_shared>>) target_semaphore(%run_scoped3A : memref<!tpu.dma_semaphore, #tpu.memory_space<semaphore_mem>>)
        %dma_wait3A_186 = tpu.memref_slice %arg39[%add3A_182] : memref<100000xf32, #tpu.memory_space<vmem_shared>> -> memref<16xf32, #tpu.memory_space<vmem_shared>>
        %dma_wait3A_187 = arith.constant 0 : i32
        %dma_wait3A_188 = tpu.memref_slice %arg6[%dma_wait3A_187] : memref<2048xf32, #tpu.memory_space<hbm>> -> memref<16xf32, #tpu.memory_space<hbm>>
        tpu.wait_dma2 semaphore(%run_scoped3A : memref<!tpu.dma_semaphore, #tpu.memory_space<semaphore_mem>>) src(%dma_wait3A_188 : memref<16xf32, #tpu.memory_space<hbm>>) dst(%dma_wait3A_186 : memref<16xf32, #tpu.memory_space<vmem_shared>>)
        tpu.yield
      }) : () -> ()
      "tpu.region"() ({
        %run_scoped3A = tpu.sem_alloc : memref<!tpu.dma_semaphore, #tpu.memory_space<semaphore_mem>>
        %dma_start3A_183 = tpu.memref_slice %arg40[%add3A_182] : memref<100000xf32, #tpu.memory_space<vmem_shared>> -> memref<16xf32, #tpu.memory_space<vmem_shared>>
        %dma_start3A_184 = arith.constant 0 : i32
        %dma_start3A_185 = tpu.memref_slice %arg6[%dma_start3A_184] : memref<2048xf32, #tpu.memory_space<hbm>> -> memref<16xf32, #tpu.memory_space<hbm>>
        tpu.enqueue_dma source(%dma_start3A_185 : memref<16xf32, #tpu.memory_space<hbm>>) target(%dma_start3A_183 : memref<16xf32, #tpu.memory_space<vmem_shared>>) target_semaphore(%run_scoped3A : memref<!tpu.dma_semaphore, #tpu.memory_space<semaphore_mem>>)
        %dma_wait3A_186 = tpu.memref_slice %arg40[%add3A_182] : memref<100000xf32, #tpu.memory_space<vmem_shared>> -> memref<16xf32, #tpu.memory_space<vmem_shared>>
        %dma_wait3A_187 = arith.constant 0 : i32
        %dma_wait3A_188 = tpu.memref_slice %arg6[%dma_wait3A_187] : memref<2048xf32, #tpu.memory_space<hbm>> -> memref<16xf32, #tpu.memory_space<hbm>>
        tpu.wait_dma2 semaphore(%run_scoped3A : memref<!tpu.dma_semaphore, #tpu.memory_space<semaphore_mem>>) src(%dma_wait3A_188 : memref<16xf32, #tpu.memory_space<hbm>>) dst(%dma_wait3A_186 : memref<16xf32, #tpu.memory_space<vmem_shared>>)
        tpu.yield
      }) : () -> ()
    } else {
    }
    "tpu.region"() ({
      %run_scoped3A = tpu.sem_alloc : memref<!tpu.dma_semaphore, #tpu.memory_space<semaphore_mem>>
      tpu.enqueue_dma source(%arg5 : memref<8x16xf32, #tpu.memory_space<hbm>>) target(%arg34 : memref<8x16xf32, #tpu.memory_space<vmem>>) target_semaphore(%run_scoped3A : memref<!tpu.dma_semaphore, #tpu.memory_space<semaphore_mem>>)
      tpu.wait_dma2 semaphore(%run_scoped3A : memref<!tpu.dma_semaphore, #tpu.memory_space<semaphore_mem>>) src(%arg5 : memref<8x16xf32, #tpu.memory_space<hbm>>) dst(%arg34 : memref<8x16xf32, #tpu.memory_space<vmem>>)
      tpu.yield
    }) : () -> ()
    %get3A = arith.constant 0 : i32
    %get3A_9 = arith.index_cast %get3A : i32 to index
    %get3A_10 = arith.constant 0 : index
    %get3A_11 = tpu.vector_load %arg34[%get3A_9, %get3A_10] {strides = array<i32>} : memref<8x16xf32, #tpu.memory_space<vmem>>, vector<16xf32>,
    %get3A_12 = arith.constant 1 : i32
    %get3A_13 = arith.index_cast %get3A_12 : i32 to index
    %get3A_14 = arith.constant 0 : index
    %get3A_15 = tpu.vector_load %arg34[%get3A_13, %get3A_14] {strides = array<i32>} : memref<8x16xf32, #tpu.memory_space<vmem>>, vector<16xf32>,
    %get3A_16 = arith.constant 2 : i32
    %get3A_17 = arith.index_cast %get3A_16 : i32 to index
    %get3A_18 = arith.constant 0 : index
    %get3A_19 = tpu.vector_load %arg34[%get3A_17, %get3A_18] {strides = array<i32>} : memref<8x16xf32, #tpu.memory_space<vmem>>, vector<16xf32>,
    %get3A_20 = arith.constant 3 : i32
    %get3A_21 = arith.index_cast %get3A_20 : i32 to index
    %get3A_22 = arith.constant 0 : index
    %get3A_23 = tpu.vector_load %arg34[%get3A_21, %get3A_22] {strides = array<i32>} : memref<8x16xf32, #tpu.memory_space<vmem>>, vector<16xf32>,
    %get3A_24 = arith.constant 4 : i32
    %get3A_25 = arith.index_cast %get3A_24 : i32 to index
    %get3A_26 = arith.constant 0 : index
    %get3A_27 = tpu.vector_load %arg34[%get3A_25, %get3A_26] {strides = array<i32>} : memref<8x16xf32, #tpu.memory_space<vmem>>, vector<16xf32>,
    %get3A_28 = arith.constant 5 : i32
    %get3A_29 = arith.index_cast %get3A_28 : i32 to index
    %get3A_30 = arith.constant 0 : index
    %get3A_31 = tpu.vector_load %arg34[%get3A_29, %get3A_30] {strides = array<i32>} : memref<8x16xf32, #tpu.memory_space<vmem>>, vector<16xf32>,
    %mul3A_32 = arith.mulf %get3A_31, %get3A_11 : vector<16xf32>
    %mul3A_33 = arith.mulf %get3A_31, %get3A_19 : vector<16xf32>
    %max3A = arith.constant 9.99999993E-9 : f32
    %max3A_34 = vector.broadcast %max3A : f32 to vector<16xf32>
    %max3A_35 = arith.maximumf %get3A_27, %max3A_34 : vector<16xf32>
    %div3A = arith.constant 1.000000e+00 : f32
    %div3A_36 = vector.broadcast %div3A : f32 to vector<16xf32>
    %div3A_37 = arith.divf %div3A_36, %max3A_35 : vector<16xf32>
    %barrier3A = arith.constant 0 : index
    tpu.barrier barrier_id(%barrier3A)
    %add3A_38 = arith.constant 0 : i32
    %add3A_39 = arith.addi %add3A, %add3A_38 : i32
    %mul3A_40 = arith.constant 3072 : i32
    %mul3A_41 = arith.muli %add3A_39, %mul3A_40 : i32
    %dma_start3A = tpu.memref_slice %arg7[%mul3A_41] : memref<6488064xi32, #tpu.memory_space<hbm>> -> memref<3072xi32, #tpu.memory_space<hbm>>
    %dma_start3A_42 = tpu.memref_slice %arg7[%mul3A_41] : memref<6488064xi32, #tpu.memory_space<hbm>> -> memref<3072xi32, #tpu.memory_space<hbm>>
    tpu.enqueue_dma source(%dma_start3A_42 : memref<3072xi32, #tpu.memory_space<hbm>>) target(%arg10 : memref<3072xi32, #tpu.memory_space<vmem>>) target_semaphore(%arg41 : memref<!tpu.dma_semaphore, #tpu.memory_space<semaphore_mem>>)
    %dma_start3A_43 = tpu.memref_slice %arg8[%mul3A_41] : memref<6488064xi32, #tpu.memory_space<hbm>> -> memref<3072xi32, #tpu.memory_space<hbm>>
    %dma_start3A_44 = tpu.memref_slice %arg8[%mul3A_41] : memref<6488064xi32, #tpu.memory_space<hbm>> -> memref<3072xi32, #tpu.memory_space<hbm>>
    tpu.enqueue_dma source(%dma_start3A_44 : memref<3072xi32, #tpu.memory_space<hbm>>) target(%arg11 : memref<3072xi32, #tpu.memory_space<vmem>>) target_semaphore(%arg41 : memref<!tpu.dma_semaphore, #tpu.memory_space<semaphore_mem>>)
    %dma_wait3A = arith.constant 0 : i32
    %dma_wait3A_45 = tpu.memref_slice %arg7[%dma_wait3A] : memref<6488064xi32, #tpu.memory_space<hbm>> -> memref<3072xi32, #tpu.memory_space<hbm>>
    %dma_wait3A_46 = arith.constant 0 : i32
    %dma_wait3A_47 = tpu.memref_slice %arg7[%dma_wait3A_46] : memref<6488064xi32, #tpu.memory_space<hbm>> -> memref<3072xi32, #tpu.memory_space<hbm>>
    tpu.wait_dma2 semaphore(%arg41 : memref<!tpu.dma_semaphore, #tpu.memory_space<semaphore_mem>>) src(%dma_wait3A_47 : memref<3072xi32, #tpu.memory_space<hbm>>) dst(%arg10 : memref<3072xi32, #tpu.memory_space<vmem>>)
    %dma_wait3A_48 = arith.constant 0 : i32
    %dma_wait3A_49 = tpu.memref_slice %arg8[%dma_wait3A_48] : memref<6488064xi32, #tpu.memory_space<hbm>> -> memref<3072xi32, #tpu.memory_space<hbm>>
    %dma_wait3A_50 = arith.constant 0 : i32
    %dma_wait3A_51 = tpu.memref_slice %arg8[%dma_wait3A_50] : memref<6488064xi32, #tpu.memory_space<hbm>> -> memref<3072xi32, #tpu.memory_space<hbm>>
    tpu.wait_dma2 semaphore(%arg41 : memref<!tpu.dma_semaphore, #tpu.memory_space<semaphore_mem>>) src(%dma_wait3A_51 : memref<3072xi32, #tpu.memory_space<hbm>>) dst(%arg11 : memref<3072xi32, #tpu.memory_space<vmem>>)
    %dma_start3A_52 = arith.constant 0 : i32
    %dma_start3A_53 = tpu.memref_slice %arg35[%dma_start3A_52] : memref<100000xf32, #tpu.memory_space<vmem_shared>> -> memref<100000xf32, #tpu.memory_space<vmem_shared>>
    tpu.enqueue_indirect_dma source(%dma_start3A_53 : memref<100000xf32, #tpu.memory_space<vmem_shared>>) target(%arg14 : memref<3072xf32, #tpu.memory_space<vmem>>) offsets(%arg10 : memref<3072xi32, #tpu.memory_space<vmem>>) semaphore(%arg43 : memref<!tpu.dma_semaphore, #tpu.memory_space<semaphore_mem>>)
    %dma_start3A_54 = arith.constant 0 : i32
    %dma_start3A_55 = tpu.memref_slice %arg36[%dma_start3A_54] : memref<100000xf32, #tpu.memory_space<vmem_shared>> -> memref<100000xf32, #tpu.memory_space<vmem_shared>>
    tpu.enqueue_indirect_dma source(%dma_start3A_55 : memref<100000xf32, #tpu.memory_space<vmem_shared>>) target(%arg15 : memref<3072xf32, #tpu.memory_space<vmem>>) offsets(%arg10 : memref<3072xi32, #tpu.memory_space<vmem>>) semaphore(%arg43 : memref<!tpu.dma_semaphore, #tpu.memory_space<semaphore_mem>>)
    %dma_start3A_56 = arith.constant 0 : i32
    %dma_start3A_57 = tpu.memref_slice %arg37[%dma_start3A_56] : memref<100000xf32, #tpu.memory_space<vmem_shared>> -> memref<100000xf32, #tpu.memory_space<vmem_shared>>
    tpu.enqueue_indirect_dma source(%dma_start3A_57 : memref<100000xf32, #tpu.memory_space<vmem_shared>>) target(%arg16 : memref<3072xf32, #tpu.memory_space<vmem>>) offsets(%arg10 : memref<3072xi32, #tpu.memory_space<vmem>>) semaphore(%arg43 : memref<!tpu.dma_semaphore, #tpu.memory_space<semaphore_mem>>)
    %dma_start3A_58 = arith.constant 0 : i32
    %dma_start3A_59 = tpu.memref_slice %arg35[%dma_start3A_58] : memref<100000xf32, #tpu.memory_space<vmem_shared>> -> memref<100000xf32, #tpu.memory_space<vmem_shared>>
    tpu.enqueue_indirect_dma source(%dma_start3A_59 : memref<100000xf32, #tpu.memory_space<vmem_shared>>) target(%arg17 : memref<3072xf32, #tpu.memory_space<vmem>>) offsets(%arg11 : memref<3072xi32, #tpu.memory_space<vmem>>) semaphore(%arg43 : memref<!tpu.dma_semaphore, #tpu.memory_space<semaphore_mem>>)
    %dma_start3A_60 = arith.constant 0 : i32
    %dma_start3A_61 = tpu.memref_slice %arg36[%dma_start3A_60] : memref<100000xf32, #tpu.memory_space<vmem_shared>> -> memref<100000xf32, #tpu.memory_space<vmem_shared>>
    tpu.enqueue_indirect_dma source(%dma_start3A_61 : memref<100000xf32, #tpu.memory_space<vmem_shared>>) target(%arg18 : memref<3072xf32, #tpu.memory_space<vmem>>) offsets(%arg11 : memref<3072xi32, #tpu.memory_space<vmem>>) semaphore(%arg43 : memref<!tpu.dma_semaphore, #tpu.memory_space<semaphore_mem>>)
    %dma_start3A_62 = arith.constant 0 : i32
    %dma_start3A_63 = tpu.memref_slice %arg37[%dma_start3A_62] : memref<100000xf32, #tpu.memory_space<vmem_shared>> -> memref<100000xf32, #tpu.memory_space<vmem_shared>>
    tpu.enqueue_indirect_dma source(%dma_start3A_63 : memref<100000xf32, #tpu.memory_space<vmem_shared>>) target(%arg19 : memref<3072xf32, #tpu.memory_space<vmem>>) offsets(%arg11 : memref<3072xi32, #tpu.memory_space<vmem>>) semaphore(%arg43 : memref<!tpu.dma_semaphore, #tpu.memory_space<semaphore_mem>>)
    %scan3A = arith.constant 0 : i32
    %scan3A_64 = arith.constant 0 : i32
    %scan3A_65 = arith.constant 32 : i32
    %scan3A_66 = arith.addi %scan3A_64, %scan3A_65 : i32
    %scan3A_67 = arith.constant 1 : i32
    %scan3A_68 = scf.for %scan3A_175 = %scan3A_64 to %scan3A_66 step %scan3A_67 iter_args(%scan3A_176 = %scan3A) -> (i32)  : i32 {
      %mul3A_177 = arith.constant 2 : i32
      %mul3A_178 = arith.muli %mul3A_177, %scan3A_175 : i32
      %add3A_179 = arith.constant 1 : i32
      %add3A_180 = arith.addi %mul3A_178, %add3A_179 : i32
      %mul3A_181 = arith.constant 32 : i32
      %mul3A_182 = arith.muli %mul3A_181, %add3A_180 : i32
      %add3A_183 = arith.addi %add3A, %mul3A_182 : i32
      %mul3A_184 = arith.constant 3072 : i32
      %mul3A_185 = arith.muli %add3A_183, %mul3A_184 : i32
      %dma_start3A_186 = tpu.memref_slice %arg7[%mul3A_185] : memref<6488064xi32, #tpu.memory_space<hbm>> -> memref<3072xi32, #tpu.memory_space<hbm>>
      %dma_start3A_187 = tpu.memref_slice %arg7[%mul3A_185] : memref<6488064xi32, #tpu.memory_space<hbm>> -> memref<3072xi32, #tpu.memory_space<hbm>>
      tpu.enqueue_dma source(%dma_start3A_187 : memref<3072xi32, #tpu.memory_space<hbm>>) target(%arg12 : memref<3072xi32, #tpu.memory_space<vmem>>) target_semaphore(%arg42 : memref<!tpu.dma_semaphore, #tpu.memory_space<semaphore_mem>>)
      %dma_start3A_188 = tpu.memref_slice %arg8[%mul3A_185] : memref<6488064xi32, #tpu.memory_space<hbm>> -> memref<3072xi32, #tpu.memory_space<hbm>>
      %dma_start3A_189 = tpu.memref_slice %arg8[%mul3A_185] : memref<6488064xi32, #tpu.memory_space<hbm>> -> memref<3072xi32, #tpu.memory_space<hbm>>
      tpu.enqueue_dma source(%dma_start3A_189 : memref<3072xi32, #tpu.memory_space<hbm>>) target(%arg13 : memref<3072xi32, #tpu.memory_space<vmem>>) target_semaphore(%arg42 : memref<!tpu.dma_semaphore, #tpu.memory_space<semaphore_mem>>)
      %dma_wait3A_190 = arith.constant 0 : i32
      %dma_wait3A_191 = tpu.memref_slice %arg35[%dma_wait3A_190] : memref<100000xf32, #tpu.memory_space<vmem_shared>> -> memref<100000xf32, #tpu.memory_space<vmem_shared>>
      tpu.wait_indirect_dma semaphore(%arg43 : memref<!tpu.dma_semaphore, #tpu.memory_space<semaphore_mem>>) src(%dma_wait3A_191 : memref<100000xf32, #tpu.memory_space<vmem_shared>>) dst(%arg14 : memref<3072xf32, #tpu.memory_space<vmem>>)
      %dma_wait3A_192 = arith.constant 0 : i32
      %dma_wait3A_193 = tpu.memref_slice %arg36[%dma_wait3A_192] : memref<100000xf32, #tpu.memory_space<vmem_shared>> -> memref<100000xf32, #tpu.memory_space<vmem_shared>>
      tpu.wait_indirect_dma semaphore(%arg43 : memref<!tpu.dma_semaphore, #tpu.memory_space<semaphore_mem>>) src(%dma_wait3A_193 : memref<100000xf32, #tpu.memory_space<vmem_shared>>) dst(%arg15 : memref<3072xf32, #tpu.memory_space<vmem>>)
      %dma_wait3A_194 = arith.constant 0 : i32
      %dma_wait3A_195 = tpu.memref_slice %arg37[%dma_wait3A_194] : memref<100000xf32, #tpu.memory_space<vmem_shared>> -> memref<100000xf32, #tpu.memory_space<vmem_shared>>
      tpu.wait_indirect_dma semaphore(%arg43 : memref<!tpu.dma_semaphore, #tpu.memory_space<semaphore_mem>>) src(%dma_wait3A_195 : memref<100000xf32, #tpu.memory_space<vmem_shared>>) dst(%arg16 : memref<3072xf32, #tpu.memory_space<vmem>>)
      %dma_wait3A_196 = arith.constant 0 : i32
      %dma_wait3A_197 = tpu.memref_slice %arg35[%dma_wait3A_196] : memref<100000xf32, #tpu.memory_space<vmem_shared>> -> memref<100000xf32, #tpu.memory_space<vmem_shared>>
      tpu.wait_indirect_dma semaphore(%arg43 : memref<!tpu.dma_semaphore, #tpu.memory_space<semaphore_mem>>) src(%dma_wait3A_197 : memref<100000xf32, #tpu.memory_space<vmem_shared>>) dst(%arg17 : memref<3072xf32, #tpu.memory_space<vmem>>)
      %dma_wait3A_198 = arith.constant 0 : i32
      %dma_wait3A_199 = tpu.memref_slice %arg36[%dma_wait3A_198] : memref<100000xf32, #tpu.memory_space<vmem_shared>> -> memref<100000xf32, #tpu.memory_space<vmem_shared>>
      tpu.wait_indirect_dma semaphore(%arg43 : memref<!tpu.dma_semaphore, #tpu.memory_space<semaphore_mem>>) src(%dma_wait3A_199 : memref<100000xf32, #tpu.memory_space<vmem_shared>>) dst(%arg18 : memref<3072xf32, #tpu.memory_space<vmem>>)
      %dma_wait3A_200 = arith.constant 0 : i32
      %dma_wait3A_201 = tpu.memref_slice %arg37[%dma_wait3A_200] : memref<100000xf32, #tpu.memory_space<vmem_shared>> -> memref<100000xf32, #tpu.memory_space<vmem_shared>>
      tpu.wait_indirect_dma semaphore(%arg43 : memref<!tpu.dma_semaphore, #tpu.memory_space<semaphore_mem>>) src(%dma_wait3A_201 : memref<100000xf32, #tpu.memory_space<vmem_shared>>) dst(%arg19 : memref<3072xf32, #tpu.memory_space<vmem>>)
      %dma_wait3A_202 = arith.constant 0 : i32
      %dma_wait3A_203 = tpu.memref_slice %arg7[%dma_wait3A_202] : memref<6488064xi32, #tpu.memory_space<hbm>> -> memref<3072xi32, #tpu.memory_space<hbm>>
      %dma_wait3A_204 = arith.constant 0 : i32
      %dma_wait3A_205 = tpu.memref_slice %arg7[%dma_wait3A_204] : memref<6488064xi32, #tpu.memory_space<hbm>> -> memref<3072xi32, #tpu.memory_space<hbm>>
      tpu.wait_dma2 semaphore(%arg42 : memref<!tpu.dma_semaphore, #tpu.memory_space<semaphore_mem>>) src(%dma_wait3A_205 : memref<3072xi32, #tpu.memory_space<hbm>>) dst(%arg12 : memref<3072xi32, #tpu.memory_space<vmem>>)
      %dma_wait3A_206 = arith.constant 0 : i32
      %dma_wait3A_207 = tpu.memref_slice %arg8[%dma_wait3A_206] : memref<6488064xi32, #tpu.memory_space<hbm>> -> memref<3072xi32, #tpu.memory_space<hbm>>
      %dma_wait3A_208 = arith.constant 0 : i32
      %dma_wait3A_209 = tpu.memref_slice %arg8[%dma_wait3A_208] : memref<6488064xi32, #tpu.memory_space<hbm>> -> memref<3072xi32, #tpu.memory_space<hbm>>
      tpu.wait_dma2 semaphore(%arg42 : memref<!tpu.dma_semaphore, #tpu.memory_space<semaphore_mem>>) src(%dma_wait3A_209 : memref<3072xi32, #tpu.memory_space<hbm>>) dst(%arg13 : memref<3072xi32, #tpu.memory_space<vmem>>)
      %dma_start3A_210 = arith.constant 0 : i32
      %dma_start3A_211 = tpu.memref_slice %arg35[%dma_start3A_210] : memref<100000xf32, #tpu.memory_space<vmem_shared>> -> memref<100000xf32, #tpu.memory_space<vmem_shared>>
      tpu.enqueue_indirect_dma source(%dma_start3A_211 : memref<100000xf32, #tpu.memory_space<vmem_shared>>) target(%arg20 : memref<3072xf32, #tpu.memory_space<vmem>>) offsets(%arg12 : memref<3072xi32, #tpu.memory_space<vmem>>) semaphore(%arg44 : memref<!tpu.dma_semaphore, #tpu.memory_space<semaphore_mem>>)
      %dma_start3A_212 = arith.constant 0 : i32
      %dma_start3A_213 = tpu.memref_slice %arg36[%dma_start3A_212] : memref<100000xf32, #tpu.memory_space<vmem_shared>> -> memref<100000xf32, #tpu.memory_space<vmem_shared>>
      tpu.enqueue_indirect_dma source(%dma_start3A_213 : memref<100000xf32, #tpu.memory_space<vmem_shared>>) target(%arg21 : memref<3072xf32, #tpu.memory_space<vmem>>) offsets(%arg12 : memref<3072xi32, #tpu.memory_space<vmem>>) semaphore(%arg44 : memref<!tpu.dma_semaphore, #tpu.memory_space<semaphore_mem>>)
      %dma_start3A_214 = arith.constant 0 : i32
      %dma_start3A_215 = tpu.memref_slice %arg37[%dma_start3A_214] : memref<100000xf32, #tpu.memory_space<vmem_shared>> -> memref<100000xf32, #tpu.memory_space<vmem_shared>>
      tpu.enqueue_indirect_dma source(%dma_start3A_215 : memref<100000xf32, #tpu.memory_space<vmem_shared>>) target(%arg22 : memref<3072xf32, #tpu.memory_space<vmem>>) offsets(%arg12 : memref<3072xi32, #tpu.memory_space<vmem>>) semaphore(%arg44 : memref<!tpu.dma_semaphore, #tpu.memory_space<semaphore_mem>>)
      %dma_start3A_216 = arith.constant 0 : i32
      %dma_start3A_217 = tpu.memref_slice %arg35[%dma_start3A_216] : memref<100000xf32, #tpu.memory_space<vmem_shared>> -> memref<100000xf32, #tpu.memory_space<vmem_shared>>
      tpu.enqueue_indirect_dma source(%dma_start3A_217 : memref<100000xf32, #tpu.memory_space<vmem_shared>>) target(%arg23 : memref<3072xf32, #tpu.memory_space<vmem>>) offsets(%arg13 : memref<3072xi32, #tpu.memory_space<vmem>>) semaphore(%arg44 : memref<!tpu.dma_semaphore, #tpu.memory_space<semaphore_mem>>)
      %dma_start3A_218 = arith.constant 0 : i32
      %dma_start3A_219 = tpu.memref_slice %arg36[%dma_start3A_218] : memref<100000xf32, #tpu.memory_space<vmem_shared>> -> memref<100000xf32, #tpu.memory_space<vmem_shared>>
      tpu.enqueue_indirect_dma source(%dma_start3A_219 : memref<100000xf32, #tpu.memory_space<vmem_shared>>) target(%arg24 : memref<3072xf32, #tpu.memory_space<vmem>>) offsets(%arg13 : memref<3072xi32, #tpu.memory_space<vmem>>) semaphore(%arg44 : memref<!tpu.dma_semaphore, #tpu.memory_space<semaphore_mem>>)
      %dma_start3A_220 = arith.constant 0 : i32
      %dma_start3A_221 = tpu.memref_slice %arg37[%dma_start3A_220] : memref<100000xf32, #tpu.memory_space<vmem_shared>> -> memref<100000xf32, #tpu.memory_space<vmem_shared>>
      tpu.enqueue_indirect_dma source(%dma_start3A_221 : memref<100000xf32, #tpu.memory_space<vmem_shared>>) target(%arg25 : memref<3072xf32, #tpu.memory_space<vmem>>) offsets(%arg13 : memref<3072xi32, #tpu.memory_space<vmem>>) semaphore(%arg44 : memref<!tpu.dma_semaphore, #tpu.memory_space<semaphore_mem>>)
      %scan3A_222 = arith.constant 0 : i32
      %scan3A_223 = arith.constant 0 : i32
      %scan3A_224 = arith.constant 192 : i32
      %scan3A_225 = arith.addi %scan3A_223, %scan3A_224 : i32
      %scan3A_226 = arith.constant 1 : i32
      %scan3A_227 = scf.for %scan3A_308 = %scan3A_223 to %scan3A_225 step %scan3A_226 iter_args(%scan3A_309 = %scan3A_222) -> (i32)  : i32 {
        %mul3A_310 = arith.constant 16 : i32
        %mul3A_311 = arith.muli %scan3A_308, %mul3A_310 : i32
        %jit3A = arith.constant 8 : i32
        %div3A_312 = arith.divsi %scan3A_308, %jit3A : i32
        %sign3A = arith.constant 0 : i32
        %sign3A_313 = arith.cmpi sgt, %scan3A_308, %sign3A : i32
        %sign3A_314 = arith.extui %sign3A_313 : i1 to i32
        %sign3A_315 = arith.constant 0 : i32
        %sign3A_316 = arith.cmpi slt, %scan3A_308, %sign3A_315 : i32
        %sign3A_317 = arith.extui %sign3A_316 : i1 to i32
        %sign3A_318 = arith.subi %sign3A_314, %sign3A_317 : i32
        %sign3A_319 = arith.constant 0 : i32
        %sign3A_320 = arith.cmpi sgt, %jit3A, %sign3A_319 : i32
        %sign3A_321 = arith.extui %sign3A_320 : i1 to i32
        %sign3A_322 = arith.constant 0 : i32
        %sign3A_323 = arith.cmpi slt, %jit3A, %sign3A_322 : i32
        %sign3A_324 = arith.extui %sign3A_323 : i1 to i32
        %sign3A_325 = arith.subi %sign3A_321, %sign3A_324 : i32
        %ne3A = arith.cmpi ne, %sign3A_318, %sign3A_325 : i32
        %rem3A = arith.remsi %scan3A_308, %jit3A : i32
        %ne3A_326 = arith.constant 0 : i32
        %ne3A_327 = arith.cmpi ne, %rem3A, %ne3A_326 : i32
        %and3A = arith.andi %ne3A, %ne3A_327 : i1
        %sub3A = arith.constant 1 : i32
        %sub3A_328 = arith.subi %div3A_312, %sub3A : i32
        %select_n3A = arith.select %and3A, %sub3A_328, %div3A_312 : i32
        %jit3A_329 = arith.constant 8 : i32
        %eq3A_330 = arith.constant 0 : i32
        %eq3A_331 = arith.cmpi eq, %jit3A_329, %eq3A_330 : i32
        %jit3A_332 = arith.constant 1 : i32
        %select_n3A_333 = arith.select %eq3A_331, %jit3A_332, %jit3A_329 : i32
        %rem3A_334 = arith.remsi %scan3A_308, %select_n3A_333 : i32
        %ne3A_335 = arith.constant 0 : i32
        %ne3A_336 = arith.cmpi ne, %rem3A_334, %ne3A_335 : i32
        %lt3A_337 = arith.constant 0 : i32
        %lt3A_338 = arith.cmpi slt, %rem3A_334, %lt3A_337 : i32
        %lt3A_339 = arith.constant 0 : i32
        %lt3A_340 = arith.cmpi slt, %select_n3A_333, %lt3A_339 : i32
        %ne3A_341 = arith.xori %lt3A_338, %lt3A_340 : i1
        %and3A_342 = arith.andi %ne3A_341, %ne3A_336 : i1
        %add3A_343 = arith.addi %rem3A_334, %select_n3A_333 : i32
        %select_n3A_344 = arith.select %and3A_342, %add3A_343, %rem3A_334 : i32
        %mul3A_345 = arith.constant 16 : i32
        %mul3A_346 = arith.muli %select_n3A_344, %mul3A_345 : i32
        %get3A_347 = arith.index_cast %mul3A_311 : i32 to index
        %get3A_348 = tpu.vector_load %arg14[%get3A_347] {strides = array<i32>} : memref<3072xf32, #tpu.memory_space<vmem>>, vector<16xf32>,
        %get3A_349 = arith.index_cast %mul3A_311 : i32 to index
        %get3A_350 = tpu.vector_load %arg15[%get3A_349] {strides = array<i32>} : memref<3072xf32, #tpu.memory_space<vmem>>, vector<16xf32>,
        %get3A_351 = arith.index_cast %mul3A_311 : i32 to index
        %get3A_352 = tpu.vector_load %arg16[%get3A_351] {strides = array<i32>} : memref<3072xf32, #tpu.memory_space<vmem>>, vector<16xf32>,
        %bitcast3A = vector.bitcast %get3A_352 : vector<16xf32> to vector<16xi32>
        %and3A_353 = arith.constant 7 : i32
        %and3A_354 = vector.broadcast %and3A_353 : i32 to vector<16xi32>
        %and3A_355 = arith.andi %bitcast3A, %and3A_354 : vector<16xi32>
        %and3A_356 = arith.constant -8 : i32
        %and3A_357 = vector.broadcast %and3A_356 : i32 to vector<16xi32>
        %and3A_358 = arith.andi %bitcast3A, %and3A_357 : vector<16xi32>
        %bitcast3A_359 = vector.bitcast %and3A_358 : vector<16xi32> to vector<16xf32>
        %get3A_360 = arith.index_cast %mul3A_311 : i32 to index
        %get3A_361 = tpu.vector_load %arg17[%get3A_360] {strides = array<i32>} : memref<3072xf32, #tpu.memory_space<vmem>>, vector<16xf32>,
        %get3A_362 = arith.index_cast %mul3A_311 : i32 to index
        %get3A_363 = tpu.vector_load %arg18[%get3A_362] {strides = array<i32>} : memref<3072xf32, #tpu.memory_space<vmem>>, vector<16xf32>,
        %get3A_364 = arith.index_cast %mul3A_311 : i32 to index
        %get3A_365 = tpu.vector_load %arg19[%get3A_364] {strides = array<i32>} : memref<3072xf32, #tpu.memory_space<vmem>>, vector<16xf32>,
        %bitcast3A_366 = vector.bitcast %get3A_365 : vector<16xf32> to vector<16xi32>
        %and3A_367 = arith.constant -8 : i32
        %and3A_368 = vector.broadcast %and3A_367 : i32 to vector<16xi32>
        %and3A_369 = arith.andi %bitcast3A_366, %and3A_368 : vector<16xi32>
        %bitcast3A_370 = vector.bitcast %and3A_369 : vector<16xi32> to vector<16xf32>
        %get3A_371 = arith.index_cast %mul3A_311 : i32 to index
        %get3A_372 = tpu.vector_load %arg10[%get3A_371] {strides = array<i32>} : memref<3072xi32, #tpu.memory_space<vmem>>, vector<16xi32>,
        %get3A_373 = arith.index_cast %mul3A_311 : i32 to index
        %get3A_374 = tpu.vector_load %arg11[%get3A_373] {strides = array<i32>} : memref<3072xi32, #tpu.memory_space<vmem>>, vector<16xi32>,
        %swap3A = arith.index_cast %select_n3A : i32 to index
        %swap3A_375 = arith.index_cast %mul3A_346 : i32 to index
        %swap3A_376 = tpu.vector_load %arg26[%swap3A, %swap3A_375] {strides = array<i32>} : memref<24x128xi32, #tpu.memory_space<vmem>>, vector<16xi32>,
        tpu.vector_store %arg26[%swap3A, %swap3A_375], %get3A_372 {strides = array<i32>} : memref<24x128xi32, #tpu.memory_space<vmem>>, vector<16xi32>,
        %sub3A_377 = arith.subf %get3A_361, %get3A_348 : vector<16xf32>
        %sub3A_378 = arith.subf %get3A_363, %get3A_350 : vector<16xf32>
        %sub3A_379 = arith.subf %bitcast3A_370, %bitcast3A_359 : vector<16xf32>
        %mul3A_380 = arith.mulf %sub3A_377, %sub3A_377 : vector<16xf32>
        %mul3A_381 = arith.mulf %sub3A_378, %sub3A_378 : vector<16xf32>
        %add3A_382 = arith.addf %mul3A_380, %mul3A_381 : vector<16xf32>
        %mul3A_383 = arith.mulf %sub3A_379, %sub3A_379 : vector<16xf32>
        %add3A_384 = arith.addf %add3A_382, %mul3A_383 : vector<16xf32>
        %max3A_385 = arith.constant 1.000000e-30 : f32
        %max3A_386 = vector.broadcast %max3A_385 : f32 to vector<16xf32>
        %max3A_387 = arith.maximumf %add3A_384, %max3A_386 : vector<16xf32>
        %bitcast3A_388 = vector.bitcast %max3A_387 : vector<16xf32> to vector<16xi32>
        %shift_right_arithmetic3A = arith.constant 1 : i32
        %shift_right_arithmetic3A_389 = vector.broadcast %shift_right_arithmetic3A : i32 to vector<16xi32>
        %shift_right_arithmetic3A_390 = arith.shrsi %bitcast3A_388, %shift_right_arithmetic3A_389 : vector<16xi32>
        %sub3A_391 = arith.constant 1597463007 : i32
        %sub3A_392 = vector.broadcast %sub3A_391 : i32 to vector<16xi32>
        %sub3A_393 = arith.subi %sub3A_392, %shift_right_arithmetic3A_390 : vector<16xi32>
        %bitcast3A_394 = vector.bitcast %sub3A_393 : vector<16xi32> to vector<16xf32>
        %mul3A_395 = arith.constant 5.000000e-01 : f32
        %mul3A_396 = vector.broadcast %mul3A_395 : f32 to vector<16xf32>
        %mul3A_397 = arith.mulf %mul3A_396, %max3A_387 : vector<16xf32>
        %mul3A_398 = arith.mulf %mul3A_397, %bitcast3A_394 : vector<16xf32>
        %mul3A_399 = arith.mulf %mul3A_398, %bitcast3A_394 : vector<16xf32>
        %sub3A_400 = arith.constant 1.500000e+00 : f32
        %sub3A_401 = vector.broadcast %sub3A_400 : f32 to vector<16xf32>
        %sub3A_402 = arith.subf %sub3A_401, %mul3A_399 : vector<16xf32>
        %mul3A_403 = arith.mulf %bitcast3A_394, %sub3A_402 : vector<16xf32>
        %mul3A_404 = arith.mulf %mul3A_397, %mul3A_403 : vector<16xf32>
        %mul3A_405 = arith.mulf %mul3A_404, %mul3A_403 : vector<16xf32>
        %sub3A_406 = arith.constant 1.500000e+00 : f32
        %sub3A_407 = vector.broadcast %sub3A_406 : f32 to vector<16xf32>
        %sub3A_408 = arith.subf %sub3A_407, %mul3A_405 : vector<16xf32>
        %mul3A_409 = arith.mulf %mul3A_403, %sub3A_408 : vector<16xf32>
        %mul3A_410 = arith.mulf %mul3A_397, %mul3A_409 : vector<16xf32>
        %mul3A_411 = arith.mulf %mul3A_410, %mul3A_409 : vector<16xf32>
        %sub3A_412 = arith.constant 1.500000e+00 : f32
        %sub3A_413 = vector.broadcast %sub3A_412 : f32 to vector<16xf32>
        %sub3A_414 = arith.subf %sub3A_413, %mul3A_411 : vector<16xf32>
        %mul3A_415 = arith.mulf %mul3A_409, %sub3A_414 : vector<16xf32>
        %mul3A_416 = arith.mulf %max3A_387, %mul3A_415 : vector<16xf32>
        %min3A = arith.constant 1.000000e+08 : f32
        %min3A_417 = vector.broadcast %min3A : f32 to vector<16xf32>
        %min3A_418 = arith.minimumf %mul3A_415, %min3A_417 : vector<16xf32>
        %broadcast_in_dim3A = vector.shape_cast %and3A_355 : vector<16xi32> to vector<16x1xi32>
        %gather3A = vector.shape_cast %broadcast_in_dim3A : vector<16x1xi32> to vector<16xi32>
        %gather3A_419 = tpu.dynamic_gather %mul3A_32[%gather3A] in [0] : vector<16xf32>, vector<16xi32> -> vector<16xf32>
        %broadcast_in_dim3A_420 = vector.shape_cast %and3A_355 : vector<16xi32> to vector<16x1xi32>
        %gather3A_421 = vector.shape_cast %broadcast_in_dim3A_420 : vector<16x1xi32> to vector<16xi32>
        %gather3A_422 = tpu.dynamic_gather %mul3A_33[%gather3A_421] in [0] : vector<16xf32>, vector<16xi32> -> vector<16xf32>
        %broadcast_in_dim3A_423 = vector.shape_cast %and3A_355 : vector<16xi32> to vector<16x1xi32>
        %gather3A_424 = vector.shape_cast %broadcast_in_dim3A_423 : vector<16x1xi32> to vector<16xi32>
        %gather3A_425 = tpu.dynamic_gather %get3A_15[%gather3A_424] in [0] : vector<16xf32>, vector<16xi32> -> vector<16xf32>
        %broadcast_in_dim3A_426 = vector.shape_cast %and3A_355 : vector<16xi32> to vector<16x1xi32>
        %gather3A_427 = vector.shape_cast %broadcast_in_dim3A_426 : vector<16x1xi32> to vector<16xi32>
        %gather3A_428 = tpu.dynamic_gather %get3A_23[%gather3A_427] in [0] : vector<16xf32>, vector<16xi32> -> vector<16xf32>
        %broadcast_in_dim3A_429 = vector.shape_cast %and3A_355 : vector<16xi32> to vector<16x1xi32>
        %gather3A_430 = vector.shape_cast %broadcast_in_dim3A_429 : vector<16x1xi32> to vector<16xi32>
        %gather3A_431 = tpu.dynamic_gather %div3A_37[%gather3A_430] in [0] : vector<16xf32>, vector<16xi32> -> vector<16xf32>
        %sub3A_432 = arith.subf %mul3A_416, %gather3A_425 : vector<16xf32>
        %neg3A = arith.constant 0.000000e+00 : f32
        %neg3A_433 = vector.broadcast %neg3A : f32 to vector<16xf32>
        %neg3A_434 = arith.subf %neg3A_433, %sub3A_432 : vector<16xf32>
        %max3A_435 = arith.constant 0.000000e+00 : f32
        %max3A_436 = vector.broadcast %max3A_435 : f32 to vector<16xf32>
        %max3A_437 = arith.maximumf %neg3A_434, %max3A_436 : vector<16xf32>
        %mul3A_438 = arith.mulf %gather3A_419, %max3A_437 : vector<16xf32>
        %mul3A_439 = arith.mulf %sub3A_432, %gather3A_431 : vector<16xf32>
        %neg3A_440 = arith.constant 0.000000e+00 : f32
        %neg3A_441 = vector.broadcast %neg3A_440 : f32 to vector<16xf32>
        %neg3A_442 = arith.subf %neg3A_441, %mul3A_439 : vector<16xf32>
        %exp3A = math.exp %neg3A_442 : vector<16xf32>
        %sub3A_443 = arith.subf %mul3A_416, %gather3A_428 : vector<16xf32>
        %mul3A_444 = arith.mulf %sub3A_443, %gather3A_431 : vector<16xf32>
        %exp3A_445 = math.exp %mul3A_444 : vector<16xf32>
        %add3A_446 = arith.constant 1.000000e+00 : f32
        %add3A_447 = vector.broadcast %add3A_446 : f32 to vector<16xf32>
        %add3A_448 = arith.addf %add3A_447, %exp3A : vector<16xf32>
        %add3A_449 = arith.constant 1.000000e+00 : f32
        %add3A_450 = vector.broadcast %add3A_449 : f32 to vector<16xf32>
        %add3A_451 = arith.addf %add3A_450, %exp3A_445 : vector<16xf32>
        %mul3A_452 = arith.mulf %add3A_448, %add3A_451 : vector<16xf32>
        %mul3A_453 = arith.mulf %gather3A_422, %sub3A_432 : vector<16xf32>
        %div3A_454 = arith.divf %mul3A_453, %mul3A_452 : vector<16xf32>
        %sub3A_455 = arith.subf %div3A_454, %mul3A_438 : vector<16xf32>
        %mul3A_456 = arith.mulf %sub3A_455, %min3A_418 : vector<16xf32>
        %eq3A_457 = arith.cmpi eq, %get3A_374, %get3A_372 : vector<16xi32>
        %jit3A_458 = arith.constant 0.000000e+00 : f32
        %broadcast_in_dim3A_459 = vector.broadcast %jit3A_458 : f32 to vector<16xf32>
        %select_n3A_460 = arith.select %eq3A_457, %broadcast_in_dim3A_459, %mul3A_456 : vector<16xi1>, vector<16xf32>
        %mul3A_461 = arith.mulf %select_n3A_460, %sub3A_377 : vector<16xf32>
        %swap3A_462 = arith.index_cast %mul3A_311 : i32 to index
        %swap3A_463 = tpu.vector_load %arg28[%swap3A_462] {strides = array<i32>} : memref<3072xf32, #tpu.memory_space<vmem>>, vector<16xf32>,
        tpu.vector_store %arg28[%swap3A_462], %mul3A_461 {strides = array<i32>} : memref<3072xf32, #tpu.memory_space<vmem>>, vector<16xf32>,
        %mul3A_464 = arith.mulf %select_n3A_460, %sub3A_378 : vector<16xf32>
        %swap3A_465 = arith.index_cast %mul3A_311 : i32 to index
        %swap3A_466 = tpu.vector_load %arg29[%swap3A_465] {strides = array<i32>} : memref<3072xf32, #tpu.memory_space<vmem>>, vector<16xf32>,
        tpu.vector_store %arg29[%swap3A_465], %mul3A_464 {strides = array<i32>} : memref<3072xf32, #tpu.memory_space<vmem>>, vector<16xf32>,
        %mul3A_467 = arith.mulf %select_n3A_460, %sub3A_379 : vector<16xf32>
        %swap3A_468 = arith.index_cast %mul3A_311 : i32 to index
        %swap3A_469 = tpu.vector_load %arg30[%swap3A_468] {strides = array<i32>} : memref<3072xf32, #tpu.memory_space<vmem>>, vector<16xf32>,
        tpu.vector_store %arg30[%swap3A_468], %mul3A_467 {strides = array<i32>} : memref<3072xf32, #tpu.memory_space<vmem>>, vector<16xf32>,
        %scan3A_470 = arith.constant 0 : i32
        scf.yield %scan3A_470 : i32
      }
      %scan3A_228 = arith.constant 192 : i32
      %scan3A_229 = arith.constant 0 : i32
      %scan3A_230 = arith.constant 0 : i32
      %scan3A_231 = arith.constant 24 : i32
      %scan3A_232 = arith.addi %scan3A_230, %scan3A_231 : i32
      %scan3A_233 = arith.constant 1 : i32
      %scan3A_234 = scf.for %scan3A_308 = %scan3A_230 to %scan3A_232 step %scan3A_233 iter_args(%scan3A_309 = %scan3A_229) -> (i32)  : i32 {
        %mul3A_310 = arith.constant 128 : i32
        %mul3A_311 = arith.muli %scan3A_308, %mul3A_310 : i32
        %dma_start3A_312 = tpu.memref_slice %arg28[%mul3A_311] : memref<3072xf32, #tpu.memory_space<vmem>> -> memref<128xf32, #tpu.memory_space<vmem>>
        %dma_start3A_313 = arith.constant 0 : i32
        %dma_start3A_314 = tpu.memref_slice %arg26[%scan3A_308, %dma_start3A_313] : memref<24x128xi32, #tpu.memory_space<vmem>> -> memref<1x128xi32, #tpu.memory_space<vmem>>
        %dma_start3A_315 = tpu.memref_squeeze %dma_start3A_314 : memref<1x128xi32, #tpu.memory_space<vmem>> -> memref<128xi32, #tpu.memory_space<vmem>>
        %dma_start3A_316 = arith.constant 0 : i32
        %dma_start3A_317 = tpu.memref_slice %arg38[%dma_start3A_316] : memref<100000xf32, #tpu.memory_space<vmem_shared>> -> memref<100000xf32, #tpu.memory_space<vmem_shared>>
        tpu.enqueue_indirect_dma source(%dma_start3A_312 : memref<128xf32, #tpu.memory_space<vmem>>) target(%dma_start3A_317 : memref<100000xf32, #tpu.memory_space<vmem_shared>>) offsets(%dma_start3A_315 : memref<128xi32, #tpu.memory_space<vmem>>) semaphore(%arg45 : memref<!tpu.dma_semaphore, #tpu.memory_space<semaphore_mem>>) {add = true}
        %dma_start3A_318 = tpu.memref_slice %arg29[%mul3A_311] : memref<3072xf32, #tpu.memory_space<vmem>> -> memref<128xf32, #tpu.memory_space<vmem>>
        %dma_start3A_319 = arith.constant 0 : i32
        %dma_start3A_320 = tpu.memref_slice %arg26[%scan3A_308, %dma_start3A_319] : memref<24x128xi32, #tpu.memory_space<vmem>> -> memref<1x128xi32, #tpu.memory_space<vmem>>
        %dma_start3A_321 = tpu.memref_squeeze %dma_start3A_320 : memref<1x128xi32, #tpu.memory_space<vmem>> -> memref<128xi32, #tpu.memory_space<vmem>>
        %dma_start3A_322 = arith.constant 0 : i32
        %dma_start3A_323 = tpu.memref_slice %arg39[%dma_start3A_322] : memref<100000xf32, #tpu.memory_space<vmem_shared>> -> memref<100000xf32, #tpu.memory_space<vmem_shared>>
        tpu.enqueue_indirect_dma source(%dma_start3A_318 : memref<128xf32, #tpu.memory_space<vmem>>) target(%dma_start3A_323 : memref<100000xf32, #tpu.memory_space<vmem_shared>>) offsets(%dma_start3A_321 : memref<128xi32, #tpu.memory_space<vmem>>) semaphore(%arg45 : memref<!tpu.dma_semaphore, #tpu.memory_space<semaphore_mem>>) {add = true}
        %dma_start3A_324 = tpu.memref_slice %arg30[%mul3A_311] : memref<3072xf32, #tpu.memory_space<vmem>> -> memref<128xf32, #tpu.memory_space<vmem>>
        %dma_start3A_325 = arith.constant 0 : i32
        %dma_start3A_326 = tpu.memref_slice %arg26[%scan3A_308, %dma_start3A_325] : memref<24x128xi32, #tpu.memory_space<vmem>> -> memref<1x128xi32, #tpu.memory_space<vmem>>
        %dma_start3A_327 = tpu.memref_squeeze %dma_start3A_326 : memref<1x128xi32, #tpu.memory_space<vmem>> -> memref<128xi32, #tpu.memory_space<vmem>>
        %dma_start3A_328 = arith.constant 0 : i32
        %dma_start3A_329 = tpu.memref_slice %arg40[%dma_start3A_328] : memref<100000xf32, #tpu.memory_space<vmem_shared>> -> memref<100000xf32, #tpu.memory_space<vmem_shared>>
        tpu.enqueue_indirect_dma source(%dma_start3A_324 : memref<128xf32, #tpu.memory_space<vmem>>) target(%dma_start3A_329 : memref<100000xf32, #tpu.memory_space<vmem_shared>>) offsets(%dma_start3A_327 : memref<128xi32, #tpu.memory_space<vmem>>) semaphore(%arg45 : memref<!tpu.dma_semaphore, #tpu.memory_space<semaphore_mem>>) {add = true}
        %scan3A_330 = arith.constant 0 : i32
        scf.yield %scan3A_330 : i32
      }
      %scan3A_235 = arith.constant 24 : i32
      %scan3A_236 = arith.constant 0 : i32
      %scan3A_237 = arith.constant 0 : i32
      %scan3A_238 = arith.constant 24 : i32
      %scan3A_239 = arith.addi %scan3A_237, %scan3A_238 : i32
      %scan3A_240 = arith.constant 1 : i32
      %scan3A_241 = scf.for %scan3A_308 = %scan3A_237 to %scan3A_239 step %scan3A_240 iter_args(%scan3A_309 = %scan3A_236) -> (i32)  : i32 {
        %mul3A_310 = arith.constant 128 : i32
        %mul3A_311 = arith.muli %scan3A_308, %mul3A_310 : i32
        %dma_wait3A_312 = tpu.memref_slice %arg28[%mul3A_311] : memref<3072xf32, #tpu.memory_space<vmem>> -> memref<128xf32, #tpu.memory_space<vmem>>
        %dma_wait3A_313 = arith.constant 0 : i32
        %dma_wait3A_314 = tpu.memref_slice %arg26[%scan3A_308, %dma_wait3A_313] : memref<24x128xi32, #tpu.memory_space<vmem>> -> memref<1x128xi32, #tpu.memory_space<vmem>>
        %dma_wait3A_315 = tpu.memref_squeeze %dma_wait3A_314 : memref<1x128xi32, #tpu.memory_space<vmem>> -> memref<128xi32, #tpu.memory_space<vmem>>
        %dma_wait3A_316 = arith.constant 0 : i32
        %dma_wait3A_317 = tpu.memref_slice %arg38[%dma_wait3A_316] : memref<100000xf32, #tpu.memory_space<vmem_shared>> -> memref<100000xf32, #tpu.memory_space<vmem_shared>>
        tpu.wait_indirect_dma semaphore(%arg45 : memref<!tpu.dma_semaphore, #tpu.memory_space<semaphore_mem>>) src(%dma_wait3A_312 : memref<128xf32, #tpu.memory_space<vmem>>) dst(%dma_wait3A_317 : memref<100000xf32, #tpu.memory_space<vmem_shared>>)
        %dma_wait3A_318 = tpu.memref_slice %arg29[%mul3A_311] : memref<3072xf32, #tpu.memory_space<vmem>> -> memref<128xf32, #tpu.memory_space<vmem>>
        %dma_wait3A_319 = arith.constant 0 : i32
        %dma_wait3A_320 = tpu.memref_slice %arg26[%scan3A_308, %dma_wait3A_319] : memref<24x128xi32, #tpu.memory_space<vmem>> -> memref<1x128xi32, #tpu.memory_space<vmem>>
        %dma_wait3A_321 = tpu.memref_squeeze %dma_wait3A_320 : memref<1x128xi32, #tpu.memory_space<vmem>> -> memref<128xi32, #tpu.memory_space<vmem>>
        %dma_wait3A_322 = arith.constant 0 : i32
        %dma_wait3A_323 = tpu.memref_slice %arg39[%dma_wait3A_322] : memref<100000xf32, #tpu.memory_space<vmem_shared>> -> memref<100000xf32, #tpu.memory_space<vmem_shared>>
        tpu.wait_indirect_dma semaphore(%arg45 : memref<!tpu.dma_semaphore, #tpu.memory_space<semaphore_mem>>) src(%dma_wait3A_318 : memref<128xf32, #tpu.memory_space<vmem>>) dst(%dma_wait3A_323 : memref<100000xf32, #tpu.memory_space<vmem_shared>>)
        %dma_wait3A_324 = tpu.memref_slice %arg30[%mul3A_311] : memref<3072xf32, #tpu.memory_space<vmem>> -> memref<128xf32, #tpu.memory_space<vmem>>
        %dma_wait3A_325 = arith.constant 0 : i32
        %dma_wait3A_326 = tpu.memref_slice %arg26[%scan3A_308, %dma_wait3A_325] : memref<24x128xi32, #tpu.memory_space<vmem>> -> memref<1x128xi32, #tpu.memory_space<vmem>>
        %dma_wait3A_327 = tpu.memref_squeeze %dma_wait3A_326 : memref<1x128xi32, #tpu.memory_space<vmem>> -> memref<128xi32, #tpu.memory_space<vmem>>
        %dma_wait3A_328 = arith.constant 0 : i32
        %dma_wait3A_329 = tpu.memref_slice %arg40[%dma_wait3A_328] : memref<100000xf32, #tpu.memory_space<vmem_shared>> -> memref<100000xf32, #tpu.memory_space<vmem_shared>>
        tpu.wait_indirect_dma semaphore(%arg45 : memref<!tpu.dma_semaphore, #tpu.memory_space<semaphore_mem>>) src(%dma_wait3A_324 : memref<128xf32, #tpu.memory_space<vmem>>) dst(%dma_wait3A_329 : memref<100000xf32, #tpu.memory_space<vmem_shared>>)
        %scan3A_330 = arith.constant 0 : i32
        scf.yield %scan3A_330 : i32
      }
      %scan3A_242 = arith.constant 24 : i32
      %add3A_243 = arith.constant 2 : i32
      %add3A_244 = arith.addi %mul3A_178, %add3A_243 : i32
      %mul3A_245 = arith.constant 32 : i32
      %mul3A_246 = arith.muli %mul3A_245, %add3A_244 : i32
      %add3A_247 = arith.addi %add3A, %mul3A_246 : i32
      %mul3A_248 = arith.constant 3072 : i32
      %mul3A_249 = arith.muli %add3A_247, %mul3A_248 : i32
      %dma_start3A_250 = tpu.memref_slice %arg7[%mul3A_249] : memref<6488064xi32, #tpu.memory_space<hbm>> -> memref<3072xi32, #tpu.memory_space<hbm>>
      %dma_start3A_251 = tpu.memref_slice %arg7[%mul3A_249] : memref<6488064xi32, #tpu.memory_space<hbm>> -> memref<3072xi32, #tpu.memory_space<hbm>>
      tpu.enqueue_dma source(%dma_start3A_251 : memref<3072xi32, #tpu.memory_space<hbm>>) target(%arg10 : memref<3072xi32, #tpu.memory_space<vmem>>) target_semaphore(%arg41 : memref<!tpu.dma_semaphore, #tpu.memory_space<semaphore_mem>>)
      %dma_start3A_252 = tpu.memref_slice %arg8[%mul3A_249] : memref<6488064xi32, #tpu.memory_space<hbm>> -> memref<3072xi32, #tpu.memory_space<hbm>>
      %dma_start3A_253 = tpu.memref_slice %arg8[%mul3A_249] : memref<6488064xi32, #tpu.memory_space<hbm>> -> memref<3072xi32, #tpu.memory_space<hbm>>
      tpu.enqueue_dma source(%dma_start3A_253 : memref<3072xi32, #tpu.memory_space<hbm>>) target(%arg11 : memref<3072xi32, #tpu.memory_space<vmem>>) target_semaphore(%arg41 : memref<!tpu.dma_semaphore, #tpu.memory_space<semaphore_mem>>)
      %dma_wait3A_254 = arith.constant 0 : i32
      %dma_wait3A_255 = tpu.memref_slice %arg35[%dma_wait3A_254] : memref<100000xf32, #tpu.memory_space<vmem_shared>> -> memref<100000xf32, #tpu.memory_space<vmem_shared>>
      tpu.wait_indirect_dma semaphore(%arg44 : memref<!tpu.dma_semaphore, #tpu.memory_space<semaphore_mem>>) src(%dma_wait3A_255 : memref<100000xf32, #tpu.memory_space<vmem_shared>>) dst(%arg20 : memref<3072xf32, #tpu.memory_space<vmem>>)
      %dma_wait3A_256 = arith.constant 0 : i32
      %dma_wait3A_257 = tpu.memref_slice %arg36[%dma_wait3A_256] : memref<100000xf32, #tpu.memory_space<vmem_shared>> -> memref<100000xf32, #tpu.memory_space<vmem_shared>>
      tpu.wait_indirect_dma semaphore(%arg44 : memref<!tpu.dma_semaphore, #tpu.memory_space<semaphore_mem>>) src(%dma_wait3A_257 : memref<100000xf32, #tpu.memory_space<vmem_shared>>) dst(%arg21 : memref<3072xf32, #tpu.memory_space<vmem>>)
      %dma_wait3A_258 = arith.constant 0 : i32
      %dma_wait3A_259 = tpu.memref_slice %arg37[%dma_wait3A_258] : memref<100000xf32, #tpu.memory_space<vmem_shared>> -> memref<100000xf32, #tpu.memory_space<vmem_shared>>
      tpu.wait_indirect_dma semaphore(%arg44 : memref<!tpu.dma_semaphore, #tpu.memory_space<semaphore_mem>>) src(%dma_wait3A_259 : memref<100000xf32, #tpu.memory_space<vmem_shared>>) dst(%arg22 : memref<3072xf32, #tpu.memory_space<vmem>>)
      %dma_wait3A_260 = arith.constant 0 : i32
      %dma_wait3A_261 = tpu.memref_slice %arg35[%dma_wait3A_260] : memref<100000xf32, #tpu.memory_space<vmem_shared>> -> memref<100000xf32, #tpu.memory_space<vmem_shared>>
      tpu.wait_indirect_dma semaphore(%arg44 : memref<!tpu.dma_semaphore, #tpu.memory_space<semaphore_mem>>) src(%dma_wait3A_261 : memref<100000xf32, #tpu.memory_space<vmem_shared>>) dst(%arg23 : memref<3072xf32, #tpu.memory_space<vmem>>)
      %dma_wait3A_262 = arith.constant 0 : i32
      %dma_wait3A_263 = tpu.memref_slice %arg36[%dma_wait3A_262] : memref<100000xf32, #tpu.memory_space<vmem_shared>> -> memref<100000xf32, #tpu.memory_space<vmem_shared>>
      tpu.wait_indirect_dma semaphore(%arg44 : memref<!tpu.dma_semaphore, #tpu.memory_space<semaphore_mem>>) src(%dma_wait3A_263 : memref<100000xf32, #tpu.memory_space<vmem_shared>>) dst(%arg24 : memref<3072xf32, #tpu.memory_space<vmem>>)
      %dma_wait3A_264 = arith.constant 0 : i32
      %dma_wait3A_265 = tpu.memref_slice %arg37[%dma_wait3A_264] : memref<100000xf32, #tpu.memory_space<vmem_shared>> -> memref<100000xf32, #tpu.memory_space<vmem_shared>>
      tpu.wait_indirect_dma semaphore(%arg44 : memref<!tpu.dma_semaphore, #tpu.memory_space<semaphore_mem>>) src(%dma_wait3A_265 : memref<100000xf32, #tpu.memory_space<vmem_shared>>) dst(%arg25 : memref<3072xf32, #tpu.memory_space<vmem>>)
      %dma_wait3A_266 = arith.constant 0 : i32
      %dma_wait3A_267 = tpu.memref_slice %arg7[%dma_wait3A_266] : memref<6488064xi32, #tpu.memory_space<hbm>> -> memref<3072xi32, #tpu.memory_space<hbm>>
      %dma_wait3A_268 = arith.constant 0 : i32
      %dma_wait3A_269 = tpu.memref_slice %arg7[%dma_wait3A_268] : memref<6488064xi32, #tpu.memory_space<hbm>> -> memref<3072xi32, #tpu.memory_space<hbm>>
      tpu.wait_dma2 semaphore(%arg41 : memref<!tpu.dma_semaphore, #tpu.memory_space<semaphore_mem>>) src(%dma_wait3A_269 : memref<3072xi32, #tpu.memory_space<hbm>>) dst(%arg10 : memref<3072xi32, #tpu.memory_space<vmem>>)
      %dma_wait3A_270 = arith.constant 0 : i32
      %dma_wait3A_271 = tpu.memref_slice %arg8[%dma_wait3A_270] : memref<6488064xi32, #tpu.memory_space<hbm>> -> memref<3072xi32, #tpu.memory_space<hbm>>
      %dma_wait3A_272 = arith.constant 0 : i32
      %dma_wait3A_273 = tpu.memref_slice %arg8[%dma_wait3A_272] : memref<6488064xi32, #tpu.memory_space<hbm>> -> memref<3072xi32, #tpu.memory_space<hbm>>
      tpu.wait_dma2 semaphore(%arg41 : memref<!tpu.dma_semaphore, #tpu.memory_space<semaphore_mem>>) src(%dma_wait3A_273 : memref<3072xi32, #tpu.memory_space<hbm>>) dst(%arg11 : memref<3072xi32, #tpu.memory_space<vmem>>)
      %dma_start3A_274 = arith.constant 0 : i32
      %dma_start3A_275 = tpu.memref_slice %arg35[%dma_start3A_274] : memref<100000xf32, #tpu.memory_space<vmem_shared>> -> memref<100000xf32, #tpu.memory_space<vmem_shared>>
      tpu.enqueue_indirect_dma source(%dma_start3A_275 : memref<100000xf32, #tpu.memory_space<vmem_shared>>) target(%arg14 : memref<3072xf32, #tpu.memory_space<vmem>>) offsets(%arg10 : memref<3072xi32, #tpu.memory_space<vmem>>) semaphore(%arg43 : memref<!tpu.dma_semaphore, #tpu.memory_space<semaphore_mem>>)
      %dma_start3A_276 = arith.constant 0 : i32
      %dma_start3A_277 = tpu.memref_slice %arg36[%dma_start3A_276] : memref<100000xf32, #tpu.memory_space<vmem_shared>> -> memref<100000xf32, #tpu.memory_space<vmem_shared>>
      tpu.enqueue_indirect_dma source(%dma_start3A_277 : memref<100000xf32, #tpu.memory_space<vmem_shared>>) target(%arg15 : memref<3072xf32, #tpu.memory_space<vmem>>) offsets(%arg10 : memref<3072xi32, #tpu.memory_space<vmem>>) semaphore(%arg43 : memref<!tpu.dma_semaphore, #tpu.memory_space<semaphore_mem>>)
      %dma_start3A_278 = arith.constant 0 : i32
      %dma_start3A_279 = tpu.memref_slice %arg37[%dma_start3A_278] : memref<100000xf32, #tpu.memory_space<vmem_shared>> -> memref<100000xf32, #tpu.memory_space<vmem_shared>>
      tpu.enqueue_indirect_dma source(%dma_start3A_279 : memref<100000xf32, #tpu.memory_space<vmem_shared>>) target(%arg16 : memref<3072xf32, #tpu.memory_space<vmem>>) offsets(%arg10 : memref<3072xi32, #tpu.memory_space<vmem>>) semaphore(%arg43 : memref<!tpu.dma_semaphore, #tpu.memory_space<semaphore_mem>>)
      %dma_start3A_280 = arith.constant 0 : i32
      %dma_start3A_281 = tpu.memref_slice %arg35[%dma_start3A_280] : memref<100000xf32, #tpu.memory_space<vmem_shared>> -> memref<100000xf32, #tpu.memory_space<vmem_shared>>
      tpu.enqueue_indirect_dma source(%dma_start3A_281 : memref<100000xf32, #tpu.memory_space<vmem_shared>>) target(%arg17 : memref<3072xf32, #tpu.memory_space<vmem>>) offsets(%arg11 : memref<3072xi32, #tpu.memory_space<vmem>>) semaphore(%arg43 : memref<!tpu.dma_semaphore, #tpu.memory_space<semaphore_mem>>)
      %dma_start3A_282 = arith.constant 0 : i32
      %dma_start3A_283 = tpu.memref_slice %arg36[%dma_start3A_282] : memref<100000xf32, #tpu.memory_space<vmem_shared>> -> memref<100000xf32, #tpu.memory_space<vmem_shared>>
      tpu.enqueue_indirect_dma source(%dma_start3A_283 : memref<100000xf32, #tpu.memory_space<vmem_shared>>) target(%arg18 : memref<3072xf32, #tpu.memory_space<vmem>>) offsets(%arg11 : memref<3072xi32, #tpu.memory_space<vmem>>) semaphore(%arg43 : memref<!tpu.dma_semaphore, #tpu.memory_space<semaphore_mem>>)
      %dma_start3A_284 = arith.constant 0 : i32
      %dma_start3A_285 = tpu.memref_slice %arg37[%dma_start3A_284] : memref<100000xf32, #tpu.memory_space<vmem_shared>> -> memref<100000xf32, #tpu.memory_space<vmem_shared>>
      tpu.enqueue_indirect_dma source(%dma_start3A_285 : memref<100000xf32, #tpu.memory_space<vmem_shared>>) target(%arg19 : memref<3072xf32, #tpu.memory_space<vmem>>) offsets(%arg11 : memref<3072xi32, #tpu.memory_space<vmem>>) semaphore(%arg43 : memref<!tpu.dma_semaphore, #tpu.memory_space<semaphore_mem>>)
      %scan3A_286 = arith.constant 0 : i32
      %scan3A_287 = arith.constant 0 : i32
      %scan3A_288 = arith.constant 192 : i32
      %scan3A_289 = arith.addi %scan3A_287, %scan3A_288 : i32
      %scan3A_290 = arith.constant 1 : i32
      %scan3A_291 = scf.for %scan3A_308 = %scan3A_287 to %scan3A_289 step %scan3A_290 iter_args(%scan3A_309 = %scan3A_286) -> (i32)  : i32 {
        %mul3A_310 = arith.constant 16 : i32
        %mul3A_311 = arith.muli %scan3A_308, %mul3A_310 : i32
        %jit3A = arith.constant 8 : i32
        %div3A_312 = arith.divsi %scan3A_308, %jit3A : i32
        %sign3A = arith.constant 0 : i32
        %sign3A_313 = arith.cmpi sgt, %scan3A_308, %sign3A : i32
        %sign3A_314 = arith.extui %sign3A_313 : i1 to i32
        %sign3A_315 = arith.constant 0 : i32
        %sign3A_316 = arith.cmpi slt, %scan3A_308, %sign3A_315 : i32
        %sign3A_317 = arith.extui %sign3A_316 : i1 to i32
        %sign3A_318 = arith.subi %sign3A_314, %sign3A_317 : i32
        %sign3A_319 = arith.constant 0 : i32
        %sign3A_320 = arith.cmpi sgt, %jit3A, %sign3A_319 : i32
        %sign3A_321 = arith.extui %sign3A_320 : i1 to i32
        %sign3A_322 = arith.constant 0 : i32
        %sign3A_323 = arith.cmpi slt, %jit3A, %sign3A_322 : i32
        %sign3A_324 = arith.extui %sign3A_323 : i1 to i32
        %sign3A_325 = arith.subi %sign3A_321, %sign3A_324 : i32
        %ne3A = arith.cmpi ne, %sign3A_318, %sign3A_325 : i32
        %rem3A = arith.remsi %scan3A_308, %jit3A : i32
        %ne3A_326 = arith.constant 0 : i32
        %ne3A_327 = arith.cmpi ne, %rem3A, %ne3A_326 : i32
        %and3A = arith.andi %ne3A, %ne3A_327 : i1
        %sub3A = arith.constant 1 : i32
        %sub3A_328 = arith.subi %div3A_312, %sub3A : i32
        %select_n3A = arith.select %and3A, %sub3A_328, %div3A_312 : i32
        %jit3A_329 = arith.constant 8 : i32
        %eq3A_330 = arith.constant 0 : i32
        %eq3A_331 = arith.cmpi eq, %jit3A_329, %eq3A_330 : i32
        %jit3A_332 = arith.constant 1 : i32
        %select_n3A_333 = arith.select %eq3A_331, %jit3A_332, %jit3A_329 : i32
        %rem3A_334 = arith.remsi %scan3A_308, %select_n3A_333 : i32
        %ne3A_335 = arith.constant 0 : i32
        %ne3A_336 = arith.cmpi ne, %rem3A_334, %ne3A_335 : i32
        %lt3A_337 = arith.constant 0 : i32
        %lt3A_338 = arith.cmpi slt, %rem3A_334, %lt3A_337 : i32
        %lt3A_339 = arith.constant 0 : i32
        %lt3A_340 = arith.cmpi slt, %select_n3A_333, %lt3A_339 : i32
        %ne3A_341 = arith.xori %lt3A_338, %lt3A_340 : i1
        %and3A_342 = arith.andi %ne3A_341, %ne3A_336 : i1
        %add3A_343 = arith.addi %rem3A_334, %select_n3A_333 : i32
        %select_n3A_344 = arith.select %and3A_342, %add3A_343, %rem3A_334 : i32
        %mul3A_345 = arith.constant 16 : i32
        %mul3A_346 = arith.muli %select_n3A_344, %mul3A_345 : i32
        %get3A_347 = arith.index_cast %mul3A_311 : i32 to index
        %get3A_348 = tpu.vector_load %arg20[%get3A_347] {strides = array<i32>} : memref<3072xf32, #tpu.memory_space<vmem>>, vector<16xf32>,
        %get3A_349 = arith.index_cast %mul3A_311 : i32 to index
        %get3A_350 = tpu.vector_load %arg21[%get3A_349] {strides = array<i32>} : memref<3072xf32, #tpu.memory_space<vmem>>, vector<16xf32>,
        %get3A_351 = arith.index_cast %mul3A_311 : i32 to index
        %get3A_352 = tpu.vector_load %arg22[%get3A_351] {strides = array<i32>} : memref<3072xf32, #tpu.memory_space<vmem>>, vector<16xf32>,
        %bitcast3A = vector.bitcast %get3A_352 : vector<16xf32> to vector<16xi32>
        %and3A_353 = arith.constant 7 : i32
        %and3A_354 = vector.broadcast %and3A_353 : i32 to vector<16xi32>
        %and3A_355 = arith.andi %bitcast3A, %and3A_354 : vector<16xi32>
        %and3A_356 = arith.constant -8 : i32
        %and3A_357 = vector.broadcast %and3A_356 : i32 to vector<16xi32>
        %and3A_358 = arith.andi %bitcast3A, %and3A_357 : vector<16xi32>
        %bitcast3A_359 = vector.bitcast %and3A_358 : vector<16xi32> to vector<16xf32>
        %get3A_360 = arith.index_cast %mul3A_311 : i32 to index
        %get3A_361 = tpu.vector_load %arg23[%get3A_360] {strides = array<i32>} : memref<3072xf32, #tpu.memory_space<vmem>>, vector<16xf32>,
        %get3A_362 = arith.index_cast %mul3A_311 : i32 to index
        %get3A_363 = tpu.vector_load %arg24[%get3A_362] {strides = array<i32>} : memref<3072xf32, #tpu.memory_space<vmem>>, vector<16xf32>,
        %get3A_364 = arith.index_cast %mul3A_311 : i32 to index
        %get3A_365 = tpu.vector_load %arg25[%get3A_364] {strides = array<i32>} : memref<3072xf32, #tpu.memory_space<vmem>>, vector<16xf32>,
        %bitcast3A_366 = vector.bitcast %get3A_365 : vector<16xf32> to vector<16xi32>
        %and3A_367 = arith.constant -8 : i32
        %and3A_368 = vector.broadcast %and3A_367 : i32 to vector<16xi32>
        %and3A_369 = arith.andi %bitcast3A_366, %and3A_368 : vector<16xi32>
        %bitcast3A_370 = vector.bitcast %and3A_369 : vector<16xi32> to vector<16xf32>
        %get3A_371 = arith.index_cast %mul3A_311 : i32 to index
        %get3A_372 = tpu.vector_load %arg12[%get3A_371] {strides = array<i32>} : memref<3072xi32, #tpu.memory_space<vmem>>, vector<16xi32>,
        %get3A_373 = arith.index_cast %mul3A_311 : i32 to index
        %get3A_374 = tpu.vector_load %arg13[%get3A_373] {strides = array<i32>} : memref<3072xi32, #tpu.memory_space<vmem>>, vector<16xi32>,
        %swap3A = arith.index_cast %select_n3A : i32 to index
        %swap3A_375 = arith.index_cast %mul3A_346 : i32 to index
        %swap3A_376 = tpu.vector_load %arg27[%swap3A, %swap3A_375] {strides = array<i32>} : memref<24x128xi32, #tpu.memory_space<vmem>>, vector<16xi32>,
        tpu.vector_store %arg27[%swap3A, %swap3A_375], %get3A_372 {strides = array<i32>} : memref<24x128xi32, #tpu.memory_space<vmem>>, vector<16xi32>,
        %sub3A_377 = arith.subf %get3A_361, %get3A_348 : vector<16xf32>
        %sub3A_378 = arith.subf %get3A_363, %get3A_350 : vector<16xf32>
        %sub3A_379 = arith.subf %bitcast3A_370, %bitcast3A_359 : vector<16xf32>
        %mul3A_380 = arith.mulf %sub3A_377, %sub3A_377 : vector<16xf32>
        %mul3A_381 = arith.mulf %sub3A_378, %sub3A_378 : vector<16xf32>
        %add3A_382 = arith.addf %mul3A_380, %mul3A_381 : vector<16xf32>
        %mul3A_383 = arith.mulf %sub3A_379, %sub3A_379 : vector<16xf32>
        %add3A_384 = arith.addf %add3A_382, %mul3A_383 : vector<16xf32>
        %max3A_385 = arith.constant 1.000000e-30 : f32
        %max3A_386 = vector.broadcast %max3A_385 : f32 to vector<16xf32>
        %max3A_387 = arith.maximumf %add3A_384, %max3A_386 : vector<16xf32>
        %bitcast3A_388 = vector.bitcast %max3A_387 : vector<16xf32> to vector<16xi32>
        %shift_right_arithmetic3A = arith.constant 1 : i32
        %shift_right_arithmetic3A_389 = vector.broadcast %shift_right_arithmetic3A : i32 to vector<16xi32>
        %shift_right_arithmetic3A_390 = arith.shrsi %bitcast3A_388, %shift_right_arithmetic3A_389 : vector<16xi32>
        %sub3A_391 = arith.constant 1597463007 : i32
        %sub3A_392 = vector.broadcast %sub3A_391 : i32 to vector<16xi32>
        %sub3A_393 = arith.subi %sub3A_392, %shift_right_arithmetic3A_390 : vector<16xi32>
        %bitcast3A_394 = vector.bitcast %sub3A_393 : vector<16xi32> to vector<16xf32>
        %mul3A_395 = arith.constant 5.000000e-01 : f32
        %mul3A_396 = vector.broadcast %mul3A_395 : f32 to vector<16xf32>
        %mul3A_397 = arith.mulf %mul3A_396, %max3A_387 : vector<16xf32>
        %mul3A_398 = arith.mulf %mul3A_397, %bitcast3A_394 : vector<16xf32>
        %mul3A_399 = arith.mulf %mul3A_398, %bitcast3A_394 : vector<16xf32>
        %sub3A_400 = arith.constant 1.500000e+00 : f32
        %sub3A_401 = vector.broadcast %sub3A_400 : f32 to vector<16xf32>
        %sub3A_402 = arith.subf %sub3A_401, %mul3A_399 : vector<16xf32>
        %mul3A_403 = arith.mulf %bitcast3A_394, %sub3A_402 : vector<16xf32>
        %mul3A_404 = arith.mulf %mul3A_397, %mul3A_403 : vector<16xf32>
        %mul3A_405 = arith.mulf %mul3A_404, %mul3A_403 : vector<16xf32>
        %sub3A_406 = arith.constant 1.500000e+00 : f32
        %sub3A_407 = vector.broadcast %sub3A_406 : f32 to vector<16xf32>
        %sub3A_408 = arith.subf %sub3A_407, %mul3A_405 : vector<16xf32>
        %mul3A_409 = arith.mulf %mul3A_403, %sub3A_408 : vector<16xf32>
        %mul3A_410 = arith.mulf %mul3A_397, %mul3A_409 : vector<16xf32>
        %mul3A_411 = arith.mulf %mul3A_410, %mul3A_409 : vector<16xf32>
        %sub3A_412 = arith.constant 1.500000e+00 : f32
        %sub3A_413 = vector.broadcast %sub3A_412 : f32 to vector<16xf32>
        %sub3A_414 = arith.subf %sub3A_413, %mul3A_411 : vector<16xf32>
        %mul3A_415 = arith.mulf %mul3A_409, %sub3A_414 : vector<16xf32>
        %mul3A_416 = arith.mulf %max3A_387, %mul3A_415 : vector<16xf32>
        %min3A = arith.constant 1.000000e+08 : f32
        %min3A_417 = vector.broadcast %min3A : f32 to vector<16xf32>
        %min3A_418 = arith.minimumf %mul3A_415, %min3A_417 : vector<16xf32>
        %broadcast_in_dim3A = vector.shape_cast %and3A_355 : vector<16xi32> to vector<16x1xi32>
        %gather3A = vector.shape_cast %broadcast_in_dim3A : vector<16x1xi32> to vector<16xi32>
        %gather3A_419 = tpu.dynamic_gather %mul3A_32[%gather3A] in [0] : vector<16xf32>, vector<16xi32> -> vector<16xf32>
        %broadcast_in_dim3A_420 = vector.shape_cast %and3A_355 : vector<16xi32> to vector<16x1xi32>
        %gather3A_421 = vector.shape_cast %broadcast_in_dim3A_420 : vector<16x1xi32> to vector<16xi32>
        %gather3A_422 = tpu.dynamic_gather %mul3A_33[%gather3A_421] in [0] : vector<16xf32>, vector<16xi32> -> vector<16xf32>
        %broadcast_in_dim3A_423 = vector.shape_cast %and3A_355 : vector<16xi32> to vector<16x1xi32>
        %gather3A_424 = vector.shape_cast %broadcast_in_dim3A_423 : vector<16x1xi32> to vector<16xi32>
        %gather3A_425 = tpu.dynamic_gather %get3A_15[%gather3A_424] in [0] : vector<16xf32>, vector<16xi32> -> vector<16xf32>
        %broadcast_in_dim3A_426 = vector.shape_cast %and3A_355 : vector<16xi32> to vector<16x1xi32>
        %gather3A_427 = vector.shape_cast %broadcast_in_dim3A_426 : vector<16x1xi32> to vector<16xi32>
        %gather3A_428 = tpu.dynamic_gather %get3A_23[%gather3A_427] in [0] : vector<16xf32>, vector<16xi32> -> vector<16xf32>
        %broadcast_in_dim3A_429 = vector.shape_cast %and3A_355 : vector<16xi32> to vector<16x1xi32>
        %gather3A_430 = vector.shape_cast %broadcast_in_dim3A_429 : vector<16x1xi32> to vector<16xi32>
        %gather3A_431 = tpu.dynamic_gather %div3A_37[%gather3A_430] in [0] : vector<16xf32>, vector<16xi32> -> vector<16xf32>
        %sub3A_432 = arith.subf %mul3A_416, %gather3A_425 : vector<16xf32>
        %neg3A = arith.constant 0.000000e+00 : f32
        %neg3A_433 = vector.broadcast %neg3A : f32 to vector<16xf32>
        %neg3A_434 = arith.subf %neg3A_433, %sub3A_432 : vector<16xf32>
        %max3A_435 = arith.constant 0.000000e+00 : f32
        %max3A_436 = vector.broadcast %max3A_435 : f32 to vector<16xf32>
        %max3A_437 = arith.maximumf %neg3A_434, %max3A_436 : vector<16xf32>
        %mul3A_438 = arith.mulf %gather3A_419, %max3A_437 : vector<16xf32>
        %mul3A_439 = arith.mulf %sub3A_432, %gather3A_431 : vector<16xf32>
        %neg3A_440 = arith.constant 0.000000e+00 : f32
        %neg3A_441 = vector.broadcast %neg3A_440 : f32 to vector<16xf32>
        %neg3A_442 = arith.subf %neg3A_441, %mul3A_439 : vector<16xf32>
        %exp3A = math.exp %neg3A_442 : vector<16xf32>
        %sub3A_443 = arith.subf %mul3A_416, %gather3A_428 : vector<16xf32>
        %mul3A_444 = arith.mulf %sub3A_443, %gather3A_431 : vector<16xf32>
        %exp3A_445 = math.exp %mul3A_444 : vector<16xf32>
        %add3A_446 = arith.constant 1.000000e+00 : f32
        %add3A_447 = vector.broadcast %add3A_446 : f32 to vector<16xf32>
        %add3A_448 = arith.addf %add3A_447, %exp3A : vector<16xf32>
        %add3A_449 = arith.constant 1.000000e+00 : f32
        %add3A_450 = vector.broadcast %add3A_449 : f32 to vector<16xf32>
        %add3A_451 = arith.addf %add3A_450, %exp3A_445 : vector<16xf32>
        %mul3A_452 = arith.mulf %add3A_448, %add3A_451 : vector<16xf32>
        %mul3A_453 = arith.mulf %gather3A_422, %sub3A_432 : vector<16xf32>
        %div3A_454 = arith.divf %mul3A_453, %mul3A_452 : vector<16xf32>
        %sub3A_455 = arith.subf %div3A_454, %mul3A_438 : vector<16xf32>
        %mul3A_456 = arith.mulf %sub3A_455, %min3A_418 : vector<16xf32>
        %eq3A_457 = arith.cmpi eq, %get3A_374, %get3A_372 : vector<16xi32>
        %jit3A_458 = arith.constant 0.000000e+00 : f32
        %broadcast_in_dim3A_459 = vector.broadcast %jit3A_458 : f32 to vector<16xf32>
        %select_n3A_460 = arith.select %eq3A_457, %broadcast_in_dim3A_459, %mul3A_456 : vector<16xi1>, vector<16xf32>
        %mul3A_461 = arith.mulf %select_n3A_460, %sub3A_377 : vector<16xf32>
        %swap3A_462 = arith.index_cast %mul3A_311 : i32 to index
        %swap3A_463 = tpu.vector_load %arg31[%swap3A_462] {strides = array<i32>} : memref<3072xf32, #tpu.memory_space<vmem>>, vector<16xf32>,
        tpu.vector_store %arg31[%swap3A_462], %mul3A_461 {strides = array<i32>} : memref<3072xf32, #tpu.memory_space<vmem>>, vector<16xf32>,
        %mul3A_464 = arith.mulf %select_n3A_460, %sub3A_378 : vector<16xf32>
        %swap3A_465 = arith.index_cast %mul3A_311 : i32 to index
        %swap3A_466 = tpu.vector_load %arg32[%swap3A_465] {strides = array<i32>} : memref<3072xf32, #tpu.memory_space<vmem>>, vector<16xf32>,
        tpu.vector_store %arg32[%swap3A_465], %mul3A_464 {strides = array<i32>} : memref<3072xf32, #tpu.memory_space<vmem>>, vector<16xf32>,
        %mul3A_467 = arith.mulf %select_n3A_460, %sub3A_379 : vector<16xf32>
        %swap3A_468 = arith.index_cast %mul3A_311 : i32 to index
        %swap3A_469 = tpu.vector_load %arg33[%swap3A_468] {strides = array<i32>} : memref<3072xf32, #tpu.memory_space<vmem>>, vector<16xf32>,
        tpu.vector_store %arg33[%swap3A_468], %mul3A_467 {strides = array<i32>} : memref<3072xf32, #tpu.memory_space<vmem>>, vector<16xf32>,
        %scan3A_470 = arith.constant 0 : i32
        scf.yield %scan3A_470 : i32
      }
      %scan3A_292 = arith.constant 192 : i32
      %scan3A_293 = arith.constant 0 : i32
      %scan3A_294 = arith.constant 0 : i32
      %scan3A_295 = arith.constant 24 : i32
      %scan3A_296 = arith.addi %scan3A_294, %scan3A_295 : i32
      %scan3A_297 = arith.constant 1 : i32
      %scan3A_298 = scf.for %scan3A_308 = %scan3A_294 to %scan3A_296 step %scan3A_297 iter_args(%scan3A_309 = %scan3A_293) -> (i32)  : i32 {
        %mul3A_310 = arith.constant 128 : i32
        %mul3A_311 = arith.muli %scan3A_308, %mul3A_310 : i32
        %dma_start3A_312 = tpu.memref_slice %arg31[%mul3A_311] : memref<3072xf32, #tpu.memory_space<vmem>> -> memref<128xf32, #tpu.memory_space<vmem>>
        %dma_start3A_313 = arith.constant 0 : i32
        %dma_start3A_314 = tpu.memref_slice %arg27[%scan3A_308, %dma_start3A_313] : memref<24x128xi32, #tpu.memory_space<vmem>> -> memref<1x128xi32, #tpu.memory_space<vmem>>
        %dma_start3A_315 = tpu.memref_squeeze %dma_start3A_314 : memref<1x128xi32, #tpu.memory_space<vmem>> -> memref<128xi32, #tpu.memory_space<vmem>>
        %dma_start3A_316 = arith.constant 0 : i32
        %dma_start3A_317 = tpu.memref_slice %arg38[%dma_start3A_316] : memref<100000xf32, #tpu.memory_space<vmem_shared>> -> memref<100000xf32, #tpu.memory_space<vmem_shared>>
        tpu.enqueue_indirect_dma source(%dma_start3A_312 : memref<128xf32, #tpu.memory_space<vmem>>) target(%dma_start3A_317 : memref<100000xf32, #tpu.memory_space<vmem_shared>>) offsets(%dma_start3A_315 : memref<128xi32, #tpu.memory_space<vmem>>) semaphore(%arg46 : memref<!tpu.dma_semaphore, #tpu.memory_space<semaphore_mem>>) {add = true}
        %dma_start3A_318 = tpu.memref_slice %arg32[%mul3A_311] : memref<3072xf32, #tpu.memory_space<vmem>> -> memref<128xf32, #tpu.memory_space<vmem>>
        %dma_start3A_319 = arith.constant 0 : i32
        %dma_start3A_320 = tpu.memref_slice %arg27[%scan3A_308, %dma_start3A_319] : memref<24x128xi32, #tpu.memory_space<vmem>> -> memref<1x128xi32, #tpu.memory_space<vmem>>
        %dma_start3A_321 = tpu.memref_squeeze %dma_start3A_320 : memref<1x128xi32, #tpu.memory_space<vmem>> -> memref<128xi32, #tpu.memory_space<vmem>>
        %dma_start3A_322 = arith.constant 0 : i32
        %dma_start3A_323 = tpu.memref_slice %arg39[%dma_start3A_322] : memref<100000xf32, #tpu.memory_space<vmem_shared>> -> memref<100000xf32, #tpu.memory_space<vmem_shared>>
        tpu.enqueue_indirect_dma source(%dma_start3A_318 : memref<128xf32, #tpu.memory_space<vmem>>) target(%dma_start3A_323 : memref<100000xf32, #tpu.memory_space<vmem_shared>>) offsets(%dma_start3A_321 : memref<128xi32, #tpu.memory_space<vmem>>) semaphore(%arg46 : memref<!tpu.dma_semaphore, #tpu.memory_space<semaphore_mem>>) {add = true}
        %dma_start3A_324 = tpu.memref_slice %arg33[%mul3A_311] : memref<3072xf32, #tpu.memory_space<vmem>> -> memref<128xf32, #tpu.memory_space<vmem>>
        %dma_start3A_325 = arith.constant 0 : i32
        %dma_start3A_326 = tpu.memref_slice %arg27[%scan3A_308, %dma_start3A_325] : memref<24x128xi32, #tpu.memory_space<vmem>> -> memref<1x128xi32, #tpu.memory_space<vmem>>
        %dma_start3A_327 = tpu.memref_squeeze %dma_start3A_326 : memref<1x128xi32, #tpu.memory_space<vmem>> -> memref<128xi32, #tpu.memory_space<vmem>>
        %dma_start3A_328 = arith.constant 0 : i32
        %dma_start3A_329 = tpu.memref_slice %arg40[%dma_start3A_328] : memref<100000xf32, #tpu.memory_space<vmem_shared>> -> memref<100000xf32, #tpu.memory_space<vmem_shared>>
        tpu.enqueue_indirect_dma source(%dma_start3A_324 : memref<128xf32, #tpu.memory_space<vmem>>) target(%dma_start3A_329 : memref<100000xf32, #tpu.memory_space<vmem_shared>>) offsets(%dma_start3A_327 : memref<128xi32, #tpu.memory_space<vmem>>) semaphore(%arg46 : memref<!tpu.dma_semaphore, #tpu.memory_space<semaphore_mem>>) {add = true}
        %scan3A_330 = arith.constant 0 : i32
        scf.yield %scan3A_330 : i32
      }
      %scan3A_299 = arith.constant 24 : i32
      %scan3A_300 = arith.constant 0 : i32
      %scan3A_301 = arith.constant 0 : i32
      %scan3A_302 = arith.constant 24 : i32
      %scan3A_303 = arith.addi %scan3A_301, %scan3A_302 : i32
      %scan3A_304 = arith.constant 1 : i32
      %scan3A_305 = scf.for %scan3A_308 = %scan3A_301 to %scan3A_303 step %scan3A_304 iter_args(%scan3A_309 = %scan3A_300) -> (i32)  : i32 {
        %mul3A_310 = arith.constant 128 : i32
        %mul3A_311 = arith.muli %scan3A_308, %mul3A_310 : i32
        %dma_wait3A_312 = tpu.memref_slice %arg31[%mul3A_311] : memref<3072xf32, #tpu.memory_space<vmem>> -> memref<128xf32, #tpu.memory_space<vmem>>
        %dma_wait3A_313 = arith.constant 0 : i32
        %dma_wait3A_314 = tpu.memref_slice %arg27[%scan3A_308, %dma_wait3A_313] : memref<24x128xi32, #tpu.memory_space<vmem>> -> memref<1x128xi32, #tpu.memory_space<vmem>>
        %dma_wait3A_315 = tpu.memref_squeeze %dma_wait3A_314 : memref<1x128xi32, #tpu.memory_space<vmem>> -> memref<128xi32, #tpu.memory_space<vmem>>
        %dma_wait3A_316 = arith.constant 0 : i32
        %dma_wait3A_317 = tpu.memref_slice %arg38[%dma_wait3A_316] : memref<100000xf32, #tpu.memory_space<vmem_shared>> -> memref<100000xf32, #tpu.memory_space<vmem_shared>>
        tpu.wait_indirect_dma semaphore(%arg46 : memref<!tpu.dma_semaphore, #tpu.memory_space<semaphore_mem>>) src(%dma_wait3A_312 : memref<128xf32, #tpu.memory_space<vmem>>) dst(%dma_wait3A_317 : memref<100000xf32, #tpu.memory_space<vmem_shared>>)
        %dma_wait3A_318 = tpu.memref_slice %arg32[%mul3A_311] : memref<3072xf32, #tpu.memory_space<vmem>> -> memref<128xf32, #tpu.memory_space<vmem>>
        %dma_wait3A_319 = arith.constant 0 : i32
        %dma_wait3A_320 = tpu.memref_slice %arg27[%scan3A_308, %dma_wait3A_319] : memref<24x128xi32, #tpu.memory_space<vmem>> -> memref<1x128xi32, #tpu.memory_space<vmem>>
        %dma_wait3A_321 = tpu.memref_squeeze %dma_wait3A_320 : memref<1x128xi32, #tpu.memory_space<vmem>> -> memref<128xi32, #tpu.memory_space<vmem>>
        %dma_wait3A_322 = arith.constant 0 : i32
        %dma_wait3A_323 = tpu.memref_slice %arg39[%dma_wait3A_322] : memref<100000xf32, #tpu.memory_space<vmem_shared>> -> memref<100000xf32, #tpu.memory_space<vmem_shared>>
        tpu.wait_indirect_dma semaphore(%arg46 : memref<!tpu.dma_semaphore, #tpu.memory_space<semaphore_mem>>) src(%dma_wait3A_318 : memref<128xf32, #tpu.memory_space<vmem>>) dst(%dma_wait3A_323 : memref<100000xf32, #tpu.memory_space<vmem_shared>>)
        %dma_wait3A_324 = tpu.memref_slice %arg33[%mul3A_311] : memref<3072xf32, #tpu.memory_space<vmem>> -> memref<128xf32, #tpu.memory_space<vmem>>
        %dma_wait3A_325 = arith.constant 0 : i32
        %dma_wait3A_326 = tpu.memref_slice %arg27[%scan3A_308, %dma_wait3A_325] : memref<24x128xi32, #tpu.memory_space<vmem>> -> memref<1x128xi32, #tpu.memory_space<vmem>>
        %dma_wait3A_327 = tpu.memref_squeeze %dma_wait3A_326 : memref<1x128xi32, #tpu.memory_space<vmem>> -> memref<128xi32, #tpu.memory_space<vmem>>
        %dma_wait3A_328 = arith.constant 0 : i32
        %dma_wait3A_329 = tpu.memref_slice %arg40[%dma_wait3A_328] : memref<100000xf32, #tpu.memory_space<vmem_shared>> -> memref<100000xf32, #tpu.memory_space<vmem_shared>>
        tpu.wait_indirect_dma semaphore(%arg46 : memref<!tpu.dma_semaphore, #tpu.memory_space<semaphore_mem>>) src(%dma_wait3A_324 : memref<128xf32, #tpu.memory_space<vmem>>) dst(%dma_wait3A_329 : memref<100000xf32, #tpu.memory_space<vmem_shared>>)
        %scan3A_330 = arith.constant 0 : i32
        scf.yield %scan3A_330 : i32
      }
      %scan3A_306 = arith.constant 24 : i32
      %scan3A_307 = arith.constant 0 : i32
      scf.yield %scan3A_307 : i32
    }
    %scan3A_69 = arith.constant 32 : i32
    %add3A_70 = arith.constant 2080 : i32
    %add3A_71 = arith.addi %add3A, %add3A_70 : i32
    %mul3A_72 = arith.constant 3072 : i32
    %mul3A_73 = arith.muli %add3A_71, %mul3A_72 : i32
    %dma_start3A_74 = tpu.memref_slice %arg7[%mul3A_73] : memref<6488064xi32, #tpu.memory_space<hbm>> -> memref<3072xi32, #tpu.memory_space<hbm>>
    %dma_start3A_75 = tpu.memref_slice %arg7[%mul3A_73] : memref<6488064xi32, #tpu.memory_space<hbm>> -> memref<3072xi32, #tpu.memory_space<hbm>>
    tpu.enqueue_dma source(%dma_start3A_75 : memref<3072xi32, #tpu.memory_space<hbm>>) target(%arg12 : memref<3072xi32, #tpu.memory_space<vmem>>) target_semaphore(%arg42 : memref<!tpu.dma_semaphore, #tpu.memory_space<semaphore_mem>>)
    %dma_start3A_76 = tpu.memref_slice %arg8[%mul3A_73] : memref<6488064xi32, #tpu.memory_space<hbm>> -> memref<3072xi32, #tpu.memory_space<hbm>>
    %dma_start3A_77 = tpu.memref_slice %arg8[%mul3A_73] : memref<6488064xi32, #tpu.memory_space<hbm>> -> memref<3072xi32, #tpu.memory_space<hbm>>
    tpu.enqueue_dma source(%dma_start3A_77 : memref<3072xi32, #tpu.memory_space<hbm>>) target(%arg13 : memref<3072xi32, #tpu.memory_space<vmem>>) target_semaphore(%arg42 : memref<!tpu.dma_semaphore, #tpu.memory_space<semaphore_mem>>)
    %dma_wait3A_78 = arith.constant 0 : i32
    %dma_wait3A_79 = tpu.memref_slice %arg35[%dma_wait3A_78] : memref<100000xf32, #tpu.memory_space<vmem_shared>> -> memref<100000xf32, #tpu.memory_space<vmem_shared>>
    tpu.wait_indirect_dma semaphore(%arg43 : memref<!tpu.dma_semaphore, #tpu.memory_space<semaphore_mem>>) src(%dma_wait3A_79 : memref<100000xf32, #tpu.memory_space<vmem_shared>>) dst(%arg14 : memref<3072xf32, #tpu.memory_space<vmem>>)
    %dma_wait3A_80 = arith.constant 0 : i32
    %dma_wait3A_81 = tpu.memref_slice %arg36[%dma_wait3A_80] : memref<100000xf32, #tpu.memory_space<vmem_shared>> -> memref<100000xf32, #tpu.memory_space<vmem_shared>>
    tpu.wait_indirect_dma semaphore(%arg43 : memref<!tpu.dma_semaphore, #tpu.memory_space<semaphore_mem>>) src(%dma_wait3A_81 : memref<100000xf32, #tpu.memory_space<vmem_shared>>) dst(%arg15 : memref<3072xf32, #tpu.memory_space<vmem>>)
    %dma_wait3A_82 = arith.constant 0 : i32
    %dma_wait3A_83 = tpu.memref_slice %arg37[%dma_wait3A_82] : memref<100000xf32, #tpu.memory_space<vmem_shared>> -> memref<100000xf32, #tpu.memory_space<vmem_shared>>
    tpu.wait_indirect_dma semaphore(%arg43 : memref<!tpu.dma_semaphore, #tpu.memory_space<semaphore_mem>>) src(%dma_wait3A_83 : memref<100000xf32, #tpu.memory_space<vmem_shared>>) dst(%arg16 : memref<3072xf32, #tpu.memory_space<vmem>>)
    %dma_wait3A_84 = arith.constant 0 : i32
    %dma_wait3A_85 = tpu.memref_slice %arg35[%dma_wait3A_84] : memref<100000xf32, #tpu.memory_space<vmem_shared>> -> memref<100000xf32, #tpu.memory_space<vmem_shared>>
    tpu.wait_indirect_dma semaphore(%arg43 : memref<!tpu.dma_semaphore, #tpu.memory_space<semaphore_mem>>) src(%dma_wait3A_85 : memref<100000xf32, #tpu.memory_space<vmem_shared>>) dst(%arg17 : memref<3072xf32, #tpu.memory_space<vmem>>)
    %dma_wait3A_86 = arith.constant 0 : i32
    %dma_wait3A_87 = tpu.memref_slice %arg36[%dma_wait3A_86] : memref<100000xf32, #tpu.memory_space<vmem_shared>> -> memref<100000xf32, #tpu.memory_space<vmem_shared>>
    tpu.wait_indirect_dma semaphore(%arg43 : memref<!tpu.dma_semaphore, #tpu.memory_space<semaphore_mem>>) src(%dma_wait3A_87 : memref<100000xf32, #tpu.memory_space<vmem_shared>>) dst(%arg18 : memref<3072xf32, #tpu.memory_space<vmem>>)
    %dma_wait3A_88 = arith.constant 0 : i32
    %dma_wait3A_89 = tpu.memref_slice %arg37[%dma_wait3A_88] : memref<100000xf32, #tpu.memory_space<vmem_shared>> -> memref<100000xf32, #tpu.memory_space<vmem_shared>>
    tpu.wait_indirect_dma semaphore(%arg43 : memref<!tpu.dma_semaphore, #tpu.memory_space<semaphore_mem>>) src(%dma_wait3A_89 : memref<100000xf32, #tpu.memory_space<vmem_shared>>) dst(%arg19 : memref<3072xf32, #tpu.memory_space<vmem>>)
    %dma_wait3A_90 = arith.constant 0 : i32
    %dma_wait3A_91 = tpu.memref_slice %arg7[%dma_wait3A_90] : memref<6488064xi32, #tpu.memory_space<hbm>> -> memref<3072xi32, #tpu.memory_space<hbm>>
    %dma_wait3A_92 = arith.constant 0 : i32
    %dma_wait3A_93 = tpu.memref_slice %arg7[%dma_wait3A_92] : memref<6488064xi32, #tpu.memory_space<hbm>> -> memref<3072xi32, #tpu.memory_space<hbm>>
    tpu.wait_dma2 semaphore(%arg42 : memref<!tpu.dma_semaphore, #tpu.memory_space<semaphore_mem>>) src(%dma_wait3A_93 : memref<3072xi32, #tpu.memory_space<hbm>>) dst(%arg12 : memref<3072xi32, #tpu.memory_space<vmem>>)
    %dma_wait3A_94 = arith.constant 0 : i32
    %dma_wait3A_95 = tpu.memref_slice %arg8[%dma_wait3A_94] : memref<6488064xi32, #tpu.memory_space<hbm>> -> memref<3072xi32, #tpu.memory_space<hbm>>
    %dma_wait3A_96 = arith.constant 0 : i32
    %dma_wait3A_97 = tpu.memref_slice %arg8[%dma_wait3A_96] : memref<6488064xi32, #tpu.memory_space<hbm>> -> memref<3072xi32, #tpu.memory_space<hbm>>
    tpu.wait_dma2 semaphore(%arg42 : memref<!tpu.dma_semaphore, #tpu.memory_space<semaphore_mem>>) src(%dma_wait3A_97 : memref<3072xi32, #tpu.memory_space<hbm>>) dst(%arg13 : memref<3072xi32, #tpu.memory_space<vmem>>)
    %dma_start3A_98 = arith.constant 0 : i32
    %dma_start3A_99 = tpu.memref_slice %arg35[%dma_start3A_98] : memref<100000xf32, #tpu.memory_space<vmem_shared>> -> memref<100000xf32, #tpu.memory_space<vmem_shared>>
    tpu.enqueue_indirect_dma source(%dma_start3A_99 : memref<100000xf32, #tpu.memory_space<vmem_shared>>) target(%arg20 : memref<3072xf32, #tpu.memory_space<vmem>>) offsets(%arg12 : memref<3072xi32, #tpu.memory_space<vmem>>) semaphore(%arg44 : memref<!tpu.dma_semaphore, #tpu.memory_space<semaphore_mem>>)
    %dma_start3A_100 = arith.constant 0 : i32
    %dma_start3A_101 = tpu.memref_slice %arg36[%dma_start3A_100] : memref<100000xf32, #tpu.memory_space<vmem_shared>> -> memref<100000xf32, #tpu.memory_space<vmem_shared>>
    tpu.enqueue_indirect_dma source(%dma_start3A_101 : memref<100000xf32, #tpu.memory_space<vmem_shared>>) target(%arg21 : memref<3072xf32, #tpu.memory_space<vmem>>) offsets(%arg12 : memref<3072xi32, #tpu.memory_space<vmem>>) semaphore(%arg44 : memref<!tpu.dma_semaphore, #tpu.memory_space<semaphore_mem>>)
    %dma_start3A_102 = arith.constant 0 : i32
    %dma_start3A_103 = tpu.memref_slice %arg37[%dma_start3A_102] : memref<100000xf32, #tpu.memory_space<vmem_shared>> -> memref<100000xf32, #tpu.memory_space<vmem_shared>>
    tpu.enqueue_indirect_dma source(%dma_start3A_103 : memref<100000xf32, #tpu.memory_space<vmem_shared>>) target(%arg22 : memref<3072xf32, #tpu.memory_space<vmem>>) offsets(%arg12 : memref<3072xi32, #tpu.memory_space<vmem>>) semaphore(%arg44 : memref<!tpu.dma_semaphore, #tpu.memory_space<semaphore_mem>>)
    %dma_start3A_104 = arith.constant 0 : i32
    %dma_start3A_105 = tpu.memref_slice %arg35[%dma_start3A_104] : memref<100000xf32, #tpu.memory_space<vmem_shared>> -> memref<100000xf32, #tpu.memory_space<vmem_shared>>
    tpu.enqueue_indirect_dma source(%dma_start3A_105 : memref<100000xf32, #tpu.memory_space<vmem_shared>>) target(%arg23 : memref<3072xf32, #tpu.memory_space<vmem>>) offsets(%arg13 : memref<3072xi32, #tpu.memory_space<vmem>>) semaphore(%arg44 : memref<!tpu.dma_semaphore, #tpu.memory_space<semaphore_mem>>)
    %dma_start3A_106 = arith.constant 0 : i32
    %dma_start3A_107 = tpu.memref_slice %arg36[%dma_start3A_106] : memref<100000xf32, #tpu.memory_space<vmem_shared>> -> memref<100000xf32, #tpu.memory_space<vmem_shared>>
    tpu.enqueue_indirect_dma source(%dma_start3A_107 : memref<100000xf32, #tpu.memory_space<vmem_shared>>) target(%arg24 : memref<3072xf32, #tpu.memory_space<vmem>>) offsets(%arg13 : memref<3072xi32, #tpu.memory_space<vmem>>) semaphore(%arg44 : memref<!tpu.dma_semaphore, #tpu.memory_space<semaphore_mem>>)
    %dma_start3A_108 = arith.constant 0 : i32
    %dma_start3A_109 = tpu.memref_slice %arg37[%dma_start3A_108] : memref<100000xf32, #tpu.memory_space<vmem_shared>> -> memref<100000xf32, #tpu.memory_space<vmem_shared>>
    tpu.enqueue_indirect_dma source(%dma_start3A_109 : memref<100000xf32, #tpu.memory_space<vmem_shared>>) target(%arg25 : memref<3072xf32, #tpu.memory_space<vmem>>) offsets(%arg13 : memref<3072xi32, #tpu.memory_space<vmem>>) semaphore(%arg44 : memref<!tpu.dma_semaphore, #tpu.memory_space<semaphore_mem>>)
    %scan3A_110 = arith.constant 0 : i32
    %scan3A_111 = arith.constant 0 : i32
    %scan3A_112 = arith.constant 192 : i32
    %scan3A_113 = arith.addi %scan3A_111, %scan3A_112 : i32
    %scan3A_114 = arith.constant 1 : i32
    %scan3A_115 = scf.for %scan3A_175 = %scan3A_111 to %scan3A_113 step %scan3A_114 iter_args(%scan3A_176 = %scan3A_110) -> (i32)  : i32 {
      %mul3A_177 = arith.constant 16 : i32
      %mul3A_178 = arith.muli %scan3A_175, %mul3A_177 : i32
      %jit3A = arith.constant 8 : i32
      %div3A_179 = arith.divsi %scan3A_175, %jit3A : i32
      %sign3A = arith.constant 0 : i32
      %sign3A_180 = arith.cmpi sgt, %scan3A_175, %sign3A : i32
      %sign3A_181 = arith.extui %sign3A_180 : i1 to i32
      %sign3A_182 = arith.constant 0 : i32
      %sign3A_183 = arith.cmpi slt, %scan3A_175, %sign3A_182 : i32
      %sign3A_184 = arith.extui %sign3A_183 : i1 to i32
      %sign3A_185 = arith.subi %sign3A_181, %sign3A_184 : i32
      %sign3A_186 = arith.constant 0 : i32
      %sign3A_187 = arith.cmpi sgt, %jit3A, %sign3A_186 : i32
      %sign3A_188 = arith.extui %sign3A_187 : i1 to i32
      %sign3A_189 = arith.constant 0 : i32
      %sign3A_190 = arith.cmpi slt, %jit3A, %sign3A_189 : i32
      %sign3A_191 = arith.extui %sign3A_190 : i1 to i32
      %sign3A_192 = arith.subi %sign3A_188, %sign3A_191 : i32
      %ne3A = arith.cmpi ne, %sign3A_185, %sign3A_192 : i32
      %rem3A = arith.remsi %scan3A_175, %jit3A : i32
      %ne3A_193 = arith.constant 0 : i32
      %ne3A_194 = arith.cmpi ne, %rem3A, %ne3A_193 : i32
      %and3A = arith.andi %ne3A, %ne3A_194 : i1
      %sub3A = arith.constant 1 : i32
      %sub3A_195 = arith.subi %div3A_179, %sub3A : i32
      %select_n3A = arith.select %and3A, %sub3A_195, %div3A_179 : i32
      %jit3A_196 = arith.constant 8 : i32
      %eq3A_197 = arith.constant 0 : i32
      %eq3A_198 = arith.cmpi eq, %jit3A_196, %eq3A_197 : i32
      %jit3A_199 = arith.constant 1 : i32
      %select_n3A_200 = arith.select %eq3A_198, %jit3A_199, %jit3A_196 : i32
      %rem3A_201 = arith.remsi %scan3A_175, %select_n3A_200 : i32
      %ne3A_202 = arith.constant 0 : i32
      %ne3A_203 = arith.cmpi ne, %rem3A_201, %ne3A_202 : i32
      %lt3A_204 = arith.constant 0 : i32
      %lt3A_205 = arith.cmpi slt, %rem3A_201, %lt3A_204 : i32
      %lt3A_206 = arith.constant 0 : i32
      %lt3A_207 = arith.cmpi slt, %select_n3A_200, %lt3A_206 : i32
      %ne3A_208 = arith.xori %lt3A_205, %lt3A_207 : i1
      %and3A_209 = arith.andi %ne3A_208, %ne3A_203 : i1
      %add3A_210 = arith.addi %rem3A_201, %select_n3A_200 : i32
      %select_n3A_211 = arith.select %and3A_209, %add3A_210, %rem3A_201 : i32
      %mul3A_212 = arith.constant 16 : i32
      %mul3A_213 = arith.muli %select_n3A_211, %mul3A_212 : i32
      %get3A_214 = arith.index_cast %mul3A_178 : i32 to index
      %get3A_215 = tpu.vector_load %arg14[%get3A_214] {strides = array<i32>} : memref<3072xf32, #tpu.memory_space<vmem>>, vector<16xf32>,
      %get3A_216 = arith.index_cast %mul3A_178 : i32 to index
      %get3A_217 = tpu.vector_load %arg15[%get3A_216] {strides = array<i32>} : memref<3072xf32, #tpu.memory_space<vmem>>, vector<16xf32>,
      %get3A_218 = arith.index_cast %mul3A_178 : i32 to index
      %get3A_219 = tpu.vector_load %arg16[%get3A_218] {strides = array<i32>} : memref<3072xf32, #tpu.memory_space<vmem>>, vector<16xf32>,
      %bitcast3A = vector.bitcast %get3A_219 : vector<16xf32> to vector<16xi32>
      %and3A_220 = arith.constant 7 : i32
      %and3A_221 = vector.broadcast %and3A_220 : i32 to vector<16xi32>
      %and3A_222 = arith.andi %bitcast3A, %and3A_221 : vector<16xi32>
      %and3A_223 = arith.constant -8 : i32
      %and3A_224 = vector.broadcast %and3A_223 : i32 to vector<16xi32>
      %and3A_225 = arith.andi %bitcast3A, %and3A_224 : vector<16xi32>
      %bitcast3A_226 = vector.bitcast %and3A_225 : vector<16xi32> to vector<16xf32>
      %get3A_227 = arith.index_cast %mul3A_178 : i32 to index
      %get3A_228 = tpu.vector_load %arg17[%get3A_227] {strides = array<i32>} : memref<3072xf32, #tpu.memory_space<vmem>>, vector<16xf32>,
      %get3A_229 = arith.index_cast %mul3A_178 : i32 to index
      %get3A_230 = tpu.vector_load %arg18[%get3A_229] {strides = array<i32>} : memref<3072xf32, #tpu.memory_space<vmem>>, vector<16xf32>,
      %get3A_231 = arith.index_cast %mul3A_178 : i32 to index
      %get3A_232 = tpu.vector_load %arg19[%get3A_231] {strides = array<i32>} : memref<3072xf32, #tpu.memory_space<vmem>>, vector<16xf32>,
      %bitcast3A_233 = vector.bitcast %get3A_232 : vector<16xf32> to vector<16xi32>
      %and3A_234 = arith.constant -8 : i32
      %and3A_235 = vector.broadcast %and3A_234 : i32 to vector<16xi32>
      %and3A_236 = arith.andi %bitcast3A_233, %and3A_235 : vector<16xi32>
      %bitcast3A_237 = vector.bitcast %and3A_236 : vector<16xi32> to vector<16xf32>
      %get3A_238 = arith.index_cast %mul3A_178 : i32 to index
      %get3A_239 = tpu.vector_load %arg10[%get3A_238] {strides = array<i32>} : memref<3072xi32, #tpu.memory_space<vmem>>, vector<16xi32>,
      %get3A_240 = arith.index_cast %mul3A_178 : i32 to index
      %get3A_241 = tpu.vector_load %arg11[%get3A_240] {strides = array<i32>} : memref<3072xi32, #tpu.memory_space<vmem>>, vector<16xi32>,
      %swap3A = arith.index_cast %select_n3A : i32 to index
      %swap3A_242 = arith.index_cast %mul3A_213 : i32 to index
      %swap3A_243 = tpu.vector_load %arg26[%swap3A, %swap3A_242] {strides = array<i32>} : memref<24x128xi32, #tpu.memory_space<vmem>>, vector<16xi32>,
      tpu.vector_store %arg26[%swap3A, %swap3A_242], %get3A_239 {strides = array<i32>} : memref<24x128xi32, #tpu.memory_space<vmem>>, vector<16xi32>,
      %sub3A_244 = arith.subf %get3A_228, %get3A_215 : vector<16xf32>
      %sub3A_245 = arith.subf %get3A_230, %get3A_217 : vector<16xf32>
      %sub3A_246 = arith.subf %bitcast3A_237, %bitcast3A_226 : vector<16xf32>
      %mul3A_247 = arith.mulf %sub3A_244, %sub3A_244 : vector<16xf32>
      %mul3A_248 = arith.mulf %sub3A_245, %sub3A_245 : vector<16xf32>
      %add3A_249 = arith.addf %mul3A_247, %mul3A_248 : vector<16xf32>
      %mul3A_250 = arith.mulf %sub3A_246, %sub3A_246 : vector<16xf32>
      %add3A_251 = arith.addf %add3A_249, %mul3A_250 : vector<16xf32>
      %max3A_252 = arith.constant 1.000000e-30 : f32
      %max3A_253 = vector.broadcast %max3A_252 : f32 to vector<16xf32>
      %max3A_254 = arith.maximumf %add3A_251, %max3A_253 : vector<16xf32>
      %bitcast3A_255 = vector.bitcast %max3A_254 : vector<16xf32> to vector<16xi32>
      %shift_right_arithmetic3A = arith.constant 1 : i32
      %shift_right_arithmetic3A_256 = vector.broadcast %shift_right_arithmetic3A : i32 to vector<16xi32>
      %shift_right_arithmetic3A_257 = arith.shrsi %bitcast3A_255, %shift_right_arithmetic3A_256 : vector<16xi32>
      %sub3A_258 = arith.constant 1597463007 : i32
      %sub3A_259 = vector.broadcast %sub3A_258 : i32 to vector<16xi32>
      %sub3A_260 = arith.subi %sub3A_259, %shift_right_arithmetic3A_257 : vector<16xi32>
      %bitcast3A_261 = vector.bitcast %sub3A_260 : vector<16xi32> to vector<16xf32>
      %mul3A_262 = arith.constant 5.000000e-01 : f32
      %mul3A_263 = vector.broadcast %mul3A_262 : f32 to vector<16xf32>
      %mul3A_264 = arith.mulf %mul3A_263, %max3A_254 : vector<16xf32>
      %mul3A_265 = arith.mulf %mul3A_264, %bitcast3A_261 : vector<16xf32>
      %mul3A_266 = arith.mulf %mul3A_265, %bitcast3A_261 : vector<16xf32>
      %sub3A_267 = arith.constant 1.500000e+00 : f32
      %sub3A_268 = vector.broadcast %sub3A_267 : f32 to vector<16xf32>
      %sub3A_269 = arith.subf %sub3A_268, %mul3A_266 : vector<16xf32>
      %mul3A_270 = arith.mulf %bitcast3A_261, %sub3A_269 : vector<16xf32>
      %mul3A_271 = arith.mulf %mul3A_264, %mul3A_270 : vector<16xf32>
      %mul3A_272 = arith.mulf %mul3A_271, %mul3A_270 : vector<16xf32>
      %sub3A_273 = arith.constant 1.500000e+00 : f32
      %sub3A_274 = vector.broadcast %sub3A_273 : f32 to vector<16xf32>
      %sub3A_275 = arith.subf %sub3A_274, %mul3A_272 : vector<16xf32>
      %mul3A_276 = arith.mulf %mul3A_270, %sub3A_275 : vector<16xf32>
      %mul3A_277 = arith.mulf %mul3A_264, %mul3A_276 : vector<16xf32>
      %mul3A_278 = arith.mulf %mul3A_277, %mul3A_276 : vector<16xf32>
      %sub3A_279 = arith.constant 1.500000e+00 : f32
      %sub3A_280 = vector.broadcast %sub3A_279 : f32 to vector<16xf32>
      %sub3A_281 = arith.subf %sub3A_280, %mul3A_278 : vector<16xf32>
      %mul3A_282 = arith.mulf %mul3A_276, %sub3A_281 : vector<16xf32>
      %mul3A_283 = arith.mulf %max3A_254, %mul3A_282 : vector<16xf32>
      %min3A = arith.constant 1.000000e+08 : f32
      %min3A_284 = vector.broadcast %min3A : f32 to vector<16xf32>
      %min3A_285 = arith.minimumf %mul3A_282, %min3A_284 : vector<16xf32>
      %broadcast_in_dim3A = vector.shape_cast %and3A_222 : vector<16xi32> to vector<16x1xi32>
      %gather3A = vector.shape_cast %broadcast_in_dim3A : vector<16x1xi32> to vector<16xi32>
      %gather3A_286 = tpu.dynamic_gather %mul3A_32[%gather3A] in [0] : vector<16xf32>, vector<16xi32> -> vector<16xf32>
      %broadcast_in_dim3A_287 = vector.shape_cast %and3A_222 : vector<16xi32> to vector<16x1xi32>
      %gather3A_288 = vector.shape_cast %broadcast_in_dim3A_287 : vector<16x1xi32> to vector<16xi32>
      %gather3A_289 = tpu.dynamic_gather %mul3A_33[%gather3A_288] in [0] : vector<16xf32>, vector<16xi32> -> vector<16xf32>
      %broadcast_in_dim3A_290 = vector.shape_cast %and3A_222 : vector<16xi32> to vector<16x1xi32>
      %gather3A_291 = vector.shape_cast %broadcast_in_dim3A_290 : vector<16x1xi32> to vector<16xi32>
      %gather3A_292 = tpu.dynamic_gather %get3A_15[%gather3A_291] in [0] : vector<16xf32>, vector<16xi32> -> vector<16xf32>
      %broadcast_in_dim3A_293 = vector.shape_cast %and3A_222 : vector<16xi32> to vector<16x1xi32>
      %gather3A_294 = vector.shape_cast %broadcast_in_dim3A_293 : vector<16x1xi32> to vector<16xi32>
      %gather3A_295 = tpu.dynamic_gather %get3A_23[%gather3A_294] in [0] : vector<16xf32>, vector<16xi32> -> vector<16xf32>
      %broadcast_in_dim3A_296 = vector.shape_cast %and3A_222 : vector<16xi32> to vector<16x1xi32>
      %gather3A_297 = vector.shape_cast %broadcast_in_dim3A_296 : vector<16x1xi32> to vector<16xi32>
      %gather3A_298 = tpu.dynamic_gather %div3A_37[%gather3A_297] in [0] : vector<16xf32>, vector<16xi32> -> vector<16xf32>
      %sub3A_299 = arith.subf %mul3A_283, %gather3A_292 : vector<16xf32>
      %neg3A = arith.constant 0.000000e+00 : f32
      %neg3A_300 = vector.broadcast %neg3A : f32 to vector<16xf32>
      %neg3A_301 = arith.subf %neg3A_300, %sub3A_299 : vector<16xf32>
      %max3A_302 = arith.constant 0.000000e+00 : f32
      %max3A_303 = vector.broadcast %max3A_302 : f32 to vector<16xf32>
      %max3A_304 = arith.maximumf %neg3A_301, %max3A_303 : vector<16xf32>
      %mul3A_305 = arith.mulf %gather3A_286, %max3A_304 : vector<16xf32>
      %mul3A_306 = arith.mulf %sub3A_299, %gather3A_298 : vector<16xf32>
      %neg3A_307 = arith.constant 0.000000e+00 : f32
      %neg3A_308 = vector.broadcast %neg3A_307 : f32 to vector<16xf32>
      %neg3A_309 = arith.subf %neg3A_308, %mul3A_306 : vector<16xf32>
      %exp3A = math.exp %neg3A_309 : vector<16xf32>
      %sub3A_310 = arith.subf %mul3A_283, %gather3A_295 : vector<16xf32>
      %mul3A_311 = arith.mulf %sub3A_310, %gather3A_298 : vector<16xf32>
      %exp3A_312 = math.exp %mul3A_311 : vector<16xf32>
      %add3A_313 = arith.constant 1.000000e+00 : f32
      %add3A_314 = vector.broadcast %add3A_313 : f32 to vector<16xf32>
      %add3A_315 = arith.addf %add3A_314, %exp3A : vector<16xf32>
      %add3A_316 = arith.constant 1.000000e+00 : f32
      %add3A_317 = vector.broadcast %add3A_316 : f32 to vector<16xf32>
      %add3A_318 = arith.addf %add3A_317, %exp3A_312 : vector<16xf32>
      %mul3A_319 = arith.mulf %add3A_315, %add3A_318 : vector<16xf32>
      %mul3A_320 = arith.mulf %gather3A_289, %sub3A_299 : vector<16xf32>
      %div3A_321 = arith.divf %mul3A_320, %mul3A_319 : vector<16xf32>
      %sub3A_322 = arith.subf %div3A_321, %mul3A_305 : vector<16xf32>
      %mul3A_323 = arith.mulf %sub3A_322, %min3A_285 : vector<16xf32>
      %eq3A_324 = arith.cmpi eq, %get3A_241, %get3A_239 : vector<16xi32>
      %jit3A_325 = arith.constant 0.000000e+00 : f32
      %broadcast_in_dim3A_326 = vector.broadcast %jit3A_325 : f32 to vector<16xf32>
      %select_n3A_327 = arith.select %eq3A_324, %broadcast_in_dim3A_326, %mul3A_323 : vector<16xi1>, vector<16xf32>
      %mul3A_328 = arith.mulf %select_n3A_327, %sub3A_244 : vector<16xf32>
      %swap3A_329 = arith.index_cast %mul3A_178 : i32 to index
      %swap3A_330 = tpu.vector_load %arg28[%swap3A_329] {strides = array<i32>} : memref<3072xf32, #tpu.memory_space<vmem>>, vector<16xf32>,
      tpu.vector_store %arg28[%swap3A_329], %mul3A_328 {strides = array<i32>} : memref<3072xf32, #tpu.memory_space<vmem>>, vector<16xf32>,
      %mul3A_331 = arith.mulf %select_n3A_327, %sub3A_245 : vector<16xf32>
      %swap3A_332 = arith.index_cast %mul3A_178 : i32 to index
      %swap3A_333 = tpu.vector_load %arg29[%swap3A_332] {strides = array<i32>} : memref<3072xf32, #tpu.memory_space<vmem>>, vector<16xf32>,
      tpu.vector_store %arg29[%swap3A_332], %mul3A_331 {strides = array<i32>} : memref<3072xf32, #tpu.memory_space<vmem>>, vector<16xf32>,
      %mul3A_334 = arith.mulf %select_n3A_327, %sub3A_246 : vector<16xf32>
      %swap3A_335 = arith.index_cast %mul3A_178 : i32 to index
      %swap3A_336 = tpu.vector_load %arg30[%swap3A_335] {strides = array<i32>} : memref<3072xf32, #tpu.memory_space<vmem>>, vector<16xf32>,
      tpu.vector_store %arg30[%swap3A_335], %mul3A_334 {strides = array<i32>} : memref<3072xf32, #tpu.memory_space<vmem>>, vector<16xf32>,
      %scan3A_337 = arith.constant 0 : i32
      scf.yield %scan3A_337 : i32
    }
    %scan3A_116 = arith.constant 192 : i32
    %scan3A_117 = arith.constant 0 : i32
    %scan3A_118 = arith.constant 0 : i32
    %scan3A_119 = arith.constant 24 : i32
    %scan3A_120 = arith.addi %scan3A_118, %scan3A_119 : i32
    %scan3A_121 = arith.constant 1 : i32
    %scan3A_122 = scf.for %scan3A_175 = %scan3A_118 to %scan3A_120 step %scan3A_121 iter_args(%scan3A_176 = %scan3A_117) -> (i32)  : i32 {
      %mul3A_177 = arith.constant 128 : i32
      %mul3A_178 = arith.muli %scan3A_175, %mul3A_177 : i32
      %dma_start3A_179 = tpu.memref_slice %arg28[%mul3A_178] : memref<3072xf32, #tpu.memory_space<vmem>> -> memref<128xf32, #tpu.memory_space<vmem>>
      %dma_start3A_180 = arith.constant 0 : i32
      %dma_start3A_181 = tpu.memref_slice %arg26[%scan3A_175, %dma_start3A_180] : memref<24x128xi32, #tpu.memory_space<vmem>> -> memref<1x128xi32, #tpu.memory_space<vmem>>
      %dma_start3A_182 = tpu.memref_squeeze %dma_start3A_181 : memref<1x128xi32, #tpu.memory_space<vmem>> -> memref<128xi32, #tpu.memory_space<vmem>>
      %dma_start3A_183 = arith.constant 0 : i32
      %dma_start3A_184 = tpu.memref_slice %arg38[%dma_start3A_183] : memref<100000xf32, #tpu.memory_space<vmem_shared>> -> memref<100000xf32, #tpu.memory_space<vmem_shared>>
      tpu.enqueue_indirect_dma source(%dma_start3A_179 : memref<128xf32, #tpu.memory_space<vmem>>) target(%dma_start3A_184 : memref<100000xf32, #tpu.memory_space<vmem_shared>>) offsets(%dma_start3A_182 : memref<128xi32, #tpu.memory_space<vmem>>) semaphore(%arg45 : memref<!tpu.dma_semaphore, #tpu.memory_space<semaphore_mem>>) {add = true}
      %dma_start3A_185 = tpu.memref_slice %arg29[%mul3A_178] : memref<3072xf32, #tpu.memory_space<vmem>> -> memref<128xf32, #tpu.memory_space<vmem>>
      %dma_start3A_186 = arith.constant 0 : i32
      %dma_start3A_187 = tpu.memref_slice %arg26[%scan3A_175, %dma_start3A_186] : memref<24x128xi32, #tpu.memory_space<vmem>> -> memref<1x128xi32, #tpu.memory_space<vmem>>
      %dma_start3A_188 = tpu.memref_squeeze %dma_start3A_187 : memref<1x128xi32, #tpu.memory_space<vmem>> -> memref<128xi32, #tpu.memory_space<vmem>>
      %dma_start3A_189 = arith.constant 0 : i32
      %dma_start3A_190 = tpu.memref_slice %arg39[%dma_start3A_189] : memref<100000xf32, #tpu.memory_space<vmem_shared>> -> memref<100000xf32, #tpu.memory_space<vmem_shared>>
      tpu.enqueue_indirect_dma source(%dma_start3A_185 : memref<128xf32, #tpu.memory_space<vmem>>) target(%dma_start3A_190 : memref<100000xf32, #tpu.memory_space<vmem_shared>>) offsets(%dma_start3A_188 : memref<128xi32, #tpu.memory_space<vmem>>) semaphore(%arg45 : memref<!tpu.dma_semaphore, #tpu.memory_space<semaphore_mem>>) {add = true}
      %dma_start3A_191 = tpu.memref_slice %arg30[%mul3A_178] : memref<3072xf32, #tpu.memory_space<vmem>> -> memref<128xf32, #tpu.memory_space<vmem>>
      %dma_start3A_192 = arith.constant 0 : i32
      %dma_start3A_193 = tpu.memref_slice %arg26[%scan3A_175, %dma_start3A_192] : memref<24x128xi32, #tpu.memory_space<vmem>> -> memref<1x128xi32, #tpu.memory_space<vmem>>
      %dma_start3A_194 = tpu.memref_squeeze %dma_start3A_193 : memref<1x128xi32, #tpu.memory_space<vmem>> -> memref<128xi32, #tpu.memory_space<vmem>>
      %dma_start3A_195 = arith.constant 0 : i32
      %dma_start3A_196 = tpu.memref_slice %arg40[%dma_start3A_195] : memref<100000xf32, #tpu.memory_space<vmem_shared>> -> memref<100000xf32, #tpu.memory_space<vmem_shared>>
      tpu.enqueue_indirect_dma source(%dma_start3A_191 : memref<128xf32, #tpu.memory_space<vmem>>) target(%dma_start3A_196 : memref<100000xf32, #tpu.memory_space<vmem_shared>>) offsets(%dma_start3A_194 : memref<128xi32, #tpu.memory_space<vmem>>) semaphore(%arg45 : memref<!tpu.dma_semaphore, #tpu.memory_space<semaphore_mem>>) {add = true}
      %scan3A_197 = arith.constant 0 : i32
      scf.yield %scan3A_197 : i32
    }
    %scan3A_123 = arith.constant 24 : i32
    %scan3A_124 = arith.constant 0 : i32
    %scan3A_125 = arith.constant 0 : i32
    %scan3A_126 = arith.constant 24 : i32
    %scan3A_127 = arith.addi %scan3A_125, %scan3A_126 : i32
    %scan3A_128 = arith.constant 1 : i32
    %scan3A_129 = scf.for %scan3A_175 = %scan3A_125 to %scan3A_127 step %scan3A_128 iter_args(%scan3A_176 = %scan3A_124) -> (i32)  : i32 {
      %mul3A_177 = arith.constant 128 : i32
      %mul3A_178 = arith.muli %scan3A_175, %mul3A_177 : i32
      %dma_wait3A_179 = tpu.memref_slice %arg28[%mul3A_178] : memref<3072xf32, #tpu.memory_space<vmem>> -> memref<128xf32, #tpu.memory_space<vmem>>
      %dma_wait3A_180 = arith.constant 0 : i32
      %dma_wait3A_181 = tpu.memref_slice %arg26[%scan3A_175, %dma_wait3A_180] : memref<24x128xi32, #tpu.memory_space<vmem>> -> memref<1x128xi32, #tpu.memory_space<vmem>>
      %dma_wait3A_182 = tpu.memref_squeeze %dma_wait3A_181 : memref<1x128xi32, #tpu.memory_space<vmem>> -> memref<128xi32, #tpu.memory_space<vmem>>
      %dma_wait3A_183 = arith.constant 0 : i32
      %dma_wait3A_184 = tpu.memref_slice %arg38[%dma_wait3A_183] : memref<100000xf32, #tpu.memory_space<vmem_shared>> -> memref<100000xf32, #tpu.memory_space<vmem_shared>>
      tpu.wait_indirect_dma semaphore(%arg45 : memref<!tpu.dma_semaphore, #tpu.memory_space<semaphore_mem>>) src(%dma_wait3A_179 : memref<128xf32, #tpu.memory_space<vmem>>) dst(%dma_wait3A_184 : memref<100000xf32, #tpu.memory_space<vmem_shared>>)
      %dma_wait3A_185 = tpu.memref_slice %arg29[%mul3A_178] : memref<3072xf32, #tpu.memory_space<vmem>> -> memref<128xf32, #tpu.memory_space<vmem>>
      %dma_wait3A_186 = arith.constant 0 : i32
      %dma_wait3A_187 = tpu.memref_slice %arg26[%scan3A_175, %dma_wait3A_186] : memref<24x128xi32, #tpu.memory_space<vmem>> -> memref<1x128xi32, #tpu.memory_space<vmem>>
      %dma_wait3A_188 = tpu.memref_squeeze %dma_wait3A_187 : memref<1x128xi32, #tpu.memory_space<vmem>> -> memref<128xi32, #tpu.memory_space<vmem>>
      %dma_wait3A_189 = arith.constant 0 : i32
      %dma_wait3A_190 = tpu.memref_slice %arg39[%dma_wait3A_189] : memref<100000xf32, #tpu.memory_space<vmem_shared>> -> memref<100000xf32, #tpu.memory_space<vmem_shared>>
      tpu.wait_indirect_dma semaphore(%arg45 : memref<!tpu.dma_semaphore, #tpu.memory_space<semaphore_mem>>) src(%dma_wait3A_185 : memref<128xf32, #tpu.memory_space<vmem>>) dst(%dma_wait3A_190 : memref<100000xf32, #tpu.memory_space<vmem_shared>>)
      %dma_wait3A_191 = tpu.memref_slice %arg30[%mul3A_178] : memref<3072xf32, #tpu.memory_space<vmem>> -> memref<128xf32, #tpu.memory_space<vmem>>
      %dma_wait3A_192 = arith.constant 0 : i32
      %dma_wait3A_193 = tpu.memref_slice %arg26[%scan3A_175, %dma_wait3A_192] : memref<24x128xi32, #tpu.memory_space<vmem>> -> memref<1x128xi32, #tpu.memory_space<vmem>>
      %dma_wait3A_194 = tpu.memref_squeeze %dma_wait3A_193 : memref<1x128xi32, #tpu.memory_space<vmem>> -> memref<128xi32, #tpu.memory_space<vmem>>
      %dma_wait3A_195 = arith.constant 0 : i32
      %dma_wait3A_196 = tpu.memref_slice %arg40[%dma_wait3A_195] : memref<100000xf32, #tpu.memory_space<vmem_shared>> -> memref<100000xf32, #tpu.memory_space<vmem_shared>>
      tpu.wait_indirect_dma semaphore(%arg45 : memref<!tpu.dma_semaphore, #tpu.memory_space<semaphore_mem>>) src(%dma_wait3A_191 : memref<128xf32, #tpu.memory_space<vmem>>) dst(%dma_wait3A_196 : memref<100000xf32, #tpu.memory_space<vmem_shared>>)
      %scan3A_197 = arith.constant 0 : i32
      scf.yield %scan3A_197 : i32
    }
    %scan3A_130 = arith.constant 24 : i32
    %dma_wait3A_131 = arith.constant 0 : i32
    %dma_wait3A_132 = tpu.memref_slice %arg35[%dma_wait3A_131] : memref<100000xf32, #tpu.memory_space<vmem_shared>> -> memref<100000xf32, #tpu.memory_space<vmem_shared>>
    tpu.wait_indirect_dma semaphore(%arg44 : memref<!tpu.dma_semaphore, #tpu.memory_space<semaphore_mem>>) src(%dma_wait3A_132 : memref<100000xf32, #tpu.memory_space<vmem_shared>>) dst(%arg20 : memref<3072xf32, #tpu.memory_space<vmem>>)
    %dma_wait3A_133 = arith.constant 0 : i32
    %dma_wait3A_134 = tpu.memref_slice %arg36[%dma_wait3A_133] : memref<100000xf32, #tpu.memory_space<vmem_shared>> -> memref<100000xf32, #tpu.memory_space<vmem_shared>>
    tpu.wait_indirect_dma semaphore(%arg44 : memref<!tpu.dma_semaphore, #tpu.memory_space<semaphore_mem>>) src(%dma_wait3A_134 : memref<100000xf32, #tpu.memory_space<vmem_shared>>) dst(%arg21 : memref<3072xf32, #tpu.memory_space<vmem>>)
    %dma_wait3A_135 = arith.constant 0 : i32
    %dma_wait3A_136 = tpu.memref_slice %arg37[%dma_wait3A_135] : memref<100000xf32, #tpu.memory_space<vmem_shared>> -> memref<100000xf32, #tpu.memory_space<vmem_shared>>
    tpu.wait_indirect_dma semaphore(%arg44 : memref<!tpu.dma_semaphore, #tpu.memory_space<semaphore_mem>>) src(%dma_wait3A_136 : memref<100000xf32, #tpu.memory_space<vmem_shared>>) dst(%arg22 : memref<3072xf32, #tpu.memory_space<vmem>>)
    %dma_wait3A_137 = arith.constant 0 : i32
    %dma_wait3A_138 = tpu.memref_slice %arg35[%dma_wait3A_137] : memref<100000xf32, #tpu.memory_space<vmem_shared>> -> memref<100000xf32, #tpu.memory_space<vmem_shared>>
    tpu.wait_indirect_dma semaphore(%arg44 : memref<!tpu.dma_semaphore, #tpu.memory_space<semaphore_mem>>) src(%dma_wait3A_138 : memref<100000xf32, #tpu.memory_space<vmem_shared>>) dst(%arg23 : memref<3072xf32, #tpu.memory_space<vmem>>)
    %dma_wait3A_139 = arith.constant 0 : i32
    %dma_wait3A_140 = tpu.memref_slice %arg36[%dma_wait3A_139] : memref<100000xf32, #tpu.memory_space<vmem_shared>> -> memref<100000xf32, #tpu.memory_space<vmem_shared>>
    tpu.wait_indirect_dma semaphore(%arg44 : memref<!tpu.dma_semaphore, #tpu.memory_space<semaphore_mem>>) src(%dma_wait3A_140 : memref<100000xf32, #tpu.memory_space<vmem_shared>>) dst(%arg24 : memref<3072xf32, #tpu.memory_space<vmem>>)
    %dma_wait3A_141 = arith.constant 0 : i32
    %dma_wait3A_142 = tpu.memref_slice %arg37[%dma_wait3A_141] : memref<100000xf32, #tpu.memory_space<vmem_shared>> -> memref<100000xf32, #tpu.memory_space<vmem_shared>>
    tpu.wait_indirect_dma semaphore(%arg44 : memref<!tpu.dma_semaphore, #tpu.memory_space<semaphore_mem>>) src(%dma_wait3A_142 : memref<100000xf32, #tpu.memory_space<vmem_shared>>) dst(%arg25 : memref<3072xf32, #tpu.memory_space<vmem>>)
    %scan3A_143 = arith.constant 0 : i32
    %scan3A_144 = arith.constant 0 : i32
    %scan3A_145 = arith.constant 192 : i32
    %scan3A_146 = arith.addi %scan3A_144, %scan3A_145 : i32
    %scan3A_147 = arith.constant 1 : i32
    %scan3A_148 = scf.for %scan3A_175 = %scan3A_144 to %scan3A_146 step %scan3A_147 iter_args(%scan3A_176 = %scan3A_143) -> (i32)  : i32 {
      %mul3A_177 = arith.constant 16 : i32
      %mul3A_178 = arith.muli %scan3A_175, %mul3A_177 : i32
      %jit3A = arith.constant 8 : i32
      %div3A_179 = arith.divsi %scan3A_175, %jit3A : i32
      %sign3A = arith.constant 0 : i32
      %sign3A_180 = arith.cmpi sgt, %scan3A_175, %sign3A : i32
      %sign3A_181 = arith.extui %sign3A_180 : i1 to i32
      %sign3A_182 = arith.constant 0 : i32
      %sign3A_183 = arith.cmpi slt, %scan3A_175, %sign3A_182 : i32
      %sign3A_184 = arith.extui %sign3A_183 : i1 to i32
      %sign3A_185 = arith.subi %sign3A_181, %sign3A_184 : i32
      %sign3A_186 = arith.constant 0 : i32
      %sign3A_187 = arith.cmpi sgt, %jit3A, %sign3A_186 : i32
      %sign3A_188 = arith.extui %sign3A_187 : i1 to i32
      %sign3A_189 = arith.constant 0 : i32
      %sign3A_190 = arith.cmpi slt, %jit3A, %sign3A_189 : i32
      %sign3A_191 = arith.extui %sign3A_190 : i1 to i32
      %sign3A_192 = arith.subi %sign3A_188, %sign3A_191 : i32
      %ne3A = arith.cmpi ne, %sign3A_185, %sign3A_192 : i32
      %rem3A = arith.remsi %scan3A_175, %jit3A : i32
      %ne3A_193 = arith.constant 0 : i32
      %ne3A_194 = arith.cmpi ne, %rem3A, %ne3A_193 : i32
      %and3A = arith.andi %ne3A, %ne3A_194 : i1
      %sub3A = arith.constant 1 : i32
      %sub3A_195 = arith.subi %div3A_179, %sub3A : i32
      %select_n3A = arith.select %and3A, %sub3A_195, %div3A_179 : i32
      %jit3A_196 = arith.constant 8 : i32
      %eq3A_197 = arith.constant 0 : i32
      %eq3A_198 = arith.cmpi eq, %jit3A_196, %eq3A_197 : i32
      %jit3A_199 = arith.constant 1 : i32
      %select_n3A_200 = arith.select %eq3A_198, %jit3A_199, %jit3A_196 : i32
      %rem3A_201 = arith.remsi %scan3A_175, %select_n3A_200 : i32
      %ne3A_202 = arith.constant 0 : i32
      %ne3A_203 = arith.cmpi ne, %rem3A_201, %ne3A_202 : i32
      %lt3A_204 = arith.constant 0 : i32
      %lt3A_205 = arith.cmpi slt, %rem3A_201, %lt3A_204 : i32
      %lt3A_206 = arith.constant 0 : i32
      %lt3A_207 = arith.cmpi slt, %select_n3A_200, %lt3A_206 : i32
      %ne3A_208 = arith.xori %lt3A_205, %lt3A_207 : i1
      %and3A_209 = arith.andi %ne3A_208, %ne3A_203 : i1
      %add3A_210 = arith.addi %rem3A_201, %select_n3A_200 : i32
      %select_n3A_211 = arith.select %and3A_209, %add3A_210, %rem3A_201 : i32
      %mul3A_212 = arith.constant 16 : i32
      %mul3A_213 = arith.muli %select_n3A_211, %mul3A_212 : i32
      %get3A_214 = arith.index_cast %mul3A_178 : i32 to index
      %get3A_215 = tpu.vector_load %arg20[%get3A_214] {strides = array<i32>} : memref<3072xf32, #tpu.memory_space<vmem>>, vector<16xf32>,
      %get3A_216 = arith.index_cast %mul3A_178 : i32 to index
      %get3A_217 = tpu.vector_load %arg21[%get3A_216] {strides = array<i32>} : memref<3072xf32, #tpu.memory_space<vmem>>, vector<16xf32>,
      %get3A_218 = arith.index_cast %mul3A_178 : i32 to index
      %get3A_219 = tpu.vector_load %arg22[%get3A_218] {strides = array<i32>} : memref<3072xf32, #tpu.memory_space<vmem>>, vector<16xf32>,
      %bitcast3A = vector.bitcast %get3A_219 : vector<16xf32> to vector<16xi32>
      %and3A_220 = arith.constant 7 : i32
      %and3A_221 = vector.broadcast %and3A_220 : i32 to vector<16xi32>
      %and3A_222 = arith.andi %bitcast3A, %and3A_221 : vector<16xi32>
      %and3A_223 = arith.constant -8 : i32
      %and3A_224 = vector.broadcast %and3A_223 : i32 to vector<16xi32>
      %and3A_225 = arith.andi %bitcast3A, %and3A_224 : vector<16xi32>
      %bitcast3A_226 = vector.bitcast %and3A_225 : vector<16xi32> to vector<16xf32>
      %get3A_227 = arith.index_cast %mul3A_178 : i32 to index
      %get3A_228 = tpu.vector_load %arg23[%get3A_227] {strides = array<i32>} : memref<3072xf32, #tpu.memory_space<vmem>>, vector<16xf32>,
      %get3A_229 = arith.index_cast %mul3A_178 : i32 to index
      %get3A_230 = tpu.vector_load %arg24[%get3A_229] {strides = array<i32>} : memref<3072xf32, #tpu.memory_space<vmem>>, vector<16xf32>,
      %get3A_231 = arith.index_cast %mul3A_178 : i32 to index
      %get3A_232 = tpu.vector_load %arg25[%get3A_231] {strides = array<i32>} : memref<3072xf32, #tpu.memory_space<vmem>>, vector<16xf32>,
      %bitcast3A_233 = vector.bitcast %get3A_232 : vector<16xf32> to vector<16xi32>
      %and3A_234 = arith.constant -8 : i32
      %and3A_235 = vector.broadcast %and3A_234 : i32 to vector<16xi32>
      %and3A_236 = arith.andi %bitcast3A_233, %and3A_235 : vector<16xi32>
      %bitcast3A_237 = vector.bitcast %and3A_236 : vector<16xi32> to vector<16xf32>
      %get3A_238 = arith.index_cast %mul3A_178 : i32 to index
      %get3A_239 = tpu.vector_load %arg12[%get3A_238] {strides = array<i32>} : memref<3072xi32, #tpu.memory_space<vmem>>, vector<16xi32>,
      %get3A_240 = arith.index_cast %mul3A_178 : i32 to index
      %get3A_241 = tpu.vector_load %arg13[%get3A_240] {strides = array<i32>} : memref<3072xi32, #tpu.memory_space<vmem>>, vector<16xi32>,
      %swap3A = arith.index_cast %select_n3A : i32 to index
      %swap3A_242 = arith.index_cast %mul3A_213 : i32 to index
      %swap3A_243 = tpu.vector_load %arg27[%swap3A, %swap3A_242] {strides = array<i32>} : memref<24x128xi32, #tpu.memory_space<vmem>>, vector<16xi32>,
      tpu.vector_store %arg27[%swap3A, %swap3A_242], %get3A_239 {strides = array<i32>} : memref<24x128xi32, #tpu.memory_space<vmem>>, vector<16xi32>,
      %sub3A_244 = arith.subf %get3A_228, %get3A_215 : vector<16xf32>
      %sub3A_245 = arith.subf %get3A_230, %get3A_217 : vector<16xf32>
      %sub3A_246 = arith.subf %bitcast3A_237, %bitcast3A_226 : vector<16xf32>
      %mul3A_247 = arith.mulf %sub3A_244, %sub3A_244 : vector<16xf32>
      %mul3A_248 = arith.mulf %sub3A_245, %sub3A_245 : vector<16xf32>
      %add3A_249 = arith.addf %mul3A_247, %mul3A_248 : vector<16xf32>
      %mul3A_250 = arith.mulf %sub3A_246, %sub3A_246 : vector<16xf32>
      %add3A_251 = arith.addf %add3A_249, %mul3A_250 : vector<16xf32>
      %max3A_252 = arith.constant 1.000000e-30 : f32
      %max3A_253 = vector.broadcast %max3A_252 : f32 to vector<16xf32>
      %max3A_254 = arith.maximumf %add3A_251, %max3A_253 : vector<16xf32>
      %bitcast3A_255 = vector.bitcast %max3A_254 : vector<16xf32> to vector<16xi32>
      %shift_right_arithmetic3A = arith.constant 1 : i32
      %shift_right_arithmetic3A_256 = vector.broadcast %shift_right_arithmetic3A : i32 to vector<16xi32>
      %shift_right_arithmetic3A_257 = arith.shrsi %bitcast3A_255, %shift_right_arithmetic3A_256 : vector<16xi32>
      %sub3A_258 = arith.constant 1597463007 : i32
      %sub3A_259 = vector.broadcast %sub3A_258 : i32 to vector<16xi32>
      %sub3A_260 = arith.subi %sub3A_259, %shift_right_arithmetic3A_257 : vector<16xi32>
      %bitcast3A_261 = vector.bitcast %sub3A_260 : vector<16xi32> to vector<16xf32>
      %mul3A_262 = arith.constant 5.000000e-01 : f32
      %mul3A_263 = vector.broadcast %mul3A_262 : f32 to vector<16xf32>
      %mul3A_264 = arith.mulf %mul3A_263, %max3A_254 : vector<16xf32>
      %mul3A_265 = arith.mulf %mul3A_264, %bitcast3A_261 : vector<16xf32>
      %mul3A_266 = arith.mulf %mul3A_265, %bitcast3A_261 : vector<16xf32>
      %sub3A_267 = arith.constant 1.500000e+00 : f32
      %sub3A_268 = vector.broadcast %sub3A_267 : f32 to vector<16xf32>
      %sub3A_269 = arith.subf %sub3A_268, %mul3A_266 : vector<16xf32>
      %mul3A_270 = arith.mulf %bitcast3A_261, %sub3A_269 : vector<16xf32>
      %mul3A_271 = arith.mulf %mul3A_264, %mul3A_270 : vector<16xf32>
      %mul3A_272 = arith.mulf %mul3A_271, %mul3A_270 : vector<16xf32>
      %sub3A_273 = arith.constant 1.500000e+00 : f32
      %sub3A_274 = vector.broadcast %sub3A_273 : f32 to vector<16xf32>
      %sub3A_275 = arith.subf %sub3A_274, %mul3A_272 : vector<16xf32>
      %mul3A_276 = arith.mulf %mul3A_270, %sub3A_275 : vector<16xf32>
      %mul3A_277 = arith.mulf %mul3A_264, %mul3A_276 : vector<16xf32>
      %mul3A_278 = arith.mulf %mul3A_277, %mul3A_276 : vector<16xf32>
      %sub3A_279 = arith.constant 1.500000e+00 : f32
      %sub3A_280 = vector.broadcast %sub3A_279 : f32 to vector<16xf32>
      %sub3A_281 = arith.subf %sub3A_280, %mul3A_278 : vector<16xf32>
      %mul3A_282 = arith.mulf %mul3A_276, %sub3A_281 : vector<16xf32>
      %mul3A_283 = arith.mulf %max3A_254, %mul3A_282 : vector<16xf32>
      %min3A = arith.constant 1.000000e+08 : f32
      %min3A_284 = vector.broadcast %min3A : f32 to vector<16xf32>
      %min3A_285 = arith.minimumf %mul3A_282, %min3A_284 : vector<16xf32>
      %broadcast_in_dim3A = vector.shape_cast %and3A_222 : vector<16xi32> to vector<16x1xi32>
      %gather3A = vector.shape_cast %broadcast_in_dim3A : vector<16x1xi32> to vector<16xi32>
      %gather3A_286 = tpu.dynamic_gather %mul3A_32[%gather3A] in [0] : vector<16xf32>, vector<16xi32> -> vector<16xf32>
      %broadcast_in_dim3A_287 = vector.shape_cast %and3A_222 : vector<16xi32> to vector<16x1xi32>
      %gather3A_288 = vector.shape_cast %broadcast_in_dim3A_287 : vector<16x1xi32> to vector<16xi32>
      %gather3A_289 = tpu.dynamic_gather %mul3A_33[%gather3A_288] in [0] : vector<16xf32>, vector<16xi32> -> vector<16xf32>
      %broadcast_in_dim3A_290 = vector.shape_cast %and3A_222 : vector<16xi32> to vector<16x1xi32>
      %gather3A_291 = vector.shape_cast %broadcast_in_dim3A_290 : vector<16x1xi32> to vector<16xi32>
      %gather3A_292 = tpu.dynamic_gather %get3A_15[%gather3A_291] in [0] : vector<16xf32>, vector<16xi32> -> vector<16xf32>
      %broadcast_in_dim3A_293 = vector.shape_cast %and3A_222 : vector<16xi32> to vector<16x1xi32>
      %gather3A_294 = vector.shape_cast %broadcast_in_dim3A_293 : vector<16x1xi32> to vector<16xi32>
      %gather3A_295 = tpu.dynamic_gather %get3A_23[%gather3A_294] in [0] : vector<16xf32>, vector<16xi32> -> vector<16xf32>
      %broadcast_in_dim3A_296 = vector.shape_cast %and3A_222 : vector<16xi32> to vector<16x1xi32>
      %gather3A_297 = vector.shape_cast %broadcast_in_dim3A_296 : vector<16x1xi32> to vector<16xi32>
      %gather3A_298 = tpu.dynamic_gather %div3A_37[%gather3A_297] in [0] : vector<16xf32>, vector<16xi32> -> vector<16xf32>
      %sub3A_299 = arith.subf %mul3A_283, %gather3A_292 : vector<16xf32>
      %neg3A = arith.constant 0.000000e+00 : f32
      %neg3A_300 = vector.broadcast %neg3A : f32 to vector<16xf32>
      %neg3A_301 = arith.subf %neg3A_300, %sub3A_299 : vector<16xf32>
      %max3A_302 = arith.constant 0.000000e+00 : f32
      %max3A_303 = vector.broadcast %max3A_302 : f32 to vector<16xf32>
      %max3A_304 = arith.maximumf %neg3A_301, %max3A_303 : vector<16xf32>
      %mul3A_305 = arith.mulf %gather3A_286, %max3A_304 : vector<16xf32>
      %mul3A_306 = arith.mulf %sub3A_299, %gather3A_298 : vector<16xf32>
      %neg3A_307 = arith.constant 0.000000e+00 : f32
      %neg3A_308 = vector.broadcast %neg3A_307 : f32 to vector<16xf32>
      %neg3A_309 = arith.subf %neg3A_308, %mul3A_306 : vector<16xf32>
      %exp3A = math.exp %neg3A_309 : vector<16xf32>
      %sub3A_310 = arith.subf %mul3A_283, %gather3A_295 : vector<16xf32>
      %mul3A_311 = arith.mulf %sub3A_310, %gather3A_298 : vector<16xf32>
      %exp3A_312 = math.exp %mul3A_311 : vector<16xf32>
      %add3A_313 = arith.constant 1.000000e+00 : f32
      %add3A_314 = vector.broadcast %add3A_313 : f32 to vector<16xf32>
      %add3A_315 = arith.addf %add3A_314, %exp3A : vector<16xf32>
      %add3A_316 = arith.constant 1.000000e+00 : f32
      %add3A_317 = vector.broadcast %add3A_316 : f32 to vector<16xf32>
      %add3A_318 = arith.addf %add3A_317, %exp3A_312 : vector<16xf32>
      %mul3A_319 = arith.mulf %add3A_315, %add3A_318 : vector<16xf32>
      %mul3A_320 = arith.mulf %gather3A_289, %sub3A_299 : vector<16xf32>
      %div3A_321 = arith.divf %mul3A_320, %mul3A_319 : vector<16xf32>
      %sub3A_322 = arith.subf %div3A_321, %mul3A_305 : vector<16xf32>
      %mul3A_323 = arith.mulf %sub3A_322, %min3A_285 : vector<16xf32>
      %eq3A_324 = arith.cmpi eq, %get3A_241, %get3A_239 : vector<16xi32>
      %jit3A_325 = arith.constant 0.000000e+00 : f32
      %broadcast_in_dim3A_326 = vector.broadcast %jit3A_325 : f32 to vector<16xf32>
      %select_n3A_327 = arith.select %eq3A_324, %broadcast_in_dim3A_326, %mul3A_323 : vector<16xi1>, vector<16xf32>
      %mul3A_328 = arith.mulf %select_n3A_327, %sub3A_244 : vector<16xf32>
      %swap3A_329 = arith.index_cast %mul3A_178 : i32 to index
      %swap3A_330 = tpu.vector_load %arg31[%swap3A_329] {strides = array<i32>} : memref<3072xf32, #tpu.memory_space<vmem>>, vector<16xf32>,
      tpu.vector_store %arg31[%swap3A_329], %mul3A_328 {strides = array<i32>} : memref<3072xf32, #tpu.memory_space<vmem>>, vector<16xf32>,
      %mul3A_331 = arith.mulf %select_n3A_327, %sub3A_245 : vector<16xf32>
      %swap3A_332 = arith.index_cast %mul3A_178 : i32 to index
      %swap3A_333 = tpu.vector_load %arg32[%swap3A_332] {strides = array<i32>} : memref<3072xf32, #tpu.memory_space<vmem>>, vector<16xf32>,
      tpu.vector_store %arg32[%swap3A_332], %mul3A_331 {strides = array<i32>} : memref<3072xf32, #tpu.memory_space<vmem>>, vector<16xf32>,
      %mul3A_334 = arith.mulf %select_n3A_327, %sub3A_246 : vector<16xf32>
      %swap3A_335 = arith.index_cast %mul3A_178 : i32 to index
      %swap3A_336 = tpu.vector_load %arg33[%swap3A_335] {strides = array<i32>} : memref<3072xf32, #tpu.memory_space<vmem>>, vector<16xf32>,
      tpu.vector_store %arg33[%swap3A_335], %mul3A_334 {strides = array<i32>} : memref<3072xf32, #tpu.memory_space<vmem>>, vector<16xf32>,
      %scan3A_337 = arith.constant 0 : i32
      scf.yield %scan3A_337 : i32
    }
    %scan3A_149 = arith.constant 192 : i32
    %scan3A_150 = arith.constant 0 : i32
    %scan3A_151 = arith.constant 0 : i32
    %scan3A_152 = arith.constant 24 : i32
    %scan3A_153 = arith.addi %scan3A_151, %scan3A_152 : i32
    %scan3A_154 = arith.constant 1 : i32
    %scan3A_155 = scf.for %scan3A_175 = %scan3A_151 to %scan3A_153 step %scan3A_154 iter_args(%scan3A_176 = %scan3A_150) -> (i32)  : i32 {
      %mul3A_177 = arith.constant 128 : i32
      %mul3A_178 = arith.muli %scan3A_175, %mul3A_177 : i32
      %dma_start3A_179 = tpu.memref_slice %arg31[%mul3A_178] : memref<3072xf32, #tpu.memory_space<vmem>> -> memref<128xf32, #tpu.memory_space<vmem>>
      %dma_start3A_180 = arith.constant 0 : i32
      %dma_start3A_181 = tpu.memref_slice %arg27[%scan3A_175, %dma_start3A_180] : memref<24x128xi32, #tpu.memory_space<vmem>> -> memref<1x128xi32, #tpu.memory_space<vmem>>
      %dma_start3A_182 = tpu.memref_squeeze %dma_start3A_181 : memref<1x128xi32, #tpu.memory_space<vmem>> -> memref<128xi32, #tpu.memory_space<vmem>>
      %dma_start3A_183 = arith.constant 0 : i32
      %dma_start3A_184 = tpu.memref_slice %arg38[%dma_start3A_183] : memref<100000xf32, #tpu.memory_space<vmem_shared>> -> memref<100000xf32, #tpu.memory_space<vmem_shared>>
      tpu.enqueue_indirect_dma source(%dma_start3A_179 : memref<128xf32, #tpu.memory_space<vmem>>) target(%dma_start3A_184 : memref<100000xf32, #tpu.memory_space<vmem_shared>>) offsets(%dma_start3A_182 : memref<128xi32, #tpu.memory_space<vmem>>) semaphore(%arg46 : memref<!tpu.dma_semaphore, #tpu.memory_space<semaphore_mem>>) {add = true}
      %dma_start3A_185 = tpu.memref_slice %arg32[%mul3A_178] : memref<3072xf32, #tpu.memory_space<vmem>> -> memref<128xf32, #tpu.memory_space<vmem>>
      %dma_start3A_186 = arith.constant 0 : i32
      %dma_start3A_187 = tpu.memref_slice %arg27[%scan3A_175, %dma_start3A_186] : memref<24x128xi32, #tpu.memory_space<vmem>> -> memref<1x128xi32, #tpu.memory_space<vmem>>
      %dma_start3A_188 = tpu.memref_squeeze %dma_start3A_187 : memref<1x128xi32, #tpu.memory_space<vmem>> -> memref<128xi32, #tpu.memory_space<vmem>>
      %dma_start3A_189 = arith.constant 0 : i32
      %dma_start3A_190 = tpu.memref_slice %arg39[%dma_start3A_189] : memref<100000xf32, #tpu.memory_space<vmem_shared>> -> memref<100000xf32, #tpu.memory_space<vmem_shared>>
      tpu.enqueue_indirect_dma source(%dma_start3A_185 : memref<128xf32, #tpu.memory_space<vmem>>) target(%dma_start3A_190 : memref<100000xf32, #tpu.memory_space<vmem_shared>>) offsets(%dma_start3A_188 : memref<128xi32, #tpu.memory_space<vmem>>) semaphore(%arg46 : memref<!tpu.dma_semaphore, #tpu.memory_space<semaphore_mem>>) {add = true}
      %dma_start3A_191 = tpu.memref_slice %arg33[%mul3A_178] : memref<3072xf32, #tpu.memory_space<vmem>> -> memref<128xf32, #tpu.memory_space<vmem>>
      %dma_start3A_192 = arith.constant 0 : i32
      %dma_start3A_193 = tpu.memref_slice %arg27[%scan3A_175, %dma_start3A_192] : memref<24x128xi32, #tpu.memory_space<vmem>> -> memref<1x128xi32, #tpu.memory_space<vmem>>
      %dma_start3A_194 = tpu.memref_squeeze %dma_start3A_193 : memref<1x128xi32, #tpu.memory_space<vmem>> -> memref<128xi32, #tpu.memory_space<vmem>>
      %dma_start3A_195 = arith.constant 0 : i32
      %dma_start3A_196 = tpu.memref_slice %arg40[%dma_start3A_195] : memref<100000xf32, #tpu.memory_space<vmem_shared>> -> memref<100000xf32, #tpu.memory_space<vmem_shared>>
      tpu.enqueue_indirect_dma source(%dma_start3A_191 : memref<128xf32, #tpu.memory_space<vmem>>) target(%dma_start3A_196 : memref<100000xf32, #tpu.memory_space<vmem_shared>>) offsets(%dma_start3A_194 : memref<128xi32, #tpu.memory_space<vmem>>) semaphore(%arg46 : memref<!tpu.dma_semaphore, #tpu.memory_space<semaphore_mem>>) {add = true}
      %scan3A_197 = arith.constant 0 : i32
      scf.yield %scan3A_197 : i32
    }
    %scan3A_156 = arith.constant 24 : i32
    %scan3A_157 = arith.constant 0 : i32
    %scan3A_158 = arith.constant 0 : i32
    %scan3A_159 = arith.constant 24 : i32
    %scan3A_160 = arith.addi %scan3A_158, %scan3A_159 : i32
    %scan3A_161 = arith.constant 1 : i32
    %scan3A_162 = scf.for %scan3A_175 = %scan3A_158 to %scan3A_160 step %scan3A_161 iter_args(%scan3A_176 = %scan3A_157) -> (i32)  : i32 {
      %mul3A_177 = arith.constant 128 : i32
      %mul3A_178 = arith.muli %scan3A_175, %mul3A_177 : i32
      %dma_wait3A_179 = tpu.memref_slice %arg31[%mul3A_178] : memref<3072xf32, #tpu.memory_space<vmem>> -> memref<128xf32, #tpu.memory_space<vmem>>
      %dma_wait3A_180 = arith.constant 0 : i32
      %dma_wait3A_181 = tpu.memref_slice %arg27[%scan3A_175, %dma_wait3A_180] : memref<24x128xi32, #tpu.memory_space<vmem>> -> memref<1x128xi32, #tpu.memory_space<vmem>>
      %dma_wait3A_182 = tpu.memref_squeeze %dma_wait3A_181 : memref<1x128xi32, #tpu.memory_space<vmem>> -> memref<128xi32, #tpu.memory_space<vmem>>
      %dma_wait3A_183 = arith.constant 0 : i32
      %dma_wait3A_184 = tpu.memref_slice %arg38[%dma_wait3A_183] : memref<100000xf32, #tpu.memory_space<vmem_shared>> -> memref<100000xf32, #tpu.memory_space<vmem_shared>>
      tpu.wait_indirect_dma semaphore(%arg46 : memref<!tpu.dma_semaphore, #tpu.memory_space<semaphore_mem>>) src(%dma_wait3A_179 : memref<128xf32, #tpu.memory_space<vmem>>) dst(%dma_wait3A_184 : memref<100000xf32, #tpu.memory_space<vmem_shared>>)
      %dma_wait3A_185 = tpu.memref_slice %arg32[%mul3A_178] : memref<3072xf32, #tpu.memory_space<vmem>> -> memref<128xf32, #tpu.memory_space<vmem>>
      %dma_wait3A_186 = arith.constant 0 : i32
      %dma_wait3A_187 = tpu.memref_slice %arg27[%scan3A_175, %dma_wait3A_186] : memref<24x128xi32, #tpu.memory_space<vmem>> -> memref<1x128xi32, #tpu.memory_space<vmem>>
      %dma_wait3A_188 = tpu.memref_squeeze %dma_wait3A_187 : memref<1x128xi32, #tpu.memory_space<vmem>> -> memref<128xi32, #tpu.memory_space<vmem>>
      %dma_wait3A_189 = arith.constant 0 : i32
      %dma_wait3A_190 = tpu.memref_slice %arg39[%dma_wait3A_189] : memref<100000xf32, #tpu.memory_space<vmem_shared>> -> memref<100000xf32, #tpu.memory_space<vmem_shared>>
      tpu.wait_indirect_dma semaphore(%arg46 : memref<!tpu.dma_semaphore, #tpu.memory_space<semaphore_mem>>) src(%dma_wait3A_185 : memref<128xf32, #tpu.memory_space<vmem>>) dst(%dma_wait3A_190 : memref<100000xf32, #tpu.memory_space<vmem_shared>>)
      %dma_wait3A_191 = tpu.memref_slice %arg33[%mul3A_178] : memref<3072xf32, #tpu.memory_space<vmem>> -> memref<128xf32, #tpu.memory_space<vmem>>
      %dma_wait3A_192 = arith.constant 0 : i32
      %dma_wait3A_193 = tpu.memref_slice %arg27[%scan3A_175, %dma_wait3A_192] : memref<24x128xi32, #tpu.memory_space<vmem>> -> memref<1x128xi32, #tpu.memory_space<vmem>>
      %dma_wait3A_194 = tpu.memref_squeeze %dma_wait3A_193 : memref<1x128xi32, #tpu.memory_space<vmem>> -> memref<128xi32, #tpu.memory_space<vmem>>
      %dma_wait3A_195 = arith.constant 0 : i32
      %dma_wait3A_196 = tpu.memref_slice %arg40[%dma_wait3A_195] : memref<100000xf32, #tpu.memory_space<vmem_shared>> -> memref<100000xf32, #tpu.memory_space<vmem_shared>>
      tpu.wait_indirect_dma semaphore(%arg46 : memref<!tpu.dma_semaphore, #tpu.memory_space<semaphore_mem>>) src(%dma_wait3A_191 : memref<128xf32, #tpu.memory_space<vmem>>) dst(%dma_wait3A_196 : memref<100000xf32, #tpu.memory_space<vmem_shared>>)
      %scan3A_197 = arith.constant 0 : i32
      scf.yield %scan3A_197 : i32
    }
    %scan3A_163 = arith.constant 24 : i32
    %barrier3A_164 = arith.constant 0 : index
    tpu.barrier barrier_id(%barrier3A_164)
    %lt3A_165 = arith.constant 15 : i32
    %lt3A_166 = arith.cmpi slt, %arg1, %lt3A_165 : i32
    %convert_element_type3A_167 = arith.extui %lt3A_166 : i1 to i32
    %cond3A_168 = arith.constant 0 : i32
    %cond3A_169 = arith.cmpi ne, %convert_element_type3A_167, %cond3A_168 : i32
    scf.if %cond3A_169 {
      %add3A_175 = arith.constant 0 : i32
      %add3A_176 = arith.addi %mul3A_2, %add3A_175 : i32
      %mul3A_177 = arith.constant 3 : i32
      %mul3A_178 = arith.muli %arg0, %mul3A_177 : i32
      %mul3A_179 = arith.constant 100000 : i32
      %mul3A_180 = arith.muli %mul3A_178, %mul3A_179 : i32
      %add3A_181 = arith.addi %mul3A_180, %mul3A_2 : i32
      %add3A_182 = arith.constant 0 : i32
      %add3A_183 = arith.addi %add3A_181, %add3A_182 : i32
      "tpu.region"() ({
        %run_scoped3A = tpu.sem_alloc : memref<!tpu.dma_semaphore, #tpu.memory_space<semaphore_mem>>
        %dma_start3A_283 = tpu.memref_slice %arg9[%add3A_183] : memref<600000xf32, #tpu.memory_space<hbm>> -> memref<2048xf32, #tpu.memory_space<hbm>>
        %dma_start3A_284 = tpu.memref_slice %arg38[%add3A_176] : memref<100000xf32, #tpu.memory_space<vmem_shared>> -> memref<2048xf32, #tpu.memory_space<vmem_shared>>
        tpu.enqueue_dma source(%dma_start3A_284 : memref<2048xf32, #tpu.memory_space<vmem_shared>>) target(%dma_start3A_283 : memref<2048xf32, #tpu.memory_space<hbm>>) target_semaphore(%run_scoped3A : memref<!tpu.dma_semaphore, #tpu.memory_space<semaphore_mem>>)
        %dma_wait3A_285 = tpu.memref_slice %arg9[%add3A_183] : memref<600000xf32, #tpu.memory_space<hbm>> -> memref<2048xf32, #tpu.memory_space<hbm>>
        %dma_wait3A_286 = tpu.memref_slice %arg38[%add3A_176] : memref<100000xf32, #tpu.memory_space<vmem_shared>> -> memref<2048xf32, #tpu.memory_space<vmem_shared>>
        tpu.wait_dma2 semaphore(%run_scoped3A : memref<!tpu.dma_semaphore, #tpu.memory_space<semaphore_mem>>) src(%dma_wait3A_286 : memref<2048xf32, #tpu.memory_space<vmem_shared>>) dst(%dma_wait3A_285 : memref<2048xf32, #tpu.memory_space<hbm>>)
        tpu.yield
      }) : () -> ()
      %mul3A_184 = arith.constant 3 : i32
      %mul3A_185 = arith.muli %arg0, %mul3A_184 : i32
      %add3A_186 = arith.constant 1 : i32
      %add3A_187 = arith.addi %mul3A_185, %add3A_186 : i32
      %mul3A_188 = arith.constant 100000 : i32
      %mul3A_189 = arith.muli %add3A_187, %mul3A_188 : i32
      %add3A_190 = arith.addi %mul3A_189, %mul3A_2 : i32
      %add3A_191 = arith.constant 0 : i32
      %add3A_192 = arith.addi %add3A_190, %add3A_191 : i32
      "tpu.region"() ({
        %run_scoped3A = tpu.sem_alloc : memref<!tpu.dma_semaphore, #tpu.memory_space<semaphore_mem>>
        %dma_start3A_283 = tpu.memref_slice %arg9[%add3A_192] : memref<600000xf32, #tpu.memory_space<hbm>> -> memref<2048xf32, #tpu.memory_space<hbm>>
        %dma_start3A_284 = tpu.memref_slice %arg39[%add3A_176] : memref<100000xf32, #tpu.memory_space<vmem_shared>> -> memref<2048xf32, #tpu.memory_space<vmem_shared>>
        tpu.enqueue_dma source(%dma_start3A_284 : memref<2048xf32, #tpu.memory_space<vmem_shared>>) target(%dma_start3A_283 : memref<2048xf32, #tpu.memory_space<hbm>>) target_semaphore(%run_scoped3A : memref<!tpu.dma_semaphore, #tpu.memory_space<semaphore_mem>>)
        %dma_wait3A_285 = tpu.memref_slice %arg9[%add3A_192] : memref<600000xf32, #tpu.memory_space<hbm>> -> memref<2048xf32, #tpu.memory_space<hbm>>
        %dma_wait3A_286 = tpu.memref_slice %arg39[%add3A_176] : memref<100000xf32, #tpu.memory_space<vmem_shared>> -> memref<2048xf32, #tpu.memory_space<vmem_shared>>
        tpu.wait_dma2 semaphore(%run_scoped3A : memref<!tpu.dma_semaphore, #tpu.memory_space<semaphore_mem>>) src(%dma_wait3A_286 : memref<2048xf32, #tpu.memory_space<vmem_shared>>) dst(%dma_wait3A_285 : memref<2048xf32, #tpu.memory_space<hbm>>)
        tpu.yield
      }) : () -> ()
      %mul3A_193 = arith.constant 3 : i32
      %mul3A_194 = arith.muli %arg0, %mul3A_193 : i32
      %add3A_195 = arith.constant 2 : i32
      %add3A_196 = arith.addi %mul3A_194, %add3A_195 : i32
      %mul3A_197 = arith.constant 100000 : i32
      %mul3A_198 = arith.muli %add3A_196, %mul3A_197 : i32
      %add3A_199 = arith.addi %mul3A_198, %mul3A_2 : i32
      %add3A_200 = arith.constant 0 : i32
      %add3A_201 = arith.addi %add3A_199, %add3A_200 : i32
      "tpu.region"() ({
        %run_scoped3A = tpu.sem_alloc : memref<!tpu.dma_semaphore, #tpu.memory_space<semaphore_mem>>
        %dma_start3A_283 = tpu.memref_slice %arg9[%add3A_201] : memref<600000xf32, #tpu.memory_space<hbm>> -> memref<2048xf32, #tpu.memory_space<hbm>>
        %dma_start3A_284 = tpu.memref_slice %arg40[%add3A_176] : memref<100000xf32, #tpu.memory_space<vmem_shared>> -> memref<2048xf32, #tpu.memory_space<vmem_shared>>
        tpu.enqueue_dma source(%dma_start3A_284 : memref<2048xf32, #tpu.memory_space<vmem_shared>>) target(%dma_start3A_283 : memref<2048xf32, #tpu.memory_space<hbm>>) target_semaphore(%run_scoped3A : memref<!tpu.dma_semaphore, #tpu.memory_space<semaphore_mem>>)
        %dma_wait3A_285 = tpu.memref_slice %arg9[%add3A_201] : memref<600000xf32, #tpu.memory_space<hbm>> -> memref<2048xf32, #tpu.memory_space<hbm>>
        %dma_wait3A_286 = tpu.memref_slice %arg40[%add3A_176] : memref<100000xf32, #tpu.memory_space<vmem_shared>> -> memref<2048xf32, #tpu.memory_space<vmem_shared>>
        tpu.wait_dma2 semaphore(%run_scoped3A : memref<!tpu.dma_semaphore, #tpu.memory_space<semaphore_mem>>) src(%dma_wait3A_286 : memref<2048xf32, #tpu.memory_space<vmem_shared>>) dst(%dma_wait3A_285 : memref<2048xf32, #tpu.memory_space<hbm>>)
        tpu.yield
      }) : () -> ()
      %add3A_202 = arith.constant 2048 : i32
      %add3A_203 = arith.addi %mul3A_2, %add3A_202 : i32
      %mul3A_204 = arith.constant 3 : i32
      %mul3A_205 = arith.muli %arg0, %mul3A_204 : i32
      %mul3A_206 = arith.constant 100000 : i32
      %mul3A_207 = arith.muli %mul3A_205, %mul3A_206 : i32
      %add3A_208 = arith.addi %mul3A_207, %mul3A_2 : i32
      %add3A_209 = arith.constant 2048 : i32
      %add3A_210 = arith.addi %add3A_208, %add3A_209 : i32
      "tpu.region"() ({
        %run_scoped3A = tpu.sem_alloc : memref<!tpu.dma_semaphore, #tpu.memory_space<semaphore_mem>>
        %dma_start3A_283 = tpu.memref_slice %arg9[%add3A_210] : memref<600000xf32, #tpu.memory_space<hbm>> -> memref<2048xf32, #tpu.memory_space<hbm>>
        %dma_start3A_284 = tpu.memref_slice %arg38[%add3A_203] : memref<100000xf32, #tpu.memory_space<vmem_shared>> -> memref<2048xf32, #tpu.memory_space<vmem_shared>>
        tpu.enqueue_dma source(%dma_start3A_284 : memref<2048xf32, #tpu.memory_space<vmem_shared>>) target(%dma_start3A_283 : memref<2048xf32, #tpu.memory_space<hbm>>) target_semaphore(%run_scoped3A : memref<!tpu.dma_semaphore, #tpu.memory_space<semaphore_mem>>)
        %dma_wait3A_285 = tpu.memref_slice %arg9[%add3A_210] : memref<600000xf32, #tpu.memory_space<hbm>> -> memref<2048xf32, #tpu.memory_space<hbm>>
        %dma_wait3A_286 = tpu.memref_slice %arg38[%add3A_203] : memref<100000xf32, #tpu.memory_space<vmem_shared>> -> memref<2048xf32, #tpu.memory_space<vmem_shared>>
        tpu.wait_dma2 semaphore(%run_scoped3A : memref<!tpu.dma_semaphore, #tpu.memory_space<semaphore_mem>>) src(%dma_wait3A_286 : memref<2048xf32, #tpu.memory_space<vmem_shared>>) dst(%dma_wait3A_285 : memref<2048xf32, #tpu.memory_space<hbm>>)
        tpu.yield
      }) : () -> ()
      %mul3A_211 = arith.constant 3 : i32
      %mul3A_212 = arith.muli %arg0, %mul3A_211 : i32
      %add3A_213 = arith.constant 1 : i32
      %add3A_214 = arith.addi %mul3A_212, %add3A_213 : i32
      %mul3A_215 = arith.constant 100000 : i32
      %mul3A_216 = arith.muli %add3A_214, %mul3A_215 : i32
      %add3A_217 = arith.addi %mul3A_216, %mul3A_2 : i32
      %add3A_218 = arith.constant 2048 : i32
      %add3A_219 = arith.addi %add3A_217, %add3A_218 : i32
      "tpu.region"() ({
        %run_scoped3A = tpu.sem_alloc : memref<!tpu.dma_semaphore, #tpu.memory_space<semaphore_mem>>
        %dma_start3A_283 = tpu.memref_slice %arg9[%add3A_219] : memref<600000xf32, #tpu.memory_space<hbm>> -> memref<2048xf32, #tpu.memory_space<hbm>>
        %dma_start3A_284 = tpu.memref_slice %arg39[%add3A_203] : memref<100000xf32, #tpu.memory_space<vmem_shared>> -> memref<2048xf32, #tpu.memory_space<vmem_shared>>
        tpu.enqueue_dma source(%dma_start3A_284 : memref<2048xf32, #tpu.memory_space<vmem_shared>>) target(%dma_start3A_283 : memref<2048xf32, #tpu.memory_space<hbm>>) target_semaphore(%run_scoped3A : memref<!tpu.dma_semaphore, #tpu.memory_space<semaphore_mem>>)
        %dma_wait3A_285 = tpu.memref_slice %arg9[%add3A_219] : memref<600000xf32, #tpu.memory_space<hbm>> -> memref<2048xf32, #tpu.memory_space<hbm>>
        %dma_wait3A_286 = tpu.memref_slice %arg39[%add3A_203] : memref<100000xf32, #tpu.memory_space<vmem_shared>> -> memref<2048xf32, #tpu.memory_space<vmem_shared>>
        tpu.wait_dma2 semaphore(%run_scoped3A : memref<!tpu.dma_semaphore, #tpu.memory_space<semaphore_mem>>) src(%dma_wait3A_286 : memref<2048xf32, #tpu.memory_space<vmem_shared>>) dst(%dma_wait3A_285 : memref<2048xf32, #tpu.memory_space<hbm>>)
        tpu.yield
      }) : () -> ()
      %mul3A_220 = arith.constant 3 : i32
      %mul3A_221 = arith.muli %arg0, %mul3A_220 : i32
      %add3A_222 = arith.constant 2 : i32
      %add3A_223 = arith.addi %mul3A_221, %add3A_222 : i32
      %mul3A_224 = arith.constant 100000 : i32
      %mul3A_225 = arith.muli %add3A_223, %mul3A_224 : i32
      %add3A_226 = arith.addi %mul3A_225, %mul3A_2 : i32
      %add3A_227 = arith.constant 2048 : i32
      %add3A_228 = arith.addi %add3A_226, %add3A_227 : i32
      "tpu.region"() ({
        %run_scoped3A = tpu.sem_alloc : memref<!tpu.dma_semaphore, #tpu.memory_space<semaphore_mem>>
        %dma_start3A_283 = tpu.memref_slice %arg9[%add3A_228] : memref<600000xf32, #tpu.memory_space<hbm>> -> memref<2048xf32, #tpu.memory_space<hbm>>
        %dma_start3A_284 = tpu.memref_slice %arg40[%add3A_203] : memref<100000xf32, #tpu.memory_space<vmem_shared>> -> memref<2048xf32, #tpu.memory_space<vmem_shared>>
        tpu.enqueue_dma source(%dma_start3A_284 : memref<2048xf32, #tpu.memory_space<vmem_shared>>) target(%dma_start3A_283 : memref<2048xf32, #tpu.memory_space<hbm>>) target_semaphore(%run_scoped3A : memref<!tpu.dma_semaphore, #tpu.memory_space<semaphore_mem>>)
        %dma_wait3A_285 = tpu.memref_slice %arg9[%add3A_228] : memref<600000xf32, #tpu.memory_space<hbm>> -> memref<2048xf32, #tpu.memory_space<hbm>>
        %dma_wait3A_286 = tpu.memref_slice %arg40[%add3A_203] : memref<100000xf32, #tpu.memory_space<vmem_shared>> -> memref<2048xf32, #tpu.memory_space<vmem_shared>>
        tpu.wait_dma2 semaphore(%run_scoped3A : memref<!tpu.dma_semaphore, #tpu.memory_space<semaphore_mem>>) src(%dma_wait3A_286 : memref<2048xf32, #tpu.memory_space<vmem_shared>>) dst(%dma_wait3A_285 : memref<2048xf32, #tpu.memory_space<hbm>>)
        tpu.yield
      }) : () -> ()
      %add3A_229 = arith.constant 4096 : i32
      %add3A_230 = arith.addi %mul3A_2, %add3A_229 : i32
      %mul3A_231 = arith.constant 3 : i32
      %mul3A_232 = arith.muli %arg0, %mul3A_231 : i32
      %mul3A_233 = arith.constant 100000 : i32
      %mul3A_234 = arith.muli %mul3A_232, %mul3A_233 : i32
      %add3A_235 = arith.addi %mul3A_234, %mul3A_2 : i32
      %add3A_236 = arith.constant 4096 : i32
      %add3A_237 = arith.addi %add3A_235, %add3A_236 : i32
      "tpu.region"() ({
        %run_scoped3A = tpu.sem_alloc : memref<!tpu.dma_semaphore, #tpu.memory_space<semaphore_mem>>
        %dma_start3A_283 = tpu.memref_slice %arg9[%add3A_237] : memref<600000xf32, #tpu.memory_space<hbm>> -> memref<2048xf32, #tpu.memory_space<hbm>>
        %dma_start3A_284 = tpu.memref_slice %arg38[%add3A_230] : memref<100000xf32, #tpu.memory_space<vmem_shared>> -> memref<2048xf32, #tpu.memory_space<vmem_shared>>
        tpu.enqueue_dma source(%dma_start3A_284 : memref<2048xf32, #tpu.memory_space<vmem_shared>>) target(%dma_start3A_283 : memref<2048xf32, #tpu.memory_space<hbm>>) target_semaphore(%run_scoped3A : memref<!tpu.dma_semaphore, #tpu.memory_space<semaphore_mem>>)
        %dma_wait3A_285 = tpu.memref_slice %arg9[%add3A_237] : memref<600000xf32, #tpu.memory_space<hbm>> -> memref<2048xf32, #tpu.memory_space<hbm>>
        %dma_wait3A_286 = tpu.memref_slice %arg38[%add3A_230] : memref<100000xf32, #tpu.memory_space<vmem_shared>> -> memref<2048xf32, #tpu.memory_space<vmem_shared>>
        tpu.wait_dma2 semaphore(%run_scoped3A : memref<!tpu.dma_semaphore, #tpu.memory_space<semaphore_mem>>) src(%dma_wait3A_286 : memref<2048xf32, #tpu.memory_space<vmem_shared>>) dst(%dma_wait3A_285 : memref<2048xf32, #tpu.memory_space<hbm>>)
        tpu.yield
      }) : () -> ()
      %mul3A_238 = arith.constant 3 : i32
      %mul3A_239 = arith.muli %arg0, %mul3A_238 : i32
      %add3A_240 = arith.constant 1 : i32
      %add3A_241 = arith.addi %mul3A_239, %add3A_240 : i32
      %mul3A_242 = arith.constant 100000 : i32
      %mul3A_243 = arith.muli %add3A_241, %mul3A_242 : i32
      %add3A_244 = arith.addi %mul3A_243, %mul3A_2 : i32
      %add3A_245 = arith.constant 4096 : i32
      %add3A_246 = arith.addi %add3A_244, %add3A_245 : i32
      "tpu.region"() ({
        %run_scoped3A = tpu.sem_alloc : memref<!tpu.dma_semaphore, #tpu.memory_space<semaphore_mem>>
        %dma_start3A_283 = tpu.memref_slice %arg9[%add3A_246] : memref<600000xf32, #tpu.memory_space<hbm>> -> memref<2048xf32, #tpu.memory_space<hbm>>
        %dma_start3A_284 = tpu.memref_slice %arg39[%add3A_230] : memref<100000xf32, #tpu.memory_space<vmem_shared>> -> memref<2048xf32, #tpu.memory_space<vmem_shared>>
        tpu.enqueue_dma source(%dma_start3A_284 : memref<2048xf32, #tpu.memory_space<vmem_shared>>) target(%dma_start3A_283 : memref<2048xf32, #tpu.memory_space<hbm>>) target_semaphore(%run_scoped3A : memref<!tpu.dma_semaphore, #tpu.memory_space<semaphore_mem>>)
        %dma_wait3A_285 = tpu.memref_slice %arg9[%add3A_246] : memref<600000xf32, #tpu.memory_space<hbm>> -> memref<2048xf32, #tpu.memory_space<hbm>>
        %dma_wait3A_286 = tpu.memref_slice %arg39[%add3A_230] : memref<100000xf32, #tpu.memory_space<vmem_shared>> -> memref<2048xf32, #tpu.memory_space<vmem_shared>>
        tpu.wait_dma2 semaphore(%run_scoped3A : memref<!tpu.dma_semaphore, #tpu.memory_space<semaphore_mem>>) src(%dma_wait3A_286 : memref<2048xf32, #tpu.memory_space<vmem_shared>>) dst(%dma_wait3A_285 : memref<2048xf32, #tpu.memory_space<hbm>>)
        tpu.yield
      }) : () -> ()
      %mul3A_247 = arith.constant 3 : i32
      %mul3A_248 = arith.muli %arg0, %mul3A_247 : i32
      %add3A_249 = arith.constant 2 : i32
      %add3A_250 = arith.addi %mul3A_248, %add3A_249 : i32
      %mul3A_251 = arith.constant 100000 : i32
      %mul3A_252 = arith.muli %add3A_250, %mul3A_251 : i32
      %add3A_253 = arith.addi %mul3A_252, %mul3A_2 : i32
      %add3A_254 = arith.constant 4096 : i32
      %add3A_255 = arith.addi %add3A_253, %add3A_254 : i32
      "tpu.region"() ({
        %run_scoped3A = tpu.sem_alloc : memref<!tpu.dma_semaphore, #tpu.memory_space<semaphore_mem>>
        %dma_start3A_283 = tpu.memref_slice %arg9[%add3A_255] : memref<600000xf32, #tpu.memory_space<hbm>> -> memref<2048xf32, #tpu.memory_space<hbm>>
        %dma_start3A_284 = tpu.memref_slice %arg40[%add3A_230] : memref<100000xf32, #tpu.memory_space<vmem_shared>> -> memref<2048xf32, #tpu.memory_space<vmem_shared>>
        tpu.enqueue_dma source(%dma_start3A_284 : memref<2048xf32, #tpu.memory_space<vmem_shared>>) target(%dma_start3A_283 : memref<2048xf32, #tpu.memory_space<hbm>>) target_semaphore(%run_scoped3A : memref<!tpu.dma_semaphore, #tpu.memory_space<semaphore_mem>>)
        %dma_wait3A_285 = tpu.memref_slice %arg9[%add3A_255] : memref<600000xf32, #tpu.memory_space<hbm>> -> memref<2048xf32, #tpu.memory_space<hbm>>
        %dma_wait3A_286 = tpu.memref_slice %arg40[%add3A_230] : memref<100000xf32, #tpu.memory_space<vmem_shared>> -> memref<2048xf32, #tpu.memory_space<vmem_shared>>
        tpu.wait_dma2 semaphore(%run_scoped3A : memref<!tpu.dma_semaphore, #tpu.memory_space<semaphore_mem>>) src(%dma_wait3A_286 : memref<2048xf32, #tpu.memory_space<vmem_shared>>) dst(%dma_wait3A_285 : memref<2048xf32, #tpu.memory_space<hbm>>)
        tpu.yield
      }) : () -> ()
      %add3A_256 = arith.constant 6144 : i32
      %add3A_257 = arith.addi %mul3A_2, %add3A_256 : i32
      %mul3A_258 = arith.constant 3 : i32
      %mul3A_259 = arith.muli %arg0, %mul3A_258 : i32
      %mul3A_260 = arith.constant 100000 : i32
      %mul3A_261 = arith.muli %mul3A_259, %mul3A_260 : i32
      %add3A_262 = arith.addi %mul3A_261, %mul3A_2 : i32
      %add3A_263 = arith.constant 6144 : i32
      %add3A_264 = arith.addi %add3A_262, %add3A_263 : i32
      "tpu.region"() ({
        %run_scoped3A = tpu.sem_alloc : memref<!tpu.dma_semaphore, #tpu.memory_space<semaphore_mem>>
        %dma_start3A_283 = tpu.memref_slice %arg9[%add3A_264] : memref<600000xf32, #tpu.memory_space<hbm>> -> memref<112xf32, #tpu.memory_space<hbm>>
        %dma_start3A_284 = tpu.memref_slice %arg38[%add3A_257] : memref<100000xf32, #tpu.memory_space<vmem_shared>> -> memref<112xf32, #tpu.memory_space<vmem_shared>>
        tpu.enqueue_dma source(%dma_start3A_284 : memref<112xf32, #tpu.memory_space<vmem_shared>>) target(%dma_start3A_283 : memref<112xf32, #tpu.memory_space<hbm>>) target_semaphore(%run_scoped3A : memref<!tpu.dma_semaphore, #tpu.memory_space<semaphore_mem>>)
        %dma_wait3A_285 = tpu.memref_slice %arg9[%add3A_264] : memref<600000xf32, #tpu.memory_space<hbm>> -> memref<112xf32, #tpu.memory_space<hbm>>
        %dma_wait3A_286 = tpu.memref_slice %arg38[%add3A_257] : memref<100000xf32, #tpu.memory_space<vmem_shared>> -> memref<112xf32, #tpu.memory_space<vmem_shared>>
        tpu.wait_dma2 semaphore(%run_scoped3A : memref<!tpu.dma_semaphore, #tpu.memory_space<semaphore_mem>>) src(%dma_wait3A_286 : memref<112xf32, #tpu.memory_space<vmem_shared>>) dst(%dma_wait3A_285 : memref<112xf32, #tpu.memory_space<hbm>>)
        tpu.yield
      }) : () -> ()
      %mul3A_265 = arith.constant 3 : i32
      %mul3A_266 = arith.muli %arg0, %mul3A_265 : i32
      %add3A_267 = arith.constant 1 : i32
      %add3A_268 = arith.addi %mul3A_266, %add3A_267 : i32
      %mul3A_269 = arith.constant 100000 : i32
      %mul3A_270 = arith.muli %add3A_268, %mul3A_269 : i32
      %add3A_271 = arith.addi %mul3A_270, %mul3A_2 : i32
      %add3A_272 = arith.constant 6144 : i32
      %add3A_273 = arith.addi %add3A_271, %add3A_272 : i32
      "tpu.region"() ({
        %run_scoped3A = tpu.sem_alloc : memref<!tpu.dma_semaphore, #tpu.memory_space<semaphore_mem>>
        %dma_start3A_283 = tpu.memref_slice %arg9[%add3A_273] : memref<600000xf32, #tpu.memory_space<hbm>> -> memref<112xf32, #tpu.memory_space<hbm>>
        %dma_start3A_284 = tpu.memref_slice %arg39[%add3A_257] : memref<100000xf32, #tpu.memory_space<vmem_shared>> -> memref<112xf32, #tpu.memory_space<vmem_shared>>
        tpu.enqueue_dma source(%dma_start3A_284 : memref<112xf32, #tpu.memory_space<vmem_shared>>) target(%dma_start3A_283 : memref<112xf32, #tpu.memory_space<hbm>>) target_semaphore(%run_scoped3A : memref<!tpu.dma_semaphore, #tpu.memory_space<semaphore_mem>>)
        %dma_wait3A_285 = tpu.memref_slice %arg9[%add3A_273] : memref<600000xf32, #tpu.memory_space<hbm>> -> memref<112xf32, #tpu.memory_space<hbm>>
        %dma_wait3A_286 = tpu.memref_slice %arg39[%add3A_257] : memref<100000xf32, #tpu.memory_space<vmem_shared>> -> memref<112xf32, #tpu.memory_space<vmem_shared>>
        tpu.wait_dma2 semaphore(%run_scoped3A : memref<!tpu.dma_semaphore, #tpu.memory_space<semaphore_mem>>) src(%dma_wait3A_286 : memref<112xf32, #tpu.memory_space<vmem_shared>>) dst(%dma_wait3A_285 : memref<112xf32, #tpu.memory_space<hbm>>)
        tpu.yield
      }) : () -> ()
      %mul3A_274 = arith.constant 3 : i32
      %mul3A_275 = arith.muli %arg0, %mul3A_274 : i32
      %add3A_276 = arith.constant 2 : i32
      %add3A_277 = arith.addi %mul3A_275, %add3A_276 : i32
      %mul3A_278 = arith.constant 100000 : i32
      %mul3A_279 = arith.muli %add3A_277, %mul3A_278 : i32
      %add3A_280 = arith.addi %mul3A_279, %mul3A_2 : i32
      %add3A_281 = arith.constant 6144 : i32
      %add3A_282 = arith.addi %add3A_280, %add3A_281 : i32
      "tpu.region"() ({
        %run_scoped3A = tpu.sem_alloc : memref<!tpu.dma_semaphore, #tpu.memory_space<semaphore_mem>>
        %dma_start3A_283 = tpu.memref_slice %arg9[%add3A_282] : memref<600000xf32, #tpu.memory_space<hbm>> -> memref<112xf32, #tpu.memory_space<hbm>>
        %dma_start3A_284 = tpu.memref_slice %arg40[%add3A_257] : memref<100000xf32, #tpu.memory_space<vmem_shared>> -> memref<112xf32, #tpu.memory_space<vmem_shared>>
        tpu.enqueue_dma source(%dma_start3A_284 : memref<112xf32, #tpu.memory_space<vmem_shared>>) target(%dma_start3A_283 : memref<112xf32, #tpu.memory_space<hbm>>) target_semaphore(%run_scoped3A : memref<!tpu.dma_semaphore, #tpu.memory_space<semaphore_mem>>)
        %dma_wait3A_285 = tpu.memref_slice %arg9[%add3A_282] : memref<600000xf32, #tpu.memory_space<hbm>> -> memref<112xf32, #tpu.memory_space<hbm>>
        %dma_wait3A_286 = tpu.memref_slice %arg40[%add3A_257] : memref<100000xf32, #tpu.memory_space<vmem_shared>> -> memref<112xf32, #tpu.memory_space<vmem_shared>>
        tpu.wait_dma2 semaphore(%run_scoped3A : memref<!tpu.dma_semaphore, #tpu.memory_space<semaphore_mem>>) src(%dma_wait3A_286 : memref<112xf32, #tpu.memory_space<vmem_shared>>) dst(%dma_wait3A_285 : memref<112xf32, #tpu.memory_space<hbm>>)
        tpu.yield
      }) : () -> ()
    } else {
    }
    %eq3A_170 = arith.constant 15 : i32
    %eq3A_171 = arith.cmpi eq, %arg1, %eq3A_170 : i32
    %convert_element_type3A_172 = arith.extui %eq3A_171 : i1 to i32
    %cond3A_173 = arith.constant 0 : i32
    %cond3A_174 = arith.cmpi ne, %convert_element_type3A_172, %cond3A_173 : i32
    scf.if %cond3A_174 {
      %add3A_175 = arith.constant 0 : i32
      %add3A_176 = arith.addi %mul3A_2, %add3A_175 : i32
      %mul3A_177 = arith.constant 3 : i32
      %mul3A_178 = arith.muli %arg0, %mul3A_177 : i32
      %mul3A_179 = arith.constant 100000 : i32
      %mul3A_180 = arith.muli %mul3A_178, %mul3A_179 : i32
      %add3A_181 = arith.addi %mul3A_180, %mul3A_2 : i32
      %add3A_182 = arith.constant 0 : i32
      %add3A_183 = arith.addi %add3A_181, %add3A_182 : i32
      "tpu.region"() ({
        %run_scoped3A = tpu.sem_alloc : memref<!tpu.dma_semaphore, #tpu.memory_space<semaphore_mem>>
        %dma_start3A_283 = tpu.memref_slice %arg9[%add3A_183] : memref<600000xf32, #tpu.memory_space<hbm>> -> memref<2048xf32, #tpu.memory_space<hbm>>
        %dma_start3A_284 = tpu.memref_slice %arg38[%add3A_176] : memref<100000xf32, #tpu.memory_space<vmem_shared>> -> memref<2048xf32, #tpu.memory_space<vmem_shared>>
        tpu.enqueue_dma source(%dma_start3A_284 : memref<2048xf32, #tpu.memory_space<vmem_shared>>) target(%dma_start3A_283 : memref<2048xf32, #tpu.memory_space<hbm>>) target_semaphore(%run_scoped3A : memref<!tpu.dma_semaphore, #tpu.memory_space<semaphore_mem>>)
        %dma_wait3A_285 = tpu.memref_slice %arg9[%add3A_183] : memref<600000xf32, #tpu.memory_space<hbm>> -> memref<2048xf32, #tpu.memory_space<hbm>>
        %dma_wait3A_286 = tpu.memref_slice %arg38[%add3A_176] : memref<100000xf32, #tpu.memory_space<vmem_shared>> -> memref<2048xf32, #tpu.memory_space<vmem_shared>>
        tpu.wait_dma2 semaphore(%run_scoped3A : memref<!tpu.dma_semaphore, #tpu.memory_space<semaphore_mem>>) src(%dma_wait3A_286 : memref<2048xf32, #tpu.memory_space<vmem_shared>>) dst(%dma_wait3A_285 : memref<2048xf32, #tpu.memory_space<hbm>>)
        tpu.yield
      }) : () -> ()
      %mul3A_184 = arith.constant 3 : i32
      %mul3A_185 = arith.muli %arg0, %mul3A_184 : i32
      %add3A_186 = arith.constant 1 : i32
      %add3A_187 = arith.addi %mul3A_185, %add3A_186 : i32
      %mul3A_188 = arith.constant 100000 : i32
      %mul3A_189 = arith.muli %add3A_187, %mul3A_188 : i32
      %add3A_190 = arith.addi %mul3A_189, %mul3A_2 : i32
      %add3A_191 = arith.constant 0 : i32
      %add3A_192 = arith.addi %add3A_190, %add3A_191 : i32
      "tpu.region"() ({
        %run_scoped3A = tpu.sem_alloc : memref<!tpu.dma_semaphore, #tpu.memory_space<semaphore_mem>>
        %dma_start3A_283 = tpu.memref_slice %arg9[%add3A_192] : memref<600000xf32, #tpu.memory_space<hbm>> -> memref<2048xf32, #tpu.memory_space<hbm>>
        %dma_start3A_284 = tpu.memref_slice %arg39[%add3A_176] : memref<100000xf32, #tpu.memory_space<vmem_shared>> -> memref<2048xf32, #tpu.memory_space<vmem_shared>>
        tpu.enqueue_dma source(%dma_start3A_284 : memref<2048xf32, #tpu.memory_space<vmem_shared>>) target(%dma_start3A_283 : memref<2048xf32, #tpu.memory_space<hbm>>) target_semaphore(%run_scoped3A : memref<!tpu.dma_semaphore, #tpu.memory_space<semaphore_mem>>)
        %dma_wait3A_285 = tpu.memref_slice %arg9[%add3A_192] : memref<600000xf32, #tpu.memory_space<hbm>> -> memref<2048xf32, #tpu.memory_space<hbm>>
        %dma_wait3A_286 = tpu.memref_slice %arg39[%add3A_176] : memref<100000xf32, #tpu.memory_space<vmem_shared>> -> memref<2048xf32, #tpu.memory_space<vmem_shared>>
        tpu.wait_dma2 semaphore(%run_scoped3A : memref<!tpu.dma_semaphore, #tpu.memory_space<semaphore_mem>>) src(%dma_wait3A_286 : memref<2048xf32, #tpu.memory_space<vmem_shared>>) dst(%dma_wait3A_285 : memref<2048xf32, #tpu.memory_space<hbm>>)
        tpu.yield
      }) : () -> ()
      %mul3A_193 = arith.constant 3 : i32
      %mul3A_194 = arith.muli %arg0, %mul3A_193 : i32
      %add3A_195 = arith.constant 2 : i32
      %add3A_196 = arith.addi %mul3A_194, %add3A_195 : i32
      %mul3A_197 = arith.constant 100000 : i32
      %mul3A_198 = arith.muli %add3A_196, %mul3A_197 : i32
      %add3A_199 = arith.addi %mul3A_198, %mul3A_2 : i32
      %add3A_200 = arith.constant 0 : i32
      %add3A_201 = arith.addi %add3A_199, %add3A_200 : i32
      "tpu.region"() ({
        %run_scoped3A = tpu.sem_alloc : memref<!tpu.dma_semaphore, #tpu.memory_space<semaphore_mem>>
        %dma_start3A_283 = tpu.memref_slice %arg9[%add3A_201] : memref<600000xf32, #tpu.memory_space<hbm>> -> memref<2048xf32, #tpu.memory_space<hbm>>
        %dma_start3A_284 = tpu.memref_slice %arg40[%add3A_176] : memref<100000xf32, #tpu.memory_space<vmem_shared>> -> memref<2048xf32, #tpu.memory_space<vmem_shared>>
        tpu.enqueue_dma source(%dma_start3A_284 : memref<2048xf32, #tpu.memory_space<vmem_shared>>) target(%dma_start3A_283 : memref<2048xf32, #tpu.memory_space<hbm>>) target_semaphore(%run_scoped3A : memref<!tpu.dma_semaphore, #tpu.memory_space<semaphore_mem>>)
        %dma_wait3A_285 = tpu.memref_slice %arg9[%add3A_201] : memref<600000xf32, #tpu.memory_space<hbm>> -> memref<2048xf32, #tpu.memory_space<hbm>>
        %dma_wait3A_286 = tpu.memref_slice %arg40[%add3A_176] : memref<100000xf32, #tpu.memory_space<vmem_shared>> -> memref<2048xf32, #tpu.memory_space<vmem_shared>>
        tpu.wait_dma2 semaphore(%run_scoped3A : memref<!tpu.dma_semaphore, #tpu.memory_space<semaphore_mem>>) src(%dma_wait3A_286 : memref<2048xf32, #tpu.memory_space<vmem_shared>>) dst(%dma_wait3A_285 : memref<2048xf32, #tpu.memory_space<hbm>>)
        tpu.yield
      }) : () -> ()
      %add3A_202 = arith.constant 2048 : i32
      %add3A_203 = arith.addi %mul3A_2, %add3A_202 : i32
      %mul3A_204 = arith.constant 3 : i32
      %mul3A_205 = arith.muli %arg0, %mul3A_204 : i32
      %mul3A_206 = arith.constant 100000 : i32
      %mul3A_207 = arith.muli %mul3A_205, %mul3A_206 : i32
      %add3A_208 = arith.addi %mul3A_207, %mul3A_2 : i32
      %add3A_209 = arith.constant 2048 : i32
      %add3A_210 = arith.addi %add3A_208, %add3A_209 : i32
      "tpu.region"() ({
        %run_scoped3A = tpu.sem_alloc : memref<!tpu.dma_semaphore, #tpu.memory_space<semaphore_mem>>
        %dma_start3A_283 = tpu.memref_slice %arg9[%add3A_210] : memref<600000xf32, #tpu.memory_space<hbm>> -> memref<2048xf32, #tpu.memory_space<hbm>>
        %dma_start3A_284 = tpu.memref_slice %arg38[%add3A_203] : memref<100000xf32, #tpu.memory_space<vmem_shared>> -> memref<2048xf32, #tpu.memory_space<vmem_shared>>
        tpu.enqueue_dma source(%dma_start3A_284 : memref<2048xf32, #tpu.memory_space<vmem_shared>>) target(%dma_start3A_283 : memref<2048xf32, #tpu.memory_space<hbm>>) target_semaphore(%run_scoped3A : memref<!tpu.dma_semaphore, #tpu.memory_space<semaphore_mem>>)
        %dma_wait3A_285 = tpu.memref_slice %arg9[%add3A_210] : memref<600000xf32, #tpu.memory_space<hbm>> -> memref<2048xf32, #tpu.memory_space<hbm>>
        %dma_wait3A_286 = tpu.memref_slice %arg38[%add3A_203] : memref<100000xf32, #tpu.memory_space<vmem_shared>> -> memref<2048xf32, #tpu.memory_space<vmem_shared>>
        tpu.wait_dma2 semaphore(%run_scoped3A : memref<!tpu.dma_semaphore, #tpu.memory_space<semaphore_mem>>) src(%dma_wait3A_286 : memref<2048xf32, #tpu.memory_space<vmem_shared>>) dst(%dma_wait3A_285 : memref<2048xf32, #tpu.memory_space<hbm>>)
        tpu.yield
      }) : () -> ()
      %mul3A_211 = arith.constant 3 : i32
      %mul3A_212 = arith.muli %arg0, %mul3A_211 : i32
      %add3A_213 = arith.constant 1 : i32
      %add3A_214 = arith.addi %mul3A_212, %add3A_213 : i32
      %mul3A_215 = arith.constant 100000 : i32
      %mul3A_216 = arith.muli %add3A_214, %mul3A_215 : i32
      %add3A_217 = arith.addi %mul3A_216, %mul3A_2 : i32
      %add3A_218 = arith.constant 2048 : i32
      %add3A_219 = arith.addi %add3A_217, %add3A_218 : i32
      "tpu.region"() ({
        %run_scoped3A = tpu.sem_alloc : memref<!tpu.dma_semaphore, #tpu.memory_space<semaphore_mem>>
        %dma_start3A_283 = tpu.memref_slice %arg9[%add3A_219] : memref<600000xf32, #tpu.memory_space<hbm>> -> memref<2048xf32, #tpu.memory_space<hbm>>
        %dma_start3A_284 = tpu.memref_slice %arg39[%add3A_203] : memref<100000xf32, #tpu.memory_space<vmem_shared>> -> memref<2048xf32, #tpu.memory_space<vmem_shared>>
        tpu.enqueue_dma source(%dma_start3A_284 : memref<2048xf32, #tpu.memory_space<vmem_shared>>) target(%dma_start3A_283 : memref<2048xf32, #tpu.memory_space<hbm>>) target_semaphore(%run_scoped3A : memref<!tpu.dma_semaphore, #tpu.memory_space<semaphore_mem>>)
        %dma_wait3A_285 = tpu.memref_slice %arg9[%add3A_219] : memref<600000xf32, #tpu.memory_space<hbm>> -> memref<2048xf32, #tpu.memory_space<hbm>>
        %dma_wait3A_286 = tpu.memref_slice %arg39[%add3A_203] : memref<100000xf32, #tpu.memory_space<vmem_shared>> -> memref<2048xf32, #tpu.memory_space<vmem_shared>>
        tpu.wait_dma2 semaphore(%run_scoped3A : memref<!tpu.dma_semaphore, #tpu.memory_space<semaphore_mem>>) src(%dma_wait3A_286 : memref<2048xf32, #tpu.memory_space<vmem_shared>>) dst(%dma_wait3A_285 : memref<2048xf32, #tpu.memory_space<hbm>>)
        tpu.yield
      }) : () -> ()
      %mul3A_220 = arith.constant 3 : i32
      %mul3A_221 = arith.muli %arg0, %mul3A_220 : i32
      %add3A_222 = arith.constant 2 : i32
      %add3A_223 = arith.addi %mul3A_221, %add3A_222 : i32
      %mul3A_224 = arith.constant 100000 : i32
      %mul3A_225 = arith.muli %add3A_223, %mul3A_224 : i32
      %add3A_226 = arith.addi %mul3A_225, %mul3A_2 : i32
      %add3A_227 = arith.constant 2048 : i32
      %add3A_228 = arith.addi %add3A_226, %add3A_227 : i32
      "tpu.region"() ({
        %run_scoped3A = tpu.sem_alloc : memref<!tpu.dma_semaphore, #tpu.memory_space<semaphore_mem>>
        %dma_start3A_283 = tpu.memref_slice %arg9[%add3A_228] : memref<600000xf32, #tpu.memory_space<hbm>> -> memref<2048xf32, #tpu.memory_space<hbm>>
        %dma_start3A_284 = tpu.memref_slice %arg40[%add3A_203] : memref<100000xf32, #tpu.memory_space<vmem_shared>> -> memref<2048xf32, #tpu.memory_space<vmem_shared>>
        tpu.enqueue_dma source(%dma_start3A_284 : memref<2048xf32, #tpu.memory_space<vmem_shared>>) target(%dma_start3A_283 : memref<2048xf32, #tpu.memory_space<hbm>>) target_semaphore(%run_scoped3A : memref<!tpu.dma_semaphore, #tpu.memory_space<semaphore_mem>>)
        %dma_wait3A_285 = tpu.memref_slice %arg9[%add3A_228] : memref<600000xf32, #tpu.memory_space<hbm>> -> memref<2048xf32, #tpu.memory_space<hbm>>
        %dma_wait3A_286 = tpu.memref_slice %arg40[%add3A_203] : memref<100000xf32, #tpu.memory_space<vmem_shared>> -> memref<2048xf32, #tpu.memory_space<vmem_shared>>
        tpu.wait_dma2 semaphore(%run_scoped3A : memref<!tpu.dma_semaphore, #tpu.memory_space<semaphore_mem>>) src(%dma_wait3A_286 : memref<2048xf32, #tpu.memory_space<vmem_shared>>) dst(%dma_wait3A_285 : memref<2048xf32, #tpu.memory_space<hbm>>)
        tpu.yield
      }) : () -> ()
      %add3A_229 = arith.constant 4096 : i32
      %add3A_230 = arith.addi %mul3A_2, %add3A_229 : i32
      %mul3A_231 = arith.constant 3 : i32
      %mul3A_232 = arith.muli %arg0, %mul3A_231 : i32
      %mul3A_233 = arith.constant 100000 : i32
      %mul3A_234 = arith.muli %mul3A_232, %mul3A_233 : i32
      %add3A_235 = arith.addi %mul3A_234, %mul3A_2 : i32
      %add3A_236 = arith.constant 4096 : i32
      %add3A_237 = arith.addi %add3A_235, %add3A_236 : i32
      "tpu.region"() ({
        %run_scoped3A = tpu.sem_alloc : memref<!tpu.dma_semaphore, #tpu.memory_space<semaphore_mem>>
        %dma_start3A_283 = tpu.memref_slice %arg9[%add3A_237] : memref<600000xf32, #tpu.memory_space<hbm>> -> memref<2048xf32, #tpu.memory_space<hbm>>
        %dma_start3A_284 = tpu.memref_slice %arg38[%add3A_230] : memref<100000xf32, #tpu.memory_space<vmem_shared>> -> memref<2048xf32, #tpu.memory_space<vmem_shared>>
        tpu.enqueue_dma source(%dma_start3A_284 : memref<2048xf32, #tpu.memory_space<vmem_shared>>) target(%dma_start3A_283 : memref<2048xf32, #tpu.memory_space<hbm>>) target_semaphore(%run_scoped3A : memref<!tpu.dma_semaphore, #tpu.memory_space<semaphore_mem>>)
        %dma_wait3A_285 = tpu.memref_slice %arg9[%add3A_237] : memref<600000xf32, #tpu.memory_space<hbm>> -> memref<2048xf32, #tpu.memory_space<hbm>>
        %dma_wait3A_286 = tpu.memref_slice %arg38[%add3A_230] : memref<100000xf32, #tpu.memory_space<vmem_shared>> -> memref<2048xf32, #tpu.memory_space<vmem_shared>>
        tpu.wait_dma2 semaphore(%run_scoped3A : memref<!tpu.dma_semaphore, #tpu.memory_space<semaphore_mem>>) src(%dma_wait3A_286 : memref<2048xf32, #tpu.memory_space<vmem_shared>>) dst(%dma_wait3A_285 : memref<2048xf32, #tpu.memory_space<hbm>>)
        tpu.yield
      }) : () -> ()
      %mul3A_238 = arith.constant 3 : i32
      %mul3A_239 = arith.muli %arg0, %mul3A_238 : i32
      %add3A_240 = arith.constant 1 : i32
      %add3A_241 = arith.addi %mul3A_239, %add3A_240 : i32
      %mul3A_242 = arith.constant 100000 : i32
      %mul3A_243 = arith.muli %add3A_241, %mul3A_242 : i32
      %add3A_244 = arith.addi %mul3A_243, %mul3A_2 : i32
      %add3A_245 = arith.constant 4096 : i32
      %add3A_246 = arith.addi %add3A_244, %add3A_245 : i32
      "tpu.region"() ({
        %run_scoped3A = tpu.sem_alloc : memref<!tpu.dma_semaphore, #tpu.memory_space<semaphore_mem>>
        %dma_start3A_283 = tpu.memref_slice %arg9[%add3A_246] : memref<600000xf32, #tpu.memory_space<hbm>> -> memref<2048xf32, #tpu.memory_space<hbm>>
        %dma_start3A_284 = tpu.memref_slice %arg39[%add3A_230] : memref<100000xf32, #tpu.memory_space<vmem_shared>> -> memref<2048xf32, #tpu.memory_space<vmem_shared>>
        tpu.enqueue_dma source(%dma_start3A_284 : memref<2048xf32, #tpu.memory_space<vmem_shared>>) target(%dma_start3A_283 : memref<2048xf32, #tpu.memory_space<hbm>>) target_semaphore(%run_scoped3A : memref<!tpu.dma_semaphore, #tpu.memory_space<semaphore_mem>>)
        %dma_wait3A_285 = tpu.memref_slice %arg9[%add3A_246] : memref<600000xf32, #tpu.memory_space<hbm>> -> memref<2048xf32, #tpu.memory_space<hbm>>
        %dma_wait3A_286 = tpu.memref_slice %arg39[%add3A_230] : memref<100000xf32, #tpu.memory_space<vmem_shared>> -> memref<2048xf32, #tpu.memory_space<vmem_shared>>
        tpu.wait_dma2 semaphore(%run_scoped3A : memref<!tpu.dma_semaphore, #tpu.memory_space<semaphore_mem>>) src(%dma_wait3A_286 : memref<2048xf32, #tpu.memory_space<vmem_shared>>) dst(%dma_wait3A_285 : memref<2048xf32, #tpu.memory_space<hbm>>)
        tpu.yield
      }) : () -> ()
      %mul3A_247 = arith.constant 3 : i32
      %mul3A_248 = arith.muli %arg0, %mul3A_247 : i32
      %add3A_249 = arith.constant 2 : i32
      %add3A_250 = arith.addi %mul3A_248, %add3A_249 : i32
      %mul3A_251 = arith.constant 100000 : i32
      %mul3A_252 = arith.muli %add3A_250, %mul3A_251 : i32
      %add3A_253 = arith.addi %mul3A_252, %mul3A_2 : i32
      %add3A_254 = arith.constant 4096 : i32
      %add3A_255 = arith.addi %add3A_253, %add3A_254 : i32
      "tpu.region"() ({
        %run_scoped3A = tpu.sem_alloc : memref<!tpu.dma_semaphore, #tpu.memory_space<semaphore_mem>>
        %dma_start3A_283 = tpu.memref_slice %arg9[%add3A_255] : memref<600000xf32, #tpu.memory_space<hbm>> -> memref<2048xf32, #tpu.memory_space<hbm>>
        %dma_start3A_284 = tpu.memref_slice %arg40[%add3A_230] : memref<100000xf32, #tpu.memory_space<vmem_shared>> -> memref<2048xf32, #tpu.memory_space<vmem_shared>>
        tpu.enqueue_dma source(%dma_start3A_284 : memref<2048xf32, #tpu.memory_space<vmem_shared>>) target(%dma_start3A_283 : memref<2048xf32, #tpu.memory_space<hbm>>) target_semaphore(%run_scoped3A : memref<!tpu.dma_semaphore, #tpu.memory_space<semaphore_mem>>)
        %dma_wait3A_285 = tpu.memref_slice %arg9[%add3A_255] : memref<600000xf32, #tpu.memory_space<hbm>> -> memref<2048xf32, #tpu.memory_space<hbm>>
        %dma_wait3A_286 = tpu.memref_slice %arg40[%add3A_230] : memref<100000xf32, #tpu.memory_space<vmem_shared>> -> memref<2048xf32, #tpu.memory_space<vmem_shared>>
        tpu.wait_dma2 semaphore(%run_scoped3A : memref<!tpu.dma_semaphore, #tpu.memory_space<semaphore_mem>>) src(%dma_wait3A_286 : memref<2048xf32, #tpu.memory_space<vmem_shared>>) dst(%dma_wait3A_285 : memref<2048xf32, #tpu.memory_space<hbm>>)
        tpu.yield
      }) : () -> ()
      %add3A_256 = arith.constant 6144 : i32
      %add3A_257 = arith.addi %mul3A_2, %add3A_256 : i32
      %mul3A_258 = arith.constant 3 : i32
      %mul3A_259 = arith.muli %arg0, %mul3A_258 : i32
      %mul3A_260 = arith.constant 100000 : i32
      %mul3A_261 = arith.muli %mul3A_259, %mul3A_260 : i32
      %add3A_262 = arith.addi %mul3A_261, %mul3A_2 : i32
      %add3A_263 = arith.constant 6144 : i32
      %add3A_264 = arith.addi %add3A_262, %add3A_263 : i32
      "tpu.region"() ({
        %run_scoped3A = tpu.sem_alloc : memref<!tpu.dma_semaphore, #tpu.memory_space<semaphore_mem>>
        %dma_start3A_283 = tpu.memref_slice %arg9[%add3A_264] : memref<600000xf32, #tpu.memory_space<hbm>> -> memref<16xf32, #tpu.memory_space<hbm>>
        %dma_start3A_284 = tpu.memref_slice %arg38[%add3A_257] : memref<100000xf32, #tpu.memory_space<vmem_shared>> -> memref<16xf32, #tpu.memory_space<vmem_shared>>
        tpu.enqueue_dma source(%dma_start3A_284 : memref<16xf32, #tpu.memory_space<vmem_shared>>) target(%dma_start3A_283 : memref<16xf32, #tpu.memory_space<hbm>>) target_semaphore(%run_scoped3A : memref<!tpu.dma_semaphore, #tpu.memory_space<semaphore_mem>>)
        %dma_wait3A_285 = tpu.memref_slice %arg9[%add3A_264] : memref<600000xf32, #tpu.memory_space<hbm>> -> memref<16xf32, #tpu.memory_space<hbm>>
        %dma_wait3A_286 = tpu.memref_slice %arg38[%add3A_257] : memref<100000xf32, #tpu.memory_space<vmem_shared>> -> memref<16xf32, #tpu.memory_space<vmem_shared>>
        tpu.wait_dma2 semaphore(%run_scoped3A : memref<!tpu.dma_semaphore, #tpu.memory_space<semaphore_mem>>) src(%dma_wait3A_286 : memref<16xf32, #tpu.memory_space<vmem_shared>>) dst(%dma_wait3A_285 : memref<16xf32, #tpu.memory_space<hbm>>)
        tpu.yield
      }) : () -> ()
      %mul3A_265 = arith.constant 3 : i32
      %mul3A_266 = arith.muli %arg0, %mul3A_265 : i32
      %add3A_267 = arith.constant 1 : i32
      %add3A_268 = arith.addi %mul3A_266, %add3A_267 : i32
      %mul3A_269 = arith.constant 100000 : i32
      %mul3A_270 = arith.muli %add3A_268, %mul3A_269 : i32
      %add3A_271 = arith.addi %mul3A_270, %mul3A_2 : i32
      %add3A_272 = arith.constant 6144 : i32
      %add3A_273 = arith.addi %add3A_271, %add3A_272 : i32
      "tpu.region"() ({
        %run_scoped3A = tpu.sem_alloc : memref<!tpu.dma_semaphore, #tpu.memory_space<semaphore_mem>>
        %dma_start3A_283 = tpu.memref_slice %arg9[%add3A_273] : memref<600000xf32, #tpu.memory_space<hbm>> -> memref<16xf32, #tpu.memory_space<hbm>>
        %dma_start3A_284 = tpu.memref_slice %arg39[%add3A_257] : memref<100000xf32, #tpu.memory_space<vmem_shared>> -> memref<16xf32, #tpu.memory_space<vmem_shared>>
        tpu.enqueue_dma source(%dma_start3A_284 : memref<16xf32, #tpu.memory_space<vmem_shared>>) target(%dma_start3A_283 : memref<16xf32, #tpu.memory_space<hbm>>) target_semaphore(%run_scoped3A : memref<!tpu.dma_semaphore, #tpu.memory_space<semaphore_mem>>)
        %dma_wait3A_285 = tpu.memref_slice %arg9[%add3A_273] : memref<600000xf32, #tpu.memory_space<hbm>> -> memref<16xf32, #tpu.memory_space<hbm>>
        %dma_wait3A_286 = tpu.memref_slice %arg39[%add3A_257] : memref<100000xf32, #tpu.memory_space<vmem_shared>> -> memref<16xf32, #tpu.memory_space<vmem_shared>>
        tpu.wait_dma2 semaphore(%run_scoped3A : memref<!tpu.dma_semaphore, #tpu.memory_space<semaphore_mem>>) src(%dma_wait3A_286 : memref<16xf32, #tpu.memory_space<vmem_shared>>) dst(%dma_wait3A_285 : memref<16xf32, #tpu.memory_space<hbm>>)
        tpu.yield
      }) : () -> ()
      %mul3A_274 = arith.constant 3 : i32
      %mul3A_275 = arith.muli %arg0, %mul3A_274 : i32
      %add3A_276 = arith.constant 2 : i32
      %add3A_277 = arith.addi %mul3A_275, %add3A_276 : i32
      %mul3A_278 = arith.constant 100000 : i32
      %mul3A_279 = arith.muli %add3A_277, %mul3A_278 : i32
      %add3A_280 = arith.addi %mul3A_279, %mul3A_2 : i32
      %add3A_281 = arith.constant 6144 : i32
      %add3A_282 = arith.addi %add3A_280, %add3A_281 : i32
      "tpu.region"() ({
        %run_scoped3A = tpu.sem_alloc : memref<!tpu.dma_semaphore, #tpu.memory_space<semaphore_mem>>
        %dma_start3A_283 = tpu.memref_slice %arg9[%add3A_282] : memref<600000xf32, #tpu.memory_space<hbm>> -> memref<16xf32, #tpu.memory_space<hbm>>
        %dma_start3A_284 = tpu.memref_slice %arg40[%add3A_257] : memref<100000xf32, #tpu.memory_space<vmem_shared>> -> memref<16xf32, #tpu.memory_space<vmem_shared>>
        tpu.enqueue_dma source(%dma_start3A_284 : memref<16xf32, #tpu.memory_space<vmem_shared>>) target(%dma_start3A_283 : memref<16xf32, #tpu.memory_space<hbm>>) target_semaphore(%run_scoped3A : memref<!tpu.dma_semaphore, #tpu.memory_space<semaphore_mem>>)
        %dma_wait3A_285 = tpu.memref_slice %arg9[%add3A_282] : memref<600000xf32, #tpu.memory_space<hbm>> -> memref<16xf32, #tpu.memory_space<hbm>>
        %dma_wait3A_286 = tpu.memref_slice %arg40[%add3A_257] : memref<100000xf32, #tpu.memory_space<vmem_shared>> -> memref<16xf32, #tpu.memory_space<vmem_shared>>
        tpu.wait_dma2 semaphore(%run_scoped3A : memref<!tpu.dma_semaphore, #tpu.memory_space<semaphore_mem>>) src(%dma_wait3A_286 : memref<16xf32, #tpu.memory_space<vmem_shared>>) dst(%dma_wait3A_285 : memref<16xf32, #tpu.memory_space<hbm>>)
        tpu.yield
      }) : () -> ()
    } else {
    }
    return
  }
}

</mosaic_0001>

<sc_bundles>
// kernel: _run.3.cloned.1.call-start
scs
__scs_entry_jumppad:
0x0: {  	(pc) =	sbr.rel $0x88, $3  }
0x1: {  	(tag) =	ssettag $0x0;
	lr =	simm.s32 $0x1  }
0x2: {  	[smem:$0x3F9A] =	sst lr;
	_ =	strace $0xD0000000  }
0x3: {  	_ = 	snop  }
0x4: {  	_ = 	snop  }
0x5: {  	_ = 	snop  }
0x6: {  	_ = 	snop  }
0x7: {  	_ = 	snop  }
__scs_overlays_trampoline_lowered:
0x8: {  	[smem:$0x3FA9] =	sst s0  }
0x9: {  	[smem:$0x3FAA] =	sst s1  }
0xa: {  	[smem:$0x3FAB] =	sst s2  }
0xb: {  	[smem:$0x3FAC] =	sst s3  }
0xc: {  	[smem:$0x3FAD] =	sst s4  }
0xd: {  	[smem:$0x3FAE] =	sst s5  }
0xe: {  	[smem:$0x3FAF] =	sst s6  }
0xf: {  	[smem:$0x3FB0] =	sst s7  }
0x10: {  	[smem:$0x3FB1] =	sst s8  }
0x11: {  	[smem:$0x3FB2] =	sst s9;
	s0 =	simm.s32 @!p0 $0x0  }
0x12: {  	s1 =	sld [smem:$0x3F98];
	s0 =	simm.s32 @p0 $0x1  }
0x13: {  	[smem:$0x3FB3] =	sst s0;
	s0 =	simm.s32 @!p1 $0x0  }
0x14: {  	s2 =	sld [smem:$0x3F97];
	s0 =	simm.s32 @p1 $0x1  }
0x15: {  	[smem:$0x3FB4] =	sst s0;
	s0 =	simm.s32 @!p2 $0x0  }
0x16: {  	s3 =	sld [smem:$0x3FDB];
	s0 =	simm.s32 @p2 $0x1  }
0x17: {  	s4 =	simm.s32 $0x1BF5;
	[smem:$0x3FB6] =	sst s0  }
0x18: {  	s0 =	sld [smem:$0x3F99];
	_ =	swait.ge [sflag:s4], $0x0  }
0x19: {  	s7 =	sld [smem:$0x3F9A]  }
0x1a: {  	s8 =	sadd.s32 $0xFFFFE003, lr  }
0x1b: {  	s9 =	sadd.s32 $0xFFFFFEF7, lr;
	s5 =	simm.s32 $0xFFFFFFFF;
	p2 =	slt.u32 s8, $0xFFFFF086  }
0x1c: {  	p1 =	slt.u32 s9, $0xF7A;
	s5 =	simm.s32 @!p2 $0x0  }
0x1d: {  	s5 =	simm.s32 @p1 $0x1;
	p0 =	seq.s32 s7, s2  }
0x1e: {  	s7 =	smul.u32 @!p0 $0xF7A, s2;
	p2 =	seq.s32 @!p0 s5, $0x0  }
0x1f: {  	s9 =	smul.u32 $0xF7A, s1;
	s8 =	simm.s32 @!p0 $0x1BF5;
	p2 =	por !p2, p0  }
0x20: {  	[sflag:s8] =	ssyncset.s32 @!p0 $0xFFFFF086;
	s6 =	sadd.s32 @!p0 s3, s7;
	s7 =	simm.s32 @!p0 $0x108  }
0x21: {  	s3 =	sadd.s32 s3, s9;
	s6 =	sadd.s32 @!p0 $0x88, s6;
	s7 =	simm.s32 @p2 $0x1082  }
0x22: {  	[simem:s7], [sflag:s8] =	dma.local @!p0 [hbm:s6], $0xF7A  }
0x23: {  	s9 =	sor.u32 $0xD0000000, s2;
	s6 =	simm.s32 $0x108;
	_ =	swait.ge @!p0 [sflag:s8], $0x0  }
0x24: {  	s3 =	sadd.s32 $0x88, s3;
	s6 =	simm.s32 @!p1 $0x1082;
	[sflag:s4] =	ssyncset.s32 $0xFFFFF086  }
0x25: {  	[simem:s6], [sflag:s4] =	dma.local [hbm:s3], $0xF7A  }
0x26: {  	[smem:$0x3F9A] =	sst s1;
	(tag) =	ssettag s2;
	_ =	strace s9  }
0x27: {  	s1 =	sld [smem:$0x3FAA]  }
0x28: {  	s2 =	sld [smem:$0x3FAB]  }
0x29: {  	s4 =	sld [smem:$0x3FAD]  }
0x2a: {  	p0 =	seq.s32 s5, $0x0;
	s5 =	sld [smem:$0x3FAE]  }
0x2b: {  	s6 =	sld [smem:$0x3FAF]  }
0x2c: {  	s7 =	sld [smem:$0x3FB0]  }
0x2d: {  	s3 =	simm.s32 $0x108;
	s8 =	sld [smem:$0x3FB1]  }
0x2e: {  	s3 =	simm.s32 @!p0 $0x1082;
	s9 =	sld [smem:$0x3FB2]  }
0x2f: {  	lr =	sadd.s32 s0, s3;
	s0 =	sld [smem:$0x3FA9]  }
0x30: {  	s3 =	sld [smem:$0x3FAC]  }
0x31: {  	[smem:$0x3FB5] =	sst s10  }
0x32: {  	s10 =	sld [smem:$0x3FB3];
	_ =	sdelay $0x3  }
0x33: {  	p0 =	seq.s32 s10, $0x1;
	s10 =	sld [smem:$0x3FB5];
	_ =	sdelay $0x3  }
0x34: {  	[smem:$0x3FB5] =	sst s10  }
0x35: {  	s10 =	sld [smem:$0x3FB4];
	_ =	sdelay $0x3  }
0x36: {  	p1 =	seq.s32 s10, $0x1;
	s10 =	sld [smem:$0x3FB5];
	_ =	sdelay $0x3  }
0x37: {  	[smem:$0x3FB5] =	sst s10  }
0x38: {  	s10 =	sld [smem:$0x3FB6]  }
0x39: {  	_ = 	snop;
	(pc) =	sbr.ind lr, $3  }
0x3a: {  	_ = 	snop  }
0x3b: {  	_ = 	snop  }
0x3c: {  	p2 =	seq.s32 s10, $0x1;
	s10 =	sld [smem:$0x3FB5]  }
0x3d: {  	_ =	shalt  }
0x3e: {  	_ =	shalt  }
0x3f: {  	_ =	shalt  }
0x40: {  	_ =	shalt  }
0x41: {  	_ =	shalt  }
0x42: {  	_ =	shalt  }
0x43: {  	_ =	shalt  }
0x44: {  	_ =	shalt  }
0x45: {  	_ =	shalt  }
0x46: {  	_ =	shalt  }
0x47: {  	_ =	shalt  }
0x48: {  	_ =	shalt  }
0x49: {  	_ =	shalt  }
0x4a: {  	_ =	shalt  }
0x4b: {  	_ =	shalt  }
0x4c: {  	_ =	shalt  }
0x4d: {  	_ =	shalt  }
0x4e: {  	_ =	shalt  }
0x4f: {  	_ =	shalt  }
0x50: {  	_ =	shalt  }
0x51: {  	_ =	shalt  }
0x52: {  	_ =	shalt  }
0x53: {  	_ =	shalt  }
0x54: {  	_ =	shalt  }
0x55: {  	_ =	shalt  }
0x56: {  	_ =	shalt  }
0x57: {  	_ =	shalt  }
0x58: {  	_ =	shalt  }
0x59: {  	_ =	shalt  }
0x5a: {  	_ =	shalt  }
0x5b: {  	_ =	shalt  }
0x5c: {  	_ =	shalt  }
0x5d: {  	_ =	shalt  }
0x5e: {  	_ =	shalt  }
0x5f: {  	_ =	shalt  }
0x60: {  	_ =	shalt  }
0x61: {  	_ =	shalt  }
0x62: {  	_ =	shalt  }
0x63: {  	_ =	shalt  }
0x64: {  	_ =	shalt  }
0x65: {  	_ =	shalt  }
0x66: {  	_ =	shalt  }
0x67: {  	_ =	shalt  }
0x68: {  	_ =	shalt  }
0x69: {  	_ =	shalt  }
0x6a: {  	_ =	shalt  }
0x6b: {  	_ =	shalt  }
0x6c: {  	_ =	shalt  }
0x6d: {  	_ =	shalt  }
0x6e: {  	_ =	shalt  }
0x6f: {  	_ =	shalt  }
0x70: {  	_ =	shalt  }
0x71: {  	_ =	shalt  }
0x72: {  	_ =	shalt  }
0x73: {  	_ =	shalt  }
0x74: {  	_ =	shalt  }
0x75: {  	_ =	shalt  }
0x76: {  	_ =	shalt  }
0x77: {  	_ =	shalt  }
0x78: {  	_ =	shalt  }
0x79: {  	_ =	shalt  }
0x7a: {  	_ =	shalt  }
0x7b: {  	_ =	shalt  }
0x7c: {  	_ =	shalt  }
0x7d: {  	_ =	shalt  }
0x7e: {  	_ =	shalt  }
0x7f: {  	_ =	shalt  }
0x80: {  	_ =	shalt  }
0x81: {  	_ =	shalt  }
0x82: {  	_ =	shalt  }
0x83: {  	_ =	shalt  }
0x84: {  	_ =	shalt  }
0x85: {  	_ =	shalt  }
0x86: {  	_ =	shalt  }
0x87: {  	_ =	shalt  }
.Lfunc_end0:
.L_simem_size_0:
called_computation_lowered:
.L_overlay_start_0:
0x88: {  	s2 =	sld [smem:$0x3FD9]  }
0x89: {  	s3 =	sld [smem:$0x3FFE];
	_ =	sdelay $0x1  }
0x8a: {  	s1 =	srdreg.scid  }
0x8b: {  	s0 =	sand.u32 $0x1, s1  }
0x8c: {  	s30 =	sshll.u32 s0, $0xA;
	s2 =	sadd.s32 s3, s2  }
0x8d: {  	s2 =	sadd.s32 s2, s30  }
0x8e: {  	[smem:$0x3FC1] =	sst s2  }
0x8f: {  	_ = 	snop  }
0x90: {  	s6 =	sld [smem:$0x3FC9]  }
0x91: {  	s7 =	sld [smem:$0x3FC8]  }
0x92: {  	s8 =	sld [smem:$0x3FC7]  }
0x93: {  	s2 =	sld [smem:$0x3FC5]  }
0x94: {  	s31 =	sld [smem:$0x3FC4]  }
0x95: {  	s4 =	sld [smem:$0x3FC3]  }
0x96: {  	s5 =	sld [smem:$0x3FD0];
	(tm) =	ssettm $0x1  }
0x97: {  	s9 =	sld [smem:$0x3FFB];
	_ =	sdelay $0x3  }
0x98: {  	_ =	strace s9  }
0x99: {  	s9 =	sld [smem:$0x3FFC];
	_ =	sdelay $0x3  }
0x9a: {  	_ =	strace s9  }
0x9b: {  	s9 =	sld [smem:$0x3FFD];
	_ =	sdelay $0x3  }
0x9c: {  	_ =	strace s9  }
0x9d: {  	_ =	strace $0x8FFFFFFF  }
0x9e: {  	s14 =	sld [smem:$0x3FDB];
	_ =	sdelay $0x1  }
0x9f: {  	s10 =	simm.s32 $_scs_section_size  }
0xa0: {  	s11 =	simm.s32 $_size__tile_task_arg_handler_lowered;
	s12 =	simm.s32 $_tile_task_arg_handler_lowered  }
0xa1: {  	s17 =	simm.s32 $0x1BFF;
	s16 =	sshll.u32 s12, $0x1;
	s10 =	sadd.s32 s10, s14  }
0xa2: {  	s13 =	simm.s32 $0x60;
	s15 =	sshll.u32 s11, $0x1;
	s11 =	sadd.s32 s16, s10  }
0xa3: {  	[timem:s13], [sflag:s17] =	dma.local [hbm:s11], s15  }
0xa4: {  	_ =	swait.ge [sflag:s17], s15  }
0xa5: {  	s18 =	simm.s32 $_tile_overlayer_lowered;
	s9 =	ssub.s32 $0x0, s15;
	[sflag:s17] =	ssyncset.done $0x0  }
0xa6: {  	s19 =	simm.s32 $_size__tile_overlayer_lowered;
	s11 =	sshll.u32 s18, $0x1;
	[sflag:s17] =	ssyncadd.s32 s9  }
0xa7: {  	s21 =	simm.s32 $0x0;
	s20 =	sshll.u32 s19, $0x1;
	s11 =	sadd.s32 s11, s10  }
0xa8: {  	[timem:s21], [sflag:s17] =	dma.local [hbm:s11], s20  }
0xa9: {  	_ =	swait.ge [sflag:s17], s20  }
0xaa: {  	s22 =	ssub.s32 $0x0, s20;
	[sflag:s17] =	ssyncset.done $0x0  }
0xab: {  	[sflag:s17] =	ssyncadd.s32 s22;
	_ =	sdelay $0x1  }
0xac: {  	s23 =	simm.s32 $0x1B8B  }
0xad: {  	_ =	swait.ge [sflag:s23], $0x1  }
0xae: {  	[sflag:s23] =	ssyncset.done $0x0  }
0xaf: {  	s25 =	simm.s32 $0x1B8E;
	s24 =	sld [smem:$0x3FFE];
	[sflag:s23] =	ssyncadd.s32 $0xFFFFFFFF  }
0xb0: {  	s26 =	simm.s32 $execute0_lowered;
	[smem:$0x3FD2] =	sst s25  }
0xb1: {  	s12 =	sshll.u32 s26, $0x1;
	_ =	strace $0x80000046;
	[dreg:$0x1] =	wrdreg $0xFFFFFFFF  }
0xb2: {  	s28 =	simm.s32 $_size_execute0_lowered;
	s10 =	sadd.s32 s10, s12;
	[dreg:$0x0] =	wrdreg $0x0  }
0xb3: {  	s12 =	sshll.u32 s28, $0x1;
	[dreg:$0x2] =	wrdreg s10  }
0xb4: {  	[dreg:$0x3] =	wrdreg s12  }
0xb5: {  	[dreg:$0x4] =	wrdreg $0xC0  }
0xb6: {  	_ =	task [dreg:s21], $0x5FFFF  }
0xb7: {  	[dreg:$0x1] =	wrdreg $0xFFFFFFFF  }
0xb8: {  	[dreg:$0x0] =	wrdreg $0x30  }
0xb9: {  	[dreg:$0x2] =	wrdreg $0x0  }
0xba: {  	[dreg:$0x3] =	wrdreg $0x9  }
0xbb: {  	_ =	task [dreg:s21], $0x4FFFF  }
0xbc: {  	[dreg:$0x1] =	wrdreg $0xFFFFFFFF  }
0xbd: {  	[dreg:$0x0] =	wrdreg $0x60  }
0xbe: {  	[dreg:$0x2] =	wrdreg s6  }
0xbf: {  	[dreg:$0x3] =	wrdreg s7  }
0xc0: {  	[dreg:$0x4] =	wrdreg s8  }
0xc1: {  	[dreg:$0x5] =	wrdreg s24  }
0xc2: {  	[dreg:$0x6] =	wrdreg s2  }
0xc3: {  	[dreg:$0x7] =	wrdreg s31  }
0xc4: {  	[dreg:$0x8] =	wrdreg s4  }
0xc5: {  	[dreg:$0x9] =	wrdreg s5  }
0xc6: {  	[dreg:$0xa] =	wrdreg $0x120800  }
0xc7: {  	[dreg:$0xb] =	wrdreg $0x138F00  }
0xc8: {  	[dreg:$0xc] =	wrdreg $0x151600  }
0xc9: {  	[dreg:$0xd] =	wrdreg $0x169D00  }
0xca: {  	[dreg:$0xe] =	wrdreg $0x182400  }
0xcb: {  	[dreg:$0xf] =	wrdreg $0x19AB00  }
0xcc: {  	_ =	task.clear_ibuf [dreg:s21], $0x10FFFF;
	_ =	strace $0x90000046  }
0xcd: {  	s29 =	simm.s32 $0x9;
	_ =	strace $0x80000048  }
0xce: {  	_ =	swait.ge [sflag:s29], $0x1  }
0xcf: {  	[sflag:s29] =	ssyncadd.s32 $0xFFFFFFFF  }
0xd0: {  	_ =	strace $0x90000048  }
0xd1: {  	_ =	sfence  }
0xd2: {  	s30 =	sld [smem:$0x0];
	_ =	sdelay $0x2  }
0xd3: {  	s31 =	sshll.u32 s1, $0xD;
	s1 =	sshrl.u32 s1, $0x2  }
0xd4: {  	s3 =	sand.u32 $0x4000, s31;
	s1 =	sadd.s32 s1, s30  }
0xd5: {  	s0 =	sor.u32 s3, s0;
	s1 =	sshll.u32 s1, $0x11  }
0xd6: {  	s0 =	sor.u32 s1, s0  }
0xd7: {  	s0 =	sadd.s32 $0x8F2B, s0  }
0xd8: {  	[sflag:s0] =	ssyncadd.remote.s32 $0x1  }
0xd9: {  	_ =	sfence.sel $0xFFFF  }
0xda: {  	[dreg:$0x0] =	wrdreg $0xFFFFFFFF;
	(pc) =	sbr.abs _section_cstart, $3  }
0xdb: {  	[dreg:$0x1] =	wrdreg $0xFFFFFFFF  }
0xdc: {  	_ =	task.clear_ibuf [dreg:s21], $0x2FFFF;
	_ =	strace $0x9FFFFFFF  }
0xdd: {  	(tm) =	ssettm $0x7FFFFFFF  }
tec
_tile_task_arg_handler_lowered:
.L_overlay_start_1:
0x0: {  	(tag) =	ssettag $0x1  }
0x1: {  	s0 =	rddreg [dreg:$0x0]  }
0x2: {  	s1 =	rddreg [dreg:$0x1]  }
0x3: {  	s2 =	rddreg [dreg:$0x2]  }
0x4: {  	s3 =	rddreg [dreg:$0x3]  }
0x5: {  	s4 =	rddreg [dreg:$0x4]  }
0x6: {  	s5 =	rddreg [dreg:$0x5]  }
0x7: {  	s6 =	rddreg [dreg:$0x6]  }
0x8: {  	s7 =	rddreg [dreg:$0x7]  }
0x9: {  	s8 =	rddreg [dreg:$0x8]  }
0xa: {  	s9 =	rddreg [dreg:$0x9]  }
0xb: {  	s10 =	rddreg [dreg:$0xa]  }
0xc: {  	s11 =	rddreg [dreg:$0xb]  }
0xd: {  	s12 =	rddreg [dreg:$0xc]  }
0xe: {  	s13 =	rddreg [dreg:$0xd]  }
0xf: {  	[smem:s0] =	sst s1  }
0x10: {  	[smem:s0+$0x1] =	sst s2  }
0x11: {  	[smem:s0+$0x2] =	sst s3  }
0x12: {  	[smem:s0+$0x3] =	sst s4  }
0x13: {  	[smem:s0+$0x4] =	sst s5  }
0x14: {  	[smem:s0+$0x5] =	sst s6  }
0x15: {  	[smem:s0+$0x6] =	sst s7  }
0x16: {  	[smem:s0+$0x7] =	sst s8  }
0x17: {  	[smem:s0+$0x8] =	sst s9  }
0x18: {  	[smem:s0+$0x9] =	sst s10  }
0x19: {  	[smem:s0+$0xA] =	sst s11  }
0x1a: {  	[smem:s0+$0xB] =	sst s12  }
0x1b: {  	[smem:s0+$0xC] =	sst s13;
	_ =	shalt  }
.Lfunc_end2:
execute0_lowered:
.L_overlay_start_2:
0x1c: {  	(tag) =	ssettag $0x2  }
0x1d: {  	s14 =	rddreg [dreg:$0x0]  }
0x1e: {  	s12 =	rddreg [dreg:$0x1]  }
0x1f: {  	s0 =	rddreg [dreg:$0x2]  }
0x20: {  	s6 =	rddreg [dreg:$0x3]  }
0x21: {  	s30 =	rddreg [dreg:$0x5]  }
0x22: {  	s26 =	rddreg [dreg:$0x6]  }
0x23: {  	s10 =	rddreg [dreg:$0x7]  }
0x24: {  	s3 =	rddreg [dreg:$0x8]  }
0x25: {  	s4 =	rddreg [dreg:$0x9]  }
0x26: {  	s5 =	rddreg [dreg:$0xa]  }
0x27: {  	s7 =	rddreg [dreg:$0xb]  }
0x28: {  	s8 =	rddreg [dreg:$0xc];
	s29 =	simm.s32 $0x0;
	s11 =	srdreg.scid  }
0x29: {  	s28 =	stileid.u32;
	[smem:$0x7FF] =	sst s29  }
0x2a: {  	s11 =	sand.u32 $0x1, s11;
	s19 =	smul.u32 $0x1870, s28;
	s2 =	sld [smem:$0x0]  }
0x2b: {  	s9 =	rddreg [dreg:$0xd];
	s13 =	ssub.s32 $0x2, s11;
	s15 =	smul.u32 $0x493E0, s11  }
0x2c: {  	s31 =	sadd.s32 $0x400, s6;
	s1 =	sshrl.u32 s13, $0x1;
	s16 =	sshrl.u32 s19, $0x3  }
0x2d: {  	s18 =	ssub.s32 s13, s1;
	s13 =	sadd.s32 s19, s15;
	[dreg:$0xe] =	wrdreg s2  }
0x2e: {  	s15 =	sadd.s32 s12, s16;
	_ =	strace $0x80000047;
	[dreg:$0x10] =	wrdreg s31  }
0x2f: {  	s17 =	sadd.s32 s0, s16;
	[dreg:$0x12] =	wrdreg s15  }
0x30: {  	s2 =	sshll.u32 s28, $0x1;
	s18 =	smax.u32 s18, $0x1;
	[dreg:$0x13] =	wrdreg s17  }
0x31: {  	s1 =	sor.u32 s11, s2;
	s11 =	sadd.s32 s14, s16;
	[smem:$0x7CC] =	sst s18  }
0x32: {  	s6 =	sshrl.u32 s13, $0x3;
	s15 =	sadd.s32 $0x800, s19;
	[dreg:$0x11] =	wrdreg s11  }
0x33: {  	s31 =	sadd.s32 s10, s6;
	s20 =	sshrl.u32 s15, $0x3;
	[smem:$0x7F1] =	sst s1  }
0x34: {  	s6 =	sadd.s32 s15, s3;
	s24 =	sadd.s32 s15, s7;
	[dreg:$0x14] =	wrdreg s31  }
0x35: {  	s10 =	sadd.s32 s15, s4;
	s13 =	sadd.s32 s15, s8;
	[dreg:$0x18] =	wrdreg s24  }
0x36: {  	s11 =	sadd.s32 s15, s5;
	s15 =	sadd.s32 s15, s9;
	[dreg:$0x19] =	wrdreg s13  }
0x37: {  	s21 =	sadd.s32 s14, s20;
	[dreg:$0x1a] =	wrdreg s15  }
0x38: {  	s22 =	sadd.s32 s12, s20;
	[dreg:$0x15] =	wrdreg s21  }
0x39: {  	s23 =	sadd.s32 s0, s20;
	[dreg:$0x16] =	wrdreg s22  }
0x3a: {  	s24 =	sadd.s32 s19, s8;
	[dreg:$0x17] =	wrdreg s23  }
0x3b: {  	s22 =	sadd.s32 $0x1000, s19;
	s23 =	sadd.s32 s19, s7;
	[dreg:$0x1f] =	wrdreg s24  }
0x3c: {  	s16 =	sadd.s32 s19, s4;
	[dreg:$0x1e] =	wrdreg s23;
	s13 =	sadd.s32 s22, s7  }
0x3d: {  	s25 =	sshrl.u32 s22, $0x3;
	s24 =	sadd.s32 s22, s8;
	[smem:$0x7B3] =	sst s13  }
0x3e: {  	s15 =	sadd.s32 s19, s3;
	s17 =	sadd.s32 s14, s25;
	[smem:$0x7B4] =	sst s24  }
0x3f: {  	s23 =	sadd.s32 $0x1800, s19;
	s20 =	sadd.s32 s12, s25;
	[dreg:$0x1b] =	wrdreg s17  }
0x40: {  	s21 =	sadd.s32 s0, s25;
	s25 =	sadd.s32 s19, s9;
	[dreg:$0x1c] =	wrdreg s20  }
0x41: {  	s24 =	sshrl.u32 s23, $0x3;
	[dreg:$0x1d] =	wrdreg s21;
	s17 =	sadd.s32 s19, s5  }
0x42: {  	[smem:$0x7B2] =	sst s25;
	s19 =	sadd.s32 s22, s3;
	s25 =	sadd.s32 s22, s9  }
0x43: {  	s20 =	sadd.s32 s22, s4;
	s13 =	sadd.s32 s14, s24;
	[smem:$0x7B5] =	sst s25  }
0x44: {  	s21 =	sadd.s32 s22, s5;
	s22 =	sadd.s32 s12, s24;
	[smem:$0x7B6] =	sst s13  }
0x45: {  	[smem:$0x7B7] =	sst s22;
	s25 =	sadd.s32 s0, s24  }
0x46: {  	s22 =	sadd.s32 s23, s3;
	s13 =	sadd.s32 s23, s7;
	[smem:$0x7B8] =	sst s25  }
0x47: {  	s24 =	sadd.s32 s23, s4;
	[smem:$0x7B9] =	sst s13;
	s13 =	sadd.s32 s23, s8  }
0x48: {  	s25 =	sadd.s32 s23, s5;
	s23 =	sadd.s32 s23, s9;
	[smem:$0x7BA] =	sst s13  }
0x49: {  	[smem:$0x7BB] =	sst s23;
	s13 =	sadd.s32 $0x2DD2, s14  }
0x4a: {  	s23 =	sadd.s32 $0x2ED2, s14;
	[smem:$0x7BC] =	sst s13  }
0x4b: {  	[smem:$0x7BD] =	sst s23;
	s13 =	sadd.s32 $0x2FD2, s14  }
0x4c: {  	s14 =	sadd.s32 $0x30D2, s14;
	[smem:$0x7BE] =	sst s13  }
0x4d: {  	s23 =	sadd.s32 $0x2DD2, s12;
	[smem:$0x7BF] =	sst s14  }
0x4e: {  	[smem:$0x7C0] =	sst s23;
	s13 =	sadd.s32 $0x2ED2, s12  }
0x4f: {  	s23 =	sadd.s32 $0x2FD2, s12;
	[smem:$0x7C1] =	sst s13  }
0x50: {  	s14 =	smul.u32 $0xC00, s1;
	s12 =	sadd.s32 $0x30D2, s12;
	[smem:$0x7C2] =	sst s23  }
0x51: {  	[smem:$0x7C3] =	sst s12;
	s13 =	sadd.s32 $0x2DD2, s0  }
0x52: {  	s23 =	sadd.s32 $0x2ED2, s0;
	s12 =	sshrl.u32 s14, $0x3;
	[smem:$0x7C4] =	sst s13  }
0x53: {  	s14 =	smul.u32 $0x180, s1;
	[smem:$0x7C5] =	sst s23;
	s13 =	sadd.s32 $0x2FD2, s0  }
0x54: {  	s0 =	sadd.s32 $0x30D2, s0;
	[smem:$0x7C6] =	sst s13  }
0x55: {  	[smem:$0x7C7] =	sst s0;
	s23 =	sadd.s32 $0xC3000, s12;
	s12 =	sadd.s32 s30, s14  }
0x56: {  	s13 =	sadd.s32 s26, s14;
	[smem:$0x7C8] =	sst s12  }
0x57: {  	s14 =	sadd.s32 s30, s23;
	[smem:$0x7C9] =	sst s13  }
0x58: {  	s0 =	sadd.s32 s26, s23;
	s23 =	sadd.s32 $0x16E90, s3;
	[smem:$0x7CA] =	sst s14  }
0x59: {  	s2 =	sadd.s32 $0x16E90, s5;
	[smem:$0x7CB] =	sst s0;
	s0 =	sshrl.u32 s23, $0x3  }
0x5a: {  	s26 =	sadd.s32 $0x16E90, s4;
	s13 =	sshrl.u32 s2, $0x3;
	[smem:$0x7CD] =	sst s0  }
0x5b: {  	s23 =	sadd.s32 $0x17690, s5;
	s0 =	sshrl.u32 s26, $0x3;
	[smem:$0x7CF] =	sst s13  }
0x5c: {  	s14 =	sadd.s32 $0x17690, s3;
	s26 =	sshrl.u32 s23, $0x3;
	[smem:$0x7CE] =	sst s0  }
0x5d: {  	s13 =	sadd.s32 $0x17E90, s5;
	s0 =	sshrl.u32 s14, $0x3;
	[smem:$0x7D2] =	sst s26  }
0x5e: {  	s14 =	sshrl.u32 s13, $0x3;
	[smem:$0x7D0] =	sst s0  }
0x5f: {  	s13 =	sshrl.u32 s16, $0x3;
	[smem:$0x7D5] =	sst s14  }
0x60: {  	s16 =	sshrl.u32 s10, $0x3;
	[smem:$0x7DA] =	sst s13  }
0x61: {  	s18 =	sadd.s32 $0x17690, s4;
	s10 =	sadd.s32 $0x17690, s9;
	[smem:$0x7DD] =	sst s16  }
0x62: {  	s0 =	sshrl.u32 s18, $0x3;
	[smem:$0x7EA] =	sst s10  }
0x63: {  	s14 =	sshrl.u32 s17, $0x3;
	[smem:$0x7D1] =	sst s0  }
0x64: {  	s17 =	sshrl.u32 s11, $0x3;
	[smem:$0x7DB] =	sst s14  }
0x65: {  	s11 =	sadd.s32 $0x17E90, s7;
	[smem:$0x7DE] =	sst s17  }
0x66: {  	s13 =	sadd.s32 $0x17E90, s9;
	[smem:$0x7EB] =	sst s11  }
0x67: {  	s2 =	sadd.s32 $0x17E90, s3;
	s16 =	sadd.s32 $0x18690, s9;
	[smem:$0x7ED] =	sst s13  }
0x68: {  	s26 =	sadd.s32 $0x18690, s5;
	s0 =	sshrl.u32 s2, $0x3;
	[smem:$0x7F0] =	sst s16  }
0x69: {  	s2 =	sshrl.u32 s26, $0x3;
	[smem:$0x7D3] =	sst s0  }
0x6a: {  	s26 =	sadd.s32 $0x16E90, s9;
	[smem:$0x7D8] =	sst s2  }
0x6b: {  	s14 =	sadd.s32 $0x18690, s7;
	[smem:$0x7E7] =	sst s26  }
0x6c: {  	s17 =	sadd.s32 $0x30D4, s31;
	[smem:$0x7EE] =	sst s14  }
0x6d: {  	s12 =	sadd.s32 $0x17E90, s4;
	s13 =	sor.u32 $0x40, s1;
	[smem:$0x7F2] =	sst s17  }
0x6e: {  	s0 =	sshrl.u32 s12, $0x3;
	[smem:$0x7FD] =	sst s13  }
0x6f: {  	s12 =	sshrl.u32 s15, $0x3;
	[smem:$0x7D4] =	sst s0  }
0x70: {  	s15 =	sshrl.u32 s6, $0x3;
	[smem:$0x7D9] =	sst s12  }
0x71: {  	s2 =	sadd.s32 $0x17690, s7;
	[smem:$0x7DC] =	sst s15  }
0x72: {  	s6 =	sadd.s32 $0x17690, s8;
	[smem:$0x7E8] =	sst s2  }
0x73: {  	s18 =	sadd.s32 $0x18690, s3;
	s26 =	sadd.s32 $0x33D4, s31;
	[smem:$0x7E9] =	sst s6  }
0x74: {  	s0 =	sshrl.u32 s18, $0x3;
	[smem:$0x7FB] =	sst s26  }
0x75: {  	s18 =	sshrl.u32 s19, $0x3;
	[smem:$0x7D6] =	sst s0  }
0x76: {  	s19 =	sshrl.u32 s20, $0x3;
	[smem:$0x7DF] =	sst s18  }
0x77: {  	s20 =	sshrl.u32 s21, $0x3;
	[smem:$0x7E0] =	sst s19  }
0x78: {  	s21 =	sshrl.u32 s22, $0x3;
	[smem:$0x7E1] =	sst s20  }
0x79: {  	s22 =	sshrl.u32 s24, $0x3;
	[smem:$0x7E2] =	sst s21  }
0x7a: {  	s24 =	sadd.s32 $0x16E90, s7;
	[smem:$0x7E3] =	sst s22  }
0x7b: {  	s12 =	sadd.s32 $0x17E90, s8;
	[smem:$0x7E5] =	sst s24  }
0x7c: {  	s23 =	sadd.s32 $0x18690, s4;
	s15 =	sadd.s32 $0x18690, s8;
	[smem:$0x7EC] =	sst s12  }
0x7d: {  	s0 =	sshrl.u32 s23, $0x3;
	[smem:$0x7EF] =	sst s15  }
0x7e: {  	s23 =	sshrl.u32 s25, $0x3;
	[smem:$0x7D7] =	sst s0  }
0x7f: {  	p0 =	seq.s32 s28, $0xF;
	s25 =	sadd.s32 $0x16E90, s8;
	[smem:$0x7E4] =	sst s23  }
0x80: {  	s28 =	simm.s32 $0x6;
	s18 =	sadd.s32 $0x61A8, s31;
	[smem:$0x7E6] =	sst s25  }
0x81: {  	s30 =	simm.s32 $0x3C00;
	s19 =	sadd.s32 $0x100, s31;
	[smem:$0x7F3] =	sst s18  }
0x82: {  	s10 =	simm.s32 $0x2;
	s20 =	sadd.s32 $0x31D4, s31;
	[smem:$0x7F4] =	sst s19  }
0x83: {  	s11 =	simm.s32 $0x5;
	s21 =	sadd.s32 $0x62A8, s31;
	[smem:$0x7F5] =	sst s20  }
0x84: {  	s14 =	simm.s32 $0x7;
	s22 =	sadd.s32 $0x200, s31;
	[smem:$0x7F6] =	sst s21  }
0x85: {  	s26 =	simm.s32 $0x3000;
	s24 =	sadd.s32 $0x63A8, s31;
	[smem:$0x7F7] =	sst s22  }
0x86: {  	s2 =	simm.s32 $0x4800;
	s23 =	sadd.s32 $0x32D4, s31;
	[smem:$0x7F9] =	sst s24  }
0x87: {  	s25 =	sadd.s32 $0x300, s31;
	s31 =	sadd.s32 $0x64A8, s31;
	s21 =	simm.s32 $0xC00  }
0x88: {  	s22 =	simm.s32 $0x1;
	s19 =	simm.s32 $0x1800;
	[smem:$0x7F8] =	sst s23  }
0x89: {  	s20 =	simm.s32 $0x2400;
	s24 =	simm.s32 $0x3;
	[smem:$0x7FA] =	sst s25  }
0x8a: {  	[smem:$0x7FC] =	sst s31;
	s25 =	simm.s32 $0x80;
	s23 =	simm.s32 $0x4  }
.LBB3_1:
.Ltmp0:
0x8b: {  	(pc) =	sbr.rel @!p0 .LBB3_2-.Ltmp0, $2  }
0x8c: {  	_ =	sdelay $0x2  }
0x8d: {  	[dreg:$0xf] =	wrdreg s29  }
0x8e: {  	s0 =	sld [smem:$0x7BC]  }
0x8f: {  	s1 =	sld [smem:$0x7CD];
	_ =	sdelay $0x1  }
0x90: {  	s2 =	simm.s32 $0x1FC7  }
0x91: {  	[spmem:s1], [sflag:s2] =	dma.local [hbm:s0], $0x100  }
0x92: {  	_ =	swait.ge [sflag:s14], $0x100  }
0x93: {  	s17 =	sld [smem:$0x7C0]  }
0x94: {  	s18 =	sld [smem:$0x7CE]  }
0x95: {  	[sflag:s14] =	ssyncset.done $0x0  }
0x96: {  	[sflag:s14] =	ssyncadd.s32 $0xFFFFFF00  }
0x97: {  	[spmem:s18], [sflag:s2] =	dma.local [hbm:s17], $0x100  }
0x98: {  	_ =	swait.ge [sflag:s14], $0x100  }
0x99: {  	s29 =	sld [smem:$0x7C4]  }
0x9a: {  	s31 =	sld [smem:$0x7CF]  }
0x9b: {  	[sflag:s14] =	ssyncset.done $0x0  }
0x9c: {  	[sflag:s14] =	ssyncadd.s32 $0xFFFFFF00  }
0x9d: {  	[spmem:s31], [sflag:s2] =	dma.local [hbm:s29], $0x100  }
0x9e: {  	_ =	swait.ge [sflag:s14], $0x100  }
0x9f: {  	s1 =	sld [smem:$0x7E5]  }
0xa0: {  	[sflag:s14] =	ssyncset.done $0x0  }
0xa1: {  	[sflag:s14] =	ssyncadd.s32 $0xFFFFFF00  }
0xa2: {  	s0 =	rddreg [dreg:$0x4];
	s6 =	sshrl.u32 s1, $0x3  }
0xa3: {  	[spmem:s6], [sflag:s2] =	dma.local [hbm:s0], $0x100  }
0xa4: {  	_ =	swait.ge [sflag:s14], $0x100  }
0xa5: {  	s6 =	sld [smem:$0x7E6];
	_ =	sdelay $0x1  }
0xa6: {  	[sflag:s14] =	ssyncset.done $0x0  }
0xa7: {  	[sflag:s14] =	ssyncadd.s32 $0xFFFFFF00;
	s12 =	sshrl.u32 s6, $0x3  }
0xa8: {  	[spmem:s12], [sflag:s2] =	dma.local [hbm:s0], $0x100  }
0xa9: {  	_ =	swait.ge [sflag:s14], $0x100  }
0xaa: {  	s15 =	sld [smem:$0x7E7];
	_ =	sdelay $0x1  }
0xab: {  	[sflag:s14] =	ssyncset.done $0x0  }
0xac: {  	[sflag:s14] =	ssyncadd.s32 $0xFFFFFF00;
	s16 =	sshrl.u32 s15, $0x3  }
0xad: {  	[spmem:s16], [sflag:s2] =	dma.local [hbm:s0], $0x100  }
0xae: {  	_ =	swait.ge [sflag:s14], $0x100  }
0xaf: {  	s17 =	sld [smem:$0x7BD]  }
0xb0: {  	s18 =	sld [smem:$0x7D0]  }
0xb1: {  	[sflag:s14] =	ssyncset.done $0x0  }
0xb2: {  	[sflag:s14] =	ssyncadd.s32 $0xFFFFFF00  }
0xb3: {  	[spmem:s18], [sflag:s2] =	dma.local [hbm:s17], $0x100  }
0xb4: {  	_ =	swait.ge [sflag:s14], $0x100  }
0xb5: {  	s29 =	sld [smem:$0x7C1]  }
0xb6: {  	s31 =	sld [smem:$0x7D1]  }
0xb7: {  	[sflag:s14] =	ssyncset.done $0x0  }
0xb8: {  	[sflag:s14] =	ssyncadd.s32 $0xFFFFFF00  }
0xb9: {  	[spmem:s31], [sflag:s2] =	dma.local [hbm:s29], $0x100  }
0xba: {  	_ =	swait.ge [sflag:s14], $0x100  }
0xbb: {  	s12 =	sld [smem:$0x7C5]  }
0xbc: {  	s15 =	sld [smem:$0x7D2]  }
0xbd: {  	[sflag:s14] =	ssyncset.done $0x0  }
0xbe: {  	[sflag:s14] =	ssyncadd.s32 $0xFFFFFF00  }
0xbf: {  	[spmem:s15], [sflag:s2] =	dma.local [hbm:s12], $0x100  }
0xc0: {  	_ =	swait.ge [sflag:s14], $0x100  }
0xc1: {  	s16 =	sld [smem:$0x7E8];
	_ =	sdelay $0x1  }
0xc2: {  	[sflag:s14] =	ssyncset.done $0x0  }
0xc3: {  	[sflag:s14] =	ssyncadd.s32 $0xFFFFFF00;
	s17 =	sshrl.u32 s16, $0x3  }
0xc4: {  	[spmem:s17], [sflag:s2] =	dma.local [hbm:s0], $0x100  }
0xc5: {  	_ =	swait.ge [sflag:s14], $0x100  }
0xc6: {  	s18 =	sld [smem:$0x7E9];
	_ =	sdelay $0x1  }
0xc7: {  	[sflag:s14] =	ssyncset.done $0x0  }
0xc8: {  	[sflag:s14] =	ssyncadd.s32 $0xFFFFFF00;
	s29 =	sshrl.u32 s18, $0x3  }
0xc9: {  	[spmem:s29], [sflag:s2] =	dma.local [hbm:s0], $0x100  }
0xca: {  	_ =	swait.ge [sflag:s14], $0x100  }
0xcb: {  	s31 =	sld [smem:$0x7EA];
	_ =	sdelay $0x1  }
0xcc: {  	[sflag:s14] =	ssyncset.done $0x0  }
0xcd: {  	[sflag:s14] =	ssyncadd.s32 $0xFFFFFF00;
	s1 =	sshrl.u32 s31, $0x3  }
0xce: {  	[spmem:s1], [sflag:s2] =	dma.local [hbm:s0], $0x100  }
0xcf: {  	_ =	swait.ge [sflag:s14], $0x100  }
0xd0: {  	s12 =	sld [smem:$0x7BE]  }
0xd1: {  	s15 =	sld [smem:$0x7D3]  }
0xd2: {  	[sflag:s14] =	ssyncset.done $0x0  }
0xd3: {  	[sflag:s14] =	ssyncadd.s32 $0xFFFFFF00  }
0xd4: {  	[spmem:s15], [sflag:s2] =	dma.local [hbm:s12], $0x100  }
0xd5: {  	_ =	swait.ge [sflag:s14], $0x100  }
0xd6: {  	s16 =	sld [smem:$0x7C2]  }
0xd7: {  	s17 =	sld [smem:$0x7D4]  }
0xd8: {  	[sflag:s14] =	ssyncset.done $0x0  }
0xd9: {  	[sflag:s14] =	ssyncadd.s32 $0xFFFFFF00  }
0xda: {  	[spmem:s17], [sflag:s2] =	dma.local [hbm:s16], $0x100  }
0xdb: {  	_ =	swait.ge [sflag:s14], $0x100  }
0xdc: {  	s18 =	sld [smem:$0x7C6]  }
0xdd: {  	s29 =	sld [smem:$0x7D5]  }
0xde: {  	[sflag:s14] =	ssyncset.done $0x0  }
0xdf: {  	[sflag:s14] =	ssyncadd.s32 $0xFFFFFF00  }
0xe0: {  	[spmem:s29], [sflag:s2] =	dma.local [hbm:s18], $0x100  }
0xe1: {  	_ =	swait.ge [sflag:s14], $0x100  }
0xe2: {  	s31 =	sld [smem:$0x7EB];
	_ =	sdelay $0x1  }
0xe3: {  	[sflag:s14] =	ssyncset.done $0x0  }
0xe4: {  	[sflag:s14] =	ssyncadd.s32 $0xFFFFFF00;
	s1 =	sshrl.u32 s31, $0x3  }
0xe5: {  	[spmem:s1], [sflag:s2] =	dma.local [hbm:s0], $0x100  }
0xe6: {  	_ =	swait.ge [sflag:s14], $0x100  }
0xe7: {  	s6 =	sld [smem:$0x7EC];
	_ =	sdelay $0x1  }
0xe8: {  	[sflag:s14] =	ssyncset.done $0x0  }
0xe9: {  	[sflag:s14] =	ssyncadd.s32 $0xFFFFFF00;
	s12 =	sshrl.u32 s6, $0x3  }
0xea: {  	[spmem:s12], [sflag:s2] =	dma.local [hbm:s0], $0x100  }
0xeb: {  	_ =	swait.ge [sflag:s14], $0x100  }
0xec: {  	s15 =	sld [smem:$0x7ED];
	_ =	sdelay $0x1  }
0xed: {  	[sflag:s14] =	ssyncset.done $0x0  }
0xee: {  	[sflag:s14] =	ssyncadd.s32 $0xFFFFFF00;
	s16 =	sshrl.u32 s15, $0x3  }
0xef: {  	[spmem:s16], [sflag:s2] =	dma.local [hbm:s0], $0x100  }
0xf0: {  	_ =	swait.ge [sflag:s14], $0x100  }
0xf1: {  	s17 =	sld [smem:$0x7BF]  }
0xf2: {  	s18 =	sld [smem:$0x7D6]  }
0xf3: {  	[sflag:s14] =	ssyncset.done $0x0  }
0xf4: {  	[sflag:s14] =	ssyncadd.s32 $0xFFFFFF00  }
0xf5: {  	[spmem:s18], [sflag:s2] =	dma.local [hbm:s17], $0x2  }
0xf6: {  	_ =	swait.ge [sflag:s14], $0x2  }
0xf7: {  	s29 =	sld [smem:$0x7C3]  }
0xf8: {  	s31 =	sld [smem:$0x7D7]  }
0xf9: {  	[sflag:s14] =	ssyncset.done $0x0  }
0xfa: {  	[sflag:s14] =	ssyncadd.s32 $0xFFFFFFFE  }
0xfb: {  	[spmem:s31], [sflag:s2] =	dma.local [hbm:s29], $0x2  }
0xfc: {  	_ =	swait.ge [sflag:s14], $0x2  }
0xfd: {  	s6 =	sld [smem:$0x7C7]  }
0xfe: {  	s12 =	sld [smem:$0x7D8]  }
0xff: {  	[sflag:s14] =	ssyncset.done $0x0  }
0x100: {  	[sflag:s14] =	ssyncadd.s32 $0xFFFFFFFE  }
0x101: {  	[spmem:s12], [sflag:s2] =	dma.local [hbm:s6], $0x2  }
0x102: {  	_ =	swait.ge [sflag:s14], $0x2  }
0x103: {  	s15 =	sld [smem:$0x7EE];
	_ =	sdelay $0x1  }
0x104: {  	[sflag:s14] =	ssyncset.done $0x0  }
0x105: {  	[sflag:s14] =	ssyncadd.s32 $0xFFFFFFFE;
	s16 =	sshrl.u32 s15, $0x3  }
0x106: {  	[spmem:s16], [sflag:s2] =	dma.local [hbm:s0], $0x2  }
0x107: {  	_ =	swait.ge [sflag:s14], $0x2  }
0x108: {  	s17 =	sld [smem:$0x7EF];
	_ =	sdelay $0x1  }
0x109: {  	[sflag:s14] =	ssyncset.done $0x0  }
0x10a: {  	[sflag:s14] =	ssyncadd.s32 $0xFFFFFFFE;
	s18 =	sshrl.u32 s17, $0x3  }
0x10b: {  	[spmem:s18], [sflag:s2] =	dma.local [hbm:s0], $0x2  }
0x10c: {  	_ =	swait.ge [sflag:s14], $0x2  }
0x10d: {  	s29 =	sld [smem:$0x7F0];
	_ =	sdelay $0x1  }
0x10e: {  	[sflag:s14] =	ssyncset.done $0x0  }
.Ltmp1:
0x10f: {  	[sflag:s14] =	ssyncadd.s32 $0xFFFFFFFE;
	s31 =	sshrl.u32 s29, $0x3;
	(pc) =	sbr.rel .LBB3_4-.Ltmp1, $4  }
0x110: {  	[spmem:s31], [sflag:s2] =	dma.local [hbm:s0], $0x2  }
0x111: {  	_ =	swait.ge [sflag:s14], $0x2  }
0x112: {  	[sflag:s14] =	ssyncset.done $0x0  }
0x113: {  	s2 =	simm.s32 $0x4800;
	[sflag:s14] =	ssyncadd.s32 $0xFFFFFFFE  }
.LBB3_2:
0x114: {  	s0 =	stileid.u32;
	s1 =	sld [smem:$0x7D9]  }
0x115: {  	s6 =	sshll.u32 s0, $0x6  }
0x116: {  	s16 =	rddreg [dreg:$0x11];
	s6 =	sor.u32 $0x1C07, s6  }
0x117: {  	[spmem:s1], [sflag:s6] =	dma.local [hbm:s16], $0x100  }
0x118: {  	_ =	swait.ge [sflag:s14], $0x100  }
0x119: {  	s18 =	sld [smem:$0x7DA]  }
0x11a: {  	[sflag:s14] =	ssyncset.done $0x0  }
0x11b: {  	s17 =	rddreg [dreg:$0x12];
	[sflag:s14] =	ssyncadd.s32 $0xFFFFFF00  }
0x11c: {  	[spmem:s18], [sflag:s6] =	dma.local [hbm:s17], $0x100  }
0x11d: {  	_ =	swait.ge [sflag:s14], $0x100  }
0x11e: {  	s31 =	sld [smem:$0x7DB]  }
0x11f: {  	[sflag:s14] =	ssyncset.done $0x0  }
0x120: {  	s29 =	rddreg [dreg:$0x13];
	[sflag:s14] =	ssyncadd.s32 $0xFFFFFF00  }
0x121: {  	[spmem:s31], [sflag:s6] =	dma.local [hbm:s29], $0x100  }
0x122: {  	_ =	swait.ge [sflag:s14], $0x100  }
0x123: {  	[sflag:s14] =	ssyncset.done $0x0  }
0x124: {  	s12 =	rddreg [dreg:$0x1e];
	[sflag:s14] =	ssyncadd.s32 $0xFFFFFF00  }
0x125: {  	s12 =	sshrl.u32 s12, $0x3;
	s0 =	rddreg [dreg:$0x4]  }
0x126: {  	[spmem:s12], [sflag:s6] =	dma.local [hbm:s0], $0x100  }
0x127: {  	_ =	swait.ge [sflag:s14], $0x100  }
0x128: {  	[sflag:s14] =	ssyncset.done $0x0;
	s15 =	rddreg [dreg:$0x1f]  }
0x129: {  	[sflag:s14] =	ssyncadd.s32 $0xFFFFFF00;
	s16 =	sshrl.u32 s15, $0x3  }
0x12a: {  	[spmem:s16], [sflag:s6] =	dma.local [hbm:s0], $0x100  }
0x12b: {  	_ =	swait.ge [sflag:s14], $0x100  }
0x12c: {  	s17 =	sld [smem:$0x7B2];
	_ =	sdelay $0x1  }
0x12d: {  	[sflag:s14] =	ssyncset.done $0x0  }
0x12e: {  	[sflag:s14] =	ssyncadd.s32 $0xFFFFFF00;
	s18 =	sshrl.u32 s17, $0x3  }
0x12f: {  	[spmem:s18], [sflag:s6] =	dma.local [hbm:s0], $0x100  }
0x130: {  	_ =	swait.ge [sflag:s14], $0x100  }
0x131: {  	s31 =	sld [smem:$0x7DC]  }
0x132: {  	[sflag:s14] =	ssyncset.done $0x0  }
0x133: {  	s29 =	rddreg [dreg:$0x15];
	[sflag:s14] =	ssyncadd.s32 $0xFFFFFF00  }
0x134: {  	[spmem:s31], [sflag:s6] =	dma.local [hbm:s29], $0x100  }
0x135: {  	_ =	swait.ge [sflag:s14], $0x100  }
0x136: {  	s15 =	sld [smem:$0x7DD]  }
0x137: {  	[sflag:s14] =	ssyncset.done $0x0  }
0x138: {  	s12 =	rddreg [dreg:$0x16];
	[sflag:s14] =	ssyncadd.s32 $0xFFFFFF00  }
0x139: {  	[spmem:s15], [sflag:s6] =	dma.local [hbm:s12], $0x100  }
0x13a: {  	_ =	swait.ge [sflag:s14], $0x100  }
0x13b: {  	s17 =	sld [smem:$0x7DE]  }
0x13c: {  	[sflag:s14] =	ssyncset.done $0x0  }
0x13d: {  	s16 =	rddreg [dreg:$0x17];
	[sflag:s14] =	ssyncadd.s32 $0xFFFFFF00  }
0x13e: {  	[spmem:s17], [sflag:s6] =	dma.local [hbm:s16], $0x100  }
0x13f: {  	_ =	swait.ge [sflag:s14], $0x100  }
0x140: {  	[sflag:s14] =	ssyncset.done $0x0;
	s18 =	rddreg [dreg:$0x18]  }
0x141: {  	[sflag:s14] =	ssyncadd.s32 $0xFFFFFF00;
	s29 =	sshrl.u32 s18, $0x3  }
0x142: {  	[spmem:s29], [sflag:s6] =	dma.local [hbm:s0], $0x100  }
0x143: {  	_ =	swait.ge [sflag:s14], $0x100  }
0x144: {  	[sflag:s14] =	ssyncset.done $0x0;
	s31 =	rddreg [dreg:$0x19]  }
0x145: {  	[sflag:s14] =	ssyncadd.s32 $0xFFFFFF00;
	s1 =	sshrl.u32 s31, $0x3  }
0x146: {  	[spmem:s1], [sflag:s6] =	dma.local [hbm:s0], $0x100  }
0x147: {  	_ =	swait.ge [sflag:s14], $0x100  }
0x148: {  	[sflag:s14] =	ssyncset.done $0x0;
	s15 =	rddreg [dreg:$0x1a]  }
0x149: {  	[sflag:s14] =	ssyncadd.s32 $0xFFFFFF00;
	s16 =	sshrl.u32 s15, $0x3  }
0x14a: {  	[spmem:s16], [sflag:s6] =	dma.local [hbm:s0], $0x100  }
0x14b: {  	_ =	swait.ge [sflag:s14], $0x100  }
0x14c: {  	s18 =	sld [smem:$0x7DF]  }
0x14d: {  	[sflag:s14] =	ssyncset.done $0x0  }
0x14e: {  	s17 =	rddreg [dreg:$0x1b];
	[sflag:s14] =	ssyncadd.s32 $0xFFFFFF00  }
0x14f: {  	[spmem:s18], [sflag:s6] =	dma.local [hbm:s17], $0x100  }
0x150: {  	_ =	swait.ge [sflag:s14], $0x100  }
0x151: {  	s31 =	sld [smem:$0x7E0]  }
0x152: {  	[sflag:s14] =	ssyncset.done $0x0  }
0x153: {  	s29 =	rddreg [dreg:$0x1c];
	[sflag:s14] =	ssyncadd.s32 $0xFFFFFF00  }
0x154: {  	[spmem:s31], [sflag:s6] =	dma.local [hbm:s29], $0x100  }
0x155: {  	_ =	swait.ge [sflag:s14], $0x100  }
0x156: {  	s15 =	sld [smem:$0x7E1]  }
0x157: {  	[sflag:s14] =	ssyncset.done $0x0  }
0x158: {  	s12 =	rddreg [dreg:$0x1d];
	[sflag:s14] =	ssyncadd.s32 $0xFFFFFF00  }
0x159: {  	[spmem:s15], [sflag:s6] =	dma.local [hbm:s12], $0x100  }
0x15a: {  	_ =	swait.ge [sflag:s14], $0x100  }
0x15b: {  	s16 =	sld [smem:$0x7B3];
	_ =	sdelay $0x1  }
0x15c: {  	[sflag:s14] =	ssyncset.done $0x0  }
0x15d: {  	[sflag:s14] =	ssyncadd.s32 $0xFFFFFF00;
	s17 =	sshrl.u32 s16, $0x3  }
0x15e: {  	[spmem:s17], [sflag:s6] =	dma.local [hbm:s0], $0x100  }
0x15f: {  	_ =	swait.ge [sflag:s14], $0x100  }
0x160: {  	s18 =	sld [smem:$0x7B4];
	_ =	sdelay $0x1  }
0x161: {  	[sflag:s14] =	ssyncset.done $0x0  }
0x162: {  	[sflag:s14] =	ssyncadd.s32 $0xFFFFFF00;
	s29 =	sshrl.u32 s18, $0x3  }
0x163: {  	[spmem:s29], [sflag:s6] =	dma.local [hbm:s0], $0x100  }
0x164: {  	_ =	swait.ge [sflag:s14], $0x100  }
0x165: {  	s31 =	sld [smem:$0x7B5];
	_ =	sdelay $0x1  }
0x166: {  	[sflag:s14] =	ssyncset.done $0x0  }
0x167: {  	[sflag:s14] =	ssyncadd.s32 $0xFFFFFF00;
	s1 =	sshrl.u32 s31, $0x3  }
0x168: {  	[spmem:s1], [sflag:s6] =	dma.local [hbm:s0], $0x100  }
0x169: {  	_ =	swait.ge [sflag:s14], $0x100  }
0x16a: {  	s15 =	sld [smem:$0x7B6]  }
0x16b: {  	s16 =	sld [smem:$0x7E2]  }
0x16c: {  	[sflag:s14] =	ssyncset.done $0x0  }
0x16d: {  	[sflag:s14] =	ssyncadd.s32 $0xFFFFFF00  }
0x16e: {  	[spmem:s16], [sflag:s6] =	dma.local [hbm:s15], $0xE  }
0x16f: {  	_ =	swait.ge [sflag:s14], $0xE  }
0x170: {  	s17 =	sld [smem:$0x7B7]  }
0x171: {  	s18 =	sld [smem:$0x7E3]  }
0x172: {  	[sflag:s14] =	ssyncset.done $0x0  }
0x173: {  	[sflag:s14] =	ssyncadd.s32 $0xFFFFFFF2  }
0x174: {  	[spmem:s18], [sflag:s6] =	dma.local [hbm:s17], $0xE  }
0x175: {  	_ =	swait.ge [sflag:s14], $0xE  }
0x176: {  	s29 =	sld [smem:$0x7B8]  }
0x177: {  	s31 =	sld [smem:$0x7E4]  }
0x178: {  	[sflag:s14] =	ssyncset.done $0x0  }
0x179: {  	[sflag:s14] =	ssyncadd.s32 $0xFFFFFFF2  }
0x17a: {  	[spmem:s31], [sflag:s6] =	dma.local [hbm:s29], $0xE  }
0x17b: {  	_ =	swait.ge [sflag:s14], $0xE  }
0x17c: {  	s15 =	sld [smem:$0x7B9];
	_ =	sdelay $0x1  }
0x17d: {  	[sflag:s14] =	ssyncset.done $0x0  }
0x17e: {  	[sflag:s14] =	ssyncadd.s32 $0xFFFFFFF2;
	s16 =	sshrl.u32 s15, $0x3  }
0x17f: {  	[spmem:s16], [sflag:s6] =	dma.local [hbm:s0], $0xE  }
0x180: {  	_ =	swait.ge [sflag:s14], $0xE  }
0x181: {  	s17 =	sld [smem:$0x7BA];
	_ =	sdelay $0x1  }
0x182: {  	[sflag:s14] =	ssyncset.done $0x0  }
0x183: {  	[sflag:s14] =	ssyncadd.s32 $0xFFFFFFF2;
	s18 =	sshrl.u32 s17, $0x3  }
0x184: {  	[spmem:s18], [sflag:s6] =	dma.local [hbm:s0], $0xE  }
0x185: {  	_ =	swait.ge [sflag:s14], $0xE  }
0x186: {  	s29 =	sld [smem:$0x7BB];
	_ =	sdelay $0x1  }
0x187: {  	[sflag:s14] =	ssyncset.done $0x0  }
0x188: {  	[sflag:s14] =	ssyncadd.s32 $0xFFFFFFF2;
	s31 =	sshrl.u32 s29, $0x3  }
0x189: {  	[spmem:s31], [sflag:s6] =	dma.local [hbm:s0], $0xE  }
0x18a: {  	_ =	swait.ge [sflag:s14], $0xE  }
0x18b: {  	[sflag:s14] =	ssyncset.done $0x0  }
0x18c: {  	[sflag:s14] =	ssyncadd.s32 $0xFFFFFFF2  }
.LBB3_4:
0x18d: {  	s29 =	simm.s32 $0x0;
	s0 =	rddreg [dreg:$0x10];
	s1 =	simm.s32 $0x12000  }
0x18e: {  	[tilespmem:s1], [sflag:$0x7] =	stream.linear.gather [hbm4b:s0+s29], $0x80, $0x38;
	[tilespmem:$0x1B320] =	vst v63  }
0x18f: {  	_ =	swait.ge [sflag:s14], $0x80  }
0x190: {  	[sflag:s14] =	ssyncset.done $0x0  }
0x191: {  	[sflag:s14] =	ssyncadd.s32 $0xFFFFFF80  }
0x192: {  	v0 =	vld [tilespmem:$0x12040];
	_ =	sdelay $0x4  }
0x193: {  	v0 =	vmax.f32 v0, $9.999999930e-09  }
0x194: {  	(erf) = vrcp.f32 v0;
	_ =	sdelay $0x5  }
0x195: {  	v2 =	vld [tilespmem:$0x12010]  }
0x196: {  	v1 =	vld [tilespmem:$0x12020]  }
0x197: {  	v3 =	vld [tilespmem:$0x12030]  }
0x198: {  	v5 =	vld [tilespmem:$0x12050];
	v4 =	vpop (erf)  }
0x199: {  	v0 =	vld [tilespmem:$0x12000];
	[bflag:$0x0] =	sbarrier.arrive $0xFFFF  }
0x19a: {  	s14 =	sld [smem:$0x7C8];
	_ =	sdelay $0x1  }
0x19b: {  	s15 =	sld [smem:$0x7C9]  }
0x19c: {  	[tilespmem:s29], [sflag:$0x1] =	stream.linear.gather [hbm4b:s14+s29], $0xC00, $0x38;
	[tilespmem:$0x1B320] =	vst v63  }
0x19d: {  	_ = 	snop  }
0x19e: {  	[tilespmem:s21], [sflag:$0x1] =	stream.linear.gather [hbm4b:s15+s29], $0xC00, $0x38;
	[tilespmem:$0x1B320] =	vst v63  }
0x19f: {  	_ =	swait.ge [sflag:s22], $0xC00  }
0x1a0: {  	[sflag:s22] =	ssyncset.done $0x0  }
0x1a1: {  	[sflag:s22] =	ssyncadd.s32 $0xFFFFF400  }
0x1a2: {  	_ =	swait.ge [sflag:s22], $0xC00  }
0x1a3: {  	[sflag:s22] =	ssyncset.done $0x0  }
0x1a4: {  	[sflag:s22] =	ssyncadd.s32 $0xFFFFF400  }
0x1a5: {  	[tilespmem:s26], [sflag:$0x3] =	stream.indirect.gather [spmem:s3], $0x1, s29, s21, $0xb8;
	[tilespmem:$0x1B320] =	vst v63  }
0x1a6: {  	_ = 	snop  }
0x1a7: {  	[tilespmem:s30], [sflag:$0x3] =	stream.indirect.gather [spmem:s4], $0x1, s29, s21, $0xb8;
	[tilespmem:$0x1B320] =	vst v63  }
0x1a8: {  	_ = 	snop  }
0x1a9: {  	[tilespmem:s2], [sflag:$0x3] =	stream.indirect.gather [spmem:s5], $0x1, s29, s21, $0xb8;
	[tilespmem:$0x1B320] =	vst v63  }
0x1aa: {  	s16 =	simm.s32 $0x5400  }
0x1ab: {  	[tilespmem:s16], [sflag:$0x3] =	stream.indirect.gather [spmem:s3], $0x1, s21, s21, $0xb8;
	[tilespmem:$0x1B320] =	vst v63  }
0x1ac: {  	s17 =	simm.s32 $0x6000  }
0x1ad: {  	[tilespmem:s17], [sflag:$0x3] =	stream.indirect.gather [spmem:s4], $0x1, s21, s21, $0xb8;
	[tilespmem:$0x1B320] =	vst v63  }
0x1ae: {  	s18 =	simm.s32 $0x6C00;
	s31 =	simm.s32 $0x0  }
0x1af: {  	v1 =	vmul.f32 v5, v1;
	v0 =	vmul.f32 v5, v0;
	[tilespmem:s18], [sflag:$0x3] =	stream.indirect.gather [spmem:s5], $0x1, s21, s21, $0xb8;
	[tilespmem:$0x1B320] =	vst v63  }
.LBB3_5:
0x1b0: {  	s0 =	sld [smem:$0x7F1];
	_ =	sdelay $0x1  }
0x1b1: {  	s6 =	sshll.u32 s31, $0x6  }
0x1b2: {  	s12 =	sor.u32 s6, s0  }
0x1b3: {  	s12 =	smul.u32 $0x180, s12;
	_ =	sdelay $0x1  }
0x1b4: {  	s17 =	rddreg [dreg:$0x5];
	s12 =	sadd.s32 $0x3000, s12  }
0x1b5: {  	s18 =	rddreg [dreg:$0x6];
	s14 =	sadd.s32 s17, s12  }
0x1b6: {  	[tilespmem:s19], [sflag:$0x2] =	stream.linear.gather [hbm4b:s14+s29], $0xC00, $0x38;
	[tilespmem:$0x1B320] =	vst v63  }
0x1b7: {  	s12 =	sadd.s32 s18, s12  }
0x1b8: {  	[tilespmem:s20], [sflag:$0x2] =	stream.linear.gather [hbm4b:s12+s29], $0xC00, $0x38;
	[tilespmem:$0x1B320] =	vst v63  }
0x1b9: {  	_ =	swait.ge [sflag:s24], $0xC00  }
0x1ba: {  	[sflag:s24] =	ssyncset.done $0x0  }
0x1bb: {  	[sflag:s24] =	ssyncadd.s32 $0xFFFFF400  }
0x1bc: {  	_ =	swait.ge [sflag:s24], $0xC00  }
0x1bd: {  	[sflag:s24] =	ssyncset.done $0x0  }
0x1be: {  	[sflag:s24] =	ssyncadd.s32 $0xFFFFF400  }
0x1bf: {  	_ =	swait.ge [sflag:s24], $0xC00  }
0x1c0: {  	[sflag:s24] =	ssyncset.done $0x0  }
0x1c1: {  	[sflag:s24] =	ssyncadd.s32 $0xFFFFF400  }
0x1c2: {  	_ =	swait.ge [sflag:s24], $0xC00  }
0x1c3: {  	[sflag:s24] =	ssyncset.done $0x0  }
0x1c4: {  	[sflag:s24] =	ssyncadd.s32 $0xFFFFF400  }
0x1c5: {  	_ =	swait.ge [sflag:s24], $0xC00  }
0x1c6: {  	[sflag:s24] =	ssyncset.done $0x0  }
0x1c7: {  	[sflag:s24] =	ssyncadd.s32 $0xFFFFF400  }
0x1c8: {  	_ =	swait.ge [sflag:s24], $0xC00  }
0x1c9: {  	[sflag:s24] =	ssyncset.done $0x0  }
0x1ca: {  	[sflag:s24] =	ssyncadd.s32 $0xFFFFF400  }
0x1cb: {  	_ =	swait.ge [sflag:s10], $0xC00  }
0x1cc: {  	[sflag:s10] =	ssyncset.done $0x0  }
0x1cd: {  	[sflag:s10] =	ssyncadd.s32 $0xFFFFF400  }
0x1ce: {  	_ =	swait.ge [sflag:s10], $0xC00  }
0x1cf: {  	[sflag:s10] =	ssyncset.done $0x0  }
0x1d0: {  	s1 =	simm.s32 $0x7800;
	[sflag:s10] =	ssyncadd.s32 $0xFFFFF400  }
0x1d1: {  	[tilespmem:s1], [sflag:$0x4] =	stream.indirect.gather [spmem:s3], $0x1, s19, s21, $0xb8;
	[tilespmem:$0x1B320] =	vst v63  }
0x1d2: {  	s12 =	simm.s32 $0x8400  }
0x1d3: {  	[tilespmem:s12], [sflag:$0x4] =	stream.indirect.gather [spmem:s4], $0x1, s19, s21, $0xb8;
	[tilespmem:$0x1B320] =	vst v63  }
0x1d4: {  	s14 =	simm.s32 $0x9000  }
0x1d5: {  	[tilespmem:s14], [sflag:$0x4] =	stream.indirect.gather [spmem:s5], $0x1, s19, s21, $0xb8;
	[tilespmem:$0x1B320] =	vst v63  }
0x1d6: {  	s15 =	simm.s32 $0x9C00  }
0x1d7: {  	[tilespmem:s15], [sflag:$0x4] =	stream.indirect.gather [spmem:s3], $0x1, s20, s21, $0xb8;
	[tilespmem:$0x1B320] =	vst v63  }
0x1d8: {  	s16 =	simm.s32 $0xA800  }
0x1d9: {  	[tilespmem:s16], [sflag:$0x4] =	stream.indirect.gather [spmem:s4], $0x1, s20, s21, $0xb8;
	[tilespmem:$0x1B320] =	vst v63  }
0x1da: {  	s17 =	simm.s32 $0xB400;
	s14 =	simm.s32 $0x0  }
0x1db: {  	[tilespmem:s17], [sflag:$0x4] =	stream.indirect.gather [spmem:s5], $0x1, s20, s21, $0xb8;
	[tilespmem:$0x1B320] =	vst v63  }
0x1dc: {  	v5 =	vld [tilespmem:s14+$0x5400]  }
0x1dd: {  	v6 =	vld [tilespmem:s14+$0x3000]  }
0x1de: {  	v8 =	vld [tilespmem:s14+$0x4800]  }
0x1df: {  	v9 =	vld [tilespmem:s14+$0x3C00]  }
0x1e0: {  	v10 =	vld [tilespmem:s14+$0x6000]  }
0x1e1: {  	v11 =	vld [tilespmem:s14+$0x6C00];
	_ =	sdelay $0x3  }
0x1e2: {  	v7 =	vsub.f32 v5, v6;
	v6 =	vsub.f32 v10, v9  }
0x1e3: {  	v5 =	vand.u32 $0xFFFFFFF8, v8;
	v9 =	vand.u32 $0xFFFFFFF8, v11  }
0x1e4: {  	v5 =	vsub.f32 v9, v5;
	v9 =	vmul.f32 v7, v7;
	v10 =	vmul.f32 v6, v6;
	_ =	sdelay $0x1  }
0x1e5: {  	v9 =	vadd.f32 v10, v9;
	v10 =	vmul.f32 v5, v5;
	_ =	sdelay $0x1  }
0x1e6: {  	v9 =	vadd.f32 v10, v9;
	_ =	sdelay $0x1  }
0x1e7: {  	v10 =	vmax.f32 v9, $1.000000000e-30  }
0x1e8: {  	v9 =	vshra.s32 v10, $0x1;
	v11 =	vmul.f32 $5.000000000e-01, v10  }
0x1e9: {  	v9 =	vsub.s32 $0x5F3759DF, v9  }
0x1ea: {  	v12 =	vmul.f32 v9, v11;
	_ =	sdelay $0x1  }
0x1eb: {  	v12 =	vmul.f32 v9, v12;
	_ =	sdelay $0x1  }
0x1ec: {  	v12 =	vsub.f32 $1.500000000e+00, v12;
	_ =	sdelay $0x1  }
0x1ed: {  	v9 =	vmul.f32 v9, v12;
	_ =	sdelay $0x1  }
0x1ee: {  	v12 =	vmul.f32 v9, v11;
	_ =	sdelay $0x1  }
0x1ef: {  	v12 =	vmul.f32 v12, v9;
	_ =	sdelay $0x1  }
0x1f0: {  	v12 =	vsub.f32 $1.500000000e+00, v12;
	_ =	sdelay $0x1  }
0x1f1: {  	v9 =	vmul.f32 v12, v9;
	_ =	sdelay $0x1  }
0x1f2: {  	v11 =	vmul.f32 v9, v11;
	_ =	sdelay $0x1  }
0x1f3: {  	v11 =	vmul.f32 v11, v9  }
0x1f4: {  	v15 =	vld [tilespmem:s14+$0x0]  }
0x1f5: {  	v11 =	vsub.f32 $1.500000000e+00, v11  }
0x1f6: {  	s18 =	sand.u32 $0x3E00, s29  }
0x1f7: {  	s12 =	sshrl.u32 s18, $0x2;
	s15 =	sand.u32 $0x70, s29;
	v9 =	vmul.f32 v11, v9  }
0x1f8: {  	s15 =	sor.u32 s15, s12;
	v8 =	vand.u32 $0x7, v8  }
0x1f9: {  	s12 =	simm.s32 $0x10;
	v16 =	vld [tilespmem:s14+$0xC00];
	[tilespmem:s15+$0xC000] =	vst v15;
	v12 =	vperm.xlane v2, v8;
	v10 =	vmul.f32 v9, v10  }
0x1fa: {  	v14 =	vld [tilespmem:s12+$0x3000];
	v17 =	vperm.xlane v3, v8  }
0x1fb: {  	v18 =	vld [tilespmem:s12+$0x4800];
	v19 =	vperm.xlane v4, v8;
	v13 =	vsub.f32 v10, v12  }
0x1fc: {  	v11 =	vld [tilespmem:s12+$0x5400];
	v10 =	vsub.f32 v10, v17  }
0x1fd: {  	v12 =	vld [tilespmem:s12+$0x3C00];
	v20 =	vmul.f32 v13, v19  }
0x1fe: {  	v17 =	vld [tilespmem:s12+$0x6000];
	v10 =	vmul.f32 v10, v19  }
0x1ff: {  	v21 =	vld [tilespmem:s12+$0x6C00];
	v19 =	vsub.f32 $0.0e+00, v20  }
0x200: {  	v20 =	vmul.f32 $1.442695020e+00, v10  }
0x201: {  	v10 =	vsub.f32 v11, v14;
	v14 =	vmul.f32 $1.442695020e+00, v19  }
0x202: {  	(erf) = vpow2.f32 v20  }
0x203: {  	v11 =	vsub.f32 v17, v12;
	(erf) = vpow2.f32 v14  }
0x204: {  	v12 =	vand.u32 $0xFFFFFFF8, v18;
	v17 =	vand.u32 $0xFFFFFFF8, v21  }
0x205: {  	v12 =	vsub.f32 v17, v12;
	v17 =	vmul.f32 v10, v10;
	v19 =	vmul.f32 v11, v11;
	_ =	sdelay $0x1  }
0x206: {  	v14 =	vadd.f32 v19, v17;
	v17 =	vmul.f32 v12, v12;
	_ =	sdelay $0x1  }
0x207: {  	v14 =	vadd.f32 v17, v14;
	_ =	sdelay $0x1  }
0x208: {  	v14 =	vmax.f32 v14, $1.000000000e-30;
	v20 =	vpop (erf)  }
0x209: {  	v19 =	vshra.s32 v14, $0x1;
	v17 =	vmul.f32 $5.000000000e-01, v14;
	v22 =	vpop (erf)  }
0x20a: {  	v19 =	vsub.s32 $0x5F3759DF, v19;
	v20 =	vadd.f32 $1.000000000e+00, v20;
	v22 =	vadd.f32 $1.000000000e+00, v22  }
0x20b: {  	v62 =	vmul.f32 v19, v17  }
0x20c: {  	v20 =	vmul.f32 v22, v20  }
0x20d: {  	v21 =	vmul.f32 v19, v62  }
0x20e: {  	(erf) = vrcp.f32 v20  }
0x20f: {  	v21 =	vsub.f32 $1.500000000e+00, v21  }
0x210: {  	vm0 =	veq.s32 v16, v15;
	v63 =	vxor.u32 $0x80000000, v13  }
0x211: {  	s18 =	simm.s32 $0x80;
	s16 =	simm.s32 $0x0;
	s15 =	simm.s32 $0x40;
	v16 =	vand.u32 $0x7, v18;
	v15 =	vmax.f32 v63, $0.0e+00;
	v18 =	vmul.f32 v19, v21  }
.LBB3_6:
0x212: {  	p1 =	sne.s32 s18, $0x2FC0  }
0x213: {  	s16 =	sadd.s32 $0x10, s16;
	s17 =	smov.u32 s18;
	s18 =	sadd.s32 $0x40, s18  }
0x214: {  	v20 =	vperm.xlane v1, v8;
	v22 =	vmul.f32 v18, v17  }
0x215: {  	v21 =	vperm.xlane v0, v8;
	v8 =	vmov v16  }
0x216: {  	v13 =	vmul.f32 v13, v20;
	v16 =	vmul.f32 v22, v18  }
0x217: {  	v19 =	vpop (erf)  }
0x218: {  	v15 =	vmul.f32 v15, v21;
	v16 =	vsub.f32 $1.500000000e+00, v16;
	v13 =	vmul.f32 v19, v13;
	_ =	sdelay $0x1  }
0x219: {  	v16 =	vmul.f32 v16, v18;
	v13 =	vsub.f32 v13, v15  }
0x21a: {  	v9 =	vmin.f32 v9, $1.000000000e+08;
	s0 =	sshra.s32 s17, $0x2  }
0x21b: {  	v15 =	vmul.f32 v16, v17;
	v9 =	vmul.f32 v13, v9;
	_ =	sdelay $0x1  }
0x21c: {  	v17 =	vld [tilespmem:s12+$0x0];
	v13 =	vmul.f32 v15, v16;
	v9 =	vsel vm0, $0x0, v9  }
0x21d: {  	v15 =	vmul.f32 v9, v7;
	v18 =	vmul.f32 v9, v6;
	v7 =	vmovc v10;
	v6 =	vmov v11  }
0x21e: {  	s1 =	sand.u32 $0x3E00, s15;
	s15 =	smov.u32 s17;
	v11 =	vmul.f32 v9, v5;
	v5 =	vmov v12;
	v10 =	vsub.f32 $1.500000000e+00, v13  }
0x21f: {  	s17 =	sand.u32 $0x70, s16;
	s1 =	sshrl.u32 s1, $0x2;
	[tilespmem:s14+$0xD800] =	vst v15  }
0x220: {  	s1 =	sor.u32 s17, s1;
	v12 =	vld [tilespmem:s12+$0xC00];
	v9 =	vmul.f32 v10, v16;
	[tilespmem:s14+$0xE400] =	vst v18  }
0x221: {  	v10 =	vperm.xlane v3, v8;
	[tilespmem:s14+$0xF000] =	vst v11;
	s14 =	smov.u32 s12;
	s12 =	smov.u32 s0  }
0x222: {  	v13 =	vperm.xlane v2, v8;
	[tilespmem:s1+$0xC000] =	vst v17;
	v11 =	vmul.f32 v9, v14  }
0x223: {  	v14 =	vld [tilespmem:s12+$0x5400]  }
0x224: {  	v15 =	vperm.xlane v4, v8;
	v13 =	vsub.f32 v11, v13;
	v10 =	vsub.f32 v11, v10  }
0x225: {  	v11 =	vld [tilespmem:s12+$0x3000];
	vm0 =	veq.s32 v12, v17  }
0x226: {  	v12 =	vld [tilespmem:s12+$0x4800];
	v16 =	vxor.u32 $0x80000000, v13;
	v17 =	vmul.f32 v13, v15;
	v10 =	vmul.f32 v10, v15  }
0x227: {  	v18 =	vld [tilespmem:s12+$0x3C00];
	v15 =	vmax.f32 v16, $0.0e+00  }
0x228: {  	v19 =	vld [tilespmem:s12+$0x6000];
	v16 =	vsub.f32 $0.0e+00, v17;
	v17 =	vmul.f32 $1.442695020e+00, v10  }
0x229: {  	v20 =	vld [tilespmem:s12+$0x6C00]  }
0x22a: {  	v10 =	vsub.f32 v14, v11;
	v11 =	vmul.f32 $1.442695020e+00, v16;
	(erf) = vpow2.f32 v17  }
0x22b: {  	v16 =	vand.u32 $0x7, v12  }
0x22c: {  	(erf) = vpow2.f32 v11  }
0x22d: {  	v12 =	vand.u32 $0xFFFFFFF8, v12;
	v11 =	vsub.f32 v19, v18  }
0x22e: {  	v14 =	vand.u32 $0xFFFFFFF8, v20  }
0x22f: {  	v12 =	vsub.f32 v14, v12;
	v14 =	vmul.f32 v10, v10;
	v17 =	vmul.f32 v11, v11;
	_ =	sdelay $0x1  }
0x230: {  	v14 =	vadd.f32 v17, v14;
	v18 =	vmul.f32 v12, v12;
	_ =	sdelay $0x1  }
0x231: {  	v14 =	vadd.f32 v18, v14;
	v17 =	vpop (erf);
	_ =	sdelay $0x1  }
0x232: {  	v18 =	vadd.f32 $1.000000000e+00, v17;
	v14 =	vmax.f32 v14, $1.000000000e-30;
	v19 =	vpop (erf)  }
0x233: {  	v20 =	vshra.s32 v14, $0x1;
	v17 =	vmul.f32 $5.000000000e-01, v14;
	v19 =	vadd.f32 $1.000000000e+00, v19  }
0x234: {  	v20 =	vsub.s32 $0x5F3759DF, v20  }
0x235: {  	v21 =	vmul.f32 v20, v17;
	v18 =	vmul.f32 v19, v18;
	_ =	sdelay $0x1  }
.Ltmp2:
0x236: {  	v19 =	vmul.f32 v20, v21;
	(erf) = vrcp.f32 v18;
	(pc) =	sbr.rel @p1 .LBB3_6-.Ltmp2, $3  }
0x237: {  	_ = 	snop  }
0x238: {  	v18 =	vsub.f32 $1.500000000e+00, v19;
	_ =	sdelay $0x1  }
0x239: {  	v18 =	vmul.f32 v20, v18  }
0x23a: {  	_ = 	snop  }
0x23b: {  	v19 =	vmul.f32 v18, v17;
	_ =	sdelay $0x1  }
0x23c: {  	v19 =	vmul.f32 v19, v18;
	_ =	sdelay $0x1  }
0x23d: {  	v19 =	vsub.f32 $1.500000000e+00, v19;
	_ =	sdelay $0x1  }
0x23e: {  	v48 =	vmul.f32 v19, v18;
	_ =	sdelay $0x1  }
0x23f: {  	v49 =	vmul.f32 v48, v17;
	_ =	sdelay $0x1  }
0x240: {  	v17 =	vmul.f32 v49, v48;
	_ =	sdelay $0x1  }
0x241: {  	v17 =	vsub.f32 $1.500000000e+00, v17;
	_ =	sdelay $0x1  }
0x242: {  	v17 =	vmul.f32 v17, v48;
	_ =	sdelay $0x1  }
0x243: {  	v50 =	vperm.xlane v2, v16;
	v14 =	vmul.f32 v17, v14  }
0x244: {  	v51 =	vperm.xlane v3, v16  }
0x245: {  	v20 =	vperm.xlane v4, v16;
	v18 =	vsub.f32 v14, v50  }
0x246: {  	v14 =	vsub.f32 v14, v51  }
0x247: {  	v52 =	vmul.f32 v18, v20  }
0x248: {  	v14 =	vmul.f32 v14, v20  }
0x249: {  	v19 =	vsub.f32 $0.0e+00, v52  }
0x24a: {  	v14 =	vmul.f32 $1.442695020e+00, v14  }
0x24b: {  	v19 =	vmul.f32 $1.442695020e+00, v19  }
0x24c: {  	(erf) = vpow2.f32 v14  }
0x24d: {  	(erf) = vpow2.f32 v19;
	_ =	sdelay $0x6  }
0x24e: {  	v53 =	vpop (erf)  }
0x24f: {  	v54 =	vpop (erf)  }
0x250: {  	v55 =	vpop (erf)  }
0x251: {  	v21 =	vperm.xlane v1, v8;
	v19 =	vadd.f32 $1.000000000e+00, v54;
	v20 =	vadd.f32 $1.000000000e+00, v55  }
0x252: {  	v56 =	vperm.xlane v0, v8  }
0x253: {  	v13 =	vmul.f32 v13, v21;
	v19 =	vmul.f32 v20, v19  }
0x254: {  	v8 =	vmul.f32 v15, v56  }
0x255: {  	v13 =	vmul.f32 v53, v13;
	(erf) = vrcp.f32 v19;
	_ =	sdelay $0x1  }
0x256: {  	v8 =	vsub.f32 v13, v8  }
0x257: {  	v9 =	vmin.f32 v9, $1.000000000e+08  }
0x258: {  	v8 =	vmul.f32 v8, v9;
	_ =	sdelay $0x1  }
0x259: {  	v57 =	vperm.xlane v1, v16;
	v8 =	vsel vm0, $0x0, v8  }
0x25a: {  	v7 =	vmul.f32 v8, v7  }
0x25b: {  	v60 =	vperm.xlane v0, v16;
	v59 =	vxor.u32 $0x80000000, v18;
	v9 =	vmul.f32 v18, v57  }
0x25c: {  	v58 =	vld [tilespmem:s12+$0x0];
	[tilespmem:s14+$0xD800] =	vst v7;
	v7 =	vmax.f32 v59, $0.0e+00;
	v61 =	vpop (erf)  }
0x25d: {  	v62 =	vld [tilespmem:s12+$0xC00];
	v7 =	vmul.f32 v7, v60;
	v9 =	vmul.f32 v61, v9;
	_ =	sdelay $0x1  }
0x25e: {  	v7 =	vsub.f32 v9, v7  }
0x25f: {  	v63 =	vmin.f32 v17, $1.000000000e+08  }
0x260: {  	v6 =	vmul.f32 v8, v6;
	v7 =	vmul.f32 v7, v63  }
0x261: {  	s0 =	sadd.s32 $0x10, s16;
	s1 =	sand.u32 $0x3E00, s15;
	v5 =	vmul.f32 v8, v5;
	vm15 =	veq.s32 v62, v58  }
0x262: {  	s0 =	sand.u32 $0x70, s0;
	s1 =	sshrl.u32 s1, $0x2;
	[tilespmem:s14+$0xE400] =	vst v6;
	v6 =	vsel vm15, $0x0, v7  }
0x263: {  	s0 =	sor.u32 s0, s1;
	[tilespmem:s14+$0xF000] =	vst v5;
	v5 =	vmul.f32 v6, v10  }
0x264: {  	[tilespmem:s0+$0xC000] =	vst v58;
	v7 =	vmul.f32 v6, v11  }
0x265: {  	v6 =	vmul.f32 v6, v12;
	[tilespmem:s12+$0xD800] =	vst v5  }
0x266: {  	s18 =	simm.s32 $0xD800;
	[tilespmem:s12+$0xE400] =	vst v7  }
0x267: {  	s15 =	simm.s32 $0x200;
	s14 =	simm.s32 $0x0;
	[tilespmem:s12+$0xF000] =	vst v6;
	s12 =	simm.s32 $0xC000  }
0x268: {  	[spmem:s7] =	stream.indirect.scatter.add.f32 [tilespmem:s18], [sflag:$0x5], $0x1, s12, s25, $0xb8;
	[tilespmem:$0x1B320] =	vst v63  }
.LBB3_8:
0x269: {  	s0 =	sshra.s32 s15, $0x2;
	s1 =	sadd.s32 $0xE400, s14;
	p1 =	sne.s32 s15, $0x2E00  }
0x26a: {  	[spmem:s8] =	stream.indirect.scatter.add.f32 [tilespmem:s1], [sflag:$0x5], $0x1, s12, s25, $0xb8;
	[tilespmem:$0x1B320] =	vst v63  }
.Ltmp3:
0x26b: {  	_ = 	snop;
	(pc) =	sbr.rel @p1 .LBB3_8-.Ltmp3, $4  }
0x26c: {  	s16 =	sadd.s32 $0xF000, s14;
	s1 =	sadd.s32 $0xD800, s0;
	s14 =	smov.u32 s0  }
0x26d: {  	[spmem:s9] =	stream.indirect.scatter.add.f32 [tilespmem:s16], [sflag:$0x5], $0x1, s12, s25, $0xb8;
	[tilespmem:$0x1B320] =	vst v63  }
0x26e: {  	s15 =	sadd.s32 $0x200, s15;
	s12 =	sadd.s32 $0xC000, s14  }
0x26f: {  	[spmem:s7] =	stream.indirect.scatter.add.f32 [tilespmem:s1], [sflag:$0x5], $0x1, s12, s25, $0xb8;
	[tilespmem:$0x1B320] =	vst v63  }
0x270: {  	s0 =	sadd.s32 $0xE400, s14  }
0x271: {  	[spmem:s8] =	stream.indirect.scatter.add.f32 [tilespmem:s0], [sflag:$0x5], $0x1, s12, s25, $0xb8;
	[tilespmem:$0x1B320] =	vst v63  }
0x272: {  	s18 =	sadd.s32 $0xF000, s14  }
0x273: {  	[spmem:s9] =	stream.indirect.scatter.add.f32 [tilespmem:s18], [sflag:$0x5], $0x1, s12, s25, $0xb8;
	[tilespmem:$0x1B320] =	vst v63  }
0x274: {  	_ =	swait.ge [sflag:s11], $0x80  }
0x275: {  	[sflag:s11] =	ssyncset.done $0x0  }
0x276: {  	[sflag:s11] =	ssyncadd.s32 $0xFFFFFF80  }
0x277: {  	_ =	swait.ge [sflag:s11], $0x80  }
0x278: {  	[sflag:s11] =	ssyncset.done $0x0  }
0x279: {  	[sflag:s11] =	ssyncadd.s32 $0xFFFFFF80  }
0x27a: {  	_ =	swait.ge [sflag:s11], $0x80  }
0x27b: {  	s12 =	simm.s32 $0x17;
	[sflag:s11] =	ssyncset.done $0x0  }
.LBB3_10:
0x27c: {  	p1 =	sne.s32 s12, $0x1;
	s12 =	sadd.s32 $0xFFFFFFFF, s12;
	[sflag:s11] =	ssyncadd.s32 $0xFFFFFF80  }
0x27d: {  	_ =	swait.ge [sflag:s11], $0x80  }
0x27e: {  	[sflag:s11] =	ssyncset.done $0x0  }
0x27f: {  	[sflag:s11] =	ssyncadd.s32 $0xFFFFFF80  }
.Ltmp4:
0x280: {  	_ =	swait.ge [sflag:s11], $0x80;
	(pc) =	sbr.rel @p1 .LBB3_10-.Ltmp4, $4  }
0x281: {  	[sflag:s11] =	ssyncset.done $0x0  }
0x282: {  	[sflag:s11] =	ssyncadd.s32 $0xFFFFFF80  }
0x283: {  	_ =	swait.ge [sflag:s11], $0x80  }
0x284: {  	[sflag:s11] =	ssyncset.done $0x0  }
0x285: {  	s0 =	sadd.s32 s13, s6  }
0x286: {  	[sflag:s11] =	ssyncadd.s32 $0xFFFFFF80;
	s0 =	smul.u32 $0x180, s0  }
0x287: {  	s1 =	rddreg [dreg:$0x5]  }
0x288: {  	s6 =	simm.s32 $0x0;
	s12 =	rddreg [dreg:$0x6];
	s1 =	sadd.s32 s1, s0  }
0x289: {  	[tilespmem:s6], [sflag:$0x1] =	stream.linear.gather [hbm4b:s1+s6], $0xC00, $0x38;
	[tilespmem:$0x1B320] =	vst v63  }
0x28a: {  	s0 =	sadd.s32 s12, s0  }
0x28b: {  	[tilespmem:s21], [sflag:$0x1] =	stream.linear.gather [hbm4b:s0+s6], $0xC00, $0x38;
	[tilespmem:$0x1B320] =	vst v63  }
0x28c: {  	_ =	swait.ge [sflag:s23], $0xC00  }
0x28d: {  	[sflag:s23] =	ssyncset.done $0x0  }
0x28e: {  	[sflag:s23] =	ssyncadd.s32 $0xFFFFF400  }
0x28f: {  	_ =	swait.ge [sflag:s23], $0xC00  }
0x290: {  	[sflag:s23] =	ssyncset.done $0x0  }
0x291: {  	[sflag:s23] =	ssyncadd.s32 $0xFFFFF400  }
0x292: {  	_ =	swait.ge [sflag:s23], $0xC00  }
0x293: {  	[sflag:s23] =	ssyncset.done $0x0  }
0x294: {  	[sflag:s23] =	ssyncadd.s32 $0xFFFFF400  }
0x295: {  	_ =	swait.ge [sflag:s23], $0xC00  }
0x296: {  	[sflag:s23] =	ssyncset.done $0x0  }
0x297: {  	[sflag:s23] =	ssyncadd.s32 $0xFFFFF400  }
0x298: {  	_ =	swait.ge [sflag:s23], $0xC00  }
0x299: {  	[sflag:s23] =	ssyncset.done $0x0  }
0x29a: {  	[sflag:s23] =	ssyncadd.s32 $0xFFFFF400  }
0x29b: {  	_ =	swait.ge [sflag:s23], $0xC00  }
0x29c: {  	[sflag:s23] =	ssyncset.done $0x0  }
0x29d: {  	[sflag:s23] =	ssyncadd.s32 $0xFFFFF400  }
0x29e: {  	_ =	swait.ge [sflag:s22], $0xC00  }
0x29f: {  	[sflag:s22] =	ssyncset.done $0x0  }
0x2a0: {  	[sflag:s22] =	ssyncadd.s32 $0xFFFFF400  }
0x2a1: {  	_ =	swait.ge [sflag:s22], $0xC00  }
0x2a2: {  	[sflag:s22] =	ssyncset.done $0x0  }
0x2a3: {  	[sflag:s22] =	ssyncadd.s32 $0xFFFFF400  }
0x2a4: {  	[tilespmem:s26], [sflag:$0x3] =	stream.indirect.gather [spmem:s3], $0x1, s6, s21, $0xb8;
	[tilespmem:$0x1B320] =	vst v63  }
0x2a5: {  	_ = 	snop  }
0x2a6: {  	[tilespmem:s30], [sflag:$0x3] =	stream.indirect.gather [spmem:s4], $0x1, s6, s21, $0xb8;
	[tilespmem:$0x1B320] =	vst v63  }
0x2a7: {  	_ = 	snop  }
0x2a8: {  	[tilespmem:s2], [sflag:$0x3] =	stream.indirect.gather [spmem:s5], $0x1, s6, s21, $0xb8;
	[tilespmem:$0x1B320] =	vst v63  }
0x2a9: {  	s14 =	simm.s32 $0x5400  }
0x2aa: {  	[tilespmem:s14], [sflag:$0x3] =	stream.indirect.gather [spmem:s3], $0x1, s21, s21, $0xb8;
	[tilespmem:$0x1B320] =	vst v63  }
0x2ab: {  	s15 =	simm.s32 $0x6000  }
0x2ac: {  	[tilespmem:s15], [sflag:$0x3] =	stream.indirect.gather [spmem:s4], $0x1, s21, s21, $0xb8;
	[tilespmem:$0x1B320] =	vst v63  }
0x2ad: {  	s16 =	simm.s32 $0x6C00;
	s14 =	simm.s32 $0x0  }
0x2ae: {  	[tilespmem:s16], [sflag:$0x3] =	stream.indirect.gather [spmem:s5], $0x1, s21, s21, $0xb8;
	[tilespmem:$0x1B320] =	vst v63  }
0x2af: {  	v5 =	vld [tilespmem:s14+$0x9C00]  }
0x2b0: {  	v6 =	vld [tilespmem:s14+$0x7800]  }
0x2b1: {  	v8 =	vld [tilespmem:s14+$0x9000]  }
0x2b2: {  	v9 =	vld [tilespmem:s14+$0x8400]  }
0x2b3: {  	v10 =	vld [tilespmem:s14+$0xA800]  }
0x2b4: {  	v11 =	vld [tilespmem:s14+$0xB400];
	_ =	sdelay $0x3  }
0x2b5: {  	v7 =	vsub.f32 v5, v6;
	v6 =	vsub.f32 v10, v9  }
0x2b6: {  	v5 =	vand.u32 $0xFFFFFFF8, v8;
	v9 =	vand.u32 $0xFFFFFFF8, v11  }
0x2b7: {  	v5 =	vsub.f32 v9, v5;
	v9 =	vmul.f32 v7, v7;
	v10 =	vmul.f32 v6, v6;
	_ =	sdelay $0x1  }
0x2b8: {  	v9 =	vadd.f32 v10, v9;
	v10 =	vmul.f32 v5, v5;
	_ =	sdelay $0x1  }
0x2b9: {  	v9 =	vadd.f32 v10, v9;
	_ =	sdelay $0x1  }
0x2ba: {  	v10 =	vmax.f32 v9, $1.000000000e-30  }
0x2bb: {  	v9 =	vshra.s32 v10, $0x1;
	v11 =	vmul.f32 $5.000000000e-01, v10  }
0x2bc: {  	v9 =	vsub.s32 $0x5F3759DF, v9  }
0x2bd: {  	v12 =	vmul.f32 v9, v11;
	_ =	sdelay $0x1  }
0x2be: {  	v12 =	vmul.f32 v9, v12;
	_ =	sdelay $0x1  }
0x2bf: {  	v12 =	vsub.f32 $1.500000000e+00, v12;
	_ =	sdelay $0x1  }
0x2c0: {  	v9 =	vmul.f32 v9, v12;
	_ =	sdelay $0x1  }
0x2c1: {  	v12 =	vmul.f32 v9, v11;
	_ =	sdelay $0x1  }
0x2c2: {  	v12 =	vmul.f32 v12, v9;
	_ =	sdelay $0x1  }
0x2c3: {  	v12 =	vsub.f32 $1.500000000e+00, v12;
	_ =	sdelay $0x1  }
0x2c4: {  	v9 =	vmul.f32 v12, v9;
	_ =	sdelay $0x1  }
0x2c5: {  	v11 =	vmul.f32 v9, v11;
	_ =	sdelay $0x1  }
0x2c6: {  	v11 =	vmul.f32 v11, v9  }
0x2c7: {  	v15 =	vld [tilespmem:s14+$0x1800]  }
0x2c8: {  	v11 =	vsub.f32 $1.500000000e+00, v11  }
0x2c9: {  	s17 =	sand.u32 $0x3E00, s6  }
0x2ca: {  	s18 =	sand.u32 $0x70, s6;
	s0 =	sshrl.u32 s17, $0x2;
	v9 =	vmul.f32 v11, v9  }
0x2cb: {  	s0 =	sor.u32 s18, s0;
	v8 =	vand.u32 $0x7, v8  }
0x2cc: {  	s12 =	simm.s32 $0x10;
	v16 =	vld [tilespmem:s14+$0x2400];
	[tilespmem:s0+$0xCC00] =	vst v15;
	v12 =	vperm.xlane v2, v8;
	v10 =	vmul.f32 v9, v10  }
0x2cd: {  	v14 =	vld [tilespmem:s12+$0x7800];
	v17 =	vperm.xlane v3, v8  }
0x2ce: {  	v18 =	vld [tilespmem:s12+$0x9000];
	v19 =	vperm.xlane v4, v8;
	v13 =	vsub.f32 v10, v12  }
0x2cf: {  	v11 =	vld [tilespmem:s12+$0x9C00];
	v10 =	vsub.f32 v10, v17  }
0x2d0: {  	v12 =	vld [tilespmem:s12+$0x8400];
	v20 =	vmul.f32 v13, v19  }
0x2d1: {  	v17 =	vld [tilespmem:s12+$0xA800];
	v10 =	vmul.f32 v10, v19  }
0x2d2: {  	v21 =	vld [tilespmem:s12+$0xB400];
	v19 =	vsub.f32 $0.0e+00, v20  }
0x2d3: {  	v20 =	vmul.f32 $1.442695020e+00, v10  }
0x2d4: {  	v10 =	vsub.f32 v11, v14;
	v14 =	vmul.f32 $1.442695020e+00, v19  }
0x2d5: {  	(erf) = vpow2.f32 v20  }
0x2d6: {  	v11 =	vsub.f32 v17, v12;
	(erf) = vpow2.f32 v14  }
0x2d7: {  	v12 =	vand.u32 $0xFFFFFFF8, v18;
	v17 =	vand.u32 $0xFFFFFFF8, v21  }
0x2d8: {  	v12 =	vsub.f32 v17, v12;
	v17 =	vmul.f32 v10, v10;
	v19 =	vmul.f32 v11, v11;
	_ =	sdelay $0x1  }
0x2d9: {  	v14 =	vadd.f32 v19, v17;
	v17 =	vmul.f32 v12, v12;
	_ =	sdelay $0x1  }
0x2da: {  	v14 =	vadd.f32 v17, v14;
	_ =	sdelay $0x1  }
0x2db: {  	v14 =	vmax.f32 v14, $1.000000000e-30;
	v20 =	vpop (erf)  }
0x2dc: {  	v19 =	vshra.s32 v14, $0x1;
	v17 =	vmul.f32 $5.000000000e-01, v14;
	v22 =	vpop (erf)  }
0x2dd: {  	v19 =	vsub.s32 $0x5F3759DF, v19;
	v20 =	vadd.f32 $1.000000000e+00, v20;
	v22 =	vadd.f32 $1.000000000e+00, v22  }
0x2de: {  	v62 =	vmul.f32 v19, v17  }
0x2df: {  	v20 =	vmul.f32 v22, v20  }
0x2e0: {  	v21 =	vmul.f32 v19, v62  }
0x2e1: {  	(erf) = vrcp.f32 v20  }
0x2e2: {  	v21 =	vsub.f32 $1.500000000e+00, v21  }
0x2e3: {  	vm0 =	veq.s32 v16, v15;
	v63 =	vxor.u32 $0x80000000, v13  }
0x2e4: {  	s15 =	simm.s32 $0x40;
	s16 =	simm.s32 $0x80;
	v16 =	vand.u32 $0x7, v18;
	v15 =	vmax.f32 v63, $0.0e+00;
	v18 =	vmul.f32 v19, v21  }
.LBB3_12:
0x2e5: {  	p1 =	sne.s32 s16, $0x2FC0  }
0x2e6: {  	s6 =	sadd.s32 $0x10, s6;
	s0 =	smov.u32 s16;
	s16 =	sadd.s32 $0x40, s16  }
0x2e7: {  	v20 =	vperm.xlane v1, v8;
	v22 =	vmul.f32 v18, v17  }
0x2e8: {  	v21 =	vperm.xlane v0, v8;
	v8 =	vmov v16  }
0x2e9: {  	v13 =	vmul.f32 v13, v20;
	v16 =	vmul.f32 v22, v18  }
0x2ea: {  	v19 =	vpop (erf)  }
0x2eb: {  	v15 =	vmul.f32 v15, v21;
	v16 =	vsub.f32 $1.500000000e+00, v16;
	v13 =	vmul.f32 v19, v13;
	_ =	sdelay $0x1  }
0x2ec: {  	v16 =	vmul.f32 v16, v18;
	v13 =	vsub.f32 v13, v15  }
0x2ed: {  	v9 =	vmin.f32 v9, $1.000000000e+08;
	s1 =	sshra.s32 s0, $0x2  }
0x2ee: {  	v15 =	vmul.f32 v16, v17;
	v9 =	vmul.f32 v13, v9;
	_ =	sdelay $0x1  }
0x2ef: {  	v17 =	vld [tilespmem:s12+$0x1800];
	v13 =	vmul.f32 v15, v16;
	v9 =	vsel vm0, $0x0, v9  }
0x2f0: {  	v15 =	vmul.f32 v9, v7;
	v18 =	vmul.f32 v9, v6;
	v7 =	vmovc v10;
	v6 =	vmov v11  }
0x2f1: {  	s17 =	sand.u32 $0x3E00, s15;
	s15 =	smov.u32 s0;
	v11 =	vmul.f32 v9, v5;
	v5 =	vmov v12;
	v10 =	vsub.f32 $1.500000000e+00, v13  }
0x2f2: {  	s0 =	sand.u32 $0x70, s6;
	s17 =	sshrl.u32 s17, $0x2;
	[tilespmem:s14+$0xFC00] =	vst v15  }
0x2f3: {  	s0 =	sor.u32 s0, s17;
	v12 =	vld [tilespmem:s12+$0x2400];
	v9 =	vmul.f32 v10, v16;
	[tilespmem:s14+$0x10800] =	vst v18  }
0x2f4: {  	v10 =	vperm.xlane v3, v8;
	[tilespmem:s14+$0x11400] =	vst v11;
	s14 =	smov.u32 s12;
	s12 =	smov.u32 s1  }
0x2f5: {  	v13 =	vperm.xlane v2, v8;
	[tilespmem:s0+$0xCC00] =	vst v17;
	v11 =	vmul.f32 v9, v14  }
0x2f6: {  	v14 =	vld [tilespmem:s12+$0x9C00]  }
0x2f7: {  	v15 =	vperm.xlane v4, v8;
	v13 =	vsub.f32 v11, v13;
	v10 =	vsub.f32 v11, v10  }
0x2f8: {  	v11 =	vld [tilespmem:s12+$0x7800];
	vm0 =	veq.s32 v12, v17  }
0x2f9: {  	v12 =	vld [tilespmem:s12+$0x9000];
	v16 =	vxor.u32 $0x80000000, v13;
	v17 =	vmul.f32 v13, v15;
	v10 =	vmul.f32 v10, v15  }
0x2fa: {  	v18 =	vld [tilespmem:s12+$0x8400];
	v15 =	vmax.f32 v16, $0.0e+00  }
0x2fb: {  	v19 =	vld [tilespmem:s12+$0xA800];
	v16 =	vsub.f32 $0.0e+00, v17;
	v17 =	vmul.f32 $1.442695020e+00, v10  }
0x2fc: {  	v20 =	vld [tilespmem:s12+$0xB400]  }
0x2fd: {  	v10 =	vsub.f32 v14, v11;
	v11 =	vmul.f32 $1.442695020e+00, v16;
	(erf) = vpow2.f32 v17  }
0x2fe: {  	v16 =	vand.u32 $0x7, v12  }
0x2ff: {  	(erf) = vpow2.f32 v11  }
0x300: {  	v12 =	vand.u32 $0xFFFFFFF8, v12;
	v11 =	vsub.f32 v19, v18  }
0x301: {  	v14 =	vand.u32 $0xFFFFFFF8, v20  }
0x302: {  	v12 =	vsub.f32 v14, v12;
	v14 =	vmul.f32 v10, v10;
	v17 =	vmul.f32 v11, v11;
	_ =	sdelay $0x1  }
0x303: {  	v14 =	vadd.f32 v17, v14;
	v18 =	vmul.f32 v12, v12;
	_ =	sdelay $0x1  }
0x304: {  	v14 =	vadd.f32 v18, v14;
	v17 =	vpop (erf);
	_ =	sdelay $0x1  }
0x305: {  	v18 =	vadd.f32 $1.000000000e+00, v17;
	v14 =	vmax.f32 v14, $1.000000000e-30;
	v19 =	vpop (erf)  }
0x306: {  	v20 =	vshra.s32 v14, $0x1;
	v17 =	vmul.f32 $5.000000000e-01, v14;
	v19 =	vadd.f32 $1.000000000e+00, v19  }
0x307: {  	v20 =	vsub.s32 $0x5F3759DF, v20  }
0x308: {  	v21 =	vmul.f32 v20, v17;
	v18 =	vmul.f32 v19, v18;
	_ =	sdelay $0x1  }
.Ltmp5:
0x309: {  	v19 =	vmul.f32 v20, v21;
	(erf) = vrcp.f32 v18;
	(pc) =	sbr.rel @p1 .LBB3_12-.Ltmp5, $3  }
0x30a: {  	_ = 	snop  }
0x30b: {  	v18 =	vsub.f32 $1.500000000e+00, v19;
	_ =	sdelay $0x1  }
0x30c: {  	v18 =	vmul.f32 v20, v18  }
0x30d: {  	_ = 	snop  }
0x30e: {  	v19 =	vmul.f32 v18, v17;
	_ =	sdelay $0x1  }
0x30f: {  	v19 =	vmul.f32 v19, v18;
	_ =	sdelay $0x1  }
0x310: {  	v19 =	vsub.f32 $1.500000000e+00, v19;
	_ =	sdelay $0x1  }
0x311: {  	v48 =	vmul.f32 v19, v18;
	_ =	sdelay $0x1  }
0x312: {  	v49 =	vmul.f32 v48, v17;
	_ =	sdelay $0x1  }
0x313: {  	v17 =	vmul.f32 v49, v48;
	_ =	sdelay $0x1  }
0x314: {  	v17 =	vsub.f32 $1.500000000e+00, v17;
	_ =	sdelay $0x1  }
0x315: {  	v17 =	vmul.f32 v17, v48;
	_ =	sdelay $0x1  }
0x316: {  	v50 =	vperm.xlane v2, v16;
	v14 =	vmul.f32 v17, v14  }
0x317: {  	v51 =	vperm.xlane v3, v16  }
0x318: {  	v20 =	vperm.xlane v4, v16;
	v18 =	vsub.f32 v14, v50  }
0x319: {  	v14 =	vsub.f32 v14, v51  }
0x31a: {  	v52 =	vmul.f32 v18, v20  }
0x31b: {  	v14 =	vmul.f32 v14, v20  }
0x31c: {  	v19 =	vsub.f32 $0.0e+00, v52  }
0x31d: {  	v14 =	vmul.f32 $1.442695020e+00, v14  }
0x31e: {  	v19 =	vmul.f32 $1.442695020e+00, v19  }
0x31f: {  	(erf) = vpow2.f32 v14  }
0x320: {  	(erf) = vpow2.f32 v19;
	_ =	sdelay $0x6  }
0x321: {  	v53 =	vpop (erf)  }
0x322: {  	v54 =	vpop (erf)  }
0x323: {  	v55 =	vpop (erf)  }
0x324: {  	v21 =	vperm.xlane v1, v8;
	v19 =	vadd.f32 $1.000000000e+00, v54;
	v20 =	vadd.f32 $1.000000000e+00, v55  }
0x325: {  	v56 =	vperm.xlane v0, v8  }
0x326: {  	v13 =	vmul.f32 v13, v21;
	v19 =	vmul.f32 v20, v19  }
0x327: {  	v8 =	vmul.f32 v15, v56  }
0x328: {  	v13 =	vmul.f32 v53, v13;
	(erf) = vrcp.f32 v19;
	_ =	sdelay $0x1  }
0x329: {  	v8 =	vsub.f32 v13, v8  }
0x32a: {  	v9 =	vmin.f32 v9, $1.000000000e+08  }
0x32b: {  	v8 =	vmul.f32 v8, v9;
	_ =	sdelay $0x1  }
0x32c: {  	v57 =	vperm.xlane v1, v16;
	v8 =	vsel vm0, $0x0, v8  }
0x32d: {  	v7 =	vmul.f32 v8, v7  }
0x32e: {  	v60 =	vperm.xlane v0, v16;
	v59 =	vxor.u32 $0x80000000, v18;
	v9 =	vmul.f32 v18, v57  }
0x32f: {  	v58 =	vld [tilespmem:s12+$0x1800];
	[tilespmem:s14+$0xFC00] =	vst v7;
	v7 =	vmax.f32 v59, $0.0e+00;
	v61 =	vpop (erf)  }
0x330: {  	v62 =	vld [tilespmem:s12+$0x2400];
	v7 =	vmul.f32 v7, v60;
	v9 =	vmul.f32 v61, v9;
	_ =	sdelay $0x1  }
0x331: {  	v7 =	vsub.f32 v9, v7  }
0x332: {  	v63 =	vmin.f32 v17, $1.000000000e+08  }
0x333: {  	v6 =	vmul.f32 v8, v6;
	v7 =	vmul.f32 v7, v63  }
0x334: {  	s0 =	sadd.s32 $0x10, s6;
	s1 =	sand.u32 $0x3E00, s15;
	v5 =	vmul.f32 v8, v5;
	vm15 =	veq.s32 v62, v58  }
0x335: {  	s0 =	sand.u32 $0x70, s0;
	s1 =	sshrl.u32 s1, $0x2;
	[tilespmem:s14+$0x10800] =	vst v6;
	v6 =	vsel vm15, $0x0, v7  }
0x336: {  	s0 =	sor.u32 s0, s1;
	[tilespmem:s14+$0x11400] =	vst v5;
	v5 =	vmul.f32 v6, v10  }
0x337: {  	[tilespmem:s0+$0xCC00] =	vst v58;
	v7 =	vmul.f32 v6, v11  }
0x338: {  	v6 =	vmul.f32 v6, v12;
	[tilespmem:s12+$0xFC00] =	vst v5  }
0x339: {  	s18 =	simm.s32 $0xFC00;
	[tilespmem:s12+$0x10800] =	vst v7  }
0x33a: {  	s6 =	simm.s32 $0xCC00;
	s14 =	simm.s32 $0x200;
	[tilespmem:s12+$0x11400] =	vst v6;
	s12 =	simm.s32 $0x0  }
0x33b: {  	[spmem:s7] =	stream.indirect.scatter.add.f32 [tilespmem:s18], [sflag:$0x6], $0x1, s6, s25, $0xb8;
	[tilespmem:$0x1B320] =	vst v63  }
.LBB3_14:
0x33c: {  	s0 =	sshra.s32 s14, $0x2;
	s1 =	sadd.s32 $0x10800, s12;
	p1 =	sne.s32 s14, $0x2E00  }
0x33d: {  	[spmem:s8] =	stream.indirect.scatter.add.f32 [tilespmem:s1], [sflag:$0x6], $0x1, s6, s25, $0xb8;
	[tilespmem:$0x1B320] =	vst v63  }
.Ltmp6:
0x33e: {  	_ = 	snop;
	(pc) =	sbr.rel @p1 .LBB3_14-.Ltmp6, $4  }
0x33f: {  	s15 =	sadd.s32 $0x11400, s12;
	s1 =	sadd.s32 $0xFC00, s0;
	s12 =	smov.u32 s0  }
0x340: {  	[spmem:s9] =	stream.indirect.scatter.add.f32 [tilespmem:s15], [sflag:$0x6], $0x1, s6, s25, $0xb8;
	[tilespmem:$0x1B320] =	vst v63  }
0x341: {  	s14 =	sadd.s32 $0x200, s14;
	s6 =	sadd.s32 $0xCC00, s12  }
0x342: {  	[spmem:s7] =	stream.indirect.scatter.add.f32 [tilespmem:s1], [sflag:$0x6], $0x1, s6, s25, $0xb8;
	[tilespmem:$0x1B320] =	vst v63  }
0x343: {  	s0 =	sadd.s32 $0x10800, s12  }
0x344: {  	[spmem:s8] =	stream.indirect.scatter.add.f32 [tilespmem:s0], [sflag:$0x6], $0x1, s6, s25, $0xb8;
	[tilespmem:$0x1B320] =	vst v63  }
0x345: {  	s18 =	sadd.s32 $0x11400, s12  }
0x346: {  	[spmem:s9] =	stream.indirect.scatter.add.f32 [tilespmem:s18], [sflag:$0x6], $0x1, s6, s25, $0xb8;
	[tilespmem:$0x1B320] =	vst v63  }
0x347: {  	_ =	swait.ge [sflag:s28], $0x80  }
0x348: {  	[sflag:s28] =	ssyncset.done $0x0  }
0x349: {  	[sflag:s28] =	ssyncadd.s32 $0xFFFFFF80  }
0x34a: {  	_ =	swait.ge [sflag:s28], $0x80  }
0x34b: {  	[sflag:s28] =	ssyncset.done $0x0  }
0x34c: {  	[sflag:s28] =	ssyncadd.s32 $0xFFFFFF80  }
0x34d: {  	_ =	swait.ge [sflag:s28], $0x80  }
0x34e: {  	s6 =	simm.s32 $0x17;
	[sflag:s28] =	ssyncset.done $0x0  }
.LBB3_16:
0x34f: {  	p1 =	sne.s32 s6, $0x1;
	s6 =	sadd.s32 $0xFFFFFFFF, s6;
	[sflag:s28] =	ssyncadd.s32 $0xFFFFFF80  }
0x350: {  	_ =	swait.ge [sflag:s28], $0x80  }
0x351: {  	[sflag:s28] =	ssyncset.done $0x0  }
0x352: {  	[sflag:s28] =	ssyncadd.s32 $0xFFFFFF80  }
.Ltmp7:
0x353: {  	_ =	swait.ge [sflag:s28], $0x80;
	(pc) =	sbr.rel @p1 .LBB3_16-.Ltmp7, $4  }
0x354: {  	[sflag:s28] =	ssyncset.done $0x0  }
0x355: {  	[sflag:s28] =	ssyncadd.s32 $0xFFFFFF80  }
0x356: {  	_ =	swait.ge [sflag:s28], $0x80  }
0x357: {  	[sflag:s28] =	ssyncset.done $0x0  }
0x358: {  	s31 =	sadd.s32 $0x1, s31  }
0x359: {  	p1 =	sne.s32 s31, $0x20  }
.Ltmp8:
0x35a: {  	_ = 	snop;
	(pc) =	sbr.rel @p1 .LBB3_5-.Ltmp8, $2  }
0x35b: {  	_ =	sdelay $0x2  }
0x35c: {  	[sflag:s28] =	ssyncadd.s32 $0xFFFFFF80  }
0x35d: {  	s0 =	sld [smem:$0x7CA];
	_ =	sdelay $0x1  }
0x35e: {  	s6 =	simm.s32 $0x0;
	s15 =	sld [smem:$0x7CB]  }
0x35f: {  	[tilespmem:s19], [sflag:$0x2] =	stream.linear.gather [hbm4b:s0+s6], $0xC00, $0x38;
	[tilespmem:$0x1B320] =	vst v63  }
0x360: {  	_ = 	snop  }
0x361: {  	[tilespmem:s20], [sflag:$0x2] =	stream.linear.gather [hbm4b:s15+s6], $0xC00, $0x38;
	[tilespmem:$0x1B320] =	vst v63  }
0x362: {  	_ =	swait.ge [sflag:s24], $0xC00  }
0x363: {  	[sflag:s24] =	ssyncset.done $0x0  }
0x364: {  	[sflag:s24] =	ssyncadd.s32 $0xFFFFF400  }
0x365: {  	_ =	swait.ge [sflag:s24], $0xC00  }
0x366: {  	[sflag:s24] =	ssyncset.done $0x0  }
0x367: {  	[sflag:s24] =	ssyncadd.s32 $0xFFFFF400  }
0x368: {  	_ =	swait.ge [sflag:s24], $0xC00  }
0x369: {  	[sflag:s24] =	ssyncset.done $0x0  }
0x36a: {  	[sflag:s24] =	ssyncadd.s32 $0xFFFFF400  }
0x36b: {  	_ =	swait.ge [sflag:s24], $0xC00  }
0x36c: {  	[sflag:s24] =	ssyncset.done $0x0  }
0x36d: {  	[sflag:s24] =	ssyncadd.s32 $0xFFFFF400  }
0x36e: {  	_ =	swait.ge [sflag:s24], $0xC00  }
0x36f: {  	[sflag:s24] =	ssyncset.done $0x0  }
0x370: {  	[sflag:s24] =	ssyncadd.s32 $0xFFFFF400  }
0x371: {  	_ =	swait.ge [sflag:s24], $0xC00  }
0x372: {  	[sflag:s24] =	ssyncset.done $0x0  }
0x373: {  	[sflag:s24] =	ssyncadd.s32 $0xFFFFF400  }
0x374: {  	_ =	swait.ge [sflag:s10], $0xC00  }
0x375: {  	[sflag:s10] =	ssyncset.done $0x0  }
0x376: {  	[sflag:s10] =	ssyncadd.s32 $0xFFFFF400  }
0x377: {  	_ =	swait.ge [sflag:s10], $0xC00  }
0x378: {  	[sflag:s10] =	ssyncset.done $0x0  }
0x379: {  	s16 =	simm.s32 $0x7800;
	[sflag:s10] =	ssyncadd.s32 $0xFFFFF400  }
0x37a: {  	[tilespmem:s16], [sflag:$0x4] =	stream.indirect.gather [spmem:s3], $0x1, s19, s21, $0xb8;
	[tilespmem:$0x1B320] =	vst v63  }
0x37b: {  	s17 =	simm.s32 $0x8400  }
0x37c: {  	[tilespmem:s17], [sflag:$0x4] =	stream.indirect.gather [spmem:s4], $0x1, s19, s21, $0xb8;
	[tilespmem:$0x1B320] =	vst v63  }
0x37d: {  	s18 =	simm.s32 $0x9000  }
0x37e: {  	[tilespmem:s18], [sflag:$0x4] =	stream.indirect.gather [spmem:s5], $0x1, s19, s21, $0xb8;
	[tilespmem:$0x1B320] =	vst v63  }
0x37f: {  	s26 =	simm.s32 $0x9C00  }
0x380: {  	[tilespmem:s26], [sflag:$0x4] =	stream.indirect.gather [spmem:s3], $0x1, s20, s21, $0xb8;
	[tilespmem:$0x1B320] =	vst v63  }
0x381: {  	s29 =	simm.s32 $0xA800  }
0x382: {  	[tilespmem:s29], [sflag:$0x4] =	stream.indirect.gather [spmem:s4], $0x1, s20, s21, $0xb8;
	[tilespmem:$0x1B320] =	vst v63  }
0x383: {  	s30 =	simm.s32 $0xB400;
	s14 =	simm.s32 $0x0  }
0x384: {  	[tilespmem:s30], [sflag:$0x4] =	stream.indirect.gather [spmem:s5], $0x1, s20, s21, $0xb8;
	[tilespmem:$0x1B320] =	vst v63  }
0x385: {  	v5 =	vld [tilespmem:s14+$0x5400]  }
0x386: {  	v6 =	vld [tilespmem:s14+$0x3000]  }
0x387: {  	v8 =	vld [tilespmem:s14+$0x4800]  }
0x388: {  	v9 =	vld [tilespmem:s14+$0x3C00]  }
0x389: {  	v10 =	vld [tilespmem:s14+$0x6000]  }
0x38a: {  	v11 =	vld [tilespmem:s14+$0x6C00];
	_ =	sdelay $0x3  }
0x38b: {  	v7 =	vsub.f32 v5, v6;
	v6 =	vsub.f32 v10, v9  }
0x38c: {  	v5 =	vand.u32 $0xFFFFFFF8, v8;
	v9 =	vand.u32 $0xFFFFFFF8, v11  }
0x38d: {  	v5 =	vsub.f32 v9, v5;
	v9 =	vmul.f32 v7, v7;
	v10 =	vmul.f32 v6, v6;
	_ =	sdelay $0x1  }
0x38e: {  	v9 =	vadd.f32 v10, v9;
	v10 =	vmul.f32 v5, v5;
	_ =	sdelay $0x1  }
0x38f: {  	v9 =	vadd.f32 v10, v9;
	_ =	sdelay $0x1  }
0x390: {  	v10 =	vmax.f32 v9, $1.000000000e-30  }
0x391: {  	v9 =	vshra.s32 v10, $0x1;
	v11 =	vmul.f32 $5.000000000e-01, v10  }
0x392: {  	v9 =	vsub.s32 $0x5F3759DF, v9  }
0x393: {  	v12 =	vmul.f32 v9, v11;
	_ =	sdelay $0x1  }
0x394: {  	v12 =	vmul.f32 v9, v12;
	_ =	sdelay $0x1  }
0x395: {  	v12 =	vsub.f32 $1.500000000e+00, v12;
	_ =	sdelay $0x1  }
0x396: {  	v9 =	vmul.f32 v9, v12;
	_ =	sdelay $0x1  }
0x397: {  	v12 =	vmul.f32 v9, v11;
	_ =	sdelay $0x1  }
0x398: {  	v12 =	vmul.f32 v12, v9;
	_ =	sdelay $0x1  }
0x399: {  	v12 =	vsub.f32 $1.500000000e+00, v12;
	_ =	sdelay $0x1  }
0x39a: {  	v9 =	vmul.f32 v12, v9;
	_ =	sdelay $0x1  }
0x39b: {  	v11 =	vmul.f32 v9, v11;
	_ =	sdelay $0x1  }
0x39c: {  	v11 =	vmul.f32 v11, v9  }
0x39d: {  	v15 =	vld [tilespmem:s14+$0x0]  }
0x39e: {  	v11 =	vsub.f32 $1.500000000e+00, v11  }
0x39f: {  	s31 =	sand.u32 $0x3E00, s6  }
0x3a0: {  	s1 =	sand.u32 $0x70, s6;
	s0 =	sshrl.u32 s31, $0x2;
	v9 =	vmul.f32 v11, v9  }
0x3a1: {  	s0 =	sor.u32 s1, s0;
	v8 =	vand.u32 $0x7, v8  }
0x3a2: {  	s12 =	simm.s32 $0x10;
	v16 =	vld [tilespmem:s14+$0xC00];
	[tilespmem:s0+$0xC000] =	vst v15;
	v12 =	vperm.xlane v2, v8;
	v10 =	vmul.f32 v9, v10  }
0x3a3: {  	v14 =	vld [tilespmem:s12+$0x3000];
	v17 =	vperm.xlane v3, v8  }
0x3a4: {  	v18 =	vld [tilespmem:s12+$0x4800];
	v19 =	vperm.xlane v4, v8;
	v13 =	vsub.f32 v10, v12  }
0x3a5: {  	v11 =	vld [tilespmem:s12+$0x5400];
	v10 =	vsub.f32 v10, v17  }
0x3a6: {  	v12 =	vld [tilespmem:s12+$0x3C00];
	v20 =	vmul.f32 v13, v19  }
0x3a7: {  	v17 =	vld [tilespmem:s12+$0x6000];
	v10 =	vmul.f32 v10, v19  }
0x3a8: {  	v21 =	vld [tilespmem:s12+$0x6C00];
	v19 =	vsub.f32 $0.0e+00, v20  }
0x3a9: {  	v20 =	vmul.f32 $1.442695020e+00, v10  }
0x3aa: {  	v10 =	vsub.f32 v11, v14;
	v14 =	vmul.f32 $1.442695020e+00, v19  }
0x3ab: {  	(erf) = vpow2.f32 v20  }
0x3ac: {  	v11 =	vsub.f32 v17, v12;
	(erf) = vpow2.f32 v14  }
0x3ad: {  	v12 =	vand.u32 $0xFFFFFFF8, v18;
	v17 =	vand.u32 $0xFFFFFFF8, v21  }
0x3ae: {  	v12 =	vsub.f32 v17, v12;
	v17 =	vmul.f32 v10, v10;
	v19 =	vmul.f32 v11, v11;
	_ =	sdelay $0x1  }
0x3af: {  	v14 =	vadd.f32 v19, v17;
	v17 =	vmul.f32 v12, v12;
	_ =	sdelay $0x1  }
0x3b0: {  	v14 =	vadd.f32 v17, v14;
	_ =	sdelay $0x1  }
0x3b1: {  	v14 =	vmax.f32 v14, $1.000000000e-30;
	v20 =	vpop (erf)  }
0x3b2: {  	v19 =	vshra.s32 v14, $0x1;
	v17 =	vmul.f32 $5.000000000e-01, v14;
	v22 =	vpop (erf)  }
0x3b3: {  	v19 =	vsub.s32 $0x5F3759DF, v19;
	v20 =	vadd.f32 $1.000000000e+00, v20;
	v22 =	vadd.f32 $1.000000000e+00, v22  }
0x3b4: {  	v62 =	vmul.f32 v19, v17  }
0x3b5: {  	v20 =	vmul.f32 v22, v20  }
0x3b6: {  	v21 =	vmul.f32 v19, v62  }
0x3b7: {  	(erf) = vrcp.f32 v20  }
0x3b8: {  	v21 =	vsub.f32 $1.500000000e+00, v21  }
0x3b9: {  	vm0 =	veq.s32 v16, v15;
	v63 =	vxor.u32 $0x80000000, v13  }
0x3ba: {  	s15 =	simm.s32 $0x40;
	s16 =	simm.s32 $0x80;
	v16 =	vand.u32 $0x7, v18;
	v15 =	vmax.f32 v63, $0.0e+00;
	v18 =	vmul.f32 v19, v21  }
.LBB3_19:
0x3bb: {  	p1 =	sne.s32 s16, $0x2FC0  }
0x3bc: {  	s6 =	sadd.s32 $0x10, s6;
	s0 =	smov.u32 s16;
	s16 =	sadd.s32 $0x40, s16  }
0x3bd: {  	v20 =	vperm.xlane v1, v8;
	v22 =	vmul.f32 v18, v17  }
0x3be: {  	v21 =	vperm.xlane v0, v8;
	v8 =	vmov v16  }
0x3bf: {  	v13 =	vmul.f32 v13, v20;
	v16 =	vmul.f32 v22, v18  }
0x3c0: {  	v19 =	vpop (erf)  }
0x3c1: {  	v15 =	vmul.f32 v15, v21;
	v16 =	vsub.f32 $1.500000000e+00, v16;
	v13 =	vmul.f32 v19, v13;
	_ =	sdelay $0x1  }
0x3c2: {  	v16 =	vmul.f32 v16, v18;
	v13 =	vsub.f32 v13, v15  }
0x3c3: {  	v9 =	vmin.f32 v9, $1.000000000e+08;
	s1 =	sshra.s32 s0, $0x2  }
0x3c4: {  	v15 =	vmul.f32 v16, v17;
	v9 =	vmul.f32 v13, v9;
	_ =	sdelay $0x1  }
0x3c5: {  	v17 =	vld [tilespmem:s12+$0x0];
	v13 =	vmul.f32 v15, v16;
	v9 =	vsel vm0, $0x0, v9  }
0x3c6: {  	v15 =	vmul.f32 v9, v7;
	v18 =	vmul.f32 v9, v6;
	v7 =	vmovc v10;
	v6 =	vmov v11  }
0x3c7: {  	s17 =	sand.u32 $0x3E00, s15;
	s15 =	smov.u32 s0;
	v11 =	vmul.f32 v9, v5;
	v5 =	vmov v12;
	v10 =	vsub.f32 $1.500000000e+00, v13  }
0x3c8: {  	s0 =	sand.u32 $0x70, s6;
	s17 =	sshrl.u32 s17, $0x2;
	[tilespmem:s14+$0xD800] =	vst v15  }
0x3c9: {  	s0 =	sor.u32 s0, s17;
	v12 =	vld [tilespmem:s12+$0xC00];
	v9 =	vmul.f32 v10, v16;
	[tilespmem:s14+$0xE400] =	vst v18  }
0x3ca: {  	v10 =	vperm.xlane v3, v8;
	[tilespmem:s14+$0xF000] =	vst v11;
	s14 =	smov.u32 s12;
	s12 =	smov.u32 s1  }
0x3cb: {  	v13 =	vperm.xlane v2, v8;
	[tilespmem:s0+$0xC000] =	vst v17;
	v11 =	vmul.f32 v9, v14  }
0x3cc: {  	v14 =	vld [tilespmem:s12+$0x5400]  }
0x3cd: {  	v15 =	vperm.xlane v4, v8;
	v13 =	vsub.f32 v11, v13;
	v10 =	vsub.f32 v11, v10  }
0x3ce: {  	v11 =	vld [tilespmem:s12+$0x3000];
	vm0 =	veq.s32 v12, v17  }
0x3cf: {  	v12 =	vld [tilespmem:s12+$0x4800];
	v16 =	vxor.u32 $0x80000000, v13;
	v17 =	vmul.f32 v13, v15;
	v10 =	vmul.f32 v10, v15  }
0x3d0: {  	v18 =	vld [tilespmem:s12+$0x3C00];
	v15 =	vmax.f32 v16, $0.0e+00  }
0x3d1: {  	v19 =	vld [tilespmem:s12+$0x6000];
	v16 =	vsub.f32 $0.0e+00, v17;
	v17 =	vmul.f32 $1.442695020e+00, v10  }
0x3d2: {  	v20 =	vld [tilespmem:s12+$0x6C00]  }
0x3d3: {  	v10 =	vsub.f32 v14, v11;
	v11 =	vmul.f32 $1.442695020e+00, v16;
	(erf) = vpow2.f32 v17  }
0x3d4: {  	v16 =	vand.u32 $0x7, v12  }
0x3d5: {  	(erf) = vpow2.f32 v11  }
0x3d6: {  	v12 =	vand.u32 $0xFFFFFFF8, v12;
	v11 =	vsub.f32 v19, v18  }
0x3d7: {  	v14 =	vand.u32 $0xFFFFFFF8, v20  }
0x3d8: {  	v12 =	vsub.f32 v14, v12;
	v14 =	vmul.f32 v10, v10;
	v17 =	vmul.f32 v11, v11;
	_ =	sdelay $0x1  }
0x3d9: {  	v14 =	vadd.f32 v17, v14;
	v18 =	vmul.f32 v12, v12;
	_ =	sdelay $0x1  }
0x3da: {  	v14 =	vadd.f32 v18, v14;
	v17 =	vpop (erf);
	_ =	sdelay $0x1  }
0x3db: {  	v18 =	vadd.f32 $1.000000000e+00, v17;
	v14 =	vmax.f32 v14, $1.000000000e-30;
	v19 =	vpop (erf)  }
0x3dc: {  	v20 =	vshra.s32 v14, $0x1;
	v17 =	vmul.f32 $5.000000000e-01, v14;
	v19 =	vadd.f32 $1.000000000e+00, v19  }
0x3dd: {  	v20 =	vsub.s32 $0x5F3759DF, v20  }
0x3de: {  	v21 =	vmul.f32 v20, v17;
	v18 =	vmul.f32 v19, v18;
	_ =	sdelay $0x1  }
.Ltmp9:
0x3df: {  	v19 =	vmul.f32 v20, v21;
	(erf) = vrcp.f32 v18;
	(pc) =	sbr.rel @p1 .LBB3_19-.Ltmp9, $3  }
0x3e0: {  	_ = 	snop  }
0x3e1: {  	v18 =	vsub.f32 $1.500000000e+00, v19;
	_ =	sdelay $0x1  }
0x3e2: {  	v18 =	vmul.f32 v20, v18  }
0x3e3: {  	_ = 	snop  }
0x3e4: {  	v19 =	vmul.f32 v18, v17;
	_ =	sdelay $0x1  }
0x3e5: {  	v19 =	vmul.f32 v19, v18;
	_ =	sdelay $0x1  }
0x3e6: {  	v19 =	vsub.f32 $1.500000000e+00, v19;
	_ =	sdelay $0x1  }
0x3e7: {  	v48 =	vmul.f32 v19, v18;
	_ =	sdelay $0x1  }
0x3e8: {  	v49 =	vmul.f32 v48, v17;
	_ =	sdelay $0x1  }
0x3e9: {  	v17 =	vmul.f32 v49, v48;
	_ =	sdelay $0x1  }
0x3ea: {  	v17 =	vsub.f32 $1.500000000e+00, v17;
	_ =	sdelay $0x1  }
0x3eb: {  	v17 =	vmul.f32 v17, v48;
	_ =	sdelay $0x1  }
0x3ec: {  	v50 =	vperm.xlane v2, v16;
	v14 =	vmul.f32 v17, v14  }
0x3ed: {  	v51 =	vperm.xlane v3, v16  }
0x3ee: {  	v20 =	vperm.xlane v4, v16;
	v18 =	vsub.f32 v14, v50  }
0x3ef: {  	v14 =	vsub.f32 v14, v51  }
0x3f0: {  	v52 =	vmul.f32 v18, v20  }
0x3f1: {  	v14 =	vmul.f32 v14, v20  }
0x3f2: {  	v19 =	vsub.f32 $0.0e+00, v52  }
0x3f3: {  	v14 =	vmul.f32 $1.442695020e+00, v14  }
0x3f4: {  	v19 =	vmul.f32 $1.442695020e+00, v19  }
0x3f5: {  	(erf) = vpow2.f32 v14  }
0x3f6: {  	(erf) = vpow2.f32 v19;
	_ =	sdelay $0x6  }
0x3f7: {  	v53 =	vpop (erf)  }
0x3f8: {  	v54 =	vpop (erf)  }
0x3f9: {  	v55 =	vpop (erf)  }
0x3fa: {  	v21 =	vperm.xlane v1, v8;
	v19 =	vadd.f32 $1.000000000e+00, v54;
	v20 =	vadd.f32 $1.000000000e+00, v55  }
0x3fb: {  	v56 =	vperm.xlane v0, v8  }
0x3fc: {  	v13 =	vmul.f32 v13, v21;
	v19 =	vmul.f32 v20, v19  }
0x3fd: {  	v8 =	vmul.f32 v15, v56  }
0x3fe: {  	v13 =	vmul.f32 v53, v13;
	(erf) = vrcp.f32 v19;
	_ =	sdelay $0x1  }
0x3ff: {  	v8 =	vsub.f32 v13, v8  }
0x400: {  	v9 =	vmin.f32 v9, $1.000000000e+08  }
0x401: {  	v8 =	vmul.f32 v8, v9;
	_ =	sdelay $0x1  }
0x402: {  	v57 =	vperm.xlane v1, v16;
	v8 =	vsel vm0, $0x0, v8  }
0x403: {  	v7 =	vmul.f32 v8, v7  }
0x404: {  	v60 =	vperm.xlane v0, v16;
	v59 =	vxor.u32 $0x80000000, v18;
	v9 =	vmul.f32 v18, v57  }
0x405: {  	v58 =	vld [tilespmem:s12+$0x0];
	[tilespmem:s14+$0xD800] =	vst v7;
	v7 =	vmax.f32 v59, $0.0e+00;
	v61 =	vpop (erf)  }
0x406: {  	v62 =	vld [tilespmem:s12+$0xC00];
	v7 =	vmul.f32 v7, v60;
	v9 =	vmul.f32 v61, v9;
	_ =	sdelay $0x1  }
0x407: {  	v7 =	vsub.f32 v9, v7  }
0x408: {  	v63 =	vmin.f32 v17, $1.000000000e+08  }
0x409: {  	v6 =	vmul.f32 v8, v6;
	v7 =	vmul.f32 v7, v63  }
0x40a: {  	s0 =	sadd.s32 $0x10, s6;
	s1 =	sand.u32 $0x3E00, s15;
	v5 =	vmul.f32 v8, v5;
	vm15 =	veq.s32 v62, v58  }
0x40b: {  	s0 =	sand.u32 $0x70, s0;
	s1 =	sshrl.u32 s1, $0x2;
	[tilespmem:s14+$0xE400] =	vst v6;
	v6 =	vsel vm15, $0x0, v7  }
0x40c: {  	s0 =	sor.u32 s0, s1;
	[tilespmem:s14+$0xF000] =	vst v5;
	v5 =	vmul.f32 v6, v10  }
0x40d: {  	[tilespmem:s0+$0xC000] =	vst v58;
	v7 =	vmul.f32 v6, v11  }
0x40e: {  	v6 =	vmul.f32 v6, v12;
	[tilespmem:s12+$0xD800] =	vst v5  }
0x40f: {  	s31 =	simm.s32 $0xD800;
	[tilespmem:s12+$0xE400] =	vst v7  }
0x410: {  	s6 =	simm.s32 $0xC000;
	s14 =	simm.s32 $0x200;
	[tilespmem:s12+$0xF000] =	vst v6;
	s12 =	simm.s32 $0x0  }
0x411: {  	[spmem:s7] =	stream.indirect.scatter.add.f32 [tilespmem:s31], [sflag:$0x5], $0x1, s6, s25, $0xb8;
	[tilespmem:$0x1B320] =	vst v63  }
.LBB3_21:
0x412: {  	s0 =	sshra.s32 s14, $0x2;
	s1 =	sadd.s32 $0xE400, s12;
	p1 =	sne.s32 s14, $0x2E00  }
0x413: {  	[spmem:s8] =	stream.indirect.scatter.add.f32 [tilespmem:s1], [sflag:$0x5], $0x1, s6, s25, $0xb8;
	[tilespmem:$0x1B320] =	vst v63  }
.Ltmp10:
0x414: {  	_ = 	snop;
	(pc) =	sbr.rel @p1 .LBB3_21-.Ltmp10, $4  }
0x415: {  	s15 =	sadd.s32 $0xF000, s12;
	s1 =	sadd.s32 $0xD800, s0;
	s12 =	smov.u32 s0  }
0x416: {  	[spmem:s9] =	stream.indirect.scatter.add.f32 [tilespmem:s15], [sflag:$0x5], $0x1, s6, s25, $0xb8;
	[tilespmem:$0x1B320] =	vst v63  }
0x417: {  	s14 =	sadd.s32 $0x200, s14;
	s6 =	sadd.s32 $0xC000, s12  }
0x418: {  	[spmem:s7] =	stream.indirect.scatter.add.f32 [tilespmem:s1], [sflag:$0x5], $0x1, s6, s25, $0xb8;
	[tilespmem:$0x1B320] =	vst v63  }
0x419: {  	s0 =	sadd.s32 $0xE400, s12  }
0x41a: {  	[spmem:s8] =	stream.indirect.scatter.add.f32 [tilespmem:s0], [sflag:$0x5], $0x1, s6, s25, $0xb8;
	[tilespmem:$0x1B320] =	vst v63  }
0x41b: {  	s31 =	sadd.s32 $0xF000, s12  }
0x41c: {  	[spmem:s9] =	stream.indirect.scatter.add.f32 [tilespmem:s31], [sflag:$0x5], $0x1, s6, s25, $0xb8;
	[tilespmem:$0x1B320] =	vst v63  }
0x41d: {  	_ =	swait.ge [sflag:s11], $0x80  }
0x41e: {  	[sflag:s11] =	ssyncset.done $0x0  }
0x41f: {  	[sflag:s11] =	ssyncadd.s32 $0xFFFFFF80  }
0x420: {  	_ =	swait.ge [sflag:s11], $0x80  }
0x421: {  	[sflag:s11] =	ssyncset.done $0x0  }
0x422: {  	[sflag:s11] =	ssyncadd.s32 $0xFFFFFF80  }
0x423: {  	_ =	swait.ge [sflag:s11], $0x80  }
0x424: {  	s6 =	simm.s32 $0x17;
	[sflag:s11] =	ssyncset.done $0x0  }
.LBB3_23:
0x425: {  	p1 =	sne.s32 s6, $0x1;
	s6 =	sadd.s32 $0xFFFFFFFF, s6;
	[sflag:s11] =	ssyncadd.s32 $0xFFFFFF80  }
0x426: {  	_ =	swait.ge [sflag:s11], $0x80  }
0x427: {  	[sflag:s11] =	ssyncset.done $0x0  }
0x428: {  	[sflag:s11] =	ssyncadd.s32 $0xFFFFFF80  }
.Ltmp11:
0x429: {  	_ =	swait.ge [sflag:s11], $0x80;
	(pc) =	sbr.rel @p1 .LBB3_23-.Ltmp11, $4  }
0x42a: {  	[sflag:s11] =	ssyncset.done $0x0  }
0x42b: {  	[sflag:s11] =	ssyncadd.s32 $0xFFFFFF80  }
0x42c: {  	_ =	swait.ge [sflag:s11], $0x80  }
0x42d: {  	[sflag:s11] =	ssyncset.done $0x0  }
0x42e: {  	[sflag:s11] =	ssyncadd.s32 $0xFFFFFF80  }
0x42f: {  	_ =	swait.ge [sflag:s23], $0xC00  }
0x430: {  	[sflag:s23] =	ssyncset.done $0x0  }
0x431: {  	[sflag:s23] =	ssyncadd.s32 $0xFFFFF400  }
0x432: {  	_ =	swait.ge [sflag:s23], $0xC00  }
0x433: {  	[sflag:s23] =	ssyncset.done $0x0  }
0x434: {  	[sflag:s23] =	ssyncadd.s32 $0xFFFFF400  }
0x435: {  	_ =	swait.ge [sflag:s23], $0xC00  }
0x436: {  	[sflag:s23] =	ssyncset.done $0x0  }
0x437: {  	[sflag:s23] =	ssyncadd.s32 $0xFFFFF400  }
0x438: {  	_ =	swait.ge [sflag:s23], $0xC00  }
0x439: {  	[sflag:s23] =	ssyncset.done $0x0  }
0x43a: {  	[sflag:s23] =	ssyncadd.s32 $0xFFFFF400  }
0x43b: {  	_ =	swait.ge [sflag:s23], $0xC00  }
0x43c: {  	[sflag:s23] =	ssyncset.done $0x0  }
0x43d: {  	[sflag:s23] =	ssyncadd.s32 $0xFFFFF400  }
0x43e: {  	_ =	swait.ge [sflag:s23], $0xC00  }
0x43f: {  	[sflag:s23] =	ssyncset.done $0x0  }
0x440: {  	s6 =	simm.s32 $0x0;
	[sflag:s23] =	ssyncadd.s32 $0xFFFFF400  }
0x441: {  	v5 =	vld [tilespmem:s6+$0x9C00]  }
0x442: {  	v6 =	vld [tilespmem:s6+$0x7800]  }
0x443: {  	v8 =	vld [tilespmem:s6+$0x9000]  }
0x444: {  	v9 =	vld [tilespmem:s6+$0x8400]  }
0x445: {  	v10 =	vld [tilespmem:s6+$0xA800]  }
0x446: {  	v11 =	vld [tilespmem:s6+$0xB400];
	_ =	sdelay $0x3  }
0x447: {  	v7 =	vsub.f32 v5, v6;
	v6 =	vsub.f32 v10, v9  }
0x448: {  	v5 =	vand.u32 $0xFFFFFFF8, v8;
	v9 =	vand.u32 $0xFFFFFFF8, v11  }
0x449: {  	v5 =	vsub.f32 v9, v5;
	v9 =	vmul.f32 v7, v7;
	v10 =	vmul.f32 v6, v6;
	_ =	sdelay $0x1  }
0x44a: {  	v9 =	vadd.f32 v10, v9;
	v10 =	vmul.f32 v5, v5;
	_ =	sdelay $0x1  }
0x44b: {  	v9 =	vadd.f32 v10, v9;
	_ =	sdelay $0x1  }
0x44c: {  	v10 =	vmax.f32 v9, $1.000000000e-30  }
0x44d: {  	v9 =	vshra.s32 v10, $0x1;
	v11 =	vmul.f32 $5.000000000e-01, v10  }
0x44e: {  	v9 =	vsub.s32 $0x5F3759DF, v9  }
0x44f: {  	v12 =	vmul.f32 v9, v11;
	_ =	sdelay $0x1  }
0x450: {  	v12 =	vmul.f32 v9, v12;
	_ =	sdelay $0x1  }
0x451: {  	v12 =	vsub.f32 $1.500000000e+00, v12;
	_ =	sdelay $0x1  }
0x452: {  	v9 =	vmul.f32 v9, v12;
	_ =	sdelay $0x1  }
0x453: {  	v12 =	vmul.f32 v9, v11;
	_ =	sdelay $0x1  }
0x454: {  	v12 =	vmul.f32 v12, v9;
	_ =	sdelay $0x1  }
0x455: {  	v12 =	vsub.f32 $1.500000000e+00, v12;
	_ =	sdelay $0x1  }
0x456: {  	v9 =	vmul.f32 v12, v9;
	_ =	sdelay $0x1  }
0x457: {  	v11 =	vmul.f32 v9, v11;
	_ =	sdelay $0x1  }
0x458: {  	v11 =	vmul.f32 v11, v9  }
0x459: {  	v15 =	vld [tilespmem:s6+$0x1800]  }
0x45a: {  	s14 =	simm.s32 $0x0;
	v11 =	vsub.f32 $1.500000000e+00, v11  }
0x45b: {  	s0 =	sand.u32 $0x3E00, s14  }
0x45c: {  	s1 =	sand.u32 $0x70, s14;
	s0 =	sshrl.u32 s0, $0x2;
	v9 =	vmul.f32 v11, v9  }
0x45d: {  	s0 =	sor.u32 s1, s0;
	v8 =	vand.u32 $0x7, v8  }
0x45e: {  	s12 =	simm.s32 $0x10;
	v16 =	vld [tilespmem:s6+$0x2400];
	[tilespmem:s0+$0xCC00] =	vst v15;
	v12 =	vperm.xlane v2, v8;
	v10 =	vmul.f32 v9, v10  }
0x45f: {  	v14 =	vld [tilespmem:s12+$0x7800];
	v17 =	vperm.xlane v3, v8  }
0x460: {  	v18 =	vld [tilespmem:s12+$0x9000];
	v19 =	vperm.xlane v4, v8;
	v13 =	vsub.f32 v10, v12  }
0x461: {  	v11 =	vld [tilespmem:s12+$0x9C00];
	v10 =	vsub.f32 v10, v17  }
0x462: {  	v12 =	vld [tilespmem:s12+$0x8400];
	v20 =	vmul.f32 v13, v19  }
0x463: {  	v17 =	vld [tilespmem:s12+$0xA800];
	v10 =	vmul.f32 v10, v19  }
0x464: {  	v21 =	vld [tilespmem:s12+$0xB400];
	v19 =	vsub.f32 $0.0e+00, v20  }
0x465: {  	v20 =	vmul.f32 $1.442695020e+00, v10  }
0x466: {  	v10 =	vsub.f32 v11, v14;
	v14 =	vmul.f32 $1.442695020e+00, v19  }
0x467: {  	(erf) = vpow2.f32 v20  }
0x468: {  	v11 =	vsub.f32 v17, v12;
	(erf) = vpow2.f32 v14  }
0x469: {  	v12 =	vand.u32 $0xFFFFFFF8, v18;
	v17 =	vand.u32 $0xFFFFFFF8, v21  }
0x46a: {  	v12 =	vsub.f32 v17, v12;
	v17 =	vmul.f32 v10, v10;
	v19 =	vmul.f32 v11, v11;
	_ =	sdelay $0x1  }
0x46b: {  	v14 =	vadd.f32 v19, v17;
	v17 =	vmul.f32 v12, v12;
	_ =	sdelay $0x1  }
0x46c: {  	v14 =	vadd.f32 v17, v14;
	_ =	sdelay $0x1  }
0x46d: {  	v14 =	vmax.f32 v14, $1.000000000e-30;
	v20 =	vpop (erf)  }
0x46e: {  	v19 =	vshra.s32 v14, $0x1;
	v17 =	vmul.f32 $5.000000000e-01, v14;
	v22 =	vpop (erf)  }
0x46f: {  	v19 =	vsub.s32 $0x5F3759DF, v19;
	v20 =	vadd.f32 $1.000000000e+00, v20;
	v22 =	vadd.f32 $1.000000000e+00, v22  }
0x470: {  	v62 =	vmul.f32 v19, v17  }
0x471: {  	v20 =	vmul.f32 v22, v20  }
0x472: {  	v21 =	vmul.f32 v19, v62  }
0x473: {  	(erf) = vrcp.f32 v20  }
0x474: {  	v21 =	vsub.f32 $1.500000000e+00, v21  }
0x475: {  	vm0 =	veq.s32 v16, v15;
	v63 =	vxor.u32 $0x80000000, v13  }
0x476: {  	s15 =	simm.s32 $0x40;
	s16 =	simm.s32 $0x80;
	v16 =	vand.u32 $0x7, v18;
	v15 =	vmax.f32 v63, $0.0e+00;
	v18 =	vmul.f32 v19, v21  }
.LBB3_25:
0x477: {  	p1 =	sne.s32 s16, $0x2FC0  }
0x478: {  	s14 =	sadd.s32 $0x10, s14;
	s0 =	smov.u32 s16;
	s16 =	sadd.s32 $0x40, s16  }
0x479: {  	v20 =	vperm.xlane v1, v8;
	v22 =	vmul.f32 v18, v17  }
0x47a: {  	v21 =	vperm.xlane v0, v8;
	v8 =	vmov v16  }
0x47b: {  	v13 =	vmul.f32 v13, v20;
	v16 =	vmul.f32 v22, v18  }
0x47c: {  	v19 =	vpop (erf)  }
0x47d: {  	v15 =	vmul.f32 v15, v21;
	v16 =	vsub.f32 $1.500000000e+00, v16;
	v13 =	vmul.f32 v19, v13;
	_ =	sdelay $0x1  }
0x47e: {  	v16 =	vmul.f32 v16, v18;
	v13 =	vsub.f32 v13, v15  }
0x47f: {  	v9 =	vmin.f32 v9, $1.000000000e+08;
	s1 =	sshra.s32 s0, $0x2  }
0x480: {  	v15 =	vmul.f32 v16, v17;
	v9 =	vmul.f32 v13, v9;
	_ =	sdelay $0x1  }
0x481: {  	v17 =	vld [tilespmem:s12+$0x1800];
	v13 =	vmul.f32 v15, v16;
	v9 =	vsel vm0, $0x0, v9  }
0x482: {  	v15 =	vmul.f32 v9, v7;
	v18 =	vmul.f32 v9, v6;
	v7 =	vmovc v10;
	v6 =	vmov v11  }
0x483: {  	s17 =	sand.u32 $0x3E00, s15;
	s15 =	smov.u32 s0;
	v11 =	vmul.f32 v9, v5;
	v5 =	vmov v12;
	v10 =	vsub.f32 $1.500000000e+00, v13  }
0x484: {  	s0 =	sand.u32 $0x70, s14;
	s17 =	sshrl.u32 s17, $0x2;
	[tilespmem:s6+$0xFC00] =	vst v15  }
0x485: {  	s0 =	sor.u32 s0, s17;
	v12 =	vld [tilespmem:s12+$0x2400];
	v9 =	vmul.f32 v10, v16;
	[tilespmem:s6+$0x10800] =	vst v18  }
0x486: {  	v10 =	vperm.xlane v3, v8;
	[tilespmem:s6+$0x11400] =	vst v11;
	s6 =	smov.u32 s12;
	s12 =	smov.u32 s1  }
0x487: {  	v13 =	vperm.xlane v2, v8;
	[tilespmem:s0+$0xCC00] =	vst v17;
	v11 =	vmul.f32 v9, v14  }
0x488: {  	v14 =	vld [tilespmem:s12+$0x9C00]  }
0x489: {  	v15 =	vperm.xlane v4, v8;
	v13 =	vsub.f32 v11, v13;
	v10 =	vsub.f32 v11, v10  }
0x48a: {  	v11 =	vld [tilespmem:s12+$0x7800];
	vm0 =	veq.s32 v12, v17  }
0x48b: {  	v12 =	vld [tilespmem:s12+$0x9000];
	v16 =	vxor.u32 $0x80000000, v13;
	v17 =	vmul.f32 v13, v15;
	v10 =	vmul.f32 v10, v15  }
0x48c: {  	v18 =	vld [tilespmem:s12+$0x8400];
	v15 =	vmax.f32 v16, $0.0e+00  }
0x48d: {  	v19 =	vld [tilespmem:s12+$0xA800];
	v16 =	vsub.f32 $0.0e+00, v17;
	v17 =	vmul.f32 $1.442695020e+00, v10  }
0x48e: {  	v20 =	vld [tilespmem:s12+$0xB400]  }
0x48f: {  	v10 =	vsub.f32 v14, v11;
	v11 =	vmul.f32 $1.442695020e+00, v16;
	(erf) = vpow2.f32 v17  }
0x490: {  	v16 =	vand.u32 $0x7, v12  }
0x491: {  	(erf) = vpow2.f32 v11  }
0x492: {  	v12 =	vand.u32 $0xFFFFFFF8, v12;
	v11 =	vsub.f32 v19, v18  }
0x493: {  	v14 =	vand.u32 $0xFFFFFFF8, v20  }
0x494: {  	v12 =	vsub.f32 v14, v12;
	v14 =	vmul.f32 v10, v10;
	v17 =	vmul.f32 v11, v11;
	_ =	sdelay $0x1  }
0x495: {  	v14 =	vadd.f32 v17, v14;
	v18 =	vmul.f32 v12, v12;
	_ =	sdelay $0x1  }
0x496: {  	v14 =	vadd.f32 v18, v14;
	v17 =	vpop (erf);
	_ =	sdelay $0x1  }
0x497: {  	v18 =	vadd.f32 $1.000000000e+00, v17;
	v14 =	vmax.f32 v14, $1.000000000e-30;
	v19 =	vpop (erf)  }
0x498: {  	v20 =	vshra.s32 v14, $0x1;
	v17 =	vmul.f32 $5.000000000e-01, v14;
	v19 =	vadd.f32 $1.000000000e+00, v19  }
0x499: {  	v20 =	vsub.s32 $0x5F3759DF, v20  }
0x49a: {  	v21 =	vmul.f32 v20, v17;
	v18 =	vmul.f32 v19, v18;
	_ =	sdelay $0x1  }
.Ltmp12:
0x49b: {  	v19 =	vmul.f32 v20, v21;
	(erf) = vrcp.f32 v18;
	(pc) =	sbr.rel @p1 .LBB3_25-.Ltmp12, $3  }
0x49c: {  	_ = 	snop  }
0x49d: {  	v18 =	vsub.f32 $1.500000000e+00, v19;
	_ =	sdelay $0x1  }
0x49e: {  	v18 =	vmul.f32 v20, v18  }
0x49f: {  	_ = 	snop  }
0x4a0: {  	v19 =	vmul.f32 v18, v17;
	_ =	sdelay $0x1  }
0x4a1: {  	v19 =	vmul.f32 v19, v18;
	_ =	sdelay $0x1  }
0x4a2: {  	v19 =	vsub.f32 $1.500000000e+00, v19;
	_ =	sdelay $0x1  }
0x4a3: {  	v41 =	vmul.f32 v19, v18;
	_ =	sdelay $0x1  }
0x4a4: {  	v42 =	vmul.f32 v41, v17;
	_ =	sdelay $0x1  }
0x4a5: {  	v17 =	vmul.f32 v42, v41;
	_ =	sdelay $0x1  }
0x4a6: {  	v17 =	vsub.f32 $1.500000000e+00, v17;
	_ =	sdelay $0x1  }
0x4a7: {  	v17 =	vmul.f32 v17, v41;
	_ =	sdelay $0x1  }
0x4a8: {  	v2 =	vperm.xlane v2, v16;
	v14 =	vmul.f32 v17, v14  }
0x4a9: {  	v3 =	vperm.xlane v3, v16  }
0x4aa: {  	v4 =	vperm.xlane v4, v16;
	v2 =	vsub.f32 v14, v2  }
0x4ab: {  	v3 =	vsub.f32 v14, v3  }
0x4ac: {  	v43 =	vmul.f32 v2, v4  }
0x4ad: {  	v3 =	vmul.f32 v3, v4  }
0x4ae: {  	v44 =	vsub.f32 $0.0e+00, v43  }
0x4af: {  	v3 =	vmul.f32 $1.442695020e+00, v3  }
0x4b0: {  	v4 =	vmul.f32 $1.442695020e+00, v44  }
0x4b1: {  	(erf) = vpow2.f32 v3  }
0x4b2: {  	(erf) = vpow2.f32 v4;
	_ =	sdelay $0x6  }
0x4b3: {  	v45 =	vpop (erf)  }
0x4b4: {  	v46 =	vpop (erf)  }
0x4b5: {  	v47 =	vpop (erf)  }
0x4b6: {  	v48 =	vperm.xlane v1, v8;
	v4 =	vadd.f32 $1.000000000e+00, v46;
	v14 =	vadd.f32 $1.000000000e+00, v47  }
0x4b7: {  	v49 =	vperm.xlane v0, v8  }
0x4b8: {  	v13 =	vmul.f32 v13, v48;
	v4 =	vmul.f32 v14, v4  }
0x4b9: {  	v8 =	vmul.f32 v15, v49  }
0x4ba: {  	v3 =	vmul.f32 v45, v13;
	(erf) = vrcp.f32 v4;
	_ =	sdelay $0x1  }
0x4bb: {  	v3 =	vsub.f32 v3, v8  }
0x4bc: {  	v50 =	vmin.f32 v9, $1.000000000e+08  }
0x4bd: {  	v3 =	vmul.f32 v3, v50;
	_ =	sdelay $0x1  }
0x4be: {  	v51 =	vperm.xlane v1, v16;
	v3 =	vsel vm0, $0x0, v3  }
0x4bf: {  	v52 =	vmul.f32 v3, v7  }
0x4c0: {  	v55 =	vperm.xlane v0, v16;
	v54 =	vxor.u32 $0x80000000, v2;
	v1 =	vmul.f32 v2, v51  }
0x4c1: {  	v53 =	vld [tilespmem:s12+$0x1800];
	v56 =	vmax.f32 v54, $0.0e+00;
	[tilespmem:s6+$0xFC00] =	vst v52;
	v57 =	vpop (erf)  }
0x4c2: {  	v0 =	vmul.f32 v56, v55;
	v58 =	vld [tilespmem:s12+$0x2400];
	v1 =	vmul.f32 v57, v1;
	_ =	sdelay $0x1  }
0x4c3: {  	v0 =	vsub.f32 v1, v0  }
0x4c4: {  	v59 =	vmin.f32 v17, $1.000000000e+08  }
0x4c5: {  	v60 =	vmul.f32 v3, v6;
	v0 =	vmul.f32 v0, v59  }
0x4c6: {  	s0 =	sadd.s32 $0x10, s14;
	s1 =	sand.u32 $0x3E00, s15;
	v61 =	vmul.f32 v3, v5;
	vm15 =	veq.s32 v58, v53  }
0x4c7: {  	s0 =	sand.u32 $0x70, s0;
	s1 =	sshrl.u32 s1, $0x2;
	[tilespmem:s6+$0x10800] =	vst v60;
	v0 =	vsel vm15, $0x0, v0  }
0x4c8: {  	s0 =	sor.u32 s0, s1;
	[tilespmem:s6+$0x11400] =	vst v61;
	v62 =	vmul.f32 v0, v10  }
0x4c9: {  	[tilespmem:s0+$0xCC00] =	vst v53;
	v63 =	vmul.f32 v0, v11  }
0x4ca: {  	v0 =	vmul.f32 v0, v12;
	[tilespmem:s12+$0xFC00] =	vst v62  }
0x4cb: {  	s31 =	simm.s32 $0xFC00;
	[tilespmem:s12+$0x10800] =	vst v63  }
0x4cc: {  	s14 =	simm.s32 $0x200;
	s6 =	simm.s32 $0xCC00;
	[tilespmem:s12+$0x11400] =	vst v0;
	s12 =	simm.s32 $0x0  }
0x4cd: {  	[spmem:s7] =	stream.indirect.scatter.add.f32 [tilespmem:s31], [sflag:$0x6], $0x1, s6, s25, $0xb8;
	[tilespmem:$0x1B320] =	vst v63  }
.LBB3_27:
0x4ce: {  	s0 =	sshra.s32 s14, $0x2;
	s1 =	sadd.s32 $0x10800, s12;
	p1 =	sne.s32 s14, $0x2E00  }
0x4cf: {  	[spmem:s8] =	stream.indirect.scatter.add.f32 [tilespmem:s1], [sflag:$0x6], $0x1, s6, s25, $0xb8;
	[tilespmem:$0x1B320] =	vst v63  }
.Ltmp13:
0x4d0: {  	_ = 	snop;
	(pc) =	sbr.rel @p1 .LBB3_27-.Ltmp13, $4  }
0x4d1: {  	s15 =	sadd.s32 $0x11400, s12;
	s1 =	sadd.s32 $0xFC00, s0;
	s12 =	smov.u32 s0  }
0x4d2: {  	[spmem:s9] =	stream.indirect.scatter.add.f32 [tilespmem:s15], [sflag:$0x6], $0x1, s6, s25, $0xb8;
	[tilespmem:$0x1B320] =	vst v63  }
0x4d3: {  	s14 =	sadd.s32 $0x200, s14;
	s6 =	sadd.s32 $0xCC00, s12  }
0x4d4: {  	[spmem:s7] =	stream.indirect.scatter.add.f32 [tilespmem:s1], [sflag:$0x6], $0x1, s6, s25, $0xb8;
	[tilespmem:$0x1B320] =	vst v63  }
0x4d5: {  	s0 =	sadd.s32 $0x10800, s12  }
0x4d6: {  	[spmem:s8] =	stream.indirect.scatter.add.f32 [tilespmem:s0], [sflag:$0x6], $0x1, s6, s25, $0xb8;
	[tilespmem:$0x1B320] =	vst v63  }
0x4d7: {  	s31 =	sadd.s32 $0x11400, s12  }
0x4d8: {  	[spmem:s9] =	stream.indirect.scatter.add.f32 [tilespmem:s31], [sflag:$0x6], $0x1, s6, s25, $0xb8;
	[tilespmem:$0x1B320] =	vst v63  }
0x4d9: {  	_ =	swait.ge [sflag:s28], $0x80  }
0x4da: {  	[sflag:s28] =	ssyncset.done $0x0  }
0x4db: {  	[sflag:s28] =	ssyncadd.s32 $0xFFFFFF80  }
0x4dc: {  	_ =	swait.ge [sflag:s28], $0x80  }
0x4dd: {  	[sflag:s28] =	ssyncset.done $0x0  }
0x4de: {  	[sflag:s28] =	ssyncadd.s32 $0xFFFFFF80  }
0x4df: {  	_ =	swait.ge [sflag:s28], $0x80  }
0x4e0: {  	s6 =	simm.s32 $0x17;
	[sflag:s28] =	ssyncset.done $0x0  }
.LBB3_29:
0x4e1: {  	p1 =	sne.s32 s6, $0x1;
	s6 =	sadd.s32 $0xFFFFFFFF, s6;
	[sflag:s28] =	ssyncadd.s32 $0xFFFFFF80  }
0x4e2: {  	_ =	swait.ge [sflag:s28], $0x80  }
0x4e3: {  	[sflag:s28] =	ssyncset.done $0x0  }
0x4e4: {  	[sflag:s28] =	ssyncadd.s32 $0xFFFFFF80  }
.Ltmp14:
0x4e5: {  	_ =	swait.ge [sflag:s28], $0x80;
	(pc) =	sbr.rel @p1 .LBB3_29-.Ltmp14, $4  }
0x4e6: {  	[sflag:s28] =	ssyncset.done $0x0  }
0x4e7: {  	[sflag:s28] =	ssyncadd.s32 $0xFFFFFF80  }
0x4e8: {  	_ =	swait.ge [sflag:s28], $0x80  }
0x4e9: {  	[sflag:s28] =	ssyncset.done $0x0  }
0x4ea: {  	[sflag:s28] =	ssyncadd.s32 $0xFFFFFF80  }
0x4eb: {  	[bflag:$0x0] =	sbarrier.arrive $0xFFFF  }
0x4ec: {  	s0 =	sld [smem:$0x7E5];
	_ =	sdelay $0x2  }
0x4ed: {  	s1 =	simm.s32 @p0 $0x1FC7;
	s12 =	rddreg [dreg:$0x14];
	s0 =	sshrl.u32 @p0 s0, $0x3  }
0x4ee: {  	[hbm:s12], [sflag:s1] =	dma.local @p0 [spmem:s0], $0x100  }
0x4ef: {  	s0 =	simm.s32 @p0 $0x7  }
0x4f0: {  	_ =	swait.ge @p0 [sflag:s0], $0x100  }
0x4f1: {  	s6 =	sld [smem:$0x7E6]  }
0x4f2: {  	s14 =	sld [smem:$0x7F2]  }
0x4f3: {  	[sflag:s0] =	ssyncset.done @p0 $0x0  }
0x4f4: {  	[sflag:s0] =	ssyncadd.s32 @p0 $0xFFFFFF00;
	s6 =	sshrl.u32 @p0 s6, $0x3  }
0x4f5: {  	[hbm:s14], [sflag:s1] =	dma.local @p0 [spmem:s6], $0x100  }
0x4f6: {  	_ =	swait.ge @p0 [sflag:s0], $0x100  }
0x4f7: {  	s6 =	sld [smem:$0x7E7]  }
0x4f8: {  	s15 =	sld [smem:$0x7F3]  }
0x4f9: {  	[sflag:s0] =	ssyncset.done @p0 $0x0  }
0x4fa: {  	[sflag:s0] =	ssyncadd.s32 @p0 $0xFFFFFF00;
	s6 =	sshrl.u32 @p0 s6, $0x3  }
0x4fb: {  	[hbm:s15], [sflag:s1] =	dma.local @p0 [spmem:s6], $0x100  }
0x4fc: {  	_ =	swait.ge @p0 [sflag:s0], $0x100  }
0x4fd: {  	s6 =	sld [smem:$0x7E8]  }
0x4fe: {  	s16 =	sld [smem:$0x7F4]  }
0x4ff: {  	[sflag:s0] =	ssyncset.done @p0 $0x0  }
0x500: {  	[sflag:s0] =	ssyncadd.s32 @p0 $0xFFFFFF00;
	s6 =	sshrl.u32 @p0 s6, $0x3  }
0x501: {  	[hbm:s16], [sflag:s1] =	dma.local @p0 [spmem:s6], $0x100  }
0x502: {  	_ =	swait.ge @p0 [sflag:s0], $0x100  }
0x503: {  	s6 =	sld [smem:$0x7E9]  }
0x504: {  	s17 =	sld [smem:$0x7F5]  }
0x505: {  	[sflag:s0] =	ssyncset.done @p0 $0x0  }
0x506: {  	[sflag:s0] =	ssyncadd.s32 @p0 $0xFFFFFF00;
	s6 =	sshrl.u32 @p0 s6, $0x3  }
0x507: {  	[hbm:s17], [sflag:s1] =	dma.local @p0 [spmem:s6], $0x100  }
0x508: {  	_ =	swait.ge @p0 [sflag:s0], $0x100  }
0x509: {  	s6 =	sld [smem:$0x7EA]  }
0x50a: {  	s18 =	sld [smem:$0x7F6]  }
0x50b: {  	[sflag:s0] =	ssyncset.done @p0 $0x0  }
0x50c: {  	[sflag:s0] =	ssyncadd.s32 @p0 $0xFFFFFF00;
	s6 =	sshrl.u32 @p0 s6, $0x3  }
0x50d: {  	[hbm:s18], [sflag:s1] =	dma.local @p0 [spmem:s6], $0x100  }
0x50e: {  	_ =	swait.ge @p0 [sflag:s0], $0x100  }
0x50f: {  	s6 =	sld [smem:$0x7EB]  }
0x510: {  	s31 =	sld [smem:$0x7F7]  }
0x511: {  	[sflag:s0] =	ssyncset.done @p0 $0x0  }
0x512: {  	[sflag:s0] =	ssyncadd.s32 @p0 $0xFFFFFF00;
	s6 =	sshrl.u32 @p0 s6, $0x3  }
0x513: {  	[hbm:s31], [sflag:s1] =	dma.local @p0 [spmem:s6], $0x100  }
0x514: {  	_ =	swait.ge @p0 [sflag:s0], $0x100  }
0x515: {  	s6 =	sld [smem:$0x7EC]  }
0x516: {  	s29 =	sld [smem:$0x7F8]  }
0x517: {  	[sflag:s0] =	ssyncset.done @p0 $0x0  }
0x518: {  	[sflag:s0] =	ssyncadd.s32 @p0 $0xFFFFFF00;
	s6 =	sshrl.u32 @p0 s6, $0x3  }
0x519: {  	[hbm:s29], [sflag:s1] =	dma.local @p0 [spmem:s6], $0x100  }
0x51a: {  	_ =	swait.ge @p0 [sflag:s0], $0x100  }
0x51b: {  	s6 =	sld [smem:$0x7ED]  }
0x51c: {  	s13 =	sld [smem:$0x7F9]  }
0x51d: {  	[sflag:s0] =	ssyncset.done @p0 $0x0  }
0x51e: {  	[sflag:s0] =	ssyncadd.s32 @p0 $0xFFFFFF00;
	s6 =	sshrl.u32 @p0 s6, $0x3  }
0x51f: {  	[hbm:s13], [sflag:s1] =	dma.local @p0 [spmem:s6], $0x100  }
0x520: {  	_ =	swait.ge @p0 [sflag:s0], $0x100  }
0x521: {  	s6 =	sld [smem:$0x7EE]  }
0x522: {  	s30 =	sld [smem:$0x7FA]  }
0x523: {  	[sflag:s0] =	ssyncset.done @p0 $0x0  }
0x524: {  	[sflag:s0] =	ssyncadd.s32 @p0 $0xFFFFFF00;
	s6 =	sshrl.u32 @p0 s6, $0x3  }
0x525: {  	[hbm:s30], [sflag:s1] =	dma.local @p0 [spmem:s6], $0x2  }
0x526: {  	_ =	swait.ge @p0 [sflag:s0], $0x2  }
0x527: {  	s6 =	sld [smem:$0x7EF]  }
0x528: {  	s2 =	sld [smem:$0x7FB]  }
0x529: {  	[sflag:s0] =	ssyncset.done @p0 $0x0  }
0x52a: {  	[sflag:s0] =	ssyncadd.s32 @p0 $0xFFFFFFFE;
	s6 =	sshrl.u32 @p0 s6, $0x3  }
0x52b: {  	[hbm:s2], [sflag:s1] =	dma.local @p0 [spmem:s6], $0x2  }
0x52c: {  	_ =	swait.ge @p0 [sflag:s0], $0x2  }
0x52d: {  	s6 =	sld [smem:$0x7F0]  }
0x52e: {  	s26 =	sld [smem:$0x7FC]  }
0x52f: {  	[sflag:s0] =	ssyncset.done @p0 $0x0  }
0x530: {  	[sflag:s0] =	ssyncadd.s32 @p0 $0xFFFFFFFE;
	s6 =	sshrl.u32 @p0 s6, $0x3  }
0x531: {  	[hbm:s26], [sflag:s1] =	dma.local @p0 [spmem:s6], $0x2  }
0x532: {  	s1 =	stileid.u32;
	_ =	swait.ge @p0 [sflag:s0], $0x2  }
0x533: {  	s1 =	sshll.u32 @!p0 s1, $0x6;
	[sflag:s0] =	ssyncset.done @p0 $0x0  }
0x534: {  	[sflag:s0] =	ssyncadd.s32 @p0 $0xFFFFFFFE;
	s0 =	sor.u32 @!p0 $0x1C07, s1;
	s1 =	rddreg [dreg:$0x1e]  }
0x535: {  	s1 =	sshrl.u32 @!p0 s1, $0x3  }
0x536: {  	[hbm:s12], [sflag:s0] =	dma.local @!p0 [spmem:s1], $0x100  }
0x537: {  	s1 =	simm.s32 @!p0 $0x7  }
0x538: {  	_ =	swait.ge @!p0 [sflag:s1], $0x100  }
0x539: {  	[sflag:s1] =	ssyncset.done @!p0 $0x0;
	s6 =	rddreg [dreg:$0x1f]  }
0x53a: {  	[sflag:s1] =	ssyncadd.s32 @!p0 $0xFFFFFF00;
	s6 =	sshrl.u32 @!p0 s6, $0x3  }
0x53b: {  	[hbm:s14], [sflag:s0] =	dma.local @!p0 [spmem:s6], $0x100  }
0x53c: {  	_ =	swait.ge @!p0 [sflag:s1], $0x100  }
0x53d: {  	s6 =	sld [smem:$0x7B2];
	_ =	sdelay $0x1  }
0x53e: {  	[sflag:s1] =	ssyncset.done @!p0 $0x0  }
0x53f: {  	[sflag:s1] =	ssyncadd.s32 @!p0 $0xFFFFFF00;
	s6 =	sshrl.u32 @!p0 s6, $0x3  }
0x540: {  	[hbm:s15], [sflag:s0] =	dma.local @!p0 [spmem:s6], $0x100  }
0x541: {  	_ =	swait.ge @!p0 [sflag:s1], $0x100  }
0x542: {  	[sflag:s1] =	ssyncset.done @!p0 $0x0;
	s6 =	rddreg [dreg:$0x18]  }
0x543: {  	[sflag:s1] =	ssyncadd.s32 @!p0 $0xFFFFFF00;
	s6 =	sshrl.u32 @!p0 s6, $0x3  }
0x544: {  	[hbm:s16], [sflag:s0] =	dma.local @!p0 [spmem:s6], $0x100  }
0x545: {  	_ =	swait.ge @!p0 [sflag:s1], $0x100  }
0x546: {  	[sflag:s1] =	ssyncset.done @!p0 $0x0;
	s6 =	rddreg [dreg:$0x19]  }
0x547: {  	[sflag:s1] =	ssyncadd.s32 @!p0 $0xFFFFFF00;
	s6 =	sshrl.u32 @!p0 s6, $0x3  }
0x548: {  	[hbm:s17], [sflag:s0] =	dma.local @!p0 [spmem:s6], $0x100  }
0x549: {  	_ =	swait.ge @!p0 [sflag:s1], $0x100  }
0x54a: {  	[sflag:s1] =	ssyncset.done @!p0 $0x0;
	s6 =	rddreg [dreg:$0x1a]  }
0x54b: {  	[sflag:s1] =	ssyncadd.s32 @!p0 $0xFFFFFF00;
	s6 =	sshrl.u32 @!p0 s6, $0x3  }
0x54c: {  	[hbm:s18], [sflag:s0] =	dma.local @!p0 [spmem:s6], $0x100  }
0x54d: {  	_ =	swait.ge @!p0 [sflag:s1], $0x100  }
0x54e: {  	s6 =	sld [smem:$0x7B3];
	_ =	sdelay $0x1  }
0x54f: {  	[sflag:s1] =	ssyncset.done @!p0 $0x0  }
0x550: {  	[sflag:s1] =	ssyncadd.s32 @!p0 $0xFFFFFF00;
	s6 =	sshrl.u32 @!p0 s6, $0x3  }
0x551: {  	[hbm:s31], [sflag:s0] =	dma.local @!p0 [spmem:s6], $0x100  }
0x552: {  	_ =	swait.ge @!p0 [sflag:s1], $0x100  }
0x553: {  	s6 =	sld [smem:$0x7B4];
	_ =	sdelay $0x1  }
0x554: {  	[sflag:s1] =	ssyncset.done @!p0 $0x0  }
0x555: {  	[sflag:s1] =	ssyncadd.s32 @!p0 $0xFFFFFF00;
	s6 =	sshrl.u32 @!p0 s6, $0x3  }
0x556: {  	[hbm:s29], [sflag:s0] =	dma.local @!p0 [spmem:s6], $0x100  }
0x557: {  	_ =	swait.ge @!p0 [sflag:s1], $0x100  }
0x558: {  	s6 =	sld [smem:$0x7B5];
	_ =	sdelay $0x1  }
0x559: {  	[sflag:s1] =	ssyncset.done @!p0 $0x0  }
0x55a: {  	[sflag:s1] =	ssyncadd.s32 @!p0 $0xFFFFFF00;
	s6 =	sshrl.u32 @!p0 s6, $0x3  }
0x55b: {  	[hbm:s13], [sflag:s0] =	dma.local @!p0 [spmem:s6], $0x100  }
0x55c: {  	_ =	swait.ge @!p0 [sflag:s1], $0x100  }
0x55d: {  	s6 =	sld [smem:$0x7B9];
	_ =	sdelay $0x1  }
0x55e: {  	[sflag:s1] =	ssyncset.done @!p0 $0x0  }
0x55f: {  	[sflag:s1] =	ssyncadd.s32 @!p0 $0xFFFFFF00;
	s6 =	sshrl.u32 @!p0 s6, $0x3  }
0x560: {  	[hbm:s30], [sflag:s0] =	dma.local @!p0 [spmem:s6], $0xE  }
0x561: {  	_ =	swait.ge @!p0 [sflag:s1], $0xE  }
0x562: {  	s6 =	sld [smem:$0x7BA];
	_ =	sdelay $0x1  }
0x563: {  	[sflag:s1] =	ssyncset.done @!p0 $0x0  }
0x564: {  	[sflag:s1] =	ssyncadd.s32 @!p0 $0xFFFFFFF2;
	s6 =	sshrl.u32 @!p0 s6, $0x3  }
0x565: {  	[hbm:s2], [sflag:s0] =	dma.local @!p0 [spmem:s6], $0xE  }
0x566: {  	_ =	swait.ge @!p0 [sflag:s1], $0xE  }
0x567: {  	s6 =	sld [smem:$0x7BB];
	_ =	sdelay $0x1  }
0x568: {  	[sflag:s1] =	ssyncset.done @!p0 $0x0  }
0x569: {  	[sflag:s1] =	ssyncadd.s32 @!p0 $0xFFFFFFF2;
	s6 =	sshrl.u32 @!p0 s6, $0x3  }
0x56a: {  	[hbm:s26], [sflag:s0] =	dma.local @!p0 [spmem:s6], $0xE  }
0x56b: {  	_ =	swait.ge @!p0 [sflag:s1], $0xE  }
0x56c: {  	s31 =	sld [smem:$0x7CC]  }
0x56d: {  	s29 =	rddreg [dreg:$0xf]  }
0x56e: {  	s29 =	sadd.s32 $0x1, s29  }
0x56f: {  	p1 =	sne.s32 s29, s31  }
.Ltmp15:
0x570: {  	_ = 	snop;
	(pc) =	sbr.rel @p1 .LBB3_1-.Ltmp15, $4  }
0x571: {  	_ = 	snop  }
0x572: {  	s14 =	simm.s32 $0x7  }
0x573: {  	s30 =	simm.s32 $0x3C00;
	s2 =	simm.s32 $0x4800;
	[sflag:s1] =	ssyncset.done @!p0 $0x0  }
0x574: {  	s26 =	simm.s32 $0x3000;
	s13 =	sld [smem:$0x7FD];
	[sflag:s1] =	ssyncadd.s32 @!p0 $0xFFFFFFF2  }
0x575: {  	_ =	sfence.sel $0x180000  }
0x576: {  	[bflag:$0x0] =	sbarrier.arrive $0xFFFF  }
0x577: {  	_ =	strace $0x90000047  }
0x578: {  	s0 =	stileid.u32;
	[bflag:$0x2] =	sbarrier.arrive $0xFFFF  }
0x579: {  	p0 =	sne.s32 s0, $0x0;
	s0 =	rddreg [dreg:$0xe]  }
0x57a: {  	s0 =	sadd.s32 @!p0 $0x100000, s0  }
0x57b: {  	[sflag:s0] =	ssyncadd.tile.s32 @!p0 $0x1;
	_ =	shalt  }
.Lfunc_end3:
_tile_overlayer_lowered:
.L_overlay_start_3:
0x57c: {  	(tag) =	ssettag $0x3  }
0x57d: {  	s0 =	rddreg [dreg:$0x0];
	s2 =	stileid.u32  }
0x57e: {  	s1 =	rddreg [dreg:$0x1];
	p0 =	sne.s32 s2, $0x0  }
0x57f: {  	s3 =	rddreg [dreg:$0x2];
	[bflag:$0x3] =	sbarrier.arrive $0xFFFF;
	s2 =	simm.s32 @!p0 $0x1C07  }
0x580: {  	[timem:s3], [sflag:s2] =	dma.local @!p0 [hbm:s0], s1  }
0x581: {  	s0 =	simm.s32 @!p0 $0x7  }
0x582: {  	_ =	swait.ge @!p0 [sflag:s0], s1  }
0x583: {  	s1 =	ssub.s32 @!p0 $0x0, s1;
	[sflag:s0] =	ssyncset.done @!p0 $0x0  }
0x584: {  	[sflag:s0] =	ssyncadd.s32 @!p0 s1  }
0x585: {  	[bflag:$0x3] =	sbarrier.arrive $0xFFFF  }
0x586: {  	_ =	shalt  }

</sc_bundles>
